<compile_context>
chip_gen: v7x
topology: tpu7x:2x2x1
jax: 0.10.2.dev20260603
libtpu: 0.0.44.dev20260713+nightly
codegen_flags: <defaults>
</compile_context>

<pallas_src>
import functools

import jax
import jax.numpy as jnp
from jax import lax
from jax.experimental import pallas as pl
from jax.experimental.pallas import tpu as pltpu
from jax.experimental.pallas import tpu_sc as plsc

_TILE_V = 8192
_NEG = -3e38
_LOG2E = 1.4426950408889634
_LN2 = 0.6931471805599453


@functools.lru_cache(maxsize=None)
def _make_sc_ctx(B, Wn, V, D):
    info = plsc.get_sparse_core_info()
    NC, NS = info.num_cores, info.num_subcores
    NW = NC * NS
    assert D % NW == 0
    d_per_w = D // NW
    assert B % 16 == 0 and (B * Wn) % 128 == 0

    mesh = plsc.VectorSubcoreMesh(core_axis_name="c", subcore_axis_name="s")

    scratch = [
        pltpu.VMEM((B * Wn,), jnp.int32),
        pltpu.VMEM((1, V), jnp.float32),
        pltpu.VMEM((1, B), jnp.float32),
    ]

    @functools.partial(
        pl.kernel,
        mesh=mesh,
        out_type=jax.ShapeDtypeStruct((D, B), jnp.float32),
        scratch_types=scratch,
        compiler_params=pltpu.CompilerParams(use_tc_tiling_on_sc=False,
                                             needs_layout_passes=False),
    )
    def sc_ctx(ctx_hbm, woutt_hbm, out_csumt, ctx_v, row_v, crow):
        wid = lax.axis_index("s") * NC + lax.axis_index("c")

        pltpu.sync_copy(ctx_hbm, ctx_v)

        lane = lax.iota(jnp.int32, 16)
        zero16 = jnp.zeros((16,), jnp.int32)
        posw = lane * Wn

        def ctx_g(g, carry):
            acc = None
            for w in range(Wn):
                posv = posw + (g * 128 + w)
                cv = plsc.load_gather(ctx_v, [posv])
                vals = plsc.load_gather(row_v, [zero16, cv])
                acc = vals if acc is None else acc + vals
            crow[0, pl.ds(g * 16, 16)] = acc
            return carry

        for d_off in range(d_per_w):
            d = wid * d_per_w + d_off
            pltpu.sync_copy(woutt_hbm.at[pl.ds(d, 1), :], row_v)
            lax.fori_loop(0, B // 16, ctx_g, 0)
            pltpu.sync_copy(crow, out_csumt.at[pl.ds(d, 1), :])

    return sc_ctx


@functools.lru_cache(maxsize=None)
def _make_sc_center(B, V, D):
    info = plsc.get_sparse_core_info()
    NC, NS = info.num_cores, info.num_subcores
    NW = NC * NS
    assert B % NW == 0
    b_per_w = B // NW
    assert b_per_w % 16 == 0 and D % 16 == 0
    nl = D // 16

    mesh = plsc.VectorSubcoreMesh(core_axis_name="c", subcore_axis_name="s")

    scratch = [
        pltpu.VMEM((b_per_w,), jnp.int32),
        pltpu.VMEM((D, 128), jnp.float32),
        pltpu.VMEM((D, 128), jnp.float32),
        pltpu.VMEM((b_per_w, D), jnp.float32),
        pltpu.SemaphoreType.DMA,
        pltpu.SemaphoreType.DMA,
    ]

    @functools.partial(
        pl.kernel,
        mesh=mesh,
        out_type=jax.ShapeDtypeStruct((B, D), jnp.float32),
        scratch_types=scratch,
        compiler_params=pltpu.CompilerParams(needs_layout_passes=False),
    )
    def sc_center(cidx_hbm, wembt_hbm, out_h, idx_v, blk_a, blk_b, hstage,
                  sem_a, sem_b):
        wid = lax.axis_index("s") * NC + lax.axis_index("c")
        base = wid * b_per_w

        pltpu.sync_copy(cidx_hbm.at[pl.ds(base, b_per_w)], idx_v)

        lane = lax.iota(jnp.int32, 16)
        bufs = (blk_a, blk_b)
        sems = (sem_a, sem_b)

        def fetch(v, buf, sem):
            blk0 = pl.multiple_of((v // 128) * 128, 128)
            return pltpu.async_copy(wembt_hbm.at[:, pl.ds(blk0, 128)], buf,
                                    sem)

        def extract(v, buf, j):
            off = jnp.full((16,), v - (v // 128) * 128, jnp.int32)
            for k in range(nl):
                vals = plsc.load_gather(buf, [lane + (16 * k), off])
                hstage[j, pl.ds(16 * k, 16)] = vals

        for j0 in range(0, b_per_w, 16):
            vvec = idx_v[pl.ds(j0, 16)]
            cp = fetch(vvec[0], bufs[0], sems[0])
            for j in range(16):
                nxt = None
                if j + 1 < 16:
                    nxt = fetch(vvec[j + 1], bufs[(j + 1) % 2], sems[(j + 1) % 2])
                cp.wait()
                extract(vvec[j], bufs[j % 2], j0 + j)
                cp = nxt

        pltpu.sync_copy(hstage, out_h.at[pl.ds(base, b_per_w), :])

    return sc_center


def _tc_body(h_ref, csumt_ref, woutt_ref, out_ref, m_ref, s_ref, hb_ref,
             hn_ref, *, B, Wn, V, tile_v, n_pad):
    i = pl.program_id(0)
    nt = pl.num_programs(0)

    @pl.when(i == 0)
    def _init():
        m_ref[...] = jnp.full(m_ref.shape, _NEG, jnp.float32)
        s_ref[...] = jnp.zeros(s_ref.shape, jnp.float32)
        h = h_ref[...]
        hb_ref[...] = (h * _LOG2E).astype(jnp.bfloat16)
        hn_ref[...] = jnp.sqrt(jnp.sum(h * h, axis=1, keepdims=True)) * _LOG2E

    wt = woutt_ref[...]
    col = i * tile_v + lax.broadcasted_iota(jnp.int32, (1, tile_v), 1)
    wt = jnp.where(col < V, wt, 0.0)
    rn2 = jnp.sum(wt * wt, axis=0, keepdims=True)
    mi = jnp.sqrt(jnp.max(rn2, axis=1, keepdims=True))
    b2w = (hn_ref[...] * mi).astype(jnp.bfloat16)
    b2 = b2w.astype(jnp.float32)

    hb = jnp.concatenate([hb_ref[...], b2w], axis=1)
    wb = jnp.concatenate(
        [wt.astype(jnp.bfloat16),
         jnp.full((1, tile_v), -1.0, jnp.bfloat16)], axis=0)
    l2mb = lax.dot_general(hb, wb, (((1,), (0,)), ((), ())),
                           preferred_element_type=jnp.float32)
    t = jnp.sum(jnp.exp2(l2mb), axis=1, keepdims=True)

    m_old = m_ref[...]
    m_new = jnp.maximum(m_old, b2)
    s_ref[...] = (s_ref[...] * jnp.exp2(m_old - m_new)
                  + t * jnp.exp2(b2 - m_new))
    m_ref[...] = m_new

    @pl.when(i == nt - 1)
    def _fin():
        m = m_ref[...]
        s = s_ref[...] - n_pad * jnp.exp2(-m)
        lse = m * _LN2 + jnp.log(s)
        csum = jnp.transpose(csumt_ref[...], (1, 0))
        ctx_total = jnp.sum(h_ref[...] * csum)
        out_ref[0, 0] = jnp.sum(lse) / B - ctx_total / (B * Wn)


@functools.lru_cache(maxsize=None)
def _make_tc_loss(B, Wn, V, D):
    tile_v = _TILE_V
    nt = pl.cdiv(V, tile_v)
    n_pad = nt * tile_v - V
    body = functools.partial(_tc_body, B=B, Wn=Wn, V=V, tile_v=tile_v,
                             n_pad=n_pad)
    return pl.pallas_call(
        body,
        grid=(nt,),
        in_specs=[
            pl.BlockSpec((B, D), lambda i: (0, 0)),
            pl.BlockSpec((D, B), lambda i: (0, 0)),
            pl.BlockSpec((D, tile_v), lambda i: (0, i)),
        ],
        out_specs=pl.BlockSpec((1, 1), lambda i: (0, 0),
                               memory_space=pltpu.SMEM),
        out_shape=jax.ShapeDtypeStruct((1, 1), jnp.float32),
        scratch_shapes=[
            pltpu.VMEM((B, 1), jnp.float32),
            pltpu.VMEM((B, 1), jnp.float32),
            pltpu.VMEM((B, D), jnp.bfloat16),
            pltpu.VMEM((B, 1), jnp.float32),
        ],
    )


def kernel(center_index, context_indices, W_emb, W_out):
    B, Wn = context_indices.shape
    V, D = W_emb.shape
    cidx = center_index.astype(jnp.int32)
    ctx = context_indices.astype(jnp.int32).reshape(-1)
    wembt = jnp.swapaxes(W_emb, 0, 1)
    woutt = jnp.swapaxes(W_out, 0, 1)
    h = _make_sc_center(B, V, D)(cidx, wembt)
    csumt = _make_sc_ctx(B, Wn, V, D)(ctx, woutt)
    loss = _make_tc_loss(B, Wn, V, D)(h, csumt, woutt)
    return loss[0, 0]

# --- scband reference (transcript-rebuilt; emitter-appended) ---
"""Pipeline reference for scband-word2-vec-30107720744977 (READ-ONLY COPY).

The authoritative reference and input builder live on the scoring server;
editing this copy changes nothing except your own understanding.
"""

import jax, jax.numpy as jnp
import numpy as np

VOCAB = 100000
DIM = 64
BATCH = 1024
WINDOW = 8  # 2 * max_context_dist


def setup_inputs(seed: int = 0) -> dict:
    key = jax.random.key(seed)
    k1, k2, k3, k4 = jax.random.split(key, 4)
    center_index = jax.random.randint(k1, (BATCH,), 0, VOCAB, dtype=jnp.int64 if jax.config.jax_enable_x64 else jnp.int32)
    context_indices = jax.random.randint(k2, (BATCH, WINDOW), 0, VOCAB, dtype=jnp.int64 if jax.config.jax_enable_x64 else jnp.int32)
    # learned parameters sized per init_kwargs (vocabulary_size x dimension),
    # initialized like the original: randn / dimension**0.5
    W_emb = jax.random.normal(k3, (VOCAB, DIM), dtype=jnp.float32) / (DIM ** 0.5)
    W_out = jax.random.normal(k4, (VOCAB, DIM), dtype=jnp.float32) / (DIM ** 0.5)
    return {
        "center_index": center_index,
        "context_indices": context_indices,
        "W_emb": W_emb,
        "W_out": W_out,
    }


def reference(center_index, context_indices, W_emb, W_out):
    # skipgram forward: gather center embedding, score against full vocab,
    # cross-entropy loss against each context word (batched version of
    # Word2Vec.skipgram which the module's forward dispatches to via self.func).
    h = jnp.take(W_emb, center_index, axis=0)            # (B, D)  embedding lookup
    logits = h @ W_out.T                                  # (B, V)  output scores
    logp = jax.nn.log_softmax(logits, axis=-1)            # (B, V)
    # negative log-likelihood of each context word given the center word
    ctx_logp = jnp.take_along_axis(logp, context_indices, axis=1)  # (B, W)
    loss = -jnp.mean(ctx_logp)
    return loss

if __name__ == "__main__":
    import jax
    _d = setup_inputs()
    print(jax.jit(kernel)(*tuple(_d.values())))

</pallas_src>

<mosaic_0001>
#map = affine_map<(d0, d1) -> (0)>
#map1 = affine_map<(d0, d1) -> (0, 0)>
module attributes {stable_mosaic.version = 14 : i64} {
  func.func @sc_ctx(%arg0: i32, %arg1: i32, %arg2: memref<8192xi32, #tpu.memory_space<hbm>>, %arg3: memref<64x100000xf32, #tpu.memory_space<hbm>>, %arg4: memref<64x1024xf32, #tpu.memory_space<hbm>>, %arg5: memref<8192xi32, #tpu.memory_space<vmem>>, %arg6: memref<1x100000xf32, #tpu.memory_space<vmem>>, %arg7: memref<1x1024xf32, #tpu.memory_space<vmem>>) attributes {dimension_semantics = [#tpu.dimension_semantics<core_parallel>, #tpu.dimension_semantics<subcore_parallel>], iteration_bounds = array<i64: 2, 16>, scalar_prefetch = 0 : i64, scratch_operands = 3 : i64, tpu.core_type = #tpu.core_type<sc_vector_subcore>, window_params = [{transform_indices = #map}, {transform_indices = #map1}, {transform_indices = #map1}]} {
    %mul3A = arith.constant 2 : i32
    %mul3A_0 = arith.muli %arg1, %mul3A : i32
    %add3A = arith.addi %mul3A_0, %arg0 : i32
    "tpu.region"() ({
      %run_scoped3A = tpu.sem_alloc : memref<!tpu.dma_semaphore, #tpu.memory_space<semaphore_mem>>
      tpu.enqueue_dma source(%arg2 : memref<8192xi32, #tpu.memory_space<hbm>>) target(%arg5 : memref<8192xi32, #tpu.memory_space<vmem>>) target_semaphore(%run_scoped3A : memref<!tpu.dma_semaphore, #tpu.memory_space<semaphore_mem>>)
      tpu.wait_dma2 semaphore(%run_scoped3A : memref<!tpu.dma_semaphore, #tpu.memory_space<semaphore_mem>>) src(%arg2 : memref<8192xi32, #tpu.memory_space<hbm>>) dst(%arg5 : memref<8192xi32, #tpu.memory_space<vmem>>)
      tpu.yield
    }) : () -> ()
    %iota3A = tpu.iota {dimensions = array<i32: 0>} : vector<16xi32>
    %broadcast_in_dim3A = arith.constant 0 : i32
    %broadcast_in_dim3A_1 = vector.broadcast %broadcast_in_dim3A : i32 to vector<16xi32>
    %mul3A_2 = arith.constant 8 : i32
    %mul3A_3 = vector.broadcast %mul3A_2 : i32 to vector<16xi32>
    %mul3A_4 = arith.muli %iota3A, %mul3A_3 : vector<16xi32>
    %mul3A_5 = arith.constant 2 : i32
    %mul3A_6 = arith.muli %add3A, %mul3A_5 : i32
    %add3A_7 = arith.constant 0 : i32
    %add3A_8 = arith.addi %mul3A_6, %add3A_7 : i32
    "tpu.region"() ({
      %run_scoped3A = tpu.sem_alloc : memref<!tpu.dma_semaphore, #tpu.memory_space<semaphore_mem>>
      %dma_start3A = arith.constant 0 : i32
      %dma_start3A_24 = tpu.memref_slice %arg3[%add3A_8, %dma_start3A] : memref<64x100000xf32, #tpu.memory_space<hbm>> -> memref<1x100000xf32, #tpu.memory_space<hbm>>
      %dma_start3A_25 = arith.constant 0 : i32
      %dma_start3A_26 = tpu.memref_slice %arg3[%add3A_8, %dma_start3A_25] : memref<64x100000xf32, #tpu.memory_space<hbm>> -> memref<1x100000xf32, #tpu.memory_space<hbm>>
      tpu.enqueue_dma source(%dma_start3A_26 : memref<1x100000xf32, #tpu.memory_space<hbm>>) target(%arg6 : memref<1x100000xf32, #tpu.memory_space<vmem>>) target_semaphore(%run_scoped3A : memref<!tpu.dma_semaphore, #tpu.memory_space<semaphore_mem>>)
      %dma_wait3A = arith.constant 0 : i32
      %dma_wait3A_27 = tpu.memref_slice %arg3[%add3A_8, %dma_wait3A] : memref<64x100000xf32, #tpu.memory_space<hbm>> -> memref<1x100000xf32, #tpu.memory_space<hbm>>
      %dma_wait3A_28 = arith.constant 0 : i32
      %dma_wait3A_29 = tpu.memref_slice %arg3[%add3A_8, %dma_wait3A_28] : memref<64x100000xf32, #tpu.memory_space<hbm>> -> memref<1x100000xf32, #tpu.memory_space<hbm>>
      tpu.wait_dma2 semaphore(%run_scoped3A : memref<!tpu.dma_semaphore, #tpu.memory_space<semaphore_mem>>) src(%dma_wait3A_29 : memref<1x100000xf32, #tpu.memory_space<hbm>>) dst(%arg6 : memref<1x100000xf32, #tpu.memory_space<vmem>>)
      tpu.yield
    }) : () -> ()
    %scan3A = arith.constant 0 : i32
    %scan3A_9 = arith.constant 0 : i32
    %scan3A_10 = arith.constant 64 : i32
    %scan3A_11 = arith.addi %scan3A_9, %scan3A_10 : i32
    %scan3A_12 = arith.constant 1 : i32
    scf.for %scan3A_24 = %scan3A_9 to %scan3A_11 step %scan3A_12  : i32 {
      %mul3A_25 = arith.constant 128 : i32
      %mul3A_26 = arith.muli %scan3A_24, %mul3A_25 : i32
      %add3A_27 = arith.constant 0 : i32
      %add3A_28 = arith.addi %mul3A_26, %add3A_27 : i32
      %add3A_29 = vector.broadcast %add3A_28 : i32 to vector<16xi32>
      %add3A_30 = arith.addi %mul3A_4, %add3A_29 : vector<16xi32>
      %gather3A = tpu.vector_load_idx %arg5[%add3A_30] : memref<8192xi32, #tpu.memory_space<vmem>>[vector<16xi32>], vector<16xi32>,
      %gather3A_31 = tpu.vector_load_idx %arg6[%broadcast_in_dim3A_1, %gather3A] : memref<1x100000xf32, #tpu.memory_space<vmem>>[vector<16xi32>, vector<16xi32>], vector<16xf32>,
      %mul3A_32 = arith.constant 128 : i32
      %mul3A_33 = arith.muli %scan3A_24, %mul3A_32 : i32
      %add3A_34 = arith.constant 1 : i32
      %add3A_35 = arith.addi %mul3A_33, %add3A_34 : i32
      %add3A_36 = vector.broadcast %add3A_35 : i32 to vector<16xi32>
      %add3A_37 = arith.addi %mul3A_4, %add3A_36 : vector<16xi32>
      %gather3A_38 = tpu.vector_load_idx %arg5[%add3A_37] : memref<8192xi32, #tpu.memory_space<vmem>>[vector<16xi32>], vector<16xi32>,
      %gather3A_39 = tpu.vector_load_idx %arg6[%broadcast_in_dim3A_1, %gather3A_38] : memref<1x100000xf32, #tpu.memory_space<vmem>>[vector<16xi32>, vector<16xi32>], vector<16xf32>,
      %add3A_40 = arith.addf %gather3A_31, %gather3A_39 : vector<16xf32>
      %mul3A_41 = arith.constant 128 : i32
      %mul3A_42 = arith.muli %scan3A_24, %mul3A_41 : i32
      %add3A_43 = arith.constant 2 : i32
      %add3A_44 = arith.addi %mul3A_42, %add3A_43 : i32
      %add3A_45 = vector.broadcast %add3A_44 : i32 to vector<16xi32>
      %add3A_46 = arith.addi %mul3A_4, %add3A_45 : vector<16xi32>
      %gather3A_47 = tpu.vector_load_idx %arg5[%add3A_46] : memref<8192xi32, #tpu.memory_space<vmem>>[vector<16xi32>], vector<16xi32>,
      %gather3A_48 = tpu.vector_load_idx %arg6[%broadcast_in_dim3A_1, %gather3A_47] : memref<1x100000xf32, #tpu.memory_space<vmem>>[vector<16xi32>, vector<16xi32>], vector<16xf32>,
      %add3A_49 = arith.addf %add3A_40, %gather3A_48 : vector<16xf32>
      %mul3A_50 = arith.constant 128 : i32
      %mul3A_51 = arith.muli %scan3A_24, %mul3A_50 : i32
      %add3A_52 = arith.constant 3 : i32
      %add3A_53 = arith.addi %mul3A_51, %add3A_52 : i32
      %add3A_54 = vector.broadcast %add3A_53 : i32 to vector<16xi32>
      %add3A_55 = arith.addi %mul3A_4, %add3A_54 : vector<16xi32>
      %gather3A_56 = tpu.vector_load_idx %arg5[%add3A_55] : memref<8192xi32, #tpu.memory_space<vmem>>[vector<16xi32>], vector<16xi32>,
      %gather3A_57 = tpu.vector_load_idx %arg6[%broadcast_in_dim3A_1, %gather3A_56] : memref<1x100000xf32, #tpu.memory_space<vmem>>[vector<16xi32>, vector<16xi32>], vector<16xf32>,
      %add3A_58 = arith.addf %add3A_49, %gather3A_57 : vector<16xf32>
      %mul3A_59 = arith.constant 128 : i32
      %mul3A_60 = arith.muli %scan3A_24, %mul3A_59 : i32
      %add3A_61 = arith.constant 4 : i32
      %add3A_62 = arith.addi %mul3A_60, %add3A_61 : i32
      %add3A_63 = vector.broadcast %add3A_62 : i32 to vector<16xi32>
      %add3A_64 = arith.addi %mul3A_4, %add3A_63 : vector<16xi32>
      %gather3A_65 = tpu.vector_load_idx %arg5[%add3A_64] : memref<8192xi32, #tpu.memory_space<vmem>>[vector<16xi32>], vector<16xi32>,
      %gather3A_66 = tpu.vector_load_idx %arg6[%broadcast_in_dim3A_1, %gather3A_65] : memref<1x100000xf32, #tpu.memory_space<vmem>>[vector<16xi32>, vector<16xi32>], vector<16xf32>,
      %add3A_67 = arith.addf %add3A_58, %gather3A_66 : vector<16xf32>
      %mul3A_68 = arith.constant 128 : i32
      %mul3A_69 = arith.muli %scan3A_24, %mul3A_68 : i32
      %add3A_70 = arith.constant 5 : i32
      %add3A_71 = arith.addi %mul3A_69, %add3A_70 : i32
      %add3A_72 = vector.broadcast %add3A_71 : i32 to vector<16xi32>
      %add3A_73 = arith.addi %mul3A_4, %add3A_72 : vector<16xi32>
      %gather3A_74 = tpu.vector_load_idx %arg5[%add3A_73] : memref<8192xi32, #tpu.memory_space<vmem>>[vector<16xi32>], vector<16xi32>,
      %gather3A_75 = tpu.vector_load_idx %arg6[%broadcast_in_dim3A_1, %gather3A_74] : memref<1x100000xf32, #tpu.memory_space<vmem>>[vector<16xi32>, vector<16xi32>], vector<16xf32>,
      %add3A_76 = arith.addf %add3A_67, %gather3A_75 : vector<16xf32>
      %mul3A_77 = arith.constant 128 : i32
      %mul3A_78 = arith.muli %scan3A_24, %mul3A_77 : i32
      %add3A_79 = arith.constant 6 : i32
      %add3A_80 = arith.addi %mul3A_78, %add3A_79 : i32
      %add3A_81 = vector.broadcast %add3A_80 : i32 to vector<16xi32>
      %add3A_82 = arith.addi %mul3A_4, %add3A_81 : vector<16xi32>
      %gather3A_83 = tpu.vector_load_idx %arg5[%add3A_82] : memref<8192xi32, #tpu.memory_space<vmem>>[vector<16xi32>], vector<16xi32>,
      %gather3A_84 = tpu.vector_load_idx %arg6[%broadcast_in_dim3A_1, %gather3A_83] : memref<1x100000xf32, #tpu.memory_space<vmem>>[vector<16xi32>, vector<16xi32>], vector<16xf32>,
      %add3A_85 = arith.addf %add3A_76, %gather3A_84 : vector<16xf32>
      %mul3A_86 = arith.constant 128 : i32
      %mul3A_87 = arith.muli %scan3A_24, %mul3A_86 : i32
      %add3A_88 = arith.constant 7 : i32
      %add3A_89 = arith.addi %mul3A_87, %add3A_88 : i32
      %add3A_90 = vector.broadcast %add3A_89 : i32 to vector<16xi32>
      %add3A_91 = arith.addi %mul3A_4, %add3A_90 : vector<16xi32>
      %gather3A_92 = tpu.vector_load_idx %arg5[%add3A_91] : memref<8192xi32, #tpu.memory_space<vmem>>[vector<16xi32>], vector<16xi32>,
      %gather3A_93 = tpu.vector_load_idx %arg6[%broadcast_in_dim3A_1, %gather3A_92] : memref<1x100000xf32, #tpu.memory_space<vmem>>[vector<16xi32>, vector<16xi32>], vector<16xf32>,
      %add3A_94 = arith.addf %add3A_85, %gather3A_93 : vector<16xf32>
      %mul3A_95 = arith.constant 16 : i32
      %mul3A_96 = arith.muli %scan3A_24, %mul3A_95 : i32
      %swap3A = arith.constant 0 : i32
      %swap3A_97 = arith.index_cast %swap3A : i32 to index
      %swap3A_98 = arith.index_cast %mul3A_96 : i32 to index
      %swap3A_99 = tpu.vector_load %arg7[%swap3A_97, %swap3A_98] {strides = array<i32>} : memref<1x1024xf32, #tpu.memory_space<vmem>>, vector<16xf32>,
      tpu.vector_store %arg7[%swap3A_97, %swap3A_98], %add3A_94 {strides = array<i32>} : memref<1x1024xf32, #tpu.memory_space<vmem>>, vector<16xf32>,
    }
    %scan3A_13 = arith.constant 64 : i32
    "tpu.region"() ({
      %run_scoped3A = tpu.sem_alloc : memref<!tpu.dma_semaphore, #tpu.memory_space<semaphore_mem>>
      %dma_start3A = arith.constant 0 : i32
      %dma_start3A_24 = tpu.memref_slice %arg4[%add3A_8, %dma_start3A] : memref<64x1024xf32, #tpu.memory_space<hbm>> -> memref<1x1024xf32, #tpu.memory_space<hbm>>
      %dma_start3A_25 = arith.constant 0 : i32
      %dma_start3A_26 = tpu.memref_slice %arg4[%add3A_8, %dma_start3A_25] : memref<64x1024xf32, #tpu.memory_space<hbm>> -> memref<1x1024xf32, #tpu.memory_space<hbm>>
      tpu.enqueue_dma source(%arg7 : memref<1x1024xf32, #tpu.memory_space<vmem>>) target(%dma_start3A_26 : memref<1x1024xf32, #tpu.memory_space<hbm>>) target_semaphore(%run_scoped3A : memref<!tpu.dma_semaphore, #tpu.memory_space<semaphore_mem>>)
      %dma_wait3A = arith.constant 0 : i32
      %dma_wait3A_27 = tpu.memref_slice %arg4[%add3A_8, %dma_wait3A] : memref<64x1024xf32, #tpu.memory_space<hbm>> -> memref<1x1024xf32, #tpu.memory_space<hbm>>
      %dma_wait3A_28 = arith.constant 0 : i32
      %dma_wait3A_29 = tpu.memref_slice %arg4[%add3A_8, %dma_wait3A_28] : memref<64x1024xf32, #tpu.memory_space<hbm>> -> memref<1x1024xf32, #tpu.memory_space<hbm>>
      tpu.wait_dma2 semaphore(%run_scoped3A : memref<!tpu.dma_semaphore, #tpu.memory_space<semaphore_mem>>) src(%arg7 : memref<1x1024xf32, #tpu.memory_space<vmem>>) dst(%dma_wait3A_29 : memref<1x1024xf32, #tpu.memory_space<hbm>>)
      tpu.yield
    }) : () -> ()
    %mul3A_14 = arith.constant 2 : i32
    %mul3A_15 = arith.muli %add3A, %mul3A_14 : i32
    %add3A_16 = arith.constant 1 : i32
    %add3A_17 = arith.addi %mul3A_15, %add3A_16 : i32
    "tpu.region"() ({
      %run_scoped3A = tpu.sem_alloc : memref<!tpu.dma_semaphore, #tpu.memory_space<semaphore_mem>>
      %dma_start3A = arith.constant 0 : i32
      %dma_start3A_24 = tpu.memref_slice %arg3[%add3A_17, %dma_start3A] : memref<64x100000xf32, #tpu.memory_space<hbm>> -> memref<1x100000xf32, #tpu.memory_space<hbm>>
      %dma_start3A_25 = arith.constant 0 : i32
      %dma_start3A_26 = tpu.memref_slice %arg3[%add3A_17, %dma_start3A_25] : memref<64x100000xf32, #tpu.memory_space<hbm>> -> memref<1x100000xf32, #tpu.memory_space<hbm>>
      tpu.enqueue_dma source(%dma_start3A_26 : memref<1x100000xf32, #tpu.memory_space<hbm>>) target(%arg6 : memref<1x100000xf32, #tpu.memory_space<vmem>>) target_semaphore(%run_scoped3A : memref<!tpu.dma_semaphore, #tpu.memory_space<semaphore_mem>>)
      %dma_wait3A = arith.constant 0 : i32
      %dma_wait3A_27 = tpu.memref_slice %arg3[%add3A_17, %dma_wait3A] : memref<64x100000xf32, #tpu.memory_space<hbm>> -> memref<1x100000xf32, #tpu.memory_space<hbm>>
      %dma_wait3A_28 = arith.constant 0 : i32
      %dma_wait3A_29 = tpu.memref_slice %arg3[%add3A_17, %dma_wait3A_28] : memref<64x100000xf32, #tpu.memory_space<hbm>> -> memref<1x100000xf32, #tpu.memory_space<hbm>>
      tpu.wait_dma2 semaphore(%run_scoped3A : memref<!tpu.dma_semaphore, #tpu.memory_space<semaphore_mem>>) src(%dma_wait3A_29 : memref<1x100000xf32, #tpu.memory_space<hbm>>) dst(%arg6 : memref<1x100000xf32, #tpu.memory_space<vmem>>)
      tpu.yield
    }) : () -> ()
    %scan3A_18 = arith.constant 0 : i32
    %scan3A_19 = arith.constant 0 : i32
    %scan3A_20 = arith.constant 64 : i32
    %scan3A_21 = arith.addi %scan3A_19, %scan3A_20 : i32
    %scan3A_22 = arith.constant 1 : i32
    scf.for %scan3A_24 = %scan3A_19 to %scan3A_21 step %scan3A_22  : i32 {
      %mul3A_25 = arith.constant 128 : i32
      %mul3A_26 = arith.muli %scan3A_24, %mul3A_25 : i32
      %add3A_27 = arith.constant 0 : i32
      %add3A_28 = arith.addi %mul3A_26, %add3A_27 : i32
      %add3A_29 = vector.broadcast %add3A_28 : i32 to vector<16xi32>
      %add3A_30 = arith.addi %mul3A_4, %add3A_29 : vector<16xi32>
      %gather3A = tpu.vector_load_idx %arg5[%add3A_30] : memref<8192xi32, #tpu.memory_space<vmem>>[vector<16xi32>], vector<16xi32>,
      %gather3A_31 = tpu.vector_load_idx %arg6[%broadcast_in_dim3A_1, %gather3A] : memref<1x100000xf32, #tpu.memory_space<vmem>>[vector<16xi32>, vector<16xi32>], vector<16xf32>,
      %mul3A_32 = arith.constant 128 : i32
      %mul3A_33 = arith.muli %scan3A_24, %mul3A_32 : i32
      %add3A_34 = arith.constant 1 : i32
      %add3A_35 = arith.addi %mul3A_33, %add3A_34 : i32
      %add3A_36 = vector.broadcast %add3A_35 : i32 to vector<16xi32>
      %add3A_37 = arith.addi %mul3A_4, %add3A_36 : vector<16xi32>
      %gather3A_38 = tpu.vector_load_idx %arg5[%add3A_37] : memref<8192xi32, #tpu.memory_space<vmem>>[vector<16xi32>], vector<16xi32>,
      %gather3A_39 = tpu.vector_load_idx %arg6[%broadcast_in_dim3A_1, %gather3A_38] : memref<1x100000xf32, #tpu.memory_space<vmem>>[vector<16xi32>, vector<16xi32>], vector<16xf32>,
      %add3A_40 = arith.addf %gather3A_31, %gather3A_39 : vector<16xf32>
      %mul3A_41 = arith.constant 128 : i32
      %mul3A_42 = arith.muli %scan3A_24, %mul3A_41 : i32
      %add3A_43 = arith.constant 2 : i32
      %add3A_44 = arith.addi %mul3A_42, %add3A_43 : i32
      %add3A_45 = vector.broadcast %add3A_44 : i32 to vector<16xi32>
      %add3A_46 = arith.addi %mul3A_4, %add3A_45 : vector<16xi32>
      %gather3A_47 = tpu.vector_load_idx %arg5[%add3A_46] : memref<8192xi32, #tpu.memory_space<vmem>>[vector<16xi32>], vector<16xi32>,
      %gather3A_48 = tpu.vector_load_idx %arg6[%broadcast_in_dim3A_1, %gather3A_47] : memref<1x100000xf32, #tpu.memory_space<vmem>>[vector<16xi32>, vector<16xi32>], vector<16xf32>,
      %add3A_49 = arith.addf %add3A_40, %gather3A_48 : vector<16xf32>
      %mul3A_50 = arith.constant 128 : i32
      %mul3A_51 = arith.muli %scan3A_24, %mul3A_50 : i32
      %add3A_52 = arith.constant 3 : i32
      %add3A_53 = arith.addi %mul3A_51, %add3A_52 : i32
      %add3A_54 = vector.broadcast %add3A_53 : i32 to vector<16xi32>
      %add3A_55 = arith.addi %mul3A_4, %add3A_54 : vector<16xi32>
      %gather3A_56 = tpu.vector_load_idx %arg5[%add3A_55] : memref<8192xi32, #tpu.memory_space<vmem>>[vector<16xi32>], vector<16xi32>,
      %gather3A_57 = tpu.vector_load_idx %arg6[%broadcast_in_dim3A_1, %gather3A_56] : memref<1x100000xf32, #tpu.memory_space<vmem>>[vector<16xi32>, vector<16xi32>], vector<16xf32>,
      %add3A_58 = arith.addf %add3A_49, %gather3A_57 : vector<16xf32>
      %mul3A_59 = arith.constant 128 : i32
      %mul3A_60 = arith.muli %scan3A_24, %mul3A_59 : i32
      %add3A_61 = arith.constant 4 : i32
      %add3A_62 = arith.addi %mul3A_60, %add3A_61 : i32
      %add3A_63 = vector.broadcast %add3A_62 : i32 to vector<16xi32>
      %add3A_64 = arith.addi %mul3A_4, %add3A_63 : vector<16xi32>
      %gather3A_65 = tpu.vector_load_idx %arg5[%add3A_64] : memref<8192xi32, #tpu.memory_space<vmem>>[vector<16xi32>], vector<16xi32>,
      %gather3A_66 = tpu.vector_load_idx %arg6[%broadcast_in_dim3A_1, %gather3A_65] : memref<1x100000xf32, #tpu.memory_space<vmem>>[vector<16xi32>, vector<16xi32>], vector<16xf32>,
      %add3A_67 = arith.addf %add3A_58, %gather3A_66 : vector<16xf32>
      %mul3A_68 = arith.constant 128 : i32
      %mul3A_69 = arith.muli %scan3A_24, %mul3A_68 : i32
      %add3A_70 = arith.constant 5 : i32
      %add3A_71 = arith.addi %mul3A_69, %add3A_70 : i32
      %add3A_72 = vector.broadcast %add3A_71 : i32 to vector<16xi32>
      %add3A_73 = arith.addi %mul3A_4, %add3A_72 : vector<16xi32>
      %gather3A_74 = tpu.vector_load_idx %arg5[%add3A_73] : memref<8192xi32, #tpu.memory_space<vmem>>[vector<16xi32>], vector<16xi32>,
      %gather3A_75 = tpu.vector_load_idx %arg6[%broadcast_in_dim3A_1, %gather3A_74] : memref<1x100000xf32, #tpu.memory_space<vmem>>[vector<16xi32>, vector<16xi32>], vector<16xf32>,
      %add3A_76 = arith.addf %add3A_67, %gather3A_75 : vector<16xf32>
      %mul3A_77 = arith.constant 128 : i32
      %mul3A_78 = arith.muli %scan3A_24, %mul3A_77 : i32
      %add3A_79 = arith.constant 6 : i32
      %add3A_80 = arith.addi %mul3A_78, %add3A_79 : i32
      %add3A_81 = vector.broadcast %add3A_80 : i32 to vector<16xi32>
      %add3A_82 = arith.addi %mul3A_4, %add3A_81 : vector<16xi32>
      %gather3A_83 = tpu.vector_load_idx %arg5[%add3A_82] : memref<8192xi32, #tpu.memory_space<vmem>>[vector<16xi32>], vector<16xi32>,
      %gather3A_84 = tpu.vector_load_idx %arg6[%broadcast_in_dim3A_1, %gather3A_83] : memref<1x100000xf32, #tpu.memory_space<vmem>>[vector<16xi32>, vector<16xi32>], vector<16xf32>,
      %add3A_85 = arith.addf %add3A_76, %gather3A_84 : vector<16xf32>
      %mul3A_86 = arith.constant 128 : i32
      %mul3A_87 = arith.muli %scan3A_24, %mul3A_86 : i32
      %add3A_88 = arith.constant 7 : i32
      %add3A_89 = arith.addi %mul3A_87, %add3A_88 : i32
      %add3A_90 = vector.broadcast %add3A_89 : i32 to vector<16xi32>
      %add3A_91 = arith.addi %mul3A_4, %add3A_90 : vector<16xi32>
      %gather3A_92 = tpu.vector_load_idx %arg5[%add3A_91] : memref<8192xi32, #tpu.memory_space<vmem>>[vector<16xi32>], vector<16xi32>,
      %gather3A_93 = tpu.vector_load_idx %arg6[%broadcast_in_dim3A_1, %gather3A_92] : memref<1x100000xf32, #tpu.memory_space<vmem>>[vector<16xi32>, vector<16xi32>], vector<16xf32>,
      %add3A_94 = arith.addf %add3A_85, %gather3A_93 : vector<16xf32>
      %mul3A_95 = arith.constant 16 : i32
      %mul3A_96 = arith.muli %scan3A_24, %mul3A_95 : i32
      %swap3A = arith.constant 0 : i32
      %swap3A_97 = arith.index_cast %swap3A : i32 to index
      %swap3A_98 = arith.index_cast %mul3A_96 : i32 to index
      %swap3A_99 = tpu.vector_load %arg7[%swap3A_97, %swap3A_98] {strides = array<i32>} : memref<1x1024xf32, #tpu.memory_space<vmem>>, vector<16xf32>,
      tpu.vector_store %arg7[%swap3A_97, %swap3A_98], %add3A_94 {strides = array<i32>} : memref<1x1024xf32, #tpu.memory_space<vmem>>, vector<16xf32>,
    }
    %scan3A_23 = arith.constant 64 : i32
    "tpu.region"() ({
      %run_scoped3A = tpu.sem_alloc : memref<!tpu.dma_semaphore, #tpu.memory_space<semaphore_mem>>
      %dma_start3A = arith.constant 0 : i32
      %dma_start3A_24 = tpu.memref_slice %arg4[%add3A_17, %dma_start3A] : memref<64x1024xf32, #tpu.memory_space<hbm>> -> memref<1x1024xf32, #tpu.memory_space<hbm>>
      %dma_start3A_25 = arith.constant 0 : i32
      %dma_start3A_26 = tpu.memref_slice %arg4[%add3A_17, %dma_start3A_25] : memref<64x1024xf32, #tpu.memory_space<hbm>> -> memref<1x1024xf32, #tpu.memory_space<hbm>>
      tpu.enqueue_dma source(%arg7 : memref<1x1024xf32, #tpu.memory_space<vmem>>) target(%dma_start3A_26 : memref<1x1024xf32, #tpu.memory_space<hbm>>) target_semaphore(%run_scoped3A : memref<!tpu.dma_semaphore, #tpu.memory_space<semaphore_mem>>)
      %dma_wait3A = arith.constant 0 : i32
      %dma_wait3A_27 = tpu.memref_slice %arg4[%add3A_17, %dma_wait3A] : memref<64x1024xf32, #tpu.memory_space<hbm>> -> memref<1x1024xf32, #tpu.memory_space<hbm>>
      %dma_wait3A_28 = arith.constant 0 : i32
      %dma_wait3A_29 = tpu.memref_slice %arg4[%add3A_17, %dma_wait3A_28] : memref<64x1024xf32, #tpu.memory_space<hbm>> -> memref<1x1024xf32, #tpu.memory_space<hbm>>
      tpu.wait_dma2 semaphore(%run_scoped3A : memref<!tpu.dma_semaphore, #tpu.memory_space<semaphore_mem>>) src(%arg7 : memref<1x1024xf32, #tpu.memory_space<vmem>>) dst(%dma_wait3A_29 : memref<1x1024xf32, #tpu.memory_space<hbm>>)
      tpu.yield
    }) : () -> ()
    return
  }
}

#map = affine_map<(d0, d1) -> (0)>
#map1 = affine_map<(d0, d1) -> (0, 0)>
module attributes {stable_mosaic.version = 14 : i64} {
  func.func @sc_center(%arg0: i32, %arg1: i32, %arg2: memref<1024xi32, #tpu.memory_space<hbm>>, %arg3: memref<64x100000xf32, #tpu.memory_space<hbm>>, %arg4: memref<1024x64xf32, #tpu.memory_space<hbm>>, %arg5: memref<32xi32, #tpu.memory_space<vmem>>, %arg6: memref<64x128xf32, #tpu.memory_space<vmem>>, %arg7: memref<64x128xf32, #tpu.memory_space<vmem>>, %arg8: memref<32x64xf32, #tpu.memory_space<vmem>>, %arg9: memref<!tpu.dma_semaphore, #tpu.memory_space<semaphore_mem>>, %arg10: memref<!tpu.dma_semaphore, #tpu.memory_space<semaphore_mem>>) attributes {dimension_semantics = [#tpu.dimension_semantics<core_parallel>, #tpu.dimension_semantics<subcore_parallel>], iteration_bounds = array<i64: 2, 16>, scalar_prefetch = 0 : i64, scratch_operands = 6 : i64, tpu.core_type = #tpu.core_type<sc_vector_subcore>, window_params = [{transform_indices = #map}, {transform_indices = #map1}, {transform_indices = #map1}]} {
    %mul3A = arith.constant 2 : i32
    %mul3A_0 = arith.muli %arg1, %mul3A : i32
    %add3A = arith.addi %mul3A_0, %arg0 : i32
    %mul3A_1 = arith.constant 32 : i32
    %mul3A_2 = arith.muli %add3A, %mul3A_1 : i32
    "tpu.region"() ({
      %run_scoped3A = tpu.sem_alloc : memref<!tpu.dma_semaphore, #tpu.memory_space<semaphore_mem>>
      %dma_start3A_3158 = tpu.memref_slice %arg2[%mul3A_2] : memref<1024xi32, #tpu.memory_space<hbm>> -> memref<32xi32, #tpu.memory_space<hbm>>
      %dma_start3A_3159 = tpu.memref_slice %arg2[%mul3A_2] : memref<1024xi32, #tpu.memory_space<hbm>> -> memref<32xi32, #tpu.memory_space<hbm>>
      tpu.enqueue_dma source(%dma_start3A_3159 : memref<32xi32, #tpu.memory_space<hbm>>) target(%arg5 : memref<32xi32, #tpu.memory_space<vmem>>) target_semaphore(%run_scoped3A : memref<!tpu.dma_semaphore, #tpu.memory_space<semaphore_mem>>)
      %dma_wait3A_3160 = tpu.memref_slice %arg2[%mul3A_2] : memref<1024xi32, #tpu.memory_space<hbm>> -> memref<32xi32, #tpu.memory_space<hbm>>
      %dma_wait3A_3161 = tpu.memref_slice %arg2[%mul3A_2] : memref<1024xi32, #tpu.memory_space<hbm>> -> memref<32xi32, #tpu.memory_space<hbm>>
      tpu.wait_dma2 semaphore(%run_scoped3A : memref<!tpu.dma_semaphore, #tpu.memory_space<semaphore_mem>>) src(%dma_wait3A_3161 : memref<32xi32, #tpu.memory_space<hbm>>) dst(%arg5 : memref<32xi32, #tpu.memory_space<vmem>>)
      tpu.yield
    }) : () -> ()
    %iota3A = tpu.iota {dimensions = array<i32: 0>} : vector<16xi32>
    %get3A = arith.constant 0 : index
    %get3A_3 = tpu.vector_load %arg5[%get3A] {strides = array<i32>} : memref<32xi32, #tpu.memory_space<vmem>>, vector<16xi32>,
    %slice3A = vector.extract_strided_slice %get3A_3 {offsets = [0], sizes = [1], strides = [1]} : vector<16xi32> to vector<1xi32>
    %squeeze3A = vector.extract %slice3A[0] : i32 from vector<1xi32>
    %jit3A = arith.constant 128 : i32
    %div3A = arith.divsi %squeeze3A, %jit3A : i32
    %sign3A = arith.constant 0 : i32
    %sign3A_4 = arith.cmpi sgt, %squeeze3A, %sign3A : i32
    %sign3A_5 = arith.extui %sign3A_4 : i1 to i32
    %sign3A_6 = arith.constant 0 : i32
    %sign3A_7 = arith.cmpi slt, %squeeze3A, %sign3A_6 : i32
    %sign3A_8 = arith.extui %sign3A_7 : i1 to i32
    %sign3A_9 = arith.subi %sign3A_5, %sign3A_8 : i32
    %sign3A_10 = arith.constant 0 : i32
    %sign3A_11 = arith.cmpi sgt, %jit3A, %sign3A_10 : i32
    %sign3A_12 = arith.extui %sign3A_11 : i1 to i32
    %sign3A_13 = arith.constant 0 : i32
    %sign3A_14 = arith.cmpi slt, %jit3A, %sign3A_13 : i32
    %sign3A_15 = arith.extui %sign3A_14 : i1 to i32
    %sign3A_16 = arith.subi %sign3A_12, %sign3A_15 : i32
    %ne3A = arith.cmpi ne, %sign3A_9, %sign3A_16 : i32
    %rem3A = arith.remsi %squeeze3A, %jit3A : i32
    %ne3A_17 = arith.constant 0 : i32
    %ne3A_18 = arith.cmpi ne, %rem3A, %ne3A_17 : i32
    %and3A = arith.andi %ne3A, %ne3A_18 : i1
    %sub3A = arith.constant 1 : i32
    %sub3A_19 = arith.subi %div3A, %sub3A : i32
    %select_n3A = arith.select %and3A, %sub3A_19, %div3A : i32
    %mul3A_20 = arith.constant 128 : i32
    %mul3A_21 = arith.muli %select_n3A, %mul3A_20 : i32
    %multiple_of3A = tpu.assume_multiple %mul3A_21, 128 : i32
    %dma_start3A = arith.constant 0 : i32
    %dma_start3A_22 = tpu.memref_slice %arg3[%dma_start3A, %multiple_of3A] : memref<64x100000xf32, #tpu.memory_space<hbm>> -> memref<64x128xf32, #tpu.memory_space<hbm>>
    %dma_start3A_23 = arith.constant 0 : i32
    %dma_start3A_24 = tpu.memref_slice %arg3[%dma_start3A_23, %multiple_of3A] : memref<64x100000xf32, #tpu.memory_space<hbm>> -> memref<64x128xf32, #tpu.memory_space<hbm>>
    tpu.enqueue_dma source(%dma_start3A_24 : memref<64x128xf32, #tpu.memory_space<hbm>>) target(%arg6 : memref<64x128xf32, #tpu.memory_space<vmem>>) target_semaphore(%arg9 : memref<!tpu.dma_semaphore, #tpu.memory_space<semaphore_mem>>)
    %slice3A_25 = vector.extract_strided_slice %get3A_3 {offsets = [1], sizes = [1], strides = [1]} : vector<16xi32> to vector<1xi32>
    %squeeze3A_26 = vector.extract %slice3A_25[0] : i32 from vector<1xi32>
    %jit3A_27 = arith.constant 128 : i32
    %div3A_28 = arith.divsi %squeeze3A_26, %jit3A_27 : i32
    %sign3A_29 = arith.constant 0 : i32
    %sign3A_30 = arith.cmpi sgt, %squeeze3A_26, %sign3A_29 : i32
    %sign3A_31 = arith.extui %sign3A_30 : i1 to i32
    %sign3A_32 = arith.constant 0 : i32
    %sign3A_33 = arith.cmpi slt, %squeeze3A_26, %sign3A_32 : i32
    %sign3A_34 = arith.extui %sign3A_33 : i1 to i32
    %sign3A_35 = arith.subi %sign3A_31, %sign3A_34 : i32
    %sign3A_36 = arith.constant 0 : i32
    %sign3A_37 = arith.cmpi sgt, %jit3A_27, %sign3A_36 : i32
    %sign3A_38 = arith.extui %sign3A_37 : i1 to i32
    %sign3A_39 = arith.constant 0 : i32
    %sign3A_40 = arith.cmpi slt, %jit3A_27, %sign3A_39 : i32
    %sign3A_41 = arith.extui %sign3A_40 : i1 to i32
    %sign3A_42 = arith.subi %sign3A_38, %sign3A_41 : i32
    %ne3A_43 = arith.cmpi ne, %sign3A_35, %sign3A_42 : i32
    %rem3A_44 = arith.remsi %squeeze3A_26, %jit3A_27 : i32
    %ne3A_45 = arith.constant 0 : i32
    %ne3A_46 = arith.cmpi ne, %rem3A_44, %ne3A_45 : i32
    %and3A_47 = arith.andi %ne3A_43, %ne3A_46 : i1
    %sub3A_48 = arith.constant 1 : i32
    %sub3A_49 = arith.subi %div3A_28, %sub3A_48 : i32
    %select_n3A_50 = arith.select %and3A_47, %sub3A_49, %div3A_28 : i32
    %mul3A_51 = arith.constant 128 : i32
    %mul3A_52 = arith.muli %select_n3A_50, %mul3A_51 : i32
    %multiple_of3A_53 = tpu.assume_multiple %mul3A_52, 128 : i32
    %dma_start3A_54 = arith.constant 0 : i32
    %dma_start3A_55 = tpu.memref_slice %arg3[%dma_start3A_54, %multiple_of3A_53] : memref<64x100000xf32, #tpu.memory_space<hbm>> -> memref<64x128xf32, #tpu.memory_space<hbm>>
    %dma_start3A_56 = arith.constant 0 : i32
    %dma_start3A_57 = tpu.memref_slice %arg3[%dma_start3A_56, %multiple_of3A_53] : memref<64x100000xf32, #tpu.memory_space<hbm>> -> memref<64x128xf32, #tpu.memory_space<hbm>>
    tpu.enqueue_dma source(%dma_start3A_57 : memref<64x128xf32, #tpu.memory_space<hbm>>) target(%arg7 : memref<64x128xf32, #tpu.memory_space<vmem>>) target_semaphore(%arg10 : memref<!tpu.dma_semaphore, #tpu.memory_space<semaphore_mem>>)
    %dma_wait3A = arith.constant 0 : i32
    %dma_wait3A_58 = tpu.memref_slice %arg3[%dma_wait3A, %multiple_of3A] : memref<64x100000xf32, #tpu.memory_space<hbm>> -> memref<64x128xf32, #tpu.memory_space<hbm>>
    %dma_wait3A_59 = arith.constant 0 : i32
    %dma_wait3A_60 = tpu.memref_slice %arg3[%dma_wait3A_59, %multiple_of3A] : memref<64x100000xf32, #tpu.memory_space<hbm>> -> memref<64x128xf32, #tpu.memory_space<hbm>>
    tpu.wait_dma2 semaphore(%arg9 : memref<!tpu.dma_semaphore, #tpu.memory_space<semaphore_mem>>) src(%dma_wait3A_60 : memref<64x128xf32, #tpu.memory_space<hbm>>) dst(%arg6 : memref<64x128xf32, #tpu.memory_space<vmem>>)
    %slice3A_61 = vector.extract_strided_slice %get3A_3 {offsets = [0], sizes = [1], strides = [1]} : vector<16xi32> to vector<1xi32>
    %squeeze3A_62 = vector.extract %slice3A_61[0] : i32 from vector<1xi32>
    %jit3A_63 = arith.constant 128 : i32
    %div3A_64 = arith.divsi %squeeze3A_62, %jit3A_63 : i32
    %sign3A_65 = arith.constant 0 : i32
    %sign3A_66 = arith.cmpi sgt, %squeeze3A_62, %sign3A_65 : i32
    %sign3A_67 = arith.extui %sign3A_66 : i1 to i32
    %sign3A_68 = arith.constant 0 : i32
    %sign3A_69 = arith.cmpi slt, %squeeze3A_62, %sign3A_68 : i32
    %sign3A_70 = arith.extui %sign3A_69 : i1 to i32
    %sign3A_71 = arith.subi %sign3A_67, %sign3A_70 : i32
    %sign3A_72 = arith.constant 0 : i32
    %sign3A_73 = arith.cmpi sgt, %jit3A_63, %sign3A_72 : i32
    %sign3A_74 = arith.extui %sign3A_73 : i1 to i32
    %sign3A_75 = arith.constant 0 : i32
    %sign3A_76 = arith.cmpi slt, %jit3A_63, %sign3A_75 : i32
    %sign3A_77 = arith.extui %sign3A_76 : i1 to i32
    %sign3A_78 = arith.subi %sign3A_74, %sign3A_77 : i32
    %ne3A_79 = arith.cmpi ne, %sign3A_71, %sign3A_78 : i32
    %rem3A_80 = arith.remsi %squeeze3A_62, %jit3A_63 : i32
    %ne3A_81 = arith.constant 0 : i32
    %ne3A_82 = arith.cmpi ne, %rem3A_80, %ne3A_81 : i32
    %and3A_83 = arith.andi %ne3A_79, %ne3A_82 : i1
    %sub3A_84 = arith.constant 1 : i32
    %sub3A_85 = arith.subi %div3A_64, %sub3A_84 : i32
    %select_n3A_86 = arith.select %and3A_83, %sub3A_85, %div3A_64 : i32
    %mul3A_87 = arith.constant 128 : i32
    %mul3A_88 = arith.muli %select_n3A_86, %mul3A_87 : i32
    %sub3A_89 = arith.subi %squeeze3A_62, %mul3A_88 : i32
    %broadcast_in_dim3A = vector.broadcast %sub3A_89 : i32 to vector<16xi32>
    %add3A_90 = arith.constant 0 : i32
    %add3A_91 = vector.broadcast %add3A_90 : i32 to vector<16xi32>
    %add3A_92 = arith.addi %iota3A, %add3A_91 : vector<16xi32>
    %gather3A = tpu.vector_load_idx %arg6[%add3A_92, %broadcast_in_dim3A] : memref<64x128xf32, #tpu.memory_space<vmem>>[vector<16xi32>, vector<16xi32>], vector<16xf32>,
    %swap3A = arith.constant 0 : i32
    %swap3A_93 = arith.index_cast %swap3A : i32 to index
    %swap3A_94 = arith.constant 0 : index
    %swap3A_95 = tpu.vector_load %arg8[%swap3A_93, %swap3A_94] {strides = array<i32>} : memref<32x64xf32, #tpu.memory_space<vmem>>, vector<16xf32>,
    tpu.vector_store %arg8[%swap3A_93, %swap3A_94], %gather3A {strides = array<i32>} : memref<32x64xf32, #tpu.memory_space<vmem>>, vector<16xf32>,
    %add3A_96 = arith.constant 16 : i32
    %add3A_97 = vector.broadcast %add3A_96 : i32 to vector<16xi32>
    %add3A_98 = arith.addi %iota3A, %add3A_97 : vector<16xi32>
    %gather3A_99 = tpu.vector_load_idx %arg6[%add3A_98, %broadcast_in_dim3A] : memref<64x128xf32, #tpu.memory_space<vmem>>[vector<16xi32>, vector<16xi32>], vector<16xf32>,
    %swap3A_100 = arith.constant 0 : i32
    %swap3A_101 = arith.index_cast %swap3A_100 : i32 to index
    %swap3A_102 = arith.constant 16 : index
    %swap3A_103 = tpu.vector_load %arg8[%swap3A_101, %swap3A_102] {strides = array<i32>} : memref<32x64xf32, #tpu.memory_space<vmem>>, vector<16xf32>,
    tpu.vector_store %arg8[%swap3A_101, %swap3A_102], %gather3A_99 {strides = array<i32>} : memref<32x64xf32, #tpu.memory_space<vmem>>, vector<16xf32>,
    %add3A_104 = arith.constant 32 : i32
    %add3A_105 = vector.broadcast %add3A_104 : i32 to vector<16xi32>
    %add3A_106 = arith.addi %iota3A, %add3A_105 : vector<16xi32>
    %gather3A_107 = tpu.vector_load_idx %arg6[%add3A_106, %broadcast_in_dim3A] : memref<64x128xf32, #tpu.memory_space<vmem>>[vector<16xi32>, vector<16xi32>], vector<16xf32>,
    %swap3A_108 = arith.constant 0 : i32
    %swap3A_109 = arith.index_cast %swap3A_108 : i32 to index
    %swap3A_110 = arith.constant 32 : index
    %swap3A_111 = tpu.vector_load %arg8[%swap3A_109, %swap3A_110] {strides = array<i32>} : memref<32x64xf32, #tpu.memory_space<vmem>>, vector<16xf32>,
    tpu.vector_store %arg8[%swap3A_109, %swap3A_110], %gather3A_107 {strides = array<i32>} : memref<32x64xf32, #tpu.memory_space<vmem>>, vector<16xf32>,
    %add3A_112 = arith.constant 48 : i32
    %add3A_113 = vector.broadcast %add3A_112 : i32 to vector<16xi32>
    %add3A_114 = arith.addi %iota3A, %add3A_113 : vector<16xi32>
    %gather3A_115 = tpu.vector_load_idx %arg6[%add3A_114, %broadcast_in_dim3A] : memref<64x128xf32, #tpu.memory_space<vmem>>[vector<16xi32>, vector<16xi32>], vector<16xf32>,
    %swap3A_116 = arith.constant 0 : i32
    %swap3A_117 = arith.index_cast %swap3A_116 : i32 to index
    %swap3A_118 = arith.constant 48 : index
    %swap3A_119 = tpu.vector_load %arg8[%swap3A_117, %swap3A_118] {strides = array<i32>} : memref<32x64xf32, #tpu.memory_space<vmem>>, vector<16xf32>,
    tpu.vector_store %arg8[%swap3A_117, %swap3A_118], %gather3A_115 {strides = array<i32>} : memref<32x64xf32, #tpu.memory_space<vmem>>, vector<16xf32>,
    %slice3A_120 = vector.extract_strided_slice %get3A_3 {offsets = [2], sizes = [1], strides = [1]} : vector<16xi32> to vector<1xi32>
    %squeeze3A_121 = vector.extract %slice3A_120[0] : i32 from vector<1xi32>
    %jit3A_122 = arith.constant 128 : i32
    %div3A_123 = arith.divsi %squeeze3A_121, %jit3A_122 : i32
    %sign3A_124 = arith.constant 0 : i32
    %sign3A_125 = arith.cmpi sgt, %squeeze3A_121, %sign3A_124 : i32
    %sign3A_126 = arith.extui %sign3A_125 : i1 to i32
    %sign3A_127 = arith.constant 0 : i32
    %sign3A_128 = arith.cmpi slt, %squeeze3A_121, %sign3A_127 : i32
    %sign3A_129 = arith.extui %sign3A_128 : i1 to i32
    %sign3A_130 = arith.subi %sign3A_126, %sign3A_129 : i32
    %sign3A_131 = arith.constant 0 : i32
    %sign3A_132 = arith.cmpi sgt, %jit3A_122, %sign3A_131 : i32
    %sign3A_133 = arith.extui %sign3A_132 : i1 to i32
    %sign3A_134 = arith.constant 0 : i32
    %sign3A_135 = arith.cmpi slt, %jit3A_122, %sign3A_134 : i32
    %sign3A_136 = arith.extui %sign3A_135 : i1 to i32
    %sign3A_137 = arith.subi %sign3A_133, %sign3A_136 : i32
    %ne3A_138 = arith.cmpi ne, %sign3A_130, %sign3A_137 : i32
    %rem3A_139 = arith.remsi %squeeze3A_121, %jit3A_122 : i32
    %ne3A_140 = arith.constant 0 : i32
    %ne3A_141 = arith.cmpi ne, %rem3A_139, %ne3A_140 : i32
    %and3A_142 = arith.andi %ne3A_138, %ne3A_141 : i1
    %sub3A_143 = arith.constant 1 : i32
    %sub3A_144 = arith.subi %div3A_123, %sub3A_143 : i32
    %select_n3A_145 = arith.select %and3A_142, %sub3A_144, %div3A_123 : i32
    %mul3A_146 = arith.constant 128 : i32
    %mul3A_147 = arith.muli %select_n3A_145, %mul3A_146 : i32
    %multiple_of3A_148 = tpu.assume_multiple %mul3A_147, 128 : i32
    %dma_start3A_149 = arith.constant 0 : i32
    %dma_start3A_150 = tpu.memref_slice %arg3[%dma_start3A_149, %multiple_of3A_148] : memref<64x100000xf32, #tpu.memory_space<hbm>> -> memref<64x128xf32, #tpu.memory_space<hbm>>
    %dma_start3A_151 = arith.constant 0 : i32
    %dma_start3A_152 = tpu.memref_slice %arg3[%dma_start3A_151, %multiple_of3A_148] : memref<64x100000xf32, #tpu.memory_space<hbm>> -> memref<64x128xf32, #tpu.memory_space<hbm>>
    tpu.enqueue_dma source(%dma_start3A_152 : memref<64x128xf32, #tpu.memory_space<hbm>>) target(%arg6 : memref<64x128xf32, #tpu.memory_space<vmem>>) target_semaphore(%arg9 : memref<!tpu.dma_semaphore, #tpu.memory_space<semaphore_mem>>)
    %dma_wait3A_153 = arith.constant 0 : i32
    %dma_wait3A_154 = tpu.memref_slice %arg3[%dma_wait3A_153, %multiple_of3A_53] : memref<64x100000xf32, #tpu.memory_space<hbm>> -> memref<64x128xf32, #tpu.memory_space<hbm>>
    %dma_wait3A_155 = arith.constant 0 : i32
    %dma_wait3A_156 = tpu.memref_slice %arg3[%dma_wait3A_155, %multiple_of3A_53] : memref<64x100000xf32, #tpu.memory_space<hbm>> -> memref<64x128xf32, #tpu.memory_space<hbm>>
    tpu.wait_dma2 semaphore(%arg10 : memref<!tpu.dma_semaphore, #tpu.memory_space<semaphore_mem>>) src(%dma_wait3A_156 : memref<64x128xf32, #tpu.memory_space<hbm>>) dst(%arg7 : memref<64x128xf32, #tpu.memory_space<vmem>>)
    %slice3A_157 = vector.extract_strided_slice %get3A_3 {offsets = [1], sizes = [1], strides = [1]} : vector<16xi32> to vector<1xi32>
    %squeeze3A_158 = vector.extract %slice3A_157[0] : i32 from vector<1xi32>
    %jit3A_159 = arith.constant 128 : i32
    %div3A_160 = arith.divsi %squeeze3A_158, %jit3A_159 : i32
    %sign3A_161 = arith.constant 0 : i32
    %sign3A_162 = arith.cmpi sgt, %squeeze3A_158, %sign3A_161 : i32
    %sign3A_163 = arith.extui %sign3A_162 : i1 to i32
    %sign3A_164 = arith.constant 0 : i32
    %sign3A_165 = arith.cmpi slt, %squeeze3A_158, %sign3A_164 : i32
    %sign3A_166 = arith.extui %sign3A_165 : i1 to i32
    %sign3A_167 = arith.subi %sign3A_163, %sign3A_166 : i32
    %sign3A_168 = arith.constant 0 : i32
    %sign3A_169 = arith.cmpi sgt, %jit3A_159, %sign3A_168 : i32
    %sign3A_170 = arith.extui %sign3A_169 : i1 to i32
    %sign3A_171 = arith.constant 0 : i32
    %sign3A_172 = arith.cmpi slt, %jit3A_159, %sign3A_171 : i32
    %sign3A_173 = arith.extui %sign3A_172 : i1 to i32
    %sign3A_174 = arith.subi %sign3A_170, %sign3A_173 : i32
    %ne3A_175 = arith.cmpi ne, %sign3A_167, %sign3A_174 : i32
    %rem3A_176 = arith.remsi %squeeze3A_158, %jit3A_159 : i32
    %ne3A_177 = arith.constant 0 : i32
    %ne3A_178 = arith.cmpi ne, %rem3A_176, %ne3A_177 : i32
    %and3A_179 = arith.andi %ne3A_175, %ne3A_178 : i1
    %sub3A_180 = arith.constant 1 : i32
    %sub3A_181 = arith.subi %div3A_160, %sub3A_180 : i32
    %select_n3A_182 = arith.select %and3A_179, %sub3A_181, %div3A_160 : i32
    %mul3A_183 = arith.constant 128 : i32
    %mul3A_184 = arith.muli %select_n3A_182, %mul3A_183 : i32
    %sub3A_185 = arith.subi %squeeze3A_158, %mul3A_184 : i32
    %broadcast_in_dim3A_186 = vector.broadcast %sub3A_185 : i32 to vector<16xi32>
    %add3A_187 = arith.constant 0 : i32
    %add3A_188 = vector.broadcast %add3A_187 : i32 to vector<16xi32>
    %add3A_189 = arith.addi %iota3A, %add3A_188 : vector<16xi32>
    %gather3A_190 = tpu.vector_load_idx %arg7[%add3A_189, %broadcast_in_dim3A_186] : memref<64x128xf32, #tpu.memory_space<vmem>>[vector<16xi32>, vector<16xi32>], vector<16xf32>,
    %swap3A_191 = arith.constant 1 : i32
    %swap3A_192 = arith.index_cast %swap3A_191 : i32 to index
    %swap3A_193 = arith.constant 0 : index
    %swap3A_194 = tpu.vector_load %arg8[%swap3A_192, %swap3A_193] {strides = array<i32>} : memref<32x64xf32, #tpu.memory_space<vmem>>, vector<16xf32>,
    tpu.vector_store %arg8[%swap3A_192, %swap3A_193], %gather3A_190 {strides = array<i32>} : memref<32x64xf32, #tpu.memory_space<vmem>>, vector<16xf32>,
    %add3A_195 = arith.constant 16 : i32
    %add3A_196 = vector.broadcast %add3A_195 : i32 to vector<16xi32>
    %add3A_197 = arith.addi %iota3A, %add3A_196 : vector<16xi32>
    %gather3A_198 = tpu.vector_load_idx %arg7[%add3A_197, %broadcast_in_dim3A_186] : memref<64x128xf32, #tpu.memory_space<vmem>>[vector<16xi32>, vector<16xi32>], vector<16xf32>,
    %swap3A_199 = arith.constant 1 : i32
    %swap3A_200 = arith.index_cast %swap3A_199 : i32 to index
    %swap3A_201 = arith.constant 16 : index
    %swap3A_202 = tpu.vector_load %arg8[%swap3A_200, %swap3A_201] {strides = array<i32>} : memref<32x64xf32, #tpu.memory_space<vmem>>, vector<16xf32>,
    tpu.vector_store %arg8[%swap3A_200, %swap3A_201], %gather3A_198 {strides = array<i32>} : memref<32x64xf32, #tpu.memory_space<vmem>>, vector<16xf32>,
    %add3A_203 = arith.constant 32 : i32
    %add3A_204 = vector.broadcast %add3A_203 : i32 to vector<16xi32>
    %add3A_205 = arith.addi %iota3A, %add3A_204 : vector<16xi32>
    %gather3A_206 = tpu.vector_load_idx %arg7[%add3A_205, %broadcast_in_dim3A_186] : memref<64x128xf32, #tpu.memory_space<vmem>>[vector<16xi32>, vector<16xi32>], vector<16xf32>,
    %swap3A_207 = arith.constant 1 : i32
    %swap3A_208 = arith.index_cast %swap3A_207 : i32 to index
    %swap3A_209 = arith.constant 32 : index
    %swap3A_210 = tpu.vector_load %arg8[%swap3A_208, %swap3A_209] {strides = array<i32>} : memref<32x64xf32, #tpu.memory_space<vmem>>, vector<16xf32>,
    tpu.vector_store %arg8[%swap3A_208, %swap3A_209], %gather3A_206 {strides = array<i32>} : memref<32x64xf32, #tpu.memory_space<vmem>>, vector<16xf32>,
    %add3A_211 = arith.constant 48 : i32
    %add3A_212 = vector.broadcast %add3A_211 : i32 to vector<16xi32>
    %add3A_213 = arith.addi %iota3A, %add3A_212 : vector<16xi32>
    %gather3A_214 = tpu.vector_load_idx %arg7[%add3A_213, %broadcast_in_dim3A_186] : memref<64x128xf32, #tpu.memory_space<vmem>>[vector<16xi32>, vector<16xi32>], vector<16xf32>,
    %swap3A_215 = arith.constant 1 : i32
    %swap3A_216 = arith.index_cast %swap3A_215 : i32 to index
    %swap3A_217 = arith.constant 48 : index
    %swap3A_218 = tpu.vector_load %arg8[%swap3A_216, %swap3A_217] {strides = array<i32>} : memref<32x64xf32, #tpu.memory_space<vmem>>, vector<16xf32>,
    tpu.vector_store %arg8[%swap3A_216, %swap3A_217], %gather3A_214 {strides = array<i32>} : memref<32x64xf32, #tpu.memory_space<vmem>>, vector<16xf32>,
    %slice3A_219 = vector.extract_strided_slice %get3A_3 {offsets = [3], sizes = [1], strides = [1]} : vector<16xi32> to vector<1xi32>
    %squeeze3A_220 = vector.extract %slice3A_219[0] : i32 from vector<1xi32>
    %jit3A_221 = arith.constant 128 : i32
    %div3A_222 = arith.divsi %squeeze3A_220, %jit3A_221 : i32
    %sign3A_223 = arith.constant 0 : i32
    %sign3A_224 = arith.cmpi sgt, %squeeze3A_220, %sign3A_223 : i32
    %sign3A_225 = arith.extui %sign3A_224 : i1 to i32
    %sign3A_226 = arith.constant 0 : i32
    %sign3A_227 = arith.cmpi slt, %squeeze3A_220, %sign3A_226 : i32
    %sign3A_228 = arith.extui %sign3A_227 : i1 to i32
    %sign3A_229 = arith.subi %sign3A_225, %sign3A_228 : i32
    %sign3A_230 = arith.constant 0 : i32
    %sign3A_231 = arith.cmpi sgt, %jit3A_221, %sign3A_230 : i32
    %sign3A_232 = arith.extui %sign3A_231 : i1 to i32
    %sign3A_233 = arith.constant 0 : i32
    %sign3A_234 = arith.cmpi slt, %jit3A_221, %sign3A_233 : i32
    %sign3A_235 = arith.extui %sign3A_234 : i1 to i32
    %sign3A_236 = arith.subi %sign3A_232, %sign3A_235 : i32
    %ne3A_237 = arith.cmpi ne, %sign3A_229, %sign3A_236 : i32
    %rem3A_238 = arith.remsi %squeeze3A_220, %jit3A_221 : i32
    %ne3A_239 = arith.constant 0 : i32
    %ne3A_240 = arith.cmpi ne, %rem3A_238, %ne3A_239 : i32
    %and3A_241 = arith.andi %ne3A_237, %ne3A_240 : i1
    %sub3A_242 = arith.constant 1 : i32
    %sub3A_243 = arith.subi %div3A_222, %sub3A_242 : i32
    %select_n3A_244 = arith.select %and3A_241, %sub3A_243, %div3A_222 : i32
    %mul3A_245 = arith.constant 128 : i32
    %mul3A_246 = arith.muli %select_n3A_244, %mul3A_245 : i32
    %multiple_of3A_247 = tpu.assume_multiple %mul3A_246, 128 : i32
    %dma_start3A_248 = arith.constant 0 : i32
    %dma_start3A_249 = tpu.memref_slice %arg3[%dma_start3A_248, %multiple_of3A_247] : memref<64x100000xf32, #tpu.memory_space<hbm>> -> memref<64x128xf32, #tpu.memory_space<hbm>>
    %dma_start3A_250 = arith.constant 0 : i32
    %dma_start3A_251 = tpu.memref_slice %arg3[%dma_start3A_250, %multiple_of3A_247] : memref<64x100000xf32, #tpu.memory_space<hbm>> -> memref<64x128xf32, #tpu.memory_space<hbm>>
    tpu.enqueue_dma source(%dma_start3A_251 : memref<64x128xf32, #tpu.memory_space<hbm>>) target(%arg7 : memref<64x128xf32, #tpu.memory_space<vmem>>) target_semaphore(%arg10 : memref<!tpu.dma_semaphore, #tpu.memory_space<semaphore_mem>>)
    %dma_wait3A_252 = arith.constant 0 : i32
    %dma_wait3A_253 = tpu.memref_slice %arg3[%dma_wait3A_252, %multiple_of3A_148] : memref<64x100000xf32, #tpu.memory_space<hbm>> -> memref<64x128xf32, #tpu.memory_space<hbm>>
    %dma_wait3A_254 = arith.constant 0 : i32
    %dma_wait3A_255 = tpu.memref_slice %arg3[%dma_wait3A_254, %multiple_of3A_148] : memref<64x100000xf32, #tpu.memory_space<hbm>> -> memref<64x128xf32, #tpu.memory_space<hbm>>
    tpu.wait_dma2 semaphore(%arg9 : memref<!tpu.dma_semaphore, #tpu.memory_space<semaphore_mem>>) src(%dma_wait3A_255 : memref<64x128xf32, #tpu.memory_space<hbm>>) dst(%arg6 : memref<64x128xf32, #tpu.memory_space<vmem>>)
    %slice3A_256 = vector.extract_strided_slice %get3A_3 {offsets = [2], sizes = [1], strides = [1]} : vector<16xi32> to vector<1xi32>
    %squeeze3A_257 = vector.extract %slice3A_256[0] : i32 from vector<1xi32>
    %jit3A_258 = arith.constant 128 : i32
    %div3A_259 = arith.divsi %squeeze3A_257, %jit3A_258 : i32
    %sign3A_260 = arith.constant 0 : i32
    %sign3A_261 = arith.cmpi sgt, %squeeze3A_257, %sign3A_260 : i32
    %sign3A_262 = arith.extui %sign3A_261 : i1 to i32
    %sign3A_263 = arith.constant 0 : i32
    %sign3A_264 = arith.cmpi slt, %squeeze3A_257, %sign3A_263 : i32
    %sign3A_265 = arith.extui %sign3A_264 : i1 to i32
    %sign3A_266 = arith.subi %sign3A_262, %sign3A_265 : i32
    %sign3A_267 = arith.constant 0 : i32
    %sign3A_268 = arith.cmpi sgt, %jit3A_258, %sign3A_267 : i32
    %sign3A_269 = arith.extui %sign3A_268 : i1 to i32
    %sign3A_270 = arith.constant 0 : i32
    %sign3A_271 = arith.cmpi slt, %jit3A_258, %sign3A_270 : i32
    %sign3A_272 = arith.extui %sign3A_271 : i1 to i32
    %sign3A_273 = arith.subi %sign3A_269, %sign3A_272 : i32
    %ne3A_274 = arith.cmpi ne, %sign3A_266, %sign3A_273 : i32
    %rem3A_275 = arith.remsi %squeeze3A_257, %jit3A_258 : i32
    %ne3A_276 = arith.constant 0 : i32
    %ne3A_277 = arith.cmpi ne, %rem3A_275, %ne3A_276 : i32
    %and3A_278 = arith.andi %ne3A_274, %ne3A_277 : i1
    %sub3A_279 = arith.constant 1 : i32
    %sub3A_280 = arith.subi %div3A_259, %sub3A_279 : i32
    %select_n3A_281 = arith.select %and3A_278, %sub3A_280, %div3A_259 : i32
    %mul3A_282 = arith.constant 128 : i32
    %mul3A_283 = arith.muli %select_n3A_281, %mul3A_282 : i32
    %sub3A_284 = arith.subi %squeeze3A_257, %mul3A_283 : i32
    %broadcast_in_dim3A_285 = vector.broadcast %sub3A_284 : i32 to vector<16xi32>
    %add3A_286 = arith.constant 0 : i32
    %add3A_287 = vector.broadcast %add3A_286 : i32 to vector<16xi32>
    %add3A_288 = arith.addi %iota3A, %add3A_287 : vector<16xi32>
    %gather3A_289 = tpu.vector_load_idx %arg6[%add3A_288, %broadcast_in_dim3A_285] : memref<64x128xf32, #tpu.memory_space<vmem>>[vector<16xi32>, vector<16xi32>], vector<16xf32>,
    %swap3A_290 = arith.constant 2 : i32
    %swap3A_291 = arith.index_cast %swap3A_290 : i32 to index
    %swap3A_292 = arith.constant 0 : index
    %swap3A_293 = tpu.vector_load %arg8[%swap3A_291, %swap3A_292] {strides = array<i32>} : memref<32x64xf32, #tpu.memory_space<vmem>>, vector<16xf32>,
    tpu.vector_store %arg8[%swap3A_291, %swap3A_292], %gather3A_289 {strides = array<i32>} : memref<32x64xf32, #tpu.memory_space<vmem>>, vector<16xf32>,
    %add3A_294 = arith.constant 16 : i32
    %add3A_295 = vector.broadcast %add3A_294 : i32 to vector<16xi32>
    %add3A_296 = arith.addi %iota3A, %add3A_295 : vector<16xi32>
    %gather3A_297 = tpu.vector_load_idx %arg6[%add3A_296, %broadcast_in_dim3A_285] : memref<64x128xf32, #tpu.memory_space<vmem>>[vector<16xi32>, vector<16xi32>], vector<16xf32>,
    %swap3A_298 = arith.constant 2 : i32
    %swap3A_299 = arith.index_cast %swap3A_298 : i32 to index
    %swap3A_300 = arith.constant 16 : index
    %swap3A_301 = tpu.vector_load %arg8[%swap3A_299, %swap3A_300] {strides = array<i32>} : memref<32x64xf32, #tpu.memory_space<vmem>>, vector<16xf32>,
    tpu.vector_store %arg8[%swap3A_299, %swap3A_300], %gather3A_297 {strides = array<i32>} : memref<32x64xf32, #tpu.memory_space<vmem>>, vector<16xf32>,
    %add3A_302 = arith.constant 32 : i32
    %add3A_303 = vector.broadcast %add3A_302 : i32 to vector<16xi32>
    %add3A_304 = arith.addi %iota3A, %add3A_303 : vector<16xi32>
    %gather3A_305 = tpu.vector_load_idx %arg6[%add3A_304, %broadcast_in_dim3A_285] : memref<64x128xf32, #tpu.memory_space<vmem>>[vector<16xi32>, vector<16xi32>], vector<16xf32>,
    %swap3A_306 = arith.constant 2 : i32
    %swap3A_307 = arith.index_cast %swap3A_306 : i32 to index
    %swap3A_308 = arith.constant 32 : index
    %swap3A_309 = tpu.vector_load %arg8[%swap3A_307, %swap3A_308] {strides = array<i32>} : memref<32x64xf32, #tpu.memory_space<vmem>>, vector<16xf32>,
    tpu.vector_store %arg8[%swap3A_307, %swap3A_308], %gather3A_305 {strides = array<i32>} : memref<32x64xf32, #tpu.memory_space<vmem>>, vector<16xf32>,
    %add3A_310 = arith.constant 48 : i32
    %add3A_311 = vector.broadcast %add3A_310 : i32 to vector<16xi32>
    %add3A_312 = arith.addi %iota3A, %add3A_311 : vector<16xi32>
    %gather3A_313 = tpu.vector_load_idx %arg6[%add3A_312, %broadcast_in_dim3A_285] : memref<64x128xf32, #tpu.memory_space<vmem>>[vector<16xi32>, vector<16xi32>], vector<16xf32>,
    %swap3A_314 = arith.constant 2 : i32
    %swap3A_315 = arith.index_cast %swap3A_314 : i32 to index
    %swap3A_316 = arith.constant 48 : index
    %swap3A_317 = tpu.vector_load %arg8[%swap3A_315, %swap3A_316] {strides = array<i32>} : memref<32x64xf32, #tpu.memory_space<vmem>>, vector<16xf32>,
    tpu.vector_store %arg8[%swap3A_315, %swap3A_316], %gather3A_313 {strides = array<i32>} : memref<32x64xf32, #tpu.memory_space<vmem>>, vector<16xf32>,
    %slice3A_318 = vector.extract_strided_slice %get3A_3 {offsets = [4], sizes = [1], strides = [1]} : vector<16xi32> to vector<1xi32>
    %squeeze3A_319 = vector.extract %slice3A_318[0] : i32 from vector<1xi32>
    %jit3A_320 = arith.constant 128 : i32
    %div3A_321 = arith.divsi %squeeze3A_319, %jit3A_320 : i32
    %sign3A_322 = arith.constant 0 : i32
    %sign3A_323 = arith.cmpi sgt, %squeeze3A_319, %sign3A_322 : i32
    %sign3A_324 = arith.extui %sign3A_323 : i1 to i32
    %sign3A_325 = arith.constant 0 : i32
    %sign3A_326 = arith.cmpi slt, %squeeze3A_319, %sign3A_325 : i32
    %sign3A_327 = arith.extui %sign3A_326 : i1 to i32
    %sign3A_328 = arith.subi %sign3A_324, %sign3A_327 : i32
    %sign3A_329 = arith.constant 0 : i32
    %sign3A_330 = arith.cmpi sgt, %jit3A_320, %sign3A_329 : i32
    %sign3A_331 = arith.extui %sign3A_330 : i1 to i32
    %sign3A_332 = arith.constant 0 : i32
    %sign3A_333 = arith.cmpi slt, %jit3A_320, %sign3A_332 : i32
    %sign3A_334 = arith.extui %sign3A_333 : i1 to i32
    %sign3A_335 = arith.subi %sign3A_331, %sign3A_334 : i32
    %ne3A_336 = arith.cmpi ne, %sign3A_328, %sign3A_335 : i32
    %rem3A_337 = arith.remsi %squeeze3A_319, %jit3A_320 : i32
    %ne3A_338 = arith.constant 0 : i32
    %ne3A_339 = arith.cmpi ne, %rem3A_337, %ne3A_338 : i32
    %and3A_340 = arith.andi %ne3A_336, %ne3A_339 : i1
    %sub3A_341 = arith.constant 1 : i32
    %sub3A_342 = arith.subi %div3A_321, %sub3A_341 : i32
    %select_n3A_343 = arith.select %and3A_340, %sub3A_342, %div3A_321 : i32
    %mul3A_344 = arith.constant 128 : i32
    %mul3A_345 = arith.muli %select_n3A_343, %mul3A_344 : i32
    %multiple_of3A_346 = tpu.assume_multiple %mul3A_345, 128 : i32
    %dma_start3A_347 = arith.constant 0 : i32
    %dma_start3A_348 = tpu.memref_slice %arg3[%dma_start3A_347, %multiple_of3A_346] : memref<64x100000xf32, #tpu.memory_space<hbm>> -> memref<64x128xf32, #tpu.memory_space<hbm>>
    %dma_start3A_349 = arith.constant 0 : i32
    %dma_start3A_350 = tpu.memref_slice %arg3[%dma_start3A_349, %multiple_of3A_346] : memref<64x100000xf32, #tpu.memory_space<hbm>> -> memref<64x128xf32, #tpu.memory_space<hbm>>
    tpu.enqueue_dma source(%dma_start3A_350 : memref<64x128xf32, #tpu.memory_space<hbm>>) target(%arg6 : memref<64x128xf32, #tpu.memory_space<vmem>>) target_semaphore(%arg9 : memref<!tpu.dma_semaphore, #tpu.memory_space<semaphore_mem>>)
    %dma_wait3A_351 = arith.constant 0 : i32
    %dma_wait3A_352 = tpu.memref_slice %arg3[%dma_wait3A_351, %multiple_of3A_247] : memref<64x100000xf32, #tpu.memory_space<hbm>> -> memref<64x128xf32, #tpu.memory_space<hbm>>
    %dma_wait3A_353 = arith.constant 0 : i32
    %dma_wait3A_354 = tpu.memref_slice %arg3[%dma_wait3A_353, %multiple_of3A_247] : memref<64x100000xf32, #tpu.memory_space<hbm>> -> memref<64x128xf32, #tpu.memory_space<hbm>>
    tpu.wait_dma2 semaphore(%arg10 : memref<!tpu.dma_semaphore, #tpu.memory_space<semaphore_mem>>) src(%dma_wait3A_354 : memref<64x128xf32, #tpu.memory_space<hbm>>) dst(%arg7 : memref<64x128xf32, #tpu.memory_space<vmem>>)
    %slice3A_355 = vector.extract_strided_slice %get3A_3 {offsets = [3], sizes = [1], strides = [1]} : vector<16xi32> to vector<1xi32>
    %squeeze3A_356 = vector.extract %slice3A_355[0] : i32 from vector<1xi32>
    %jit3A_357 = arith.constant 128 : i32
    %div3A_358 = arith.divsi %squeeze3A_356, %jit3A_357 : i32
    %sign3A_359 = arith.constant 0 : i32
    %sign3A_360 = arith.cmpi sgt, %squeeze3A_356, %sign3A_359 : i32
    %sign3A_361 = arith.extui %sign3A_360 : i1 to i32
    %sign3A_362 = arith.constant 0 : i32
    %sign3A_363 = arith.cmpi slt, %squeeze3A_356, %sign3A_362 : i32
    %sign3A_364 = arith.extui %sign3A_363 : i1 to i32
    %sign3A_365 = arith.subi %sign3A_361, %sign3A_364 : i32
    %sign3A_366 = arith.constant 0 : i32
    %sign3A_367 = arith.cmpi sgt, %jit3A_357, %sign3A_366 : i32
    %sign3A_368 = arith.extui %sign3A_367 : i1 to i32
    %sign3A_369 = arith.constant 0 : i32
    %sign3A_370 = arith.cmpi slt, %jit3A_357, %sign3A_369 : i32
    %sign3A_371 = arith.extui %sign3A_370 : i1 to i32
    %sign3A_372 = arith.subi %sign3A_368, %sign3A_371 : i32
    %ne3A_373 = arith.cmpi ne, %sign3A_365, %sign3A_372 : i32
    %rem3A_374 = arith.remsi %squeeze3A_356, %jit3A_357 : i32
    %ne3A_375 = arith.constant 0 : i32
    %ne3A_376 = arith.cmpi ne, %rem3A_374, %ne3A_375 : i32
    %and3A_377 = arith.andi %ne3A_373, %ne3A_376 : i1
    %sub3A_378 = arith.constant 1 : i32
    %sub3A_379 = arith.subi %div3A_358, %sub3A_378 : i32
    %select_n3A_380 = arith.select %and3A_377, %sub3A_379, %div3A_358 : i32
    %mul3A_381 = arith.constant 128 : i32
    %mul3A_382 = arith.muli %select_n3A_380, %mul3A_381 : i32
    %sub3A_383 = arith.subi %squeeze3A_356, %mul3A_382 : i32
    %broadcast_in_dim3A_384 = vector.broadcast %sub3A_383 : i32 to vector<16xi32>
    %add3A_385 = arith.constant 0 : i32
    %add3A_386 = vector.broadcast %add3A_385 : i32 to vector<16xi32>
    %add3A_387 = arith.addi %iota3A, %add3A_386 : vector<16xi32>
    %gather3A_388 = tpu.vector_load_idx %arg7[%add3A_387, %broadcast_in_dim3A_384] : memref<64x128xf32, #tpu.memory_space<vmem>>[vector<16xi32>, vector<16xi32>], vector<16xf32>,
    %swap3A_389 = arith.constant 3 : i32
    %swap3A_390 = arith.index_cast %swap3A_389 : i32 to index
    %swap3A_391 = arith.constant 0 : index
    %swap3A_392 = tpu.vector_load %arg8[%swap3A_390, %swap3A_391] {strides = array<i32>} : memref<32x64xf32, #tpu.memory_space<vmem>>, vector<16xf32>,
    tpu.vector_store %arg8[%swap3A_390, %swap3A_391], %gather3A_388 {strides = array<i32>} : memref<32x64xf32, #tpu.memory_space<vmem>>, vector<16xf32>,
    %add3A_393 = arith.constant 16 : i32
    %add3A_394 = vector.broadcast %add3A_393 : i32 to vector<16xi32>
    %add3A_395 = arith.addi %iota3A, %add3A_394 : vector<16xi32>
    %gather3A_396 = tpu.vector_load_idx %arg7[%add3A_395, %broadcast_in_dim3A_384] : memref<64x128xf32, #tpu.memory_space<vmem>>[vector<16xi32>, vector<16xi32>], vector<16xf32>,
    %swap3A_397 = arith.constant 3 : i32
    %swap3A_398 = arith.index_cast %swap3A_397 : i32 to index
    %swap3A_399 = arith.constant 16 : index
    %swap3A_400 = tpu.vector_load %arg8[%swap3A_398, %swap3A_399] {strides = array<i32>} : memref<32x64xf32, #tpu.memory_space<vmem>>, vector<16xf32>,
    tpu.vector_store %arg8[%swap3A_398, %swap3A_399], %gather3A_396 {strides = array<i32>} : memref<32x64xf32, #tpu.memory_space<vmem>>, vector<16xf32>,
    %add3A_401 = arith.constant 32 : i32
    %add3A_402 = vector.broadcast %add3A_401 : i32 to vector<16xi32>
    %add3A_403 = arith.addi %iota3A, %add3A_402 : vector<16xi32>
    %gather3A_404 = tpu.vector_load_idx %arg7[%add3A_403, %broadcast_in_dim3A_384] : memref<64x128xf32, #tpu.memory_space<vmem>>[vector<16xi32>, vector<16xi32>], vector<16xf32>,
    %swap3A_405 = arith.constant 3 : i32
    %swap3A_406 = arith.index_cast %swap3A_405 : i32 to index
    %swap3A_407 = arith.constant 32 : index
    %swap3A_408 = tpu.vector_load %arg8[%swap3A_406, %swap3A_407] {strides = array<i32>} : memref<32x64xf32, #tpu.memory_space<vmem>>, vector<16xf32>,
    tpu.vector_store %arg8[%swap3A_406, %swap3A_407], %gather3A_404 {strides = array<i32>} : memref<32x64xf32, #tpu.memory_space<vmem>>, vector<16xf32>,
    %add3A_409 = arith.constant 48 : i32
    %add3A_410 = vector.broadcast %add3A_409 : i32 to vector<16xi32>
    %add3A_411 = arith.addi %iota3A, %add3A_410 : vector<16xi32>
    %gather3A_412 = tpu.vector_load_idx %arg7[%add3A_411, %broadcast_in_dim3A_384] : memref<64x128xf32, #tpu.memory_space<vmem>>[vector<16xi32>, vector<16xi32>], vector<16xf32>,
    %swap3A_413 = arith.constant 3 : i32
    %swap3A_414 = arith.index_cast %swap3A_413 : i32 to index
    %swap3A_415 = arith.constant 48 : index
    %swap3A_416 = tpu.vector_load %arg8[%swap3A_414, %swap3A_415] {strides = array<i32>} : memref<32x64xf32, #tpu.memory_space<vmem>>, vector<16xf32>,
    tpu.vector_store %arg8[%swap3A_414, %swap3A_415], %gather3A_412 {strides = array<i32>} : memref<32x64xf32, #tpu.memory_space<vmem>>, vector<16xf32>,
    %slice3A_417 = vector.extract_strided_slice %get3A_3 {offsets = [5], sizes = [1], strides = [1]} : vector<16xi32> to vector<1xi32>
    %squeeze3A_418 = vector.extract %slice3A_417[0] : i32 from vector<1xi32>
    %jit3A_419 = arith.constant 128 : i32
    %div3A_420 = arith.divsi %squeeze3A_418, %jit3A_419 : i32
    %sign3A_421 = arith.constant 0 : i32
    %sign3A_422 = arith.cmpi sgt, %squeeze3A_418, %sign3A_421 : i32
    %sign3A_423 = arith.extui %sign3A_422 : i1 to i32
    %sign3A_424 = arith.constant 0 : i32
    %sign3A_425 = arith.cmpi slt, %squeeze3A_418, %sign3A_424 : i32
    %sign3A_426 = arith.extui %sign3A_425 : i1 to i32
    %sign3A_427 = arith.subi %sign3A_423, %sign3A_426 : i32
    %sign3A_428 = arith.constant 0 : i32
    %sign3A_429 = arith.cmpi sgt, %jit3A_419, %sign3A_428 : i32
    %sign3A_430 = arith.extui %sign3A_429 : i1 to i32
    %sign3A_431 = arith.constant 0 : i32
    %sign3A_432 = arith.cmpi slt, %jit3A_419, %sign3A_431 : i32
    %sign3A_433 = arith.extui %sign3A_432 : i1 to i32
    %sign3A_434 = arith.subi %sign3A_430, %sign3A_433 : i32
    %ne3A_435 = arith.cmpi ne, %sign3A_427, %sign3A_434 : i32
    %rem3A_436 = arith.remsi %squeeze3A_418, %jit3A_419 : i32
    %ne3A_437 = arith.constant 0 : i32
    %ne3A_438 = arith.cmpi ne, %rem3A_436, %ne3A_437 : i32
    %and3A_439 = arith.andi %ne3A_435, %ne3A_438 : i1
    %sub3A_440 = arith.constant 1 : i32
    %sub3A_441 = arith.subi %div3A_420, %sub3A_440 : i32
    %select_n3A_442 = arith.select %and3A_439, %sub3A_441, %div3A_420 : i32
    %mul3A_443 = arith.constant 128 : i32
    %mul3A_444 = arith.muli %select_n3A_442, %mul3A_443 : i32
    %multiple_of3A_445 = tpu.assume_multiple %mul3A_444, 128 : i32
    %dma_start3A_446 = arith.constant 0 : i32
    %dma_start3A_447 = tpu.memref_slice %arg3[%dma_start3A_446, %multiple_of3A_445] : memref<64x100000xf32, #tpu.memory_space<hbm>> -> memref<64x128xf32, #tpu.memory_space<hbm>>
    %dma_start3A_448 = arith.constant 0 : i32
    %dma_start3A_449 = tpu.memref_slice %arg3[%dma_start3A_448, %multiple_of3A_445] : memref<64x100000xf32, #tpu.memory_space<hbm>> -> memref<64x128xf32, #tpu.memory_space<hbm>>
    tpu.enqueue_dma source(%dma_start3A_449 : memref<64x128xf32, #tpu.memory_space<hbm>>) target(%arg7 : memref<64x128xf32, #tpu.memory_space<vmem>>) target_semaphore(%arg10 : memref<!tpu.dma_semaphore, #tpu.memory_space<semaphore_mem>>)
    %dma_wait3A_450 = arith.constant 0 : i32
    %dma_wait3A_451 = tpu.memref_slice %arg3[%dma_wait3A_450, %multiple_of3A_346] : memref<64x100000xf32, #tpu.memory_space<hbm>> -> memref<64x128xf32, #tpu.memory_space<hbm>>
    %dma_wait3A_452 = arith.constant 0 : i32
    %dma_wait3A_453 = tpu.memref_slice %arg3[%dma_wait3A_452, %multiple_of3A_346] : memref<64x100000xf32, #tpu.memory_space<hbm>> -> memref<64x128xf32, #tpu.memory_space<hbm>>
    tpu.wait_dma2 semaphore(%arg9 : memref<!tpu.dma_semaphore, #tpu.memory_space<semaphore_mem>>) src(%dma_wait3A_453 : memref<64x128xf32, #tpu.memory_space<hbm>>) dst(%arg6 : memref<64x128xf32, #tpu.memory_space<vmem>>)
    %slice3A_454 = vector.extract_strided_slice %get3A_3 {offsets = [4], sizes = [1], strides = [1]} : vector<16xi32> to vector<1xi32>
    %squeeze3A_455 = vector.extract %slice3A_454[0] : i32 from vector<1xi32>
    %jit3A_456 = arith.constant 128 : i32
    %div3A_457 = arith.divsi %squeeze3A_455, %jit3A_456 : i32
    %sign3A_458 = arith.constant 0 : i32
    %sign3A_459 = arith.cmpi sgt, %squeeze3A_455, %sign3A_458 : i32
    %sign3A_460 = arith.extui %sign3A_459 : i1 to i32
    %sign3A_461 = arith.constant 0 : i32
    %sign3A_462 = arith.cmpi slt, %squeeze3A_455, %sign3A_461 : i32
    %sign3A_463 = arith.extui %sign3A_462 : i1 to i32
    %sign3A_464 = arith.subi %sign3A_460, %sign3A_463 : i32
    %sign3A_465 = arith.constant 0 : i32
    %sign3A_466 = arith.cmpi sgt, %jit3A_456, %sign3A_465 : i32
    %sign3A_467 = arith.extui %sign3A_466 : i1 to i32
    %sign3A_468 = arith.constant 0 : i32
    %sign3A_469 = arith.cmpi slt, %jit3A_456, %sign3A_468 : i32
    %sign3A_470 = arith.extui %sign3A_469 : i1 to i32
    %sign3A_471 = arith.subi %sign3A_467, %sign3A_470 : i32
    %ne3A_472 = arith.cmpi ne, %sign3A_464, %sign3A_471 : i32
    %rem3A_473 = arith.remsi %squeeze3A_455, %jit3A_456 : i32
    %ne3A_474 = arith.constant 0 : i32
    %ne3A_475 = arith.cmpi ne, %rem3A_473, %ne3A_474 : i32
    %and3A_476 = arith.andi %ne3A_472, %ne3A_475 : i1
    %sub3A_477 = arith.constant 1 : i32
    %sub3A_478 = arith.subi %div3A_457, %sub3A_477 : i32
    %select_n3A_479 = arith.select %and3A_476, %sub3A_478, %div3A_457 : i32
    %mul3A_480 = arith.constant 128 : i32
    %mul3A_481 = arith.muli %select_n3A_479, %mul3A_480 : i32
    %sub3A_482 = arith.subi %squeeze3A_455, %mul3A_481 : i32
    %broadcast_in_dim3A_483 = vector.broadcast %sub3A_482 : i32 to vector<16xi32>
    %add3A_484 = arith.constant 0 : i32
    %add3A_485 = vector.broadcast %add3A_484 : i32 to vector<16xi32>
    %add3A_486 = arith.addi %iota3A, %add3A_485 : vector<16xi32>
    %gather3A_487 = tpu.vector_load_idx %arg6[%add3A_486, %broadcast_in_dim3A_483] : memref<64x128xf32, #tpu.memory_space<vmem>>[vector<16xi32>, vector<16xi32>], vector<16xf32>,
    %swap3A_488 = arith.constant 4 : i32
    %swap3A_489 = arith.index_cast %swap3A_488 : i32 to index
    %swap3A_490 = arith.constant 0 : index
    %swap3A_491 = tpu.vector_load %arg8[%swap3A_489, %swap3A_490] {strides = array<i32>} : memref<32x64xf32, #tpu.memory_space<vmem>>, vector<16xf32>,
    tpu.vector_store %arg8[%swap3A_489, %swap3A_490], %gather3A_487 {strides = array<i32>} : memref<32x64xf32, #tpu.memory_space<vmem>>, vector<16xf32>,
    %add3A_492 = arith.constant 16 : i32
    %add3A_493 = vector.broadcast %add3A_492 : i32 to vector<16xi32>
    %add3A_494 = arith.addi %iota3A, %add3A_493 : vector<16xi32>
    %gather3A_495 = tpu.vector_load_idx %arg6[%add3A_494, %broadcast_in_dim3A_483] : memref<64x128xf32, #tpu.memory_space<vmem>>[vector<16xi32>, vector<16xi32>], vector<16xf32>,
    %swap3A_496 = arith.constant 4 : i32
    %swap3A_497 = arith.index_cast %swap3A_496 : i32 to index
    %swap3A_498 = arith.constant 16 : index
    %swap3A_499 = tpu.vector_load %arg8[%swap3A_497, %swap3A_498] {strides = array<i32>} : memref<32x64xf32, #tpu.memory_space<vmem>>, vector<16xf32>,
    tpu.vector_store %arg8[%swap3A_497, %swap3A_498], %gather3A_495 {strides = array<i32>} : memref<32x64xf32, #tpu.memory_space<vmem>>, vector<16xf32>,
    %add3A_500 = arith.constant 32 : i32
    %add3A_501 = vector.broadcast %add3A_500 : i32 to vector<16xi32>
    %add3A_502 = arith.addi %iota3A, %add3A_501 : vector<16xi32>
    %gather3A_503 = tpu.vector_load_idx %arg6[%add3A_502, %broadcast_in_dim3A_483] : memref<64x128xf32, #tpu.memory_space<vmem>>[vector<16xi32>, vector<16xi32>], vector<16xf32>,
    %swap3A_504 = arith.constant 4 : i32
    %swap3A_505 = arith.index_cast %swap3A_504 : i32 to index
    %swap3A_506 = arith.constant 32 : index
    %swap3A_507 = tpu.vector_load %arg8[%swap3A_505, %swap3A_506] {strides = array<i32>} : memref<32x64xf32, #tpu.memory_space<vmem>>, vector<16xf32>,
    tpu.vector_store %arg8[%swap3A_505, %swap3A_506], %gather3A_503 {strides = array<i32>} : memref<32x64xf32, #tpu.memory_space<vmem>>, vector<16xf32>,
    %add3A_508 = arith.constant 48 : i32
    %add3A_509 = vector.broadcast %add3A_508 : i32 to vector<16xi32>
    %add3A_510 = arith.addi %iota3A, %add3A_509 : vector<16xi32>
    %gather3A_511 = tpu.vector_load_idx %arg6[%add3A_510, %broadcast_in_dim3A_483] : memref<64x128xf32, #tpu.memory_space<vmem>>[vector<16xi32>, vector<16xi32>], vector<16xf32>,
    %swap3A_512 = arith.constant 4 : i32
    %swap3A_513 = arith.index_cast %swap3A_512 : i32 to index
    %swap3A_514 = arith.constant 48 : index
    %swap3A_515 = tpu.vector_load %arg8[%swap3A_513, %swap3A_514] {strides = array<i32>} : memref<32x64xf32, #tpu.memory_space<vmem>>, vector<16xf32>,
    tpu.vector_store %arg8[%swap3A_513, %swap3A_514], %gather3A_511 {strides = array<i32>} : memref<32x64xf32, #tpu.memory_space<vmem>>, vector<16xf32>,
    %slice3A_516 = vector.extract_strided_slice %get3A_3 {offsets = [6], sizes = [1], strides = [1]} : vector<16xi32> to vector<1xi32>
    %squeeze3A_517 = vector.extract %slice3A_516[0] : i32 from vector<1xi32>
    %jit3A_518 = arith.constant 128 : i32
    %div3A_519 = arith.divsi %squeeze3A_517, %jit3A_518 : i32
    %sign3A_520 = arith.constant 0 : i32
    %sign3A_521 = arith.cmpi sgt, %squeeze3A_517, %sign3A_520 : i32
    %sign3A_522 = arith.extui %sign3A_521 : i1 to i32
    %sign3A_523 = arith.constant 0 : i32
    %sign3A_524 = arith.cmpi slt, %squeeze3A_517, %sign3A_523 : i32
    %sign3A_525 = arith.extui %sign3A_524 : i1 to i32
    %sign3A_526 = arith.subi %sign3A_522, %sign3A_525 : i32
    %sign3A_527 = arith.constant 0 : i32
    %sign3A_528 = arith.cmpi sgt, %jit3A_518, %sign3A_527 : i32
    %sign3A_529 = arith.extui %sign3A_528 : i1 to i32
    %sign3A_530 = arith.constant 0 : i32
    %sign3A_531 = arith.cmpi slt, %jit3A_518, %sign3A_530 : i32
    %sign3A_532 = arith.extui %sign3A_531 : i1 to i32
    %sign3A_533 = arith.subi %sign3A_529, %sign3A_532 : i32
    %ne3A_534 = arith.cmpi ne, %sign3A_526, %sign3A_533 : i32
    %rem3A_535 = arith.remsi %squeeze3A_517, %jit3A_518 : i32
    %ne3A_536 = arith.constant 0 : i32
    %ne3A_537 = arith.cmpi ne, %rem3A_535, %ne3A_536 : i32
    %and3A_538 = arith.andi %ne3A_534, %ne3A_537 : i1
    %sub3A_539 = arith.constant 1 : i32
    %sub3A_540 = arith.subi %div3A_519, %sub3A_539 : i32
    %select_n3A_541 = arith.select %and3A_538, %sub3A_540, %div3A_519 : i32
    %mul3A_542 = arith.constant 128 : i32
    %mul3A_543 = arith.muli %select_n3A_541, %mul3A_542 : i32
    %multiple_of3A_544 = tpu.assume_multiple %mul3A_543, 128 : i32
    %dma_start3A_545 = arith.constant 0 : i32
    %dma_start3A_546 = tpu.memref_slice %arg3[%dma_start3A_545, %multiple_of3A_544] : memref<64x100000xf32, #tpu.memory_space<hbm>> -> memref<64x128xf32, #tpu.memory_space<hbm>>
    %dma_start3A_547 = arith.constant 0 : i32
    %dma_start3A_548 = tpu.memref_slice %arg3[%dma_start3A_547, %multiple_of3A_544] : memref<64x100000xf32, #tpu.memory_space<hbm>> -> memref<64x128xf32, #tpu.memory_space<hbm>>
    tpu.enqueue_dma source(%dma_start3A_548 : memref<64x128xf32, #tpu.memory_space<hbm>>) target(%arg6 : memref<64x128xf32, #tpu.memory_space<vmem>>) target_semaphore(%arg9 : memref<!tpu.dma_semaphore, #tpu.memory_space<semaphore_mem>>)
    %dma_wait3A_549 = arith.constant 0 : i32
    %dma_wait3A_550 = tpu.memref_slice %arg3[%dma_wait3A_549, %multiple_of3A_445] : memref<64x100000xf32, #tpu.memory_space<hbm>> -> memref<64x128xf32, #tpu.memory_space<hbm>>
    %dma_wait3A_551 = arith.constant 0 : i32
    %dma_wait3A_552 = tpu.memref_slice %arg3[%dma_wait3A_551, %multiple_of3A_445] : memref<64x100000xf32, #tpu.memory_space<hbm>> -> memref<64x128xf32, #tpu.memory_space<hbm>>
    tpu.wait_dma2 semaphore(%arg10 : memref<!tpu.dma_semaphore, #tpu.memory_space<semaphore_mem>>) src(%dma_wait3A_552 : memref<64x128xf32, #tpu.memory_space<hbm>>) dst(%arg7 : memref<64x128xf32, #tpu.memory_space<vmem>>)
    %slice3A_553 = vector.extract_strided_slice %get3A_3 {offsets = [5], sizes = [1], strides = [1]} : vector<16xi32> to vector<1xi32>
    %squeeze3A_554 = vector.extract %slice3A_553[0] : i32 from vector<1xi32>
    %jit3A_555 = arith.constant 128 : i32
    %div3A_556 = arith.divsi %squeeze3A_554, %jit3A_555 : i32
    %sign3A_557 = arith.constant 0 : i32
    %sign3A_558 = arith.cmpi sgt, %squeeze3A_554, %sign3A_557 : i32
    %sign3A_559 = arith.extui %sign3A_558 : i1 to i32
    %sign3A_560 = arith.constant 0 : i32
    %sign3A_561 = arith.cmpi slt, %squeeze3A_554, %sign3A_560 : i32
    %sign3A_562 = arith.extui %sign3A_561 : i1 to i32
    %sign3A_563 = arith.subi %sign3A_559, %sign3A_562 : i32
    %sign3A_564 = arith.constant 0 : i32
    %sign3A_565 = arith.cmpi sgt, %jit3A_555, %sign3A_564 : i32
    %sign3A_566 = arith.extui %sign3A_565 : i1 to i32
    %sign3A_567 = arith.constant 0 : i32
    %sign3A_568 = arith.cmpi slt, %jit3A_555, %sign3A_567 : i32
    %sign3A_569 = arith.extui %sign3A_568 : i1 to i32
    %sign3A_570 = arith.subi %sign3A_566, %sign3A_569 : i32
    %ne3A_571 = arith.cmpi ne, %sign3A_563, %sign3A_570 : i32
    %rem3A_572 = arith.remsi %squeeze3A_554, %jit3A_555 : i32
    %ne3A_573 = arith.constant 0 : i32
    %ne3A_574 = arith.cmpi ne, %rem3A_572, %ne3A_573 : i32
    %and3A_575 = arith.andi %ne3A_571, %ne3A_574 : i1
    %sub3A_576 = arith.constant 1 : i32
    %sub3A_577 = arith.subi %div3A_556, %sub3A_576 : i32
    %select_n3A_578 = arith.select %and3A_575, %sub3A_577, %div3A_556 : i32
    %mul3A_579 = arith.constant 128 : i32
    %mul3A_580 = arith.muli %select_n3A_578, %mul3A_579 : i32
    %sub3A_581 = arith.subi %squeeze3A_554, %mul3A_580 : i32
    %broadcast_in_dim3A_582 = vector.broadcast %sub3A_581 : i32 to vector<16xi32>
    %add3A_583 = arith.constant 0 : i32
    %add3A_584 = vector.broadcast %add3A_583 : i32 to vector<16xi32>
    %add3A_585 = arith.addi %iota3A, %add3A_584 : vector<16xi32>
    %gather3A_586 = tpu.vector_load_idx %arg7[%add3A_585, %broadcast_in_dim3A_582] : memref<64x128xf32, #tpu.memory_space<vmem>>[vector<16xi32>, vector<16xi32>], vector<16xf32>,
    %swap3A_587 = arith.constant 5 : i32
    %swap3A_588 = arith.index_cast %swap3A_587 : i32 to index
    %swap3A_589 = arith.constant 0 : index
    %swap3A_590 = tpu.vector_load %arg8[%swap3A_588, %swap3A_589] {strides = array<i32>} : memref<32x64xf32, #tpu.memory_space<vmem>>, vector<16xf32>,
    tpu.vector_store %arg8[%swap3A_588, %swap3A_589], %gather3A_586 {strides = array<i32>} : memref<32x64xf32, #tpu.memory_space<vmem>>, vector<16xf32>,
    %add3A_591 = arith.constant 16 : i32
    %add3A_592 = vector.broadcast %add3A_591 : i32 to vector<16xi32>
    %add3A_593 = arith.addi %iota3A, %add3A_592 : vector<16xi32>
    %gather3A_594 = tpu.vector_load_idx %arg7[%add3A_593, %broadcast_in_dim3A_582] : memref<64x128xf32, #tpu.memory_space<vmem>>[vector<16xi32>, vector<16xi32>], vector<16xf32>,
    %swap3A_595 = arith.constant 5 : i32
    %swap3A_596 = arith.index_cast %swap3A_595 : i32 to index
    %swap3A_597 = arith.constant 16 : index
    %swap3A_598 = tpu.vector_load %arg8[%swap3A_596, %swap3A_597] {strides = array<i32>} : memref<32x64xf32, #tpu.memory_space<vmem>>, vector<16xf32>,
    tpu.vector_store %arg8[%swap3A_596, %swap3A_597], %gather3A_594 {strides = array<i32>} : memref<32x64xf32, #tpu.memory_space<vmem>>, vector<16xf32>,
    %add3A_599 = arith.constant 32 : i32
    %add3A_600 = vector.broadcast %add3A_599 : i32 to vector<16xi32>
    %add3A_601 = arith.addi %iota3A, %add3A_600 : vector<16xi32>
    %gather3A_602 = tpu.vector_load_idx %arg7[%add3A_601, %broadcast_in_dim3A_582] : memref<64x128xf32, #tpu.memory_space<vmem>>[vector<16xi32>, vector<16xi32>], vector<16xf32>,
    %swap3A_603 = arith.constant 5 : i32
    %swap3A_604 = arith.index_cast %swap3A_603 : i32 to index
    %swap3A_605 = arith.constant 32 : index
    %swap3A_606 = tpu.vector_load %arg8[%swap3A_604, %swap3A_605] {strides = array<i32>} : memref<32x64xf32, #tpu.memory_space<vmem>>, vector<16xf32>,
    tpu.vector_store %arg8[%swap3A_604, %swap3A_605], %gather3A_602 {strides = array<i32>} : memref<32x64xf32, #tpu.memory_space<vmem>>, vector<16xf32>,
    %add3A_607 = arith.constant 48 : i32
    %add3A_608 = vector.broadcast %add3A_607 : i32 to vector<16xi32>
    %add3A_609 = arith.addi %iota3A, %add3A_608 : vector<16xi32>
    %gather3A_610 = tpu.vector_load_idx %arg7[%add3A_609, %broadcast_in_dim3A_582] : memref<64x128xf32, #tpu.memory_space<vmem>>[vector<16xi32>, vector<16xi32>], vector<16xf32>,
    %swap3A_611 = arith.constant 5 : i32
    %swap3A_612 = arith.index_cast %swap3A_611 : i32 to index
    %swap3A_613 = arith.constant 48 : index
    %swap3A_614 = tpu.vector_load %arg8[%swap3A_612, %swap3A_613] {strides = array<i32>} : memref<32x64xf32, #tpu.memory_space<vmem>>, vector<16xf32>,
    tpu.vector_store %arg8[%swap3A_612, %swap3A_613], %gather3A_610 {strides = array<i32>} : memref<32x64xf32, #tpu.memory_space<vmem>>, vector<16xf32>,
    %slice3A_615 = vector.extract_strided_slice %get3A_3 {offsets = [7], sizes = [1], strides = [1]} : vector<16xi32> to vector<1xi32>
    %squeeze3A_616 = vector.extract %slice3A_615[0] : i32 from vector<1xi32>
    %jit3A_617 = arith.constant 128 : i32
    %div3A_618 = arith.divsi %squeeze3A_616, %jit3A_617 : i32
    %sign3A_619 = arith.constant 0 : i32
    %sign3A_620 = arith.cmpi sgt, %squeeze3A_616, %sign3A_619 : i32
    %sign3A_621 = arith.extui %sign3A_620 : i1 to i32
    %sign3A_622 = arith.constant 0 : i32
    %sign3A_623 = arith.cmpi slt, %squeeze3A_616, %sign3A_622 : i32
    %sign3A_624 = arith.extui %sign3A_623 : i1 to i32
    %sign3A_625 = arith.subi %sign3A_621, %sign3A_624 : i32
    %sign3A_626 = arith.constant 0 : i32
    %sign3A_627 = arith.cmpi sgt, %jit3A_617, %sign3A_626 : i32
    %sign3A_628 = arith.extui %sign3A_627 : i1 to i32
    %sign3A_629 = arith.constant 0 : i32
    %sign3A_630 = arith.cmpi slt, %jit3A_617, %sign3A_629 : i32
    %sign3A_631 = arith.extui %sign3A_630 : i1 to i32
    %sign3A_632 = arith.subi %sign3A_628, %sign3A_631 : i32
    %ne3A_633 = arith.cmpi ne, %sign3A_625, %sign3A_632 : i32
    %rem3A_634 = arith.remsi %squeeze3A_616, %jit3A_617 : i32
    %ne3A_635 = arith.constant 0 : i32
    %ne3A_636 = arith.cmpi ne, %rem3A_634, %ne3A_635 : i32
    %and3A_637 = arith.andi %ne3A_633, %ne3A_636 : i1
    %sub3A_638 = arith.constant 1 : i32
    %sub3A_639 = arith.subi %div3A_618, %sub3A_638 : i32
    %select_n3A_640 = arith.select %and3A_637, %sub3A_639, %div3A_618 : i32
    %mul3A_641 = arith.constant 128 : i32
    %mul3A_642 = arith.muli %select_n3A_640, %mul3A_641 : i32
    %multiple_of3A_643 = tpu.assume_multiple %mul3A_642, 128 : i32
    %dma_start3A_644 = arith.constant 0 : i32
    %dma_start3A_645 = tpu.memref_slice %arg3[%dma_start3A_644, %multiple_of3A_643] : memref<64x100000xf32, #tpu.memory_space<hbm>> -> memref<64x128xf32, #tpu.memory_space<hbm>>
    %dma_start3A_646 = arith.constant 0 : i32
    %dma_start3A_647 = tpu.memref_slice %arg3[%dma_start3A_646, %multiple_of3A_643] : memref<64x100000xf32, #tpu.memory_space<hbm>> -> memref<64x128xf32, #tpu.memory_space<hbm>>
    tpu.enqueue_dma source(%dma_start3A_647 : memref<64x128xf32, #tpu.memory_space<hbm>>) target(%arg7 : memref<64x128xf32, #tpu.memory_space<vmem>>) target_semaphore(%arg10 : memref<!tpu.dma_semaphore, #tpu.memory_space<semaphore_mem>>)
    %dma_wait3A_648 = arith.constant 0 : i32
    %dma_wait3A_649 = tpu.memref_slice %arg3[%dma_wait3A_648, %multiple_of3A_544] : memref<64x100000xf32, #tpu.memory_space<hbm>> -> memref<64x128xf32, #tpu.memory_space<hbm>>
    %dma_wait3A_650 = arith.constant 0 : i32
    %dma_wait3A_651 = tpu.memref_slice %arg3[%dma_wait3A_650, %multiple_of3A_544] : memref<64x100000xf32, #tpu.memory_space<hbm>> -> memref<64x128xf32, #tpu.memory_space<hbm>>
    tpu.wait_dma2 semaphore(%arg9 : memref<!tpu.dma_semaphore, #tpu.memory_space<semaphore_mem>>) src(%dma_wait3A_651 : memref<64x128xf32, #tpu.memory_space<hbm>>) dst(%arg6 : memref<64x128xf32, #tpu.memory_space<vmem>>)
    %slice3A_652 = vector.extract_strided_slice %get3A_3 {offsets = [6], sizes = [1], strides = [1]} : vector<16xi32> to vector<1xi32>
    %squeeze3A_653 = vector.extract %slice3A_652[0] : i32 from vector<1xi32>
    %jit3A_654 = arith.constant 128 : i32
    %div3A_655 = arith.divsi %squeeze3A_653, %jit3A_654 : i32
    %sign3A_656 = arith.constant 0 : i32
    %sign3A_657 = arith.cmpi sgt, %squeeze3A_653, %sign3A_656 : i32
    %sign3A_658 = arith.extui %sign3A_657 : i1 to i32
    %sign3A_659 = arith.constant 0 : i32
    %sign3A_660 = arith.cmpi slt, %squeeze3A_653, %sign3A_659 : i32
    %sign3A_661 = arith.extui %sign3A_660 : i1 to i32
    %sign3A_662 = arith.subi %sign3A_658, %sign3A_661 : i32
    %sign3A_663 = arith.constant 0 : i32
    %sign3A_664 = arith.cmpi sgt, %jit3A_654, %sign3A_663 : i32
    %sign3A_665 = arith.extui %sign3A_664 : i1 to i32
    %sign3A_666 = arith.constant 0 : i32
    %sign3A_667 = arith.cmpi slt, %jit3A_654, %sign3A_666 : i32
    %sign3A_668 = arith.extui %sign3A_667 : i1 to i32
    %sign3A_669 = arith.subi %sign3A_665, %sign3A_668 : i32
    %ne3A_670 = arith.cmpi ne, %sign3A_662, %sign3A_669 : i32
    %rem3A_671 = arith.remsi %squeeze3A_653, %jit3A_654 : i32
    %ne3A_672 = arith.constant 0 : i32
    %ne3A_673 = arith.cmpi ne, %rem3A_671, %ne3A_672 : i32
    %and3A_674 = arith.andi %ne3A_670, %ne3A_673 : i1
    %sub3A_675 = arith.constant 1 : i32
    %sub3A_676 = arith.subi %div3A_655, %sub3A_675 : i32
    %select_n3A_677 = arith.select %and3A_674, %sub3A_676, %div3A_655 : i32
    %mul3A_678 = arith.constant 128 : i32
    %mul3A_679 = arith.muli %select_n3A_677, %mul3A_678 : i32
    %sub3A_680 = arith.subi %squeeze3A_653, %mul3A_679 : i32
    %broadcast_in_dim3A_681 = vector.broadcast %sub3A_680 : i32 to vector<16xi32>
    %add3A_682 = arith.constant 0 : i32
    %add3A_683 = vector.broadcast %add3A_682 : i32 to vector<16xi32>
    %add3A_684 = arith.addi %iota3A, %add3A_683 : vector<16xi32>
    %gather3A_685 = tpu.vector_load_idx %arg6[%add3A_684, %broadcast_in_dim3A_681] : memref<64x128xf32, #tpu.memory_space<vmem>>[vector<16xi32>, vector<16xi32>], vector<16xf32>,
    %swap3A_686 = arith.constant 6 : i32
    %swap3A_687 = arith.index_cast %swap3A_686 : i32 to index
    %swap3A_688 = arith.constant 0 : index
    %swap3A_689 = tpu.vector_load %arg8[%swap3A_687, %swap3A_688] {strides = array<i32>} : memref<32x64xf32, #tpu.memory_space<vmem>>, vector<16xf32>,
    tpu.vector_store %arg8[%swap3A_687, %swap3A_688], %gather3A_685 {strides = array<i32>} : memref<32x64xf32, #tpu.memory_space<vmem>>, vector<16xf32>,
    %add3A_690 = arith.constant 16 : i32
    %add3A_691 = vector.broadcast %add3A_690 : i32 to vector<16xi32>
    %add3A_692 = arith.addi %iota3A, %add3A_691 : vector<16xi32>
    %gather3A_693 = tpu.vector_load_idx %arg6[%add3A_692, %broadcast_in_dim3A_681] : memref<64x128xf32, #tpu.memory_space<vmem>>[vector<16xi32>, vector<16xi32>], vector<16xf32>,
    %swap3A_694 = arith.constant 6 : i32
    %swap3A_695 = arith.index_cast %swap3A_694 : i32 to index
    %swap3A_696 = arith.constant 16 : index
    %swap3A_697 = tpu.vector_load %arg8[%swap3A_695, %swap3A_696] {strides = array<i32>} : memref<32x64xf32, #tpu.memory_space<vmem>>, vector<16xf32>,
    tpu.vector_store %arg8[%swap3A_695, %swap3A_696], %gather3A_693 {strides = array<i32>} : memref<32x64xf32, #tpu.memory_space<vmem>>, vector<16xf32>,
    %add3A_698 = arith.constant 32 : i32
    %add3A_699 = vector.broadcast %add3A_698 : i32 to vector<16xi32>
    %add3A_700 = arith.addi %iota3A, %add3A_699 : vector<16xi32>
    %gather3A_701 = tpu.vector_load_idx %arg6[%add3A_700, %broadcast_in_dim3A_681] : memref<64x128xf32, #tpu.memory_space<vmem>>[vector<16xi32>, vector<16xi32>], vector<16xf32>,
    %swap3A_702 = arith.constant 6 : i32
    %swap3A_703 = arith.index_cast %swap3A_702 : i32 to index
    %swap3A_704 = arith.constant 32 : index
    %swap3A_705 = tpu.vector_load %arg8[%swap3A_703, %swap3A_704] {strides = array<i32>} : memref<32x64xf32, #tpu.memory_space<vmem>>, vector<16xf32>,
    tpu.vector_store %arg8[%swap3A_703, %swap3A_704], %gather3A_701 {strides = array<i32>} : memref<32x64xf32, #tpu.memory_space<vmem>>, vector<16xf32>,
    %add3A_706 = arith.constant 48 : i32
    %add3A_707 = vector.broadcast %add3A_706 : i32 to vector<16xi32>
    %add3A_708 = arith.addi %iota3A, %add3A_707 : vector<16xi32>
    %gather3A_709 = tpu.vector_load_idx %arg6[%add3A_708, %broadcast_in_dim3A_681] : memref<64x128xf32, #tpu.memory_space<vmem>>[vector<16xi32>, vector<16xi32>], vector<16xf32>,
    %swap3A_710 = arith.constant 6 : i32
    %swap3A_711 = arith.index_cast %swap3A_710 : i32 to index
    %swap3A_712 = arith.constant 48 : index
    %swap3A_713 = tpu.vector_load %arg8[%swap3A_711, %swap3A_712] {strides = array<i32>} : memref<32x64xf32, #tpu.memory_space<vmem>>, vector<16xf32>,
    tpu.vector_store %arg8[%swap3A_711, %swap3A_712], %gather3A_709 {strides = array<i32>} : memref<32x64xf32, #tpu.memory_space<vmem>>, vector<16xf32>,
    %slice3A_714 = vector.extract_strided_slice %get3A_3 {offsets = [8], sizes = [1], strides = [1]} : vector<16xi32> to vector<1xi32>
    %squeeze3A_715 = vector.extract %slice3A_714[0] : i32 from vector<1xi32>
    %jit3A_716 = arith.constant 128 : i32
    %div3A_717 = arith.divsi %squeeze3A_715, %jit3A_716 : i32
    %sign3A_718 = arith.constant 0 : i32
    %sign3A_719 = arith.cmpi sgt, %squeeze3A_715, %sign3A_718 : i32
    %sign3A_720 = arith.extui %sign3A_719 : i1 to i32
    %sign3A_721 = arith.constant 0 : i32
    %sign3A_722 = arith.cmpi slt, %squeeze3A_715, %sign3A_721 : i32
    %sign3A_723 = arith.extui %sign3A_722 : i1 to i32
    %sign3A_724 = arith.subi %sign3A_720, %sign3A_723 : i32
    %sign3A_725 = arith.constant 0 : i32
    %sign3A_726 = arith.cmpi sgt, %jit3A_716, %sign3A_725 : i32
    %sign3A_727 = arith.extui %sign3A_726 : i1 to i32
    %sign3A_728 = arith.constant 0 : i32
    %sign3A_729 = arith.cmpi slt, %jit3A_716, %sign3A_728 : i32
    %sign3A_730 = arith.extui %sign3A_729 : i1 to i32
    %sign3A_731 = arith.subi %sign3A_727, %sign3A_730 : i32
    %ne3A_732 = arith.cmpi ne, %sign3A_724, %sign3A_731 : i32
    %rem3A_733 = arith.remsi %squeeze3A_715, %jit3A_716 : i32
    %ne3A_734 = arith.constant 0 : i32
    %ne3A_735 = arith.cmpi ne, %rem3A_733, %ne3A_734 : i32
    %and3A_736 = arith.andi %ne3A_732, %ne3A_735 : i1
    %sub3A_737 = arith.constant 1 : i32
    %sub3A_738 = arith.subi %div3A_717, %sub3A_737 : i32
    %select_n3A_739 = arith.select %and3A_736, %sub3A_738, %div3A_717 : i32
    %mul3A_740 = arith.constant 128 : i32
    %mul3A_741 = arith.muli %select_n3A_739, %mul3A_740 : i32
    %multiple_of3A_742 = tpu.assume_multiple %mul3A_741, 128 : i32
    %dma_start3A_743 = arith.constant 0 : i32
    %dma_start3A_744 = tpu.memref_slice %arg3[%dma_start3A_743, %multiple_of3A_742] : memref<64x100000xf32, #tpu.memory_space<hbm>> -> memref<64x128xf32, #tpu.memory_space<hbm>>
    %dma_start3A_745 = arith.constant 0 : i32
    %dma_start3A_746 = tpu.memref_slice %arg3[%dma_start3A_745, %multiple_of3A_742] : memref<64x100000xf32, #tpu.memory_space<hbm>> -> memref<64x128xf32, #tpu.memory_space<hbm>>
    tpu.enqueue_dma source(%dma_start3A_746 : memref<64x128xf32, #tpu.memory_space<hbm>>) target(%arg6 : memref<64x128xf32, #tpu.memory_space<vmem>>) target_semaphore(%arg9 : memref<!tpu.dma_semaphore, #tpu.memory_space<semaphore_mem>>)
    %dma_wait3A_747 = arith.constant 0 : i32
    %dma_wait3A_748 = tpu.memref_slice %arg3[%dma_wait3A_747, %multiple_of3A_643] : memref<64x100000xf32, #tpu.memory_space<hbm>> -> memref<64x128xf32, #tpu.memory_space<hbm>>
    %dma_wait3A_749 = arith.constant 0 : i32
    %dma_wait3A_750 = tpu.memref_slice %arg3[%dma_wait3A_749, %multiple_of3A_643] : memref<64x100000xf32, #tpu.memory_space<hbm>> -> memref<64x128xf32, #tpu.memory_space<hbm>>
    tpu.wait_dma2 semaphore(%arg10 : memref<!tpu.dma_semaphore, #tpu.memory_space<semaphore_mem>>) src(%dma_wait3A_750 : memref<64x128xf32, #tpu.memory_space<hbm>>) dst(%arg7 : memref<64x128xf32, #tpu.memory_space<vmem>>)
    %slice3A_751 = vector.extract_strided_slice %get3A_3 {offsets = [7], sizes = [1], strides = [1]} : vector<16xi32> to vector<1xi32>
    %squeeze3A_752 = vector.extract %slice3A_751[0] : i32 from vector<1xi32>
    %jit3A_753 = arith.constant 128 : i32
    %div3A_754 = arith.divsi %squeeze3A_752, %jit3A_753 : i32
    %sign3A_755 = arith.constant 0 : i32
    %sign3A_756 = arith.cmpi sgt, %squeeze3A_752, %sign3A_755 : i32
    %sign3A_757 = arith.extui %sign3A_756 : i1 to i32
    %sign3A_758 = arith.constant 0 : i32
    %sign3A_759 = arith.cmpi slt, %squeeze3A_752, %sign3A_758 : i32
    %sign3A_760 = arith.extui %sign3A_759 : i1 to i32
    %sign3A_761 = arith.subi %sign3A_757, %sign3A_760 : i32
    %sign3A_762 = arith.constant 0 : i32
    %sign3A_763 = arith.cmpi sgt, %jit3A_753, %sign3A_762 : i32
    %sign3A_764 = arith.extui %sign3A_763 : i1 to i32
    %sign3A_765 = arith.constant 0 : i32
    %sign3A_766 = arith.cmpi slt, %jit3A_753, %sign3A_765 : i32
    %sign3A_767 = arith.extui %sign3A_766 : i1 to i32
    %sign3A_768 = arith.subi %sign3A_764, %sign3A_767 : i32
    %ne3A_769 = arith.cmpi ne, %sign3A_761, %sign3A_768 : i32
    %rem3A_770 = arith.remsi %squeeze3A_752, %jit3A_753 : i32
    %ne3A_771 = arith.constant 0 : i32
    %ne3A_772 = arith.cmpi ne, %rem3A_770, %ne3A_771 : i32
    %and3A_773 = arith.andi %ne3A_769, %ne3A_772 : i1
    %sub3A_774 = arith.constant 1 : i32
    %sub3A_775 = arith.subi %div3A_754, %sub3A_774 : i32
    %select_n3A_776 = arith.select %and3A_773, %sub3A_775, %div3A_754 : i32
    %mul3A_777 = arith.constant 128 : i32
    %mul3A_778 = arith.muli %select_n3A_776, %mul3A_777 : i32
    %sub3A_779 = arith.subi %squeeze3A_752, %mul3A_778 : i32
    %broadcast_in_dim3A_780 = vector.broadcast %sub3A_779 : i32 to vector<16xi32>
    %add3A_781 = arith.constant 0 : i32
    %add3A_782 = vector.broadcast %add3A_781 : i32 to vector<16xi32>
    %add3A_783 = arith.addi %iota3A, %add3A_782 : vector<16xi32>
    %gather3A_784 = tpu.vector_load_idx %arg7[%add3A_783, %broadcast_in_dim3A_780] : memref<64x128xf32, #tpu.memory_space<vmem>>[vector<16xi32>, vector<16xi32>], vector<16xf32>,
    %swap3A_785 = arith.constant 7 : i32
    %swap3A_786 = arith.index_cast %swap3A_785 : i32 to index
    %swap3A_787 = arith.constant 0 : index
    %swap3A_788 = tpu.vector_load %arg8[%swap3A_786, %swap3A_787] {strides = array<i32>} : memref<32x64xf32, #tpu.memory_space<vmem>>, vector<16xf32>,
    tpu.vector_store %arg8[%swap3A_786, %swap3A_787], %gather3A_784 {strides = array<i32>} : memref<32x64xf32, #tpu.memory_space<vmem>>, vector<16xf32>,
    %add3A_789 = arith.constant 16 : i32
    %add3A_790 = vector.broadcast %add3A_789 : i32 to vector<16xi32>
    %add3A_791 = arith.addi %iota3A, %add3A_790 : vector<16xi32>
    %gather3A_792 = tpu.vector_load_idx %arg7[%add3A_791, %broadcast_in_dim3A_780] : memref<64x128xf32, #tpu.memory_space<vmem>>[vector<16xi32>, vector<16xi32>], vector<16xf32>,
    %swap3A_793 = arith.constant 7 : i32
    %swap3A_794 = arith.index_cast %swap3A_793 : i32 to index
    %swap3A_795 = arith.constant 16 : index
    %swap3A_796 = tpu.vector_load %arg8[%swap3A_794, %swap3A_795] {strides = array<i32>} : memref<32x64xf32, #tpu.memory_space<vmem>>, vector<16xf32>,
    tpu.vector_store %arg8[%swap3A_794, %swap3A_795], %gather3A_792 {strides = array<i32>} : memref<32x64xf32, #tpu.memory_space<vmem>>, vector<16xf32>,
    %add3A_797 = arith.constant 32 : i32
    %add3A_798 = vector.broadcast %add3A_797 : i32 to vector<16xi32>
    %add3A_799 = arith.addi %iota3A, %add3A_798 : vector<16xi32>
    %gather3A_800 = tpu.vector_load_idx %arg7[%add3A_799, %broadcast_in_dim3A_780] : memref<64x128xf32, #tpu.memory_space<vmem>>[vector<16xi32>, vector<16xi32>], vector<16xf32>,
    %swap3A_801 = arith.constant 7 : i32
    %swap3A_802 = arith.index_cast %swap3A_801 : i32 to index
    %swap3A_803 = arith.constant 32 : index
    %swap3A_804 = tpu.vector_load %arg8[%swap3A_802, %swap3A_803] {strides = array<i32>} : memref<32x64xf32, #tpu.memory_space<vmem>>, vector<16xf32>,
    tpu.vector_store %arg8[%swap3A_802, %swap3A_803], %gather3A_800 {strides = array<i32>} : memref<32x64xf32, #tpu.memory_space<vmem>>, vector<16xf32>,
    %add3A_805 = arith.constant 48 : i32
    %add3A_806 = vector.broadcast %add3A_805 : i32 to vector<16xi32>
    %add3A_807 = arith.addi %iota3A, %add3A_806 : vector<16xi32>
    %gather3A_808 = tpu.vector_load_idx %arg7[%add3A_807, %broadcast_in_dim3A_780] : memref<64x128xf32, #tpu.memory_space<vmem>>[vector<16xi32>, vector<16xi32>], vector<16xf32>,
    %swap3A_809 = arith.constant 7 : i32
    %swap3A_810 = arith.index_cast %swap3A_809 : i32 to index
    %swap3A_811 = arith.constant 48 : index
    %swap3A_812 = tpu.vector_load %arg8[%swap3A_810, %swap3A_811] {strides = array<i32>} : memref<32x64xf32, #tpu.memory_space<vmem>>, vector<16xf32>,
    tpu.vector_store %arg8[%swap3A_810, %swap3A_811], %gather3A_808 {strides = array<i32>} : memref<32x64xf32, #tpu.memory_space<vmem>>, vector<16xf32>,
    %slice3A_813 = vector.extract_strided_slice %get3A_3 {offsets = [9], sizes = [1], strides = [1]} : vector<16xi32> to vector<1xi32>
    %squeeze3A_814 = vector.extract %slice3A_813[0] : i32 from vector<1xi32>
    %jit3A_815 = arith.constant 128 : i32
    %div3A_816 = arith.divsi %squeeze3A_814, %jit3A_815 : i32
    %sign3A_817 = arith.constant 0 : i32
    %sign3A_818 = arith.cmpi sgt, %squeeze3A_814, %sign3A_817 : i32
    %sign3A_819 = arith.extui %sign3A_818 : i1 to i32
    %sign3A_820 = arith.constant 0 : i32
    %sign3A_821 = arith.cmpi slt, %squeeze3A_814, %sign3A_820 : i32
    %sign3A_822 = arith.extui %sign3A_821 : i1 to i32
    %sign3A_823 = arith.subi %sign3A_819, %sign3A_822 : i32
    %sign3A_824 = arith.constant 0 : i32
    %sign3A_825 = arith.cmpi sgt, %jit3A_815, %sign3A_824 : i32
    %sign3A_826 = arith.extui %sign3A_825 : i1 to i32
    %sign3A_827 = arith.constant 0 : i32
    %sign3A_828 = arith.cmpi slt, %jit3A_815, %sign3A_827 : i32
    %sign3A_829 = arith.extui %sign3A_828 : i1 to i32
    %sign3A_830 = arith.subi %sign3A_826, %sign3A_829 : i32
    %ne3A_831 = arith.cmpi ne, %sign3A_823, %sign3A_830 : i32
    %rem3A_832 = arith.remsi %squeeze3A_814, %jit3A_815 : i32
    %ne3A_833 = arith.constant 0 : i32
    %ne3A_834 = arith.cmpi ne, %rem3A_832, %ne3A_833 : i32
    %and3A_835 = arith.andi %ne3A_831, %ne3A_834 : i1
    %sub3A_836 = arith.constant 1 : i32
    %sub3A_837 = arith.subi %div3A_816, %sub3A_836 : i32
    %select_n3A_838 = arith.select %and3A_835, %sub3A_837, %div3A_816 : i32
    %mul3A_839 = arith.constant 128 : i32
    %mul3A_840 = arith.muli %select_n3A_838, %mul3A_839 : i32
    %multiple_of3A_841 = tpu.assume_multiple %mul3A_840, 128 : i32
    %dma_start3A_842 = arith.constant 0 : i32
    %dma_start3A_843 = tpu.memref_slice %arg3[%dma_start3A_842, %multiple_of3A_841] : memref<64x100000xf32, #tpu.memory_space<hbm>> -> memref<64x128xf32, #tpu.memory_space<hbm>>
    %dma_start3A_844 = arith.constant 0 : i32
    %dma_start3A_845 = tpu.memref_slice %arg3[%dma_start3A_844, %multiple_of3A_841] : memref<64x100000xf32, #tpu.memory_space<hbm>> -> memref<64x128xf32, #tpu.memory_space<hbm>>
    tpu.enqueue_dma source(%dma_start3A_845 : memref<64x128xf32, #tpu.memory_space<hbm>>) target(%arg7 : memref<64x128xf32, #tpu.memory_space<vmem>>) target_semaphore(%arg10 : memref<!tpu.dma_semaphore, #tpu.memory_space<semaphore_mem>>)
    %dma_wait3A_846 = arith.constant 0 : i32
    %dma_wait3A_847 = tpu.memref_slice %arg3[%dma_wait3A_846, %multiple_of3A_742] : memref<64x100000xf32, #tpu.memory_space<hbm>> -> memref<64x128xf32, #tpu.memory_space<hbm>>
    %dma_wait3A_848 = arith.constant 0 : i32
    %dma_wait3A_849 = tpu.memref_slice %arg3[%dma_wait3A_848, %multiple_of3A_742] : memref<64x100000xf32, #tpu.memory_space<hbm>> -> memref<64x128xf32, #tpu.memory_space<hbm>>
    tpu.wait_dma2 semaphore(%arg9 : memref<!tpu.dma_semaphore, #tpu.memory_space<semaphore_mem>>) src(%dma_wait3A_849 : memref<64x128xf32, #tpu.memory_space<hbm>>) dst(%arg6 : memref<64x128xf32, #tpu.memory_space<vmem>>)
    %slice3A_850 = vector.extract_strided_slice %get3A_3 {offsets = [8], sizes = [1], strides = [1]} : vector<16xi32> to vector<1xi32>
    %squeeze3A_851 = vector.extract %slice3A_850[0] : i32 from vector<1xi32>
    %jit3A_852 = arith.constant 128 : i32
    %div3A_853 = arith.divsi %squeeze3A_851, %jit3A_852 : i32
    %sign3A_854 = arith.constant 0 : i32
    %sign3A_855 = arith.cmpi sgt, %squeeze3A_851, %sign3A_854 : i32
    %sign3A_856 = arith.extui %sign3A_855 : i1 to i32
    %sign3A_857 = arith.constant 0 : i32
    %sign3A_858 = arith.cmpi slt, %squeeze3A_851, %sign3A_857 : i32
    %sign3A_859 = arith.extui %sign3A_858 : i1 to i32
    %sign3A_860 = arith.subi %sign3A_856, %sign3A_859 : i32
    %sign3A_861 = arith.constant 0 : i32
    %sign3A_862 = arith.cmpi sgt, %jit3A_852, %sign3A_861 : i32
    %sign3A_863 = arith.extui %sign3A_862 : i1 to i32
    %sign3A_864 = arith.constant 0 : i32
    %sign3A_865 = arith.cmpi slt, %jit3A_852, %sign3A_864 : i32
    %sign3A_866 = arith.extui %sign3A_865 : i1 to i32
    %sign3A_867 = arith.subi %sign3A_863, %sign3A_866 : i32
    %ne3A_868 = arith.cmpi ne, %sign3A_860, %sign3A_867 : i32
    %rem3A_869 = arith.remsi %squeeze3A_851, %jit3A_852 : i32
    %ne3A_870 = arith.constant 0 : i32
    %ne3A_871 = arith.cmpi ne, %rem3A_869, %ne3A_870 : i32
    %and3A_872 = arith.andi %ne3A_868, %ne3A_871 : i1
    %sub3A_873 = arith.constant 1 : i32
    %sub3A_874 = arith.subi %div3A_853, %sub3A_873 : i32
    %select_n3A_875 = arith.select %and3A_872, %sub3A_874, %div3A_853 : i32
    %mul3A_876 = arith.constant 128 : i32
    %mul3A_877 = arith.muli %select_n3A_875, %mul3A_876 : i32
    %sub3A_878 = arith.subi %squeeze3A_851, %mul3A_877 : i32
    %broadcast_in_dim3A_879 = vector.broadcast %sub3A_878 : i32 to vector<16xi32>
    %add3A_880 = arith.constant 0 : i32
    %add3A_881 = vector.broadcast %add3A_880 : i32 to vector<16xi32>
    %add3A_882 = arith.addi %iota3A, %add3A_881 : vector<16xi32>
    %gather3A_883 = tpu.vector_load_idx %arg6[%add3A_882, %broadcast_in_dim3A_879] : memref<64x128xf32, #tpu.memory_space<vmem>>[vector<16xi32>, vector<16xi32>], vector<16xf32>,
    %swap3A_884 = arith.constant 8 : i32
    %swap3A_885 = arith.index_cast %swap3A_884 : i32 to index
    %swap3A_886 = arith.constant 0 : index
    %swap3A_887 = tpu.vector_load %arg8[%swap3A_885, %swap3A_886] {strides = array<i32>} : memref<32x64xf32, #tpu.memory_space<vmem>>, vector<16xf32>,
    tpu.vector_store %arg8[%swap3A_885, %swap3A_886], %gather3A_883 {strides = array<i32>} : memref<32x64xf32, #tpu.memory_space<vmem>>, vector<16xf32>,
    %add3A_888 = arith.constant 16 : i32
    %add3A_889 = vector.broadcast %add3A_888 : i32 to vector<16xi32>
    %add3A_890 = arith.addi %iota3A, %add3A_889 : vector<16xi32>
    %gather3A_891 = tpu.vector_load_idx %arg6[%add3A_890, %broadcast_in_dim3A_879] : memref<64x128xf32, #tpu.memory_space<vmem>>[vector<16xi32>, vector<16xi32>], vector<16xf32>,
    %swap3A_892 = arith.constant 8 : i32
    %swap3A_893 = arith.index_cast %swap3A_892 : i32 to index
    %swap3A_894 = arith.constant 16 : index
    %swap3A_895 = tpu.vector_load %arg8[%swap3A_893, %swap3A_894] {strides = array<i32>} : memref<32x64xf32, #tpu.memory_space<vmem>>, vector<16xf32>,
    tpu.vector_store %arg8[%swap3A_893, %swap3A_894], %gather3A_891 {strides = array<i32>} : memref<32x64xf32, #tpu.memory_space<vmem>>, vector<16xf32>,
    %add3A_896 = arith.constant 32 : i32
    %add3A_897 = vector.broadcast %add3A_896 : i32 to vector<16xi32>
    %add3A_898 = arith.addi %iota3A, %add3A_897 : vector<16xi32>
    %gather3A_899 = tpu.vector_load_idx %arg6[%add3A_898, %broadcast_in_dim3A_879] : memref<64x128xf32, #tpu.memory_space<vmem>>[vector<16xi32>, vector<16xi32>], vector<16xf32>,
    %swap3A_900 = arith.constant 8 : i32
    %swap3A_901 = arith.index_cast %swap3A_900 : i32 to index
    %swap3A_902 = arith.constant 32 : index
    %swap3A_903 = tpu.vector_load %arg8[%swap3A_901, %swap3A_902] {strides = array<i32>} : memref<32x64xf32, #tpu.memory_space<vmem>>, vector<16xf32>,
    tpu.vector_store %arg8[%swap3A_901, %swap3A_902], %gather3A_899 {strides = array<i32>} : memref<32x64xf32, #tpu.memory_space<vmem>>, vector<16xf32>,
    %add3A_904 = arith.constant 48 : i32
    %add3A_905 = vector.broadcast %add3A_904 : i32 to vector<16xi32>
    %add3A_906 = arith.addi %iota3A, %add3A_905 : vector<16xi32>
    %gather3A_907 = tpu.vector_load_idx %arg6[%add3A_906, %broadcast_in_dim3A_879] : memref<64x128xf32, #tpu.memory_space<vmem>>[vector<16xi32>, vector<16xi32>], vector<16xf32>,
    %swap3A_908 = arith.constant 8 : i32
    %swap3A_909 = arith.index_cast %swap3A_908 : i32 to index
    %swap3A_910 = arith.constant 48 : index
    %swap3A_911 = tpu.vector_load %arg8[%swap3A_909, %swap3A_910] {strides = array<i32>} : memref<32x64xf32, #tpu.memory_space<vmem>>, vector<16xf32>,
    tpu.vector_store %arg8[%swap3A_909, %swap3A_910], %gather3A_907 {strides = array<i32>} : memref<32x64xf32, #tpu.memory_space<vmem>>, vector<16xf32>,
    %slice3A_912 = vector.extract_strided_slice %get3A_3 {offsets = [10], sizes = [1], strides = [1]} : vector<16xi32> to vector<1xi32>
    %squeeze3A_913 = vector.extract %slice3A_912[0] : i32 from vector<1xi32>
    %jit3A_914 = arith.constant 128 : i32
    %div3A_915 = arith.divsi %squeeze3A_913, %jit3A_914 : i32
    %sign3A_916 = arith.constant 0 : i32
    %sign3A_917 = arith.cmpi sgt, %squeeze3A_913, %sign3A_916 : i32
    %sign3A_918 = arith.extui %sign3A_917 : i1 to i32
    %sign3A_919 = arith.constant 0 : i32
    %sign3A_920 = arith.cmpi slt, %squeeze3A_913, %sign3A_919 : i32
    %sign3A_921 = arith.extui %sign3A_920 : i1 to i32
    %sign3A_922 = arith.subi %sign3A_918, %sign3A_921 : i32
    %sign3A_923 = arith.constant 0 : i32
    %sign3A_924 = arith.cmpi sgt, %jit3A_914, %sign3A_923 : i32
    %sign3A_925 = arith.extui %sign3A_924 : i1 to i32
    %sign3A_926 = arith.constant 0 : i32
    %sign3A_927 = arith.cmpi slt, %jit3A_914, %sign3A_926 : i32
    %sign3A_928 = arith.extui %sign3A_927 : i1 to i32
    %sign3A_929 = arith.subi %sign3A_925, %sign3A_928 : i32
    %ne3A_930 = arith.cmpi ne, %sign3A_922, %sign3A_929 : i32
    %rem3A_931 = arith.remsi %squeeze3A_913, %jit3A_914 : i32
    %ne3A_932 = arith.constant 0 : i32
    %ne3A_933 = arith.cmpi ne, %rem3A_931, %ne3A_932 : i32
    %and3A_934 = arith.andi %ne3A_930, %ne3A_933 : i1
    %sub3A_935 = arith.constant 1 : i32
    %sub3A_936 = arith.subi %div3A_915, %sub3A_935 : i32
    %select_n3A_937 = arith.select %and3A_934, %sub3A_936, %div3A_915 : i32
    %mul3A_938 = arith.constant 128 : i32
    %mul3A_939 = arith.muli %select_n3A_937, %mul3A_938 : i32
    %multiple_of3A_940 = tpu.assume_multiple %mul3A_939, 128 : i32
    %dma_start3A_941 = arith.constant 0 : i32
    %dma_start3A_942 = tpu.memref_slice %arg3[%dma_start3A_941, %multiple_of3A_940] : memref<64x100000xf32, #tpu.memory_space<hbm>> -> memref<64x128xf32, #tpu.memory_space<hbm>>
    %dma_start3A_943 = arith.constant 0 : i32
    %dma_start3A_944 = tpu.memref_slice %arg3[%dma_start3A_943, %multiple_of3A_940] : memref<64x100000xf32, #tpu.memory_space<hbm>> -> memref<64x128xf32, #tpu.memory_space<hbm>>
    tpu.enqueue_dma source(%dma_start3A_944 : memref<64x128xf32, #tpu.memory_space<hbm>>) target(%arg6 : memref<64x128xf32, #tpu.memory_space<vmem>>) target_semaphore(%arg9 : memref<!tpu.dma_semaphore, #tpu.memory_space<semaphore_mem>>)
    %dma_wait3A_945 = arith.constant 0 : i32
    %dma_wait3A_946 = tpu.memref_slice %arg3[%dma_wait3A_945, %multiple_of3A_841] : memref<64x100000xf32, #tpu.memory_space<hbm>> -> memref<64x128xf32, #tpu.memory_space<hbm>>
    %dma_wait3A_947 = arith.constant 0 : i32
    %dma_wait3A_948 = tpu.memref_slice %arg3[%dma_wait3A_947, %multiple_of3A_841] : memref<64x100000xf32, #tpu.memory_space<hbm>> -> memref<64x128xf32, #tpu.memory_space<hbm>>
    tpu.wait_dma2 semaphore(%arg10 : memref<!tpu.dma_semaphore, #tpu.memory_space<semaphore_mem>>) src(%dma_wait3A_948 : memref<64x128xf32, #tpu.memory_space<hbm>>) dst(%arg7 : memref<64x128xf32, #tpu.memory_space<vmem>>)
    %slice3A_949 = vector.extract_strided_slice %get3A_3 {offsets = [9], sizes = [1], strides = [1]} : vector<16xi32> to vector<1xi32>
    %squeeze3A_950 = vector.extract %slice3A_949[0] : i32 from vector<1xi32>
    %jit3A_951 = arith.constant 128 : i32
    %div3A_952 = arith.divsi %squeeze3A_950, %jit3A_951 : i32
    %sign3A_953 = arith.constant 0 : i32
    %sign3A_954 = arith.cmpi sgt, %squeeze3A_950, %sign3A_953 : i32
    %sign3A_955 = arith.extui %sign3A_954 : i1 to i32
    %sign3A_956 = arith.constant 0 : i32
    %sign3A_957 = arith.cmpi slt, %squeeze3A_950, %sign3A_956 : i32
    %sign3A_958 = arith.extui %sign3A_957 : i1 to i32
    %sign3A_959 = arith.subi %sign3A_955, %sign3A_958 : i32
    %sign3A_960 = arith.constant 0 : i32
    %sign3A_961 = arith.cmpi sgt, %jit3A_951, %sign3A_960 : i32
    %sign3A_962 = arith.extui %sign3A_961 : i1 to i32
    %sign3A_963 = arith.constant 0 : i32
    %sign3A_964 = arith.cmpi slt, %jit3A_951, %sign3A_963 : i32
    %sign3A_965 = arith.extui %sign3A_964 : i1 to i32
    %sign3A_966 = arith.subi %sign3A_962, %sign3A_965 : i32
    %ne3A_967 = arith.cmpi ne, %sign3A_959, %sign3A_966 : i32
    %rem3A_968 = arith.remsi %squeeze3A_950, %jit3A_951 : i32
    %ne3A_969 = arith.constant 0 : i32
    %ne3A_970 = arith.cmpi ne, %rem3A_968, %ne3A_969 : i32
    %and3A_971 = arith.andi %ne3A_967, %ne3A_970 : i1
    %sub3A_972 = arith.constant 1 : i32
    %sub3A_973 = arith.subi %div3A_952, %sub3A_972 : i32
    %select_n3A_974 = arith.select %and3A_971, %sub3A_973, %div3A_952 : i32
    %mul3A_975 = arith.constant 128 : i32
    %mul3A_976 = arith.muli %select_n3A_974, %mul3A_975 : i32
    %sub3A_977 = arith.subi %squeeze3A_950, %mul3A_976 : i32
    %broadcast_in_dim3A_978 = vector.broadcast %sub3A_977 : i32 to vector<16xi32>
    %add3A_979 = arith.constant 0 : i32
    %add3A_980 = vector.broadcast %add3A_979 : i32 to vector<16xi32>
    %add3A_981 = arith.addi %iota3A, %add3A_980 : vector<16xi32>
    %gather3A_982 = tpu.vector_load_idx %arg7[%add3A_981, %broadcast_in_dim3A_978] : memref<64x128xf32, #tpu.memory_space<vmem>>[vector<16xi32>, vector<16xi32>], vector<16xf32>,
    %swap3A_983 = arith.constant 9 : i32
    %swap3A_984 = arith.index_cast %swap3A_983 : i32 to index
    %swap3A_985 = arith.constant 0 : index
    %swap3A_986 = tpu.vector_load %arg8[%swap3A_984, %swap3A_985] {strides = array<i32>} : memref<32x64xf32, #tpu.memory_space<vmem>>, vector<16xf32>,
    tpu.vector_store %arg8[%swap3A_984, %swap3A_985], %gather3A_982 {strides = array<i32>} : memref<32x64xf32, #tpu.memory_space<vmem>>, vector<16xf32>,
    %add3A_987 = arith.constant 16 : i32
    %add3A_988 = vector.broadcast %add3A_987 : i32 to vector<16xi32>
    %add3A_989 = arith.addi %iota3A, %add3A_988 : vector<16xi32>
    %gather3A_990 = tpu.vector_load_idx %arg7[%add3A_989, %broadcast_in_dim3A_978] : memref<64x128xf32, #tpu.memory_space<vmem>>[vector<16xi32>, vector<16xi32>], vector<16xf32>,
    %swap3A_991 = arith.constant 9 : i32
    %swap3A_992 = arith.index_cast %swap3A_991 : i32 to index
    %swap3A_993 = arith.constant 16 : index
    %swap3A_994 = tpu.vector_load %arg8[%swap3A_992, %swap3A_993] {strides = array<i32>} : memref<32x64xf32, #tpu.memory_space<vmem>>, vector<16xf32>,
    tpu.vector_store %arg8[%swap3A_992, %swap3A_993], %gather3A_990 {strides = array<i32>} : memref<32x64xf32, #tpu.memory_space<vmem>>, vector<16xf32>,
    %add3A_995 = arith.constant 32 : i32
    %add3A_996 = vector.broadcast %add3A_995 : i32 to vector<16xi32>
    %add3A_997 = arith.addi %iota3A, %add3A_996 : vector<16xi32>
    %gather3A_998 = tpu.vector_load_idx %arg7[%add3A_997, %broadcast_in_dim3A_978] : memref<64x128xf32, #tpu.memory_space<vmem>>[vector<16xi32>, vector<16xi32>], vector<16xf32>,
    %swap3A_999 = arith.constant 9 : i32
    %swap3A_1000 = arith.index_cast %swap3A_999 : i32 to index
    %swap3A_1001 = arith.constant 32 : index
    %swap3A_1002 = tpu.vector_load %arg8[%swap3A_1000, %swap3A_1001] {strides = array<i32>} : memref<32x64xf32, #tpu.memory_space<vmem>>, vector<16xf32>,
    tpu.vector_store %arg8[%swap3A_1000, %swap3A_1001], %gather3A_998 {strides = array<i32>} : memref<32x64xf32, #tpu.memory_space<vmem>>, vector<16xf32>,
    %add3A_1003 = arith.constant 48 : i32
    %add3A_1004 = vector.broadcast %add3A_1003 : i32 to vector<16xi32>
    %add3A_1005 = arith.addi %iota3A, %add3A_1004 : vector<16xi32>
    %gather3A_1006 = tpu.vector_load_idx %arg7[%add3A_1005, %broadcast_in_dim3A_978] : memref<64x128xf32, #tpu.memory_space<vmem>>[vector<16xi32>, vector<16xi32>], vector<16xf32>,
    %swap3A_1007 = arith.constant 9 : i32
    %swap3A_1008 = arith.index_cast %swap3A_1007 : i32 to index
    %swap3A_1009 = arith.constant 48 : index
    %swap3A_1010 = tpu.vector_load %arg8[%swap3A_1008, %swap3A_1009] {strides = array<i32>} : memref<32x64xf32, #tpu.memory_space<vmem>>, vector<16xf32>,
    tpu.vector_store %arg8[%swap3A_1008, %swap3A_1009], %gather3A_1006 {strides = array<i32>} : memref<32x64xf32, #tpu.memory_space<vmem>>, vector<16xf32>,
    %slice3A_1011 = vector.extract_strided_slice %get3A_3 {offsets = [11], sizes = [1], strides = [1]} : vector<16xi32> to vector<1xi32>
    %squeeze3A_1012 = vector.extract %slice3A_1011[0] : i32 from vector<1xi32>
    %jit3A_1013 = arith.constant 128 : i32
    %div3A_1014 = arith.divsi %squeeze3A_1012, %jit3A_1013 : i32
    %sign3A_1015 = arith.constant 0 : i32
    %sign3A_1016 = arith.cmpi sgt, %squeeze3A_1012, %sign3A_1015 : i32
    %sign3A_1017 = arith.extui %sign3A_1016 : i1 to i32
    %sign3A_1018 = arith.constant 0 : i32
    %sign3A_1019 = arith.cmpi slt, %squeeze3A_1012, %sign3A_1018 : i32
    %sign3A_1020 = arith.extui %sign3A_1019 : i1 to i32
    %sign3A_1021 = arith.subi %sign3A_1017, %sign3A_1020 : i32
    %sign3A_1022 = arith.constant 0 : i32
    %sign3A_1023 = arith.cmpi sgt, %jit3A_1013, %sign3A_1022 : i32
    %sign3A_1024 = arith.extui %sign3A_1023 : i1 to i32
    %sign3A_1025 = arith.constant 0 : i32
    %sign3A_1026 = arith.cmpi slt, %jit3A_1013, %sign3A_1025 : i32
    %sign3A_1027 = arith.extui %sign3A_1026 : i1 to i32
    %sign3A_1028 = arith.subi %sign3A_1024, %sign3A_1027 : i32
    %ne3A_1029 = arith.cmpi ne, %sign3A_1021, %sign3A_1028 : i32
    %rem3A_1030 = arith.remsi %squeeze3A_1012, %jit3A_1013 : i32
    %ne3A_1031 = arith.constant 0 : i32
    %ne3A_1032 = arith.cmpi ne, %rem3A_1030, %ne3A_1031 : i32
    %and3A_1033 = arith.andi %ne3A_1029, %ne3A_1032 : i1
    %sub3A_1034 = arith.constant 1 : i32
    %sub3A_1035 = arith.subi %div3A_1014, %sub3A_1034 : i32
    %select_n3A_1036 = arith.select %and3A_1033, %sub3A_1035, %div3A_1014 : i32
    %mul3A_1037 = arith.constant 128 : i32
    %mul3A_1038 = arith.muli %select_n3A_1036, %mul3A_1037 : i32
    %multiple_of3A_1039 = tpu.assume_multiple %mul3A_1038, 128 : i32
    %dma_start3A_1040 = arith.constant 0 : i32
    %dma_start3A_1041 = tpu.memref_slice %arg3[%dma_start3A_1040, %multiple_of3A_1039] : memref<64x100000xf32, #tpu.memory_space<hbm>> -> memref<64x128xf32, #tpu.memory_space<hbm>>
    %dma_start3A_1042 = arith.constant 0 : i32
    %dma_start3A_1043 = tpu.memref_slice %arg3[%dma_start3A_1042, %multiple_of3A_1039] : memref<64x100000xf32, #tpu.memory_space<hbm>> -> memref<64x128xf32, #tpu.memory_space<hbm>>
    tpu.enqueue_dma source(%dma_start3A_1043 : memref<64x128xf32, #tpu.memory_space<hbm>>) target(%arg7 : memref<64x128xf32, #tpu.memory_space<vmem>>) target_semaphore(%arg10 : memref<!tpu.dma_semaphore, #tpu.memory_space<semaphore_mem>>)
    %dma_wait3A_1044 = arith.constant 0 : i32
    %dma_wait3A_1045 = tpu.memref_slice %arg3[%dma_wait3A_1044, %multiple_of3A_940] : memref<64x100000xf32, #tpu.memory_space<hbm>> -> memref<64x128xf32, #tpu.memory_space<hbm>>
    %dma_wait3A_1046 = arith.constant 0 : i32
    %dma_wait3A_1047 = tpu.memref_slice %arg3[%dma_wait3A_1046, %multiple_of3A_940] : memref<64x100000xf32, #tpu.memory_space<hbm>> -> memref<64x128xf32, #tpu.memory_space<hbm>>
    tpu.wait_dma2 semaphore(%arg9 : memref<!tpu.dma_semaphore, #tpu.memory_space<semaphore_mem>>) src(%dma_wait3A_1047 : memref<64x128xf32, #tpu.memory_space<hbm>>) dst(%arg6 : memref<64x128xf32, #tpu.memory_space<vmem>>)
    %slice3A_1048 = vector.extract_strided_slice %get3A_3 {offsets = [10], sizes = [1], strides = [1]} : vector<16xi32> to vector<1xi32>
    %squeeze3A_1049 = vector.extract %slice3A_1048[0] : i32 from vector<1xi32>
    %jit3A_1050 = arith.constant 128 : i32
    %div3A_1051 = arith.divsi %squeeze3A_1049, %jit3A_1050 : i32
    %sign3A_1052 = arith.constant 0 : i32
    %sign3A_1053 = arith.cmpi sgt, %squeeze3A_1049, %sign3A_1052 : i32
    %sign3A_1054 = arith.extui %sign3A_1053 : i1 to i32
    %sign3A_1055 = arith.constant 0 : i32
    %sign3A_1056 = arith.cmpi slt, %squeeze3A_1049, %sign3A_1055 : i32
    %sign3A_1057 = arith.extui %sign3A_1056 : i1 to i32
    %sign3A_1058 = arith.subi %sign3A_1054, %sign3A_1057 : i32
    %sign3A_1059 = arith.constant 0 : i32
    %sign3A_1060 = arith.cmpi sgt, %jit3A_1050, %sign3A_1059 : i32
    %sign3A_1061 = arith.extui %sign3A_1060 : i1 to i32
    %sign3A_1062 = arith.constant 0 : i32
    %sign3A_1063 = arith.cmpi slt, %jit3A_1050, %sign3A_1062 : i32
    %sign3A_1064 = arith.extui %sign3A_1063 : i1 to i32
    %sign3A_1065 = arith.subi %sign3A_1061, %sign3A_1064 : i32
    %ne3A_1066 = arith.cmpi ne, %sign3A_1058, %sign3A_1065 : i32
    %rem3A_1067 = arith.remsi %squeeze3A_1049, %jit3A_1050 : i32
    %ne3A_1068 = arith.constant 0 : i32
    %ne3A_1069 = arith.cmpi ne, %rem3A_1067, %ne3A_1068 : i32
    %and3A_1070 = arith.andi %ne3A_1066, %ne3A_1069 : i1
    %sub3A_1071 = arith.constant 1 : i32
    %sub3A_1072 = arith.subi %div3A_1051, %sub3A_1071 : i32
    %select_n3A_1073 = arith.select %and3A_1070, %sub3A_1072, %div3A_1051 : i32
    %mul3A_1074 = arith.constant 128 : i32
    %mul3A_1075 = arith.muli %select_n3A_1073, %mul3A_1074 : i32
    %sub3A_1076 = arith.subi %squeeze3A_1049, %mul3A_1075 : i32
    %broadcast_in_dim3A_1077 = vector.broadcast %sub3A_1076 : i32 to vector<16xi32>
    %add3A_1078 = arith.constant 0 : i32
    %add3A_1079 = vector.broadcast %add3A_1078 : i32 to vector<16xi32>
    %add3A_1080 = arith.addi %iota3A, %add3A_1079 : vector<16xi32>
    %gather3A_1081 = tpu.vector_load_idx %arg6[%add3A_1080, %broadcast_in_dim3A_1077] : memref<64x128xf32, #tpu.memory_space<vmem>>[vector<16xi32>, vector<16xi32>], vector<16xf32>,
    %swap3A_1082 = arith.constant 10 : i32
    %swap3A_1083 = arith.index_cast %swap3A_1082 : i32 to index
    %swap3A_1084 = arith.constant 0 : index
    %swap3A_1085 = tpu.vector_load %arg8[%swap3A_1083, %swap3A_1084] {strides = array<i32>} : memref<32x64xf32, #tpu.memory_space<vmem>>, vector<16xf32>,
    tpu.vector_store %arg8[%swap3A_1083, %swap3A_1084], %gather3A_1081 {strides = array<i32>} : memref<32x64xf32, #tpu.memory_space<vmem>>, vector<16xf32>,
    %add3A_1086 = arith.constant 16 : i32
    %add3A_1087 = vector.broadcast %add3A_1086 : i32 to vector<16xi32>
    %add3A_1088 = arith.addi %iota3A, %add3A_1087 : vector<16xi32>
    %gather3A_1089 = tpu.vector_load_idx %arg6[%add3A_1088, %broadcast_in_dim3A_1077] : memref<64x128xf32, #tpu.memory_space<vmem>>[vector<16xi32>, vector<16xi32>], vector<16xf32>,
    %swap3A_1090 = arith.constant 10 : i32
    %swap3A_1091 = arith.index_cast %swap3A_1090 : i32 to index
    %swap3A_1092 = arith.constant 16 : index
    %swap3A_1093 = tpu.vector_load %arg8[%swap3A_1091, %swap3A_1092] {strides = array<i32>} : memref<32x64xf32, #tpu.memory_space<vmem>>, vector<16xf32>,
    tpu.vector_store %arg8[%swap3A_1091, %swap3A_1092], %gather3A_1089 {strides = array<i32>} : memref<32x64xf32, #tpu.memory_space<vmem>>, vector<16xf32>,
    %add3A_1094 = arith.constant 32 : i32
    %add3A_1095 = vector.broadcast %add3A_1094 : i32 to vector<16xi32>
    %add3A_1096 = arith.addi %iota3A, %add3A_1095 : vector<16xi32>
    %gather3A_1097 = tpu.vector_load_idx %arg6[%add3A_1096, %broadcast_in_dim3A_1077] : memref<64x128xf32, #tpu.memory_space<vmem>>[vector<16xi32>, vector<16xi32>], vector<16xf32>,
    %swap3A_1098 = arith.constant 10 : i32
    %swap3A_1099 = arith.index_cast %swap3A_1098 : i32 to index
    %swap3A_1100 = arith.constant 32 : index
    %swap3A_1101 = tpu.vector_load %arg8[%swap3A_1099, %swap3A_1100] {strides = array<i32>} : memref<32x64xf32, #tpu.memory_space<vmem>>, vector<16xf32>,
    tpu.vector_store %arg8[%swap3A_1099, %swap3A_1100], %gather3A_1097 {strides = array<i32>} : memref<32x64xf32, #tpu.memory_space<vmem>>, vector<16xf32>,
    %add3A_1102 = arith.constant 48 : i32
    %add3A_1103 = vector.broadcast %add3A_1102 : i32 to vector<16xi32>
    %add3A_1104 = arith.addi %iota3A, %add3A_1103 : vector<16xi32>
    %gather3A_1105 = tpu.vector_load_idx %arg6[%add3A_1104, %broadcast_in_dim3A_1077] : memref<64x128xf32, #tpu.memory_space<vmem>>[vector<16xi32>, vector<16xi32>], vector<16xf32>,
    %swap3A_1106 = arith.constant 10 : i32
    %swap3A_1107 = arith.index_cast %swap3A_1106 : i32 to index
    %swap3A_1108 = arith.constant 48 : index
    %swap3A_1109 = tpu.vector_load %arg8[%swap3A_1107, %swap3A_1108] {strides = array<i32>} : memref<32x64xf32, #tpu.memory_space<vmem>>, vector<16xf32>,
    tpu.vector_store %arg8[%swap3A_1107, %swap3A_1108], %gather3A_1105 {strides = array<i32>} : memref<32x64xf32, #tpu.memory_space<vmem>>, vector<16xf32>,
    %slice3A_1110 = vector.extract_strided_slice %get3A_3 {offsets = [12], sizes = [1], strides = [1]} : vector<16xi32> to vector<1xi32>
    %squeeze3A_1111 = vector.extract %slice3A_1110[0] : i32 from vector<1xi32>
    %jit3A_1112 = arith.constant 128 : i32
    %div3A_1113 = arith.divsi %squeeze3A_1111, %jit3A_1112 : i32
    %sign3A_1114 = arith.constant 0 : i32
    %sign3A_1115 = arith.cmpi sgt, %squeeze3A_1111, %sign3A_1114 : i32
    %sign3A_1116 = arith.extui %sign3A_1115 : i1 to i32
    %sign3A_1117 = arith.constant 0 : i32
    %sign3A_1118 = arith.cmpi slt, %squeeze3A_1111, %sign3A_1117 : i32
    %sign3A_1119 = arith.extui %sign3A_1118 : i1 to i32
    %sign3A_1120 = arith.subi %sign3A_1116, %sign3A_1119 : i32
    %sign3A_1121 = arith.constant 0 : i32
    %sign3A_1122 = arith.cmpi sgt, %jit3A_1112, %sign3A_1121 : i32
    %sign3A_1123 = arith.extui %sign3A_1122 : i1 to i32
    %sign3A_1124 = arith.constant 0 : i32
    %sign3A_1125 = arith.cmpi slt, %jit3A_1112, %sign3A_1124 : i32
    %sign3A_1126 = arith.extui %sign3A_1125 : i1 to i32
    %sign3A_1127 = arith.subi %sign3A_1123, %sign3A_1126 : i32
    %ne3A_1128 = arith.cmpi ne, %sign3A_1120, %sign3A_1127 : i32
    %rem3A_1129 = arith.remsi %squeeze3A_1111, %jit3A_1112 : i32
    %ne3A_1130 = arith.constant 0 : i32
    %ne3A_1131 = arith.cmpi ne, %rem3A_1129, %ne3A_1130 : i32
    %and3A_1132 = arith.andi %ne3A_1128, %ne3A_1131 : i1
    %sub3A_1133 = arith.constant 1 : i32
    %sub3A_1134 = arith.subi %div3A_1113, %sub3A_1133 : i32
    %select_n3A_1135 = arith.select %and3A_1132, %sub3A_1134, %div3A_1113 : i32
    %mul3A_1136 = arith.constant 128 : i32
    %mul3A_1137 = arith.muli %select_n3A_1135, %mul3A_1136 : i32
    %multiple_of3A_1138 = tpu.assume_multiple %mul3A_1137, 128 : i32
    %dma_start3A_1139 = arith.constant 0 : i32
    %dma_start3A_1140 = tpu.memref_slice %arg3[%dma_start3A_1139, %multiple_of3A_1138] : memref<64x100000xf32, #tpu.memory_space<hbm>> -> memref<64x128xf32, #tpu.memory_space<hbm>>
    %dma_start3A_1141 = arith.constant 0 : i32
    %dma_start3A_1142 = tpu.memref_slice %arg3[%dma_start3A_1141, %multiple_of3A_1138] : memref<64x100000xf32, #tpu.memory_space<hbm>> -> memref<64x128xf32, #tpu.memory_space<hbm>>
    tpu.enqueue_dma source(%dma_start3A_1142 : memref<64x128xf32, #tpu.memory_space<hbm>>) target(%arg6 : memref<64x128xf32, #tpu.memory_space<vmem>>) target_semaphore(%arg9 : memref<!tpu.dma_semaphore, #tpu.memory_space<semaphore_mem>>)
    %dma_wait3A_1143 = arith.constant 0 : i32
    %dma_wait3A_1144 = tpu.memref_slice %arg3[%dma_wait3A_1143, %multiple_of3A_1039] : memref<64x100000xf32, #tpu.memory_space<hbm>> -> memref<64x128xf32, #tpu.memory_space<hbm>>
    %dma_wait3A_1145 = arith.constant 0 : i32
    %dma_wait3A_1146 = tpu.memref_slice %arg3[%dma_wait3A_1145, %multiple_of3A_1039] : memref<64x100000xf32, #tpu.memory_space<hbm>> -> memref<64x128xf32, #tpu.memory_space<hbm>>
    tpu.wait_dma2 semaphore(%arg10 : memref<!tpu.dma_semaphore, #tpu.memory_space<semaphore_mem>>) src(%dma_wait3A_1146 : memref<64x128xf32, #tpu.memory_space<hbm>>) dst(%arg7 : memref<64x128xf32, #tpu.memory_space<vmem>>)
    %slice3A_1147 = vector.extract_strided_slice %get3A_3 {offsets = [11], sizes = [1], strides = [1]} : vector<16xi32> to vector<1xi32>
    %squeeze3A_1148 = vector.extract %slice3A_1147[0] : i32 from vector<1xi32>
    %jit3A_1149 = arith.constant 128 : i32
    %div3A_1150 = arith.divsi %squeeze3A_1148, %jit3A_1149 : i32
    %sign3A_1151 = arith.constant 0 : i32
    %sign3A_1152 = arith.cmpi sgt, %squeeze3A_1148, %sign3A_1151 : i32
    %sign3A_1153 = arith.extui %sign3A_1152 : i1 to i32
    %sign3A_1154 = arith.constant 0 : i32
    %sign3A_1155 = arith.cmpi slt, %squeeze3A_1148, %sign3A_1154 : i32
    %sign3A_1156 = arith.extui %sign3A_1155 : i1 to i32
    %sign3A_1157 = arith.subi %sign3A_1153, %sign3A_1156 : i32
    %sign3A_1158 = arith.constant 0 : i32
    %sign3A_1159 = arith.cmpi sgt, %jit3A_1149, %sign3A_1158 : i32
    %sign3A_1160 = arith.extui %sign3A_1159 : i1 to i32
    %sign3A_1161 = arith.constant 0 : i32
    %sign3A_1162 = arith.cmpi slt, %jit3A_1149, %sign3A_1161 : i32
    %sign3A_1163 = arith.extui %sign3A_1162 : i1 to i32
    %sign3A_1164 = arith.subi %sign3A_1160, %sign3A_1163 : i32
    %ne3A_1165 = arith.cmpi ne, %sign3A_1157, %sign3A_1164 : i32
    %rem3A_1166 = arith.remsi %squeeze3A_1148, %jit3A_1149 : i32
    %ne3A_1167 = arith.constant 0 : i32
    %ne3A_1168 = arith.cmpi ne, %rem3A_1166, %ne3A_1167 : i32
    %and3A_1169 = arith.andi %ne3A_1165, %ne3A_1168 : i1
    %sub3A_1170 = arith.constant 1 : i32
    %sub3A_1171 = arith.subi %div3A_1150, %sub3A_1170 : i32
    %select_n3A_1172 = arith.select %and3A_1169, %sub3A_1171, %div3A_1150 : i32
    %mul3A_1173 = arith.constant 128 : i32
    %mul3A_1174 = arith.muli %select_n3A_1172, %mul3A_1173 : i32
    %sub3A_1175 = arith.subi %squeeze3A_1148, %mul3A_1174 : i32
    %broadcast_in_dim3A_1176 = vector.broadcast %sub3A_1175 : i32 to vector<16xi32>
    %add3A_1177 = arith.constant 0 : i32
    %add3A_1178 = vector.broadcast %add3A_1177 : i32 to vector<16xi32>
    %add3A_1179 = arith.addi %iota3A, %add3A_1178 : vector<16xi32>
    %gather3A_1180 = tpu.vector_load_idx %arg7[%add3A_1179, %broadcast_in_dim3A_1176] : memref<64x128xf32, #tpu.memory_space<vmem>>[vector<16xi32>, vector<16xi32>], vector<16xf32>,
    %swap3A_1181 = arith.constant 11 : i32
    %swap3A_1182 = arith.index_cast %swap3A_1181 : i32 to index
    %swap3A_1183 = arith.constant 0 : index
    %swap3A_1184 = tpu.vector_load %arg8[%swap3A_1182, %swap3A_1183] {strides = array<i32>} : memref<32x64xf32, #tpu.memory_space<vmem>>, vector<16xf32>,
    tpu.vector_store %arg8[%swap3A_1182, %swap3A_1183], %gather3A_1180 {strides = array<i32>} : memref<32x64xf32, #tpu.memory_space<vmem>>, vector<16xf32>,
    %add3A_1185 = arith.constant 16 : i32
    %add3A_1186 = vector.broadcast %add3A_1185 : i32 to vector<16xi32>
    %add3A_1187 = arith.addi %iota3A, %add3A_1186 : vector<16xi32>
    %gather3A_1188 = tpu.vector_load_idx %arg7[%add3A_1187, %broadcast_in_dim3A_1176] : memref<64x128xf32, #tpu.memory_space<vmem>>[vector<16xi32>, vector<16xi32>], vector<16xf32>,
    %swap3A_1189 = arith.constant 11 : i32
    %swap3A_1190 = arith.index_cast %swap3A_1189 : i32 to index
    %swap3A_1191 = arith.constant 16 : index
    %swap3A_1192 = tpu.vector_load %arg8[%swap3A_1190, %swap3A_1191] {strides = array<i32>} : memref<32x64xf32, #tpu.memory_space<vmem>>, vector<16xf32>,
    tpu.vector_store %arg8[%swap3A_1190, %swap3A_1191], %gather3A_1188 {strides = array<i32>} : memref<32x64xf32, #tpu.memory_space<vmem>>, vector<16xf32>,
    %add3A_1193 = arith.constant 32 : i32
    %add3A_1194 = vector.broadcast %add3A_1193 : i32 to vector<16xi32>
    %add3A_1195 = arith.addi %iota3A, %add3A_1194 : vector<16xi32>
    %gather3A_1196 = tpu.vector_load_idx %arg7[%add3A_1195, %broadcast_in_dim3A_1176] : memref<64x128xf32, #tpu.memory_space<vmem>>[vector<16xi32>, vector<16xi32>], vector<16xf32>,
    %swap3A_1197 = arith.constant 11 : i32
    %swap3A_1198 = arith.index_cast %swap3A_1197 : i32 to index
    %swap3A_1199 = arith.constant 32 : index
    %swap3A_1200 = tpu.vector_load %arg8[%swap3A_1198, %swap3A_1199] {strides = array<i32>} : memref<32x64xf32, #tpu.memory_space<vmem>>, vector<16xf32>,
    tpu.vector_store %arg8[%swap3A_1198, %swap3A_1199], %gather3A_1196 {strides = array<i32>} : memref<32x64xf32, #tpu.memory_space<vmem>>, vector<16xf32>,
    %add3A_1201 = arith.constant 48 : i32
    %add3A_1202 = vector.broadcast %add3A_1201 : i32 to vector<16xi32>
    %add3A_1203 = arith.addi %iota3A, %add3A_1202 : vector<16xi32>
    %gather3A_1204 = tpu.vector_load_idx %arg7[%add3A_1203, %broadcast_in_dim3A_1176] : memref<64x128xf32, #tpu.memory_space<vmem>>[vector<16xi32>, vector<16xi32>], vector<16xf32>,
    %swap3A_1205 = arith.constant 11 : i32
    %swap3A_1206 = arith.index_cast %swap3A_1205 : i32 to index
    %swap3A_1207 = arith.constant 48 : index
    %swap3A_1208 = tpu.vector_load %arg8[%swap3A_1206, %swap3A_1207] {strides = array<i32>} : memref<32x64xf32, #tpu.memory_space<vmem>>, vector<16xf32>,
    tpu.vector_store %arg8[%swap3A_1206, %swap3A_1207], %gather3A_1204 {strides = array<i32>} : memref<32x64xf32, #tpu.memory_space<vmem>>, vector<16xf32>,
    %slice3A_1209 = vector.extract_strided_slice %get3A_3 {offsets = [13], sizes = [1], strides = [1]} : vector<16xi32> to vector<1xi32>
    %squeeze3A_1210 = vector.extract %slice3A_1209[0] : i32 from vector<1xi32>
    %jit3A_1211 = arith.constant 128 : i32
    %div3A_1212 = arith.divsi %squeeze3A_1210, %jit3A_1211 : i32
    %sign3A_1213 = arith.constant 0 : i32
    %sign3A_1214 = arith.cmpi sgt, %squeeze3A_1210, %sign3A_1213 : i32
    %sign3A_1215 = arith.extui %sign3A_1214 : i1 to i32
    %sign3A_1216 = arith.constant 0 : i32
    %sign3A_1217 = arith.cmpi slt, %squeeze3A_1210, %sign3A_1216 : i32
    %sign3A_1218 = arith.extui %sign3A_1217 : i1 to i32
    %sign3A_1219 = arith.subi %sign3A_1215, %sign3A_1218 : i32
    %sign3A_1220 = arith.constant 0 : i32
    %sign3A_1221 = arith.cmpi sgt, %jit3A_1211, %sign3A_1220 : i32
    %sign3A_1222 = arith.extui %sign3A_1221 : i1 to i32
    %sign3A_1223 = arith.constant 0 : i32
    %sign3A_1224 = arith.cmpi slt, %jit3A_1211, %sign3A_1223 : i32
    %sign3A_1225 = arith.extui %sign3A_1224 : i1 to i32
    %sign3A_1226 = arith.subi %sign3A_1222, %sign3A_1225 : i32
    %ne3A_1227 = arith.cmpi ne, %sign3A_1219, %sign3A_1226 : i32
    %rem3A_1228 = arith.remsi %squeeze3A_1210, %jit3A_1211 : i32
    %ne3A_1229 = arith.constant 0 : i32
    %ne3A_1230 = arith.cmpi ne, %rem3A_1228, %ne3A_1229 : i32
    %and3A_1231 = arith.andi %ne3A_1227, %ne3A_1230 : i1
    %sub3A_1232 = arith.constant 1 : i32
    %sub3A_1233 = arith.subi %div3A_1212, %sub3A_1232 : i32
    %select_n3A_1234 = arith.select %and3A_1231, %sub3A_1233, %div3A_1212 : i32
    %mul3A_1235 = arith.constant 128 : i32
    %mul3A_1236 = arith.muli %select_n3A_1234, %mul3A_1235 : i32
    %multiple_of3A_1237 = tpu.assume_multiple %mul3A_1236, 128 : i32
    %dma_start3A_1238 = arith.constant 0 : i32
    %dma_start3A_1239 = tpu.memref_slice %arg3[%dma_start3A_1238, %multiple_of3A_1237] : memref<64x100000xf32, #tpu.memory_space<hbm>> -> memref<64x128xf32, #tpu.memory_space<hbm>>
    %dma_start3A_1240 = arith.constant 0 : i32
    %dma_start3A_1241 = tpu.memref_slice %arg3[%dma_start3A_1240, %multiple_of3A_1237] : memref<64x100000xf32, #tpu.memory_space<hbm>> -> memref<64x128xf32, #tpu.memory_space<hbm>>
    tpu.enqueue_dma source(%dma_start3A_1241 : memref<64x128xf32, #tpu.memory_space<hbm>>) target(%arg7 : memref<64x128xf32, #tpu.memory_space<vmem>>) target_semaphore(%arg10 : memref<!tpu.dma_semaphore, #tpu.memory_space<semaphore_mem>>)
    %dma_wait3A_1242 = arith.constant 0 : i32
    %dma_wait3A_1243 = tpu.memref_slice %arg3[%dma_wait3A_1242, %multiple_of3A_1138] : memref<64x100000xf32, #tpu.memory_space<hbm>> -> memref<64x128xf32, #tpu.memory_space<hbm>>
    %dma_wait3A_1244 = arith.constant 0 : i32
    %dma_wait3A_1245 = tpu.memref_slice %arg3[%dma_wait3A_1244, %multiple_of3A_1138] : memref<64x100000xf32, #tpu.memory_space<hbm>> -> memref<64x128xf32, #tpu.memory_space<hbm>>
    tpu.wait_dma2 semaphore(%arg9 : memref<!tpu.dma_semaphore, #tpu.memory_space<semaphore_mem>>) src(%dma_wait3A_1245 : memref<64x128xf32, #tpu.memory_space<hbm>>) dst(%arg6 : memref<64x128xf32, #tpu.memory_space<vmem>>)
    %slice3A_1246 = vector.extract_strided_slice %get3A_3 {offsets = [12], sizes = [1], strides = [1]} : vector<16xi32> to vector<1xi32>
    %squeeze3A_1247 = vector.extract %slice3A_1246[0] : i32 from vector<1xi32>
    %jit3A_1248 = arith.constant 128 : i32
    %div3A_1249 = arith.divsi %squeeze3A_1247, %jit3A_1248 : i32
    %sign3A_1250 = arith.constant 0 : i32
    %sign3A_1251 = arith.cmpi sgt, %squeeze3A_1247, %sign3A_1250 : i32
    %sign3A_1252 = arith.extui %sign3A_1251 : i1 to i32
    %sign3A_1253 = arith.constant 0 : i32
    %sign3A_1254 = arith.cmpi slt, %squeeze3A_1247, %sign3A_1253 : i32
    %sign3A_1255 = arith.extui %sign3A_1254 : i1 to i32
    %sign3A_1256 = arith.subi %sign3A_1252, %sign3A_1255 : i32
    %sign3A_1257 = arith.constant 0 : i32
    %sign3A_1258 = arith.cmpi sgt, %jit3A_1248, %sign3A_1257 : i32
    %sign3A_1259 = arith.extui %sign3A_1258 : i1 to i32
    %sign3A_1260 = arith.constant 0 : i32
    %sign3A_1261 = arith.cmpi slt, %jit3A_1248, %sign3A_1260 : i32
    %sign3A_1262 = arith.extui %sign3A_1261 : i1 to i32
    %sign3A_1263 = arith.subi %sign3A_1259, %sign3A_1262 : i32
    %ne3A_1264 = arith.cmpi ne, %sign3A_1256, %sign3A_1263 : i32
    %rem3A_1265 = arith.remsi %squeeze3A_1247, %jit3A_1248 : i32
    %ne3A_1266 = arith.constant 0 : i32
    %ne3A_1267 = arith.cmpi ne, %rem3A_1265, %ne3A_1266 : i32
    %and3A_1268 = arith.andi %ne3A_1264, %ne3A_1267 : i1
    %sub3A_1269 = arith.constant 1 : i32
    %sub3A_1270 = arith.subi %div3A_1249, %sub3A_1269 : i32
    %select_n3A_1271 = arith.select %and3A_1268, %sub3A_1270, %div3A_1249 : i32
    %mul3A_1272 = arith.constant 128 : i32
    %mul3A_1273 = arith.muli %select_n3A_1271, %mul3A_1272 : i32
    %sub3A_1274 = arith.subi %squeeze3A_1247, %mul3A_1273 : i32
    %broadcast_in_dim3A_1275 = vector.broadcast %sub3A_1274 : i32 to vector<16xi32>
    %add3A_1276 = arith.constant 0 : i32
    %add3A_1277 = vector.broadcast %add3A_1276 : i32 to vector<16xi32>
    %add3A_1278 = arith.addi %iota3A, %add3A_1277 : vector<16xi32>
    %gather3A_1279 = tpu.vector_load_idx %arg6[%add3A_1278, %broadcast_in_dim3A_1275] : memref<64x128xf32, #tpu.memory_space<vmem>>[vector<16xi32>, vector<16xi32>], vector<16xf32>,
    %swap3A_1280 = arith.constant 12 : i32
    %swap3A_1281 = arith.index_cast %swap3A_1280 : i32 to index
    %swap3A_1282 = arith.constant 0 : index
    %swap3A_1283 = tpu.vector_load %arg8[%swap3A_1281, %swap3A_1282] {strides = array<i32>} : memref<32x64xf32, #tpu.memory_space<vmem>>, vector<16xf32>,
    tpu.vector_store %arg8[%swap3A_1281, %swap3A_1282], %gather3A_1279 {strides = array<i32>} : memref<32x64xf32, #tpu.memory_space<vmem>>, vector<16xf32>,
    %add3A_1284 = arith.constant 16 : i32
    %add3A_1285 = vector.broadcast %add3A_1284 : i32 to vector<16xi32>
    %add3A_1286 = arith.addi %iota3A, %add3A_1285 : vector<16xi32>
    %gather3A_1287 = tpu.vector_load_idx %arg6[%add3A_1286, %broadcast_in_dim3A_1275] : memref<64x128xf32, #tpu.memory_space<vmem>>[vector<16xi32>, vector<16xi32>], vector<16xf32>,
    %swap3A_1288 = arith.constant 12 : i32
    %swap3A_1289 = arith.index_cast %swap3A_1288 : i32 to index
    %swap3A_1290 = arith.constant 16 : index
    %swap3A_1291 = tpu.vector_load %arg8[%swap3A_1289, %swap3A_1290] {strides = array<i32>} : memref<32x64xf32, #tpu.memory_space<vmem>>, vector<16xf32>,
    tpu.vector_store %arg8[%swap3A_1289, %swap3A_1290], %gather3A_1287 {strides = array<i32>} : memref<32x64xf32, #tpu.memory_space<vmem>>, vector<16xf32>,
    %add3A_1292 = arith.constant 32 : i32
    %add3A_1293 = vector.broadcast %add3A_1292 : i32 to vector<16xi32>
    %add3A_1294 = arith.addi %iota3A, %add3A_1293 : vector<16xi32>
    %gather3A_1295 = tpu.vector_load_idx %arg6[%add3A_1294, %broadcast_in_dim3A_1275] : memref<64x128xf32, #tpu.memory_space<vmem>>[vector<16xi32>, vector<16xi32>], vector<16xf32>,
    %swap3A_1296 = arith.constant 12 : i32
    %swap3A_1297 = arith.index_cast %swap3A_1296 : i32 to index
    %swap3A_1298 = arith.constant 32 : index
    %swap3A_1299 = tpu.vector_load %arg8[%swap3A_1297, %swap3A_1298] {strides = array<i32>} : memref<32x64xf32, #tpu.memory_space<vmem>>, vector<16xf32>,
    tpu.vector_store %arg8[%swap3A_1297, %swap3A_1298], %gather3A_1295 {strides = array<i32>} : memref<32x64xf32, #tpu.memory_space<vmem>>, vector<16xf32>,
    %add3A_1300 = arith.constant 48 : i32
    %add3A_1301 = vector.broadcast %add3A_1300 : i32 to vector<16xi32>
    %add3A_1302 = arith.addi %iota3A, %add3A_1301 : vector<16xi32>
    %gather3A_1303 = tpu.vector_load_idx %arg6[%add3A_1302, %broadcast_in_dim3A_1275] : memref<64x128xf32, #tpu.memory_space<vmem>>[vector<16xi32>, vector<16xi32>], vector<16xf32>,
    %swap3A_1304 = arith.constant 12 : i32
    %swap3A_1305 = arith.index_cast %swap3A_1304 : i32 to index
    %swap3A_1306 = arith.constant 48 : index
    %swap3A_1307 = tpu.vector_load %arg8[%swap3A_1305, %swap3A_1306] {strides = array<i32>} : memref<32x64xf32, #tpu.memory_space<vmem>>, vector<16xf32>,
    tpu.vector_store %arg8[%swap3A_1305, %swap3A_1306], %gather3A_1303 {strides = array<i32>} : memref<32x64xf32, #tpu.memory_space<vmem>>, vector<16xf32>,
    %slice3A_1308 = vector.extract_strided_slice %get3A_3 {offsets = [14], sizes = [1], strides = [1]} : vector<16xi32> to vector<1xi32>
    %squeeze3A_1309 = vector.extract %slice3A_1308[0] : i32 from vector<1xi32>
    %jit3A_1310 = arith.constant 128 : i32
    %div3A_1311 = arith.divsi %squeeze3A_1309, %jit3A_1310 : i32
    %sign3A_1312 = arith.constant 0 : i32
    %sign3A_1313 = arith.cmpi sgt, %squeeze3A_1309, %sign3A_1312 : i32
    %sign3A_1314 = arith.extui %sign3A_1313 : i1 to i32
    %sign3A_1315 = arith.constant 0 : i32
    %sign3A_1316 = arith.cmpi slt, %squeeze3A_1309, %sign3A_1315 : i32
    %sign3A_1317 = arith.extui %sign3A_1316 : i1 to i32
    %sign3A_1318 = arith.subi %sign3A_1314, %sign3A_1317 : i32
    %sign3A_1319 = arith.constant 0 : i32
    %sign3A_1320 = arith.cmpi sgt, %jit3A_1310, %sign3A_1319 : i32
    %sign3A_1321 = arith.extui %sign3A_1320 : i1 to i32
    %sign3A_1322 = arith.constant 0 : i32
    %sign3A_1323 = arith.cmpi slt, %jit3A_1310, %sign3A_1322 : i32
    %sign3A_1324 = arith.extui %sign3A_1323 : i1 to i32
    %sign3A_1325 = arith.subi %sign3A_1321, %sign3A_1324 : i32
    %ne3A_1326 = arith.cmpi ne, %sign3A_1318, %sign3A_1325 : i32
    %rem3A_1327 = arith.remsi %squeeze3A_1309, %jit3A_1310 : i32
    %ne3A_1328 = arith.constant 0 : i32
    %ne3A_1329 = arith.cmpi ne, %rem3A_1327, %ne3A_1328 : i32
    %and3A_1330 = arith.andi %ne3A_1326, %ne3A_1329 : i1
    %sub3A_1331 = arith.constant 1 : i32
    %sub3A_1332 = arith.subi %div3A_1311, %sub3A_1331 : i32
    %select_n3A_1333 = arith.select %and3A_1330, %sub3A_1332, %div3A_1311 : i32
    %mul3A_1334 = arith.constant 128 : i32
    %mul3A_1335 = arith.muli %select_n3A_1333, %mul3A_1334 : i32
    %multiple_of3A_1336 = tpu.assume_multiple %mul3A_1335, 128 : i32
    %dma_start3A_1337 = arith.constant 0 : i32
    %dma_start3A_1338 = tpu.memref_slice %arg3[%dma_start3A_1337, %multiple_of3A_1336] : memref<64x100000xf32, #tpu.memory_space<hbm>> -> memref<64x128xf32, #tpu.memory_space<hbm>>
    %dma_start3A_1339 = arith.constant 0 : i32
    %dma_start3A_1340 = tpu.memref_slice %arg3[%dma_start3A_1339, %multiple_of3A_1336] : memref<64x100000xf32, #tpu.memory_space<hbm>> -> memref<64x128xf32, #tpu.memory_space<hbm>>
    tpu.enqueue_dma source(%dma_start3A_1340 : memref<64x128xf32, #tpu.memory_space<hbm>>) target(%arg6 : memref<64x128xf32, #tpu.memory_space<vmem>>) target_semaphore(%arg9 : memref<!tpu.dma_semaphore, #tpu.memory_space<semaphore_mem>>)
    %dma_wait3A_1341 = arith.constant 0 : i32
    %dma_wait3A_1342 = tpu.memref_slice %arg3[%dma_wait3A_1341, %multiple_of3A_1237] : memref<64x100000xf32, #tpu.memory_space<hbm>> -> memref<64x128xf32, #tpu.memory_space<hbm>>
    %dma_wait3A_1343 = arith.constant 0 : i32
    %dma_wait3A_1344 = tpu.memref_slice %arg3[%dma_wait3A_1343, %multiple_of3A_1237] : memref<64x100000xf32, #tpu.memory_space<hbm>> -> memref<64x128xf32, #tpu.memory_space<hbm>>
    tpu.wait_dma2 semaphore(%arg10 : memref<!tpu.dma_semaphore, #tpu.memory_space<semaphore_mem>>) src(%dma_wait3A_1344 : memref<64x128xf32, #tpu.memory_space<hbm>>) dst(%arg7 : memref<64x128xf32, #tpu.memory_space<vmem>>)
    %slice3A_1345 = vector.extract_strided_slice %get3A_3 {offsets = [13], sizes = [1], strides = [1]} : vector<16xi32> to vector<1xi32>
    %squeeze3A_1346 = vector.extract %slice3A_1345[0] : i32 from vector<1xi32>
    %jit3A_1347 = arith.constant 128 : i32
    %div3A_1348 = arith.divsi %squeeze3A_1346, %jit3A_1347 : i32
    %sign3A_1349 = arith.constant 0 : i32
    %sign3A_1350 = arith.cmpi sgt, %squeeze3A_1346, %sign3A_1349 : i32
    %sign3A_1351 = arith.extui %sign3A_1350 : i1 to i32
    %sign3A_1352 = arith.constant 0 : i32
    %sign3A_1353 = arith.cmpi slt, %squeeze3A_1346, %sign3A_1352 : i32
    %sign3A_1354 = arith.extui %sign3A_1353 : i1 to i32
    %sign3A_1355 = arith.subi %sign3A_1351, %sign3A_1354 : i32
    %sign3A_1356 = arith.constant 0 : i32
    %sign3A_1357 = arith.cmpi sgt, %jit3A_1347, %sign3A_1356 : i32
    %sign3A_1358 = arith.extui %sign3A_1357 : i1 to i32
    %sign3A_1359 = arith.constant 0 : i32
    %sign3A_1360 = arith.cmpi slt, %jit3A_1347, %sign3A_1359 : i32
    %sign3A_1361 = arith.extui %sign3A_1360 : i1 to i32
    %sign3A_1362 = arith.subi %sign3A_1358, %sign3A_1361 : i32
    %ne3A_1363 = arith.cmpi ne, %sign3A_1355, %sign3A_1362 : i32
    %rem3A_1364 = arith.remsi %squeeze3A_1346, %jit3A_1347 : i32
    %ne3A_1365 = arith.constant 0 : i32
    %ne3A_1366 = arith.cmpi ne, %rem3A_1364, %ne3A_1365 : i32
    %and3A_1367 = arith.andi %ne3A_1363, %ne3A_1366 : i1
    %sub3A_1368 = arith.constant 1 : i32
    %sub3A_1369 = arith.subi %div3A_1348, %sub3A_1368 : i32
    %select_n3A_1370 = arith.select %and3A_1367, %sub3A_1369, %div3A_1348 : i32
    %mul3A_1371 = arith.constant 128 : i32
    %mul3A_1372 = arith.muli %select_n3A_1370, %mul3A_1371 : i32
    %sub3A_1373 = arith.subi %squeeze3A_1346, %mul3A_1372 : i32
    %broadcast_in_dim3A_1374 = vector.broadcast %sub3A_1373 : i32 to vector<16xi32>
    %add3A_1375 = arith.constant 0 : i32
    %add3A_1376 = vector.broadcast %add3A_1375 : i32 to vector<16xi32>
    %add3A_1377 = arith.addi %iota3A, %add3A_1376 : vector<16xi32>
    %gather3A_1378 = tpu.vector_load_idx %arg7[%add3A_1377, %broadcast_in_dim3A_1374] : memref<64x128xf32, #tpu.memory_space<vmem>>[vector<16xi32>, vector<16xi32>], vector<16xf32>,
    %swap3A_1379 = arith.constant 13 : i32
    %swap3A_1380 = arith.index_cast %swap3A_1379 : i32 to index
    %swap3A_1381 = arith.constant 0 : index
    %swap3A_1382 = tpu.vector_load %arg8[%swap3A_1380, %swap3A_1381] {strides = array<i32>} : memref<32x64xf32, #tpu.memory_space<vmem>>, vector<16xf32>,
    tpu.vector_store %arg8[%swap3A_1380, %swap3A_1381], %gather3A_1378 {strides = array<i32>} : memref<32x64xf32, #tpu.memory_space<vmem>>, vector<16xf32>,
    %add3A_1383 = arith.constant 16 : i32
    %add3A_1384 = vector.broadcast %add3A_1383 : i32 to vector<16xi32>
    %add3A_1385 = arith.addi %iota3A, %add3A_1384 : vector<16xi32>
    %gather3A_1386 = tpu.vector_load_idx %arg7[%add3A_1385, %broadcast_in_dim3A_1374] : memref<64x128xf32, #tpu.memory_space<vmem>>[vector<16xi32>, vector<16xi32>], vector<16xf32>,
    %swap3A_1387 = arith.constant 13 : i32
    %swap3A_1388 = arith.index_cast %swap3A_1387 : i32 to index
    %swap3A_1389 = arith.constant 16 : index
    %swap3A_1390 = tpu.vector_load %arg8[%swap3A_1388, %swap3A_1389] {strides = array<i32>} : memref<32x64xf32, #tpu.memory_space<vmem>>, vector<16xf32>,
    tpu.vector_store %arg8[%swap3A_1388, %swap3A_1389], %gather3A_1386 {strides = array<i32>} : memref<32x64xf32, #tpu.memory_space<vmem>>, vector<16xf32>,
    %add3A_1391 = arith.constant 32 : i32
    %add3A_1392 = vector.broadcast %add3A_1391 : i32 to vector<16xi32>
    %add3A_1393 = arith.addi %iota3A, %add3A_1392 : vector<16xi32>
    %gather3A_1394 = tpu.vector_load_idx %arg7[%add3A_1393, %broadcast_in_dim3A_1374] : memref<64x128xf32, #tpu.memory_space<vmem>>[vector<16xi32>, vector<16xi32>], vector<16xf32>,
    %swap3A_1395 = arith.constant 13 : i32
    %swap3A_1396 = arith.index_cast %swap3A_1395 : i32 to index
    %swap3A_1397 = arith.constant 32 : index
    %swap3A_1398 = tpu.vector_load %arg8[%swap3A_1396, %swap3A_1397] {strides = array<i32>} : memref<32x64xf32, #tpu.memory_space<vmem>>, vector<16xf32>,
    tpu.vector_store %arg8[%swap3A_1396, %swap3A_1397], %gather3A_1394 {strides = array<i32>} : memref<32x64xf32, #tpu.memory_space<vmem>>, vector<16xf32>,
    %add3A_1399 = arith.constant 48 : i32
    %add3A_1400 = vector.broadcast %add3A_1399 : i32 to vector<16xi32>
    %add3A_1401 = arith.addi %iota3A, %add3A_1400 : vector<16xi32>
    %gather3A_1402 = tpu.vector_load_idx %arg7[%add3A_1401, %broadcast_in_dim3A_1374] : memref<64x128xf32, #tpu.memory_space<vmem>>[vector<16xi32>, vector<16xi32>], vector<16xf32>,
    %swap3A_1403 = arith.constant 13 : i32
    %swap3A_1404 = arith.index_cast %swap3A_1403 : i32 to index
    %swap3A_1405 = arith.constant 48 : index
    %swap3A_1406 = tpu.vector_load %arg8[%swap3A_1404, %swap3A_1405] {strides = array<i32>} : memref<32x64xf32, #tpu.memory_space<vmem>>, vector<16xf32>,
    tpu.vector_store %arg8[%swap3A_1404, %swap3A_1405], %gather3A_1402 {strides = array<i32>} : memref<32x64xf32, #tpu.memory_space<vmem>>, vector<16xf32>,
    %slice3A_1407 = vector.extract_strided_slice %get3A_3 {offsets = [15], sizes = [1], strides = [1]} : vector<16xi32> to vector<1xi32>
    %squeeze3A_1408 = vector.extract %slice3A_1407[0] : i32 from vector<1xi32>
    %jit3A_1409 = arith.constant 128 : i32
    %div3A_1410 = arith.divsi %squeeze3A_1408, %jit3A_1409 : i32
    %sign3A_1411 = arith.constant 0 : i32
    %sign3A_1412 = arith.cmpi sgt, %squeeze3A_1408, %sign3A_1411 : i32
    %sign3A_1413 = arith.extui %sign3A_1412 : i1 to i32
    %sign3A_1414 = arith.constant 0 : i32
    %sign3A_1415 = arith.cmpi slt, %squeeze3A_1408, %sign3A_1414 : i32
    %sign3A_1416 = arith.extui %sign3A_1415 : i1 to i32
    %sign3A_1417 = arith.subi %sign3A_1413, %sign3A_1416 : i32
    %sign3A_1418 = arith.constant 0 : i32
    %sign3A_1419 = arith.cmpi sgt, %jit3A_1409, %sign3A_1418 : i32
    %sign3A_1420 = arith.extui %sign3A_1419 : i1 to i32
    %sign3A_1421 = arith.constant 0 : i32
    %sign3A_1422 = arith.cmpi slt, %jit3A_1409, %sign3A_1421 : i32
    %sign3A_1423 = arith.extui %sign3A_1422 : i1 to i32
    %sign3A_1424 = arith.subi %sign3A_1420, %sign3A_1423 : i32
    %ne3A_1425 = arith.cmpi ne, %sign3A_1417, %sign3A_1424 : i32
    %rem3A_1426 = arith.remsi %squeeze3A_1408, %jit3A_1409 : i32
    %ne3A_1427 = arith.constant 0 : i32
    %ne3A_1428 = arith.cmpi ne, %rem3A_1426, %ne3A_1427 : i32
    %and3A_1429 = arith.andi %ne3A_1425, %ne3A_1428 : i1
    %sub3A_1430 = arith.constant 1 : i32
    %sub3A_1431 = arith.subi %div3A_1410, %sub3A_1430 : i32
    %select_n3A_1432 = arith.select %and3A_1429, %sub3A_1431, %div3A_1410 : i32
    %mul3A_1433 = arith.constant 128 : i32
    %mul3A_1434 = arith.muli %select_n3A_1432, %mul3A_1433 : i32
    %multiple_of3A_1435 = tpu.assume_multiple %mul3A_1434, 128 : i32
    %dma_start3A_1436 = arith.constant 0 : i32
    %dma_start3A_1437 = tpu.memref_slice %arg3[%dma_start3A_1436, %multiple_of3A_1435] : memref<64x100000xf32, #tpu.memory_space<hbm>> -> memref<64x128xf32, #tpu.memory_space<hbm>>
    %dma_start3A_1438 = arith.constant 0 : i32
    %dma_start3A_1439 = tpu.memref_slice %arg3[%dma_start3A_1438, %multiple_of3A_1435] : memref<64x100000xf32, #tpu.memory_space<hbm>> -> memref<64x128xf32, #tpu.memory_space<hbm>>
    tpu.enqueue_dma source(%dma_start3A_1439 : memref<64x128xf32, #tpu.memory_space<hbm>>) target(%arg7 : memref<64x128xf32, #tpu.memory_space<vmem>>) target_semaphore(%arg10 : memref<!tpu.dma_semaphore, #tpu.memory_space<semaphore_mem>>)
    %dma_wait3A_1440 = arith.constant 0 : i32
    %dma_wait3A_1441 = tpu.memref_slice %arg3[%dma_wait3A_1440, %multiple_of3A_1336] : memref<64x100000xf32, #tpu.memory_space<hbm>> -> memref<64x128xf32, #tpu.memory_space<hbm>>
    %dma_wait3A_1442 = arith.constant 0 : i32
    %dma_wait3A_1443 = tpu.memref_slice %arg3[%dma_wait3A_1442, %multiple_of3A_1336] : memref<64x100000xf32, #tpu.memory_space<hbm>> -> memref<64x128xf32, #tpu.memory_space<hbm>>
    tpu.wait_dma2 semaphore(%arg9 : memref<!tpu.dma_semaphore, #tpu.memory_space<semaphore_mem>>) src(%dma_wait3A_1443 : memref<64x128xf32, #tpu.memory_space<hbm>>) dst(%arg6 : memref<64x128xf32, #tpu.memory_space<vmem>>)
    %slice3A_1444 = vector.extract_strided_slice %get3A_3 {offsets = [14], sizes = [1], strides = [1]} : vector<16xi32> to vector<1xi32>
    %squeeze3A_1445 = vector.extract %slice3A_1444[0] : i32 from vector<1xi32>
    %jit3A_1446 = arith.constant 128 : i32
    %div3A_1447 = arith.divsi %squeeze3A_1445, %jit3A_1446 : i32
    %sign3A_1448 = arith.constant 0 : i32
    %sign3A_1449 = arith.cmpi sgt, %squeeze3A_1445, %sign3A_1448 : i32
    %sign3A_1450 = arith.extui %sign3A_1449 : i1 to i32
    %sign3A_1451 = arith.constant 0 : i32
    %sign3A_1452 = arith.cmpi slt, %squeeze3A_1445, %sign3A_1451 : i32
    %sign3A_1453 = arith.extui %sign3A_1452 : i1 to i32
    %sign3A_1454 = arith.subi %sign3A_1450, %sign3A_1453 : i32
    %sign3A_1455 = arith.constant 0 : i32
    %sign3A_1456 = arith.cmpi sgt, %jit3A_1446, %sign3A_1455 : i32
    %sign3A_1457 = arith.extui %sign3A_1456 : i1 to i32
    %sign3A_1458 = arith.constant 0 : i32
    %sign3A_1459 = arith.cmpi slt, %jit3A_1446, %sign3A_1458 : i32
    %sign3A_1460 = arith.extui %sign3A_1459 : i1 to i32
    %sign3A_1461 = arith.subi %sign3A_1457, %sign3A_1460 : i32
    %ne3A_1462 = arith.cmpi ne, %sign3A_1454, %sign3A_1461 : i32
    %rem3A_1463 = arith.remsi %squeeze3A_1445, %jit3A_1446 : i32
    %ne3A_1464 = arith.constant 0 : i32
    %ne3A_1465 = arith.cmpi ne, %rem3A_1463, %ne3A_1464 : i32
    %and3A_1466 = arith.andi %ne3A_1462, %ne3A_1465 : i1
    %sub3A_1467 = arith.constant 1 : i32
    %sub3A_1468 = arith.subi %div3A_1447, %sub3A_1467 : i32
    %select_n3A_1469 = arith.select %and3A_1466, %sub3A_1468, %div3A_1447 : i32
    %mul3A_1470 = arith.constant 128 : i32
    %mul3A_1471 = arith.muli %select_n3A_1469, %mul3A_1470 : i32
    %sub3A_1472 = arith.subi %squeeze3A_1445, %mul3A_1471 : i32
    %broadcast_in_dim3A_1473 = vector.broadcast %sub3A_1472 : i32 to vector<16xi32>
    %add3A_1474 = arith.constant 0 : i32
    %add3A_1475 = vector.broadcast %add3A_1474 : i32 to vector<16xi32>
    %add3A_1476 = arith.addi %iota3A, %add3A_1475 : vector<16xi32>
    %gather3A_1477 = tpu.vector_load_idx %arg6[%add3A_1476, %broadcast_in_dim3A_1473] : memref<64x128xf32, #tpu.memory_space<vmem>>[vector<16xi32>, vector<16xi32>], vector<16xf32>,
    %swap3A_1478 = arith.constant 14 : i32
    %swap3A_1479 = arith.index_cast %swap3A_1478 : i32 to index
    %swap3A_1480 = arith.constant 0 : index
    %swap3A_1481 = tpu.vector_load %arg8[%swap3A_1479, %swap3A_1480] {strides = array<i32>} : memref<32x64xf32, #tpu.memory_space<vmem>>, vector<16xf32>,
    tpu.vector_store %arg8[%swap3A_1479, %swap3A_1480], %gather3A_1477 {strides = array<i32>} : memref<32x64xf32, #tpu.memory_space<vmem>>, vector<16xf32>,
    %add3A_1482 = arith.constant 16 : i32
    %add3A_1483 = vector.broadcast %add3A_1482 : i32 to vector<16xi32>
    %add3A_1484 = arith.addi %iota3A, %add3A_1483 : vector<16xi32>
    %gather3A_1485 = tpu.vector_load_idx %arg6[%add3A_1484, %broadcast_in_dim3A_1473] : memref<64x128xf32, #tpu.memory_space<vmem>>[vector<16xi32>, vector<16xi32>], vector<16xf32>,
    %swap3A_1486 = arith.constant 14 : i32
    %swap3A_1487 = arith.index_cast %swap3A_1486 : i32 to index
    %swap3A_1488 = arith.constant 16 : index
    %swap3A_1489 = tpu.vector_load %arg8[%swap3A_1487, %swap3A_1488] {strides = array<i32>} : memref<32x64xf32, #tpu.memory_space<vmem>>, vector<16xf32>,
    tpu.vector_store %arg8[%swap3A_1487, %swap3A_1488], %gather3A_1485 {strides = array<i32>} : memref<32x64xf32, #tpu.memory_space<vmem>>, vector<16xf32>,
    %add3A_1490 = arith.constant 32 : i32
    %add3A_1491 = vector.broadcast %add3A_1490 : i32 to vector<16xi32>
    %add3A_1492 = arith.addi %iota3A, %add3A_1491 : vector<16xi32>
    %gather3A_1493 = tpu.vector_load_idx %arg6[%add3A_1492, %broadcast_in_dim3A_1473] : memref<64x128xf32, #tpu.memory_space<vmem>>[vector<16xi32>, vector<16xi32>], vector<16xf32>,
    %swap3A_1494 = arith.constant 14 : i32
    %swap3A_1495 = arith.index_cast %swap3A_1494 : i32 to index
    %swap3A_1496 = arith.constant 32 : index
    %swap3A_1497 = tpu.vector_load %arg8[%swap3A_1495, %swap3A_1496] {strides = array<i32>} : memref<32x64xf32, #tpu.memory_space<vmem>>, vector<16xf32>,
    tpu.vector_store %arg8[%swap3A_1495, %swap3A_1496], %gather3A_1493 {strides = array<i32>} : memref<32x64xf32, #tpu.memory_space<vmem>>, vector<16xf32>,
    %add3A_1498 = arith.constant 48 : i32
    %add3A_1499 = vector.broadcast %add3A_1498 : i32 to vector<16xi32>
    %add3A_1500 = arith.addi %iota3A, %add3A_1499 : vector<16xi32>
    %gather3A_1501 = tpu.vector_load_idx %arg6[%add3A_1500, %broadcast_in_dim3A_1473] : memref<64x128xf32, #tpu.memory_space<vmem>>[vector<16xi32>, vector<16xi32>], vector<16xf32>,
    %swap3A_1502 = arith.constant 14 : i32
    %swap3A_1503 = arith.index_cast %swap3A_1502 : i32 to index
    %swap3A_1504 = arith.constant 48 : index
    %swap3A_1505 = tpu.vector_load %arg8[%swap3A_1503, %swap3A_1504] {strides = array<i32>} : memref<32x64xf32, #tpu.memory_space<vmem>>, vector<16xf32>,
    tpu.vector_store %arg8[%swap3A_1503, %swap3A_1504], %gather3A_1501 {strides = array<i32>} : memref<32x64xf32, #tpu.memory_space<vmem>>, vector<16xf32>,
    %dma_wait3A_1506 = arith.constant 0 : i32
    %dma_wait3A_1507 = tpu.memref_slice %arg3[%dma_wait3A_1506, %multiple_of3A_1435] : memref<64x100000xf32, #tpu.memory_space<hbm>> -> memref<64x128xf32, #tpu.memory_space<hbm>>
    %dma_wait3A_1508 = arith.constant 0 : i32
    %dma_wait3A_1509 = tpu.memref_slice %arg3[%dma_wait3A_1508, %multiple_of3A_1435] : memref<64x100000xf32, #tpu.memory_space<hbm>> -> memref<64x128xf32, #tpu.memory_space<hbm>>
    tpu.wait_dma2 semaphore(%arg10 : memref<!tpu.dma_semaphore, #tpu.memory_space<semaphore_mem>>) src(%dma_wait3A_1509 : memref<64x128xf32, #tpu.memory_space<hbm>>) dst(%arg7 : memref<64x128xf32, #tpu.memory_space<vmem>>)
    %slice3A_1510 = vector.extract_strided_slice %get3A_3 {offsets = [15], sizes = [1], strides = [1]} : vector<16xi32> to vector<1xi32>
    %squeeze3A_1511 = vector.extract %slice3A_1510[0] : i32 from vector<1xi32>
    %jit3A_1512 = arith.constant 128 : i32
    %div3A_1513 = arith.divsi %squeeze3A_1511, %jit3A_1512 : i32
    %sign3A_1514 = arith.constant 0 : i32
    %sign3A_1515 = arith.cmpi sgt, %squeeze3A_1511, %sign3A_1514 : i32
    %sign3A_1516 = arith.extui %sign3A_1515 : i1 to i32
    %sign3A_1517 = arith.constant 0 : i32
    %sign3A_1518 = arith.cmpi slt, %squeeze3A_1511, %sign3A_1517 : i32
    %sign3A_1519 = arith.extui %sign3A_1518 : i1 to i32
    %sign3A_1520 = arith.subi %sign3A_1516, %sign3A_1519 : i32
    %sign3A_1521 = arith.constant 0 : i32
    %sign3A_1522 = arith.cmpi sgt, %jit3A_1512, %sign3A_1521 : i32
    %sign3A_1523 = arith.extui %sign3A_1522 : i1 to i32
    %sign3A_1524 = arith.constant 0 : i32
    %sign3A_1525 = arith.cmpi slt, %jit3A_1512, %sign3A_1524 : i32
    %sign3A_1526 = arith.extui %sign3A_1525 : i1 to i32
    %sign3A_1527 = arith.subi %sign3A_1523, %sign3A_1526 : i32
    %ne3A_1528 = arith.cmpi ne, %sign3A_1520, %sign3A_1527 : i32
    %rem3A_1529 = arith.remsi %squeeze3A_1511, %jit3A_1512 : i32
    %ne3A_1530 = arith.constant 0 : i32
    %ne3A_1531 = arith.cmpi ne, %rem3A_1529, %ne3A_1530 : i32
    %and3A_1532 = arith.andi %ne3A_1528, %ne3A_1531 : i1
    %sub3A_1533 = arith.constant 1 : i32
    %sub3A_1534 = arith.subi %div3A_1513, %sub3A_1533 : i32
    %select_n3A_1535 = arith.select %and3A_1532, %sub3A_1534, %div3A_1513 : i32
    %mul3A_1536 = arith.constant 128 : i32
    %mul3A_1537 = arith.muli %select_n3A_1535, %mul3A_1536 : i32
    %sub3A_1538 = arith.subi %squeeze3A_1511, %mul3A_1537 : i32
    %broadcast_in_dim3A_1539 = vector.broadcast %sub3A_1538 : i32 to vector<16xi32>
    %add3A_1540 = arith.constant 0 : i32
    %add3A_1541 = vector.broadcast %add3A_1540 : i32 to vector<16xi32>
    %add3A_1542 = arith.addi %iota3A, %add3A_1541 : vector<16xi32>
    %gather3A_1543 = tpu.vector_load_idx %arg7[%add3A_1542, %broadcast_in_dim3A_1539] : memref<64x128xf32, #tpu.memory_space<vmem>>[vector<16xi32>, vector<16xi32>], vector<16xf32>,
    %swap3A_1544 = arith.constant 15 : i32
    %swap3A_1545 = arith.index_cast %swap3A_1544 : i32 to index
    %swap3A_1546 = arith.constant 0 : index
    %swap3A_1547 = tpu.vector_load %arg8[%swap3A_1545, %swap3A_1546] {strides = array<i32>} : memref<32x64xf32, #tpu.memory_space<vmem>>, vector<16xf32>,
    tpu.vector_store %arg8[%swap3A_1545, %swap3A_1546], %gather3A_1543 {strides = array<i32>} : memref<32x64xf32, #tpu.memory_space<vmem>>, vector<16xf32>,
    %add3A_1548 = arith.constant 16 : i32
    %add3A_1549 = vector.broadcast %add3A_1548 : i32 to vector<16xi32>
    %add3A_1550 = arith.addi %iota3A, %add3A_1549 : vector<16xi32>
    %gather3A_1551 = tpu.vector_load_idx %arg7[%add3A_1550, %broadcast_in_dim3A_1539] : memref<64x128xf32, #tpu.memory_space<vmem>>[vector<16xi32>, vector<16xi32>], vector<16xf32>,
    %swap3A_1552 = arith.constant 15 : i32
    %swap3A_1553 = arith.index_cast %swap3A_1552 : i32 to index
    %swap3A_1554 = arith.constant 16 : index
    %swap3A_1555 = tpu.vector_load %arg8[%swap3A_1553, %swap3A_1554] {strides = array<i32>} : memref<32x64xf32, #tpu.memory_space<vmem>>, vector<16xf32>,
    tpu.vector_store %arg8[%swap3A_1553, %swap3A_1554], %gather3A_1551 {strides = array<i32>} : memref<32x64xf32, #tpu.memory_space<vmem>>, vector<16xf32>,
    %add3A_1556 = arith.constant 32 : i32
    %add3A_1557 = vector.broadcast %add3A_1556 : i32 to vector<16xi32>
    %add3A_1558 = arith.addi %iota3A, %add3A_1557 : vector<16xi32>
    %gather3A_1559 = tpu.vector_load_idx %arg7[%add3A_1558, %broadcast_in_dim3A_1539] : memref<64x128xf32, #tpu.memory_space<vmem>>[vector<16xi32>, vector<16xi32>], vector<16xf32>,
    %swap3A_1560 = arith.constant 15 : i32
    %swap3A_1561 = arith.index_cast %swap3A_1560 : i32 to index
    %swap3A_1562 = arith.constant 32 : index
    %swap3A_1563 = tpu.vector_load %arg8[%swap3A_1561, %swap3A_1562] {strides = array<i32>} : memref<32x64xf32, #tpu.memory_space<vmem>>, vector<16xf32>,
    tpu.vector_store %arg8[%swap3A_1561, %swap3A_1562], %gather3A_1559 {strides = array<i32>} : memref<32x64xf32, #tpu.memory_space<vmem>>, vector<16xf32>,
    %add3A_1564 = arith.constant 48 : i32
    %add3A_1565 = vector.broadcast %add3A_1564 : i32 to vector<16xi32>
    %add3A_1566 = arith.addi %iota3A, %add3A_1565 : vector<16xi32>
    %gather3A_1567 = tpu.vector_load_idx %arg7[%add3A_1566, %broadcast_in_dim3A_1539] : memref<64x128xf32, #tpu.memory_space<vmem>>[vector<16xi32>, vector<16xi32>], vector<16xf32>,
    %swap3A_1568 = arith.constant 15 : i32
    %swap3A_1569 = arith.index_cast %swap3A_1568 : i32 to index
    %swap3A_1570 = arith.constant 48 : index
    %swap3A_1571 = tpu.vector_load %arg8[%swap3A_1569, %swap3A_1570] {strides = array<i32>} : memref<32x64xf32, #tpu.memory_space<vmem>>, vector<16xf32>,
    tpu.vector_store %arg8[%swap3A_1569, %swap3A_1570], %gather3A_1567 {strides = array<i32>} : memref<32x64xf32, #tpu.memory_space<vmem>>, vector<16xf32>,
    %get3A_1572 = arith.constant 16 : index
    %get3A_1573 = tpu.vector_load %arg5[%get3A_1572] {strides = array<i32>} : memref<32xi32, #tpu.memory_space<vmem>>, vector<16xi32>,
    %slice3A_1574 = vector.extract_strided_slice %get3A_1573 {offsets = [0], sizes = [1], strides = [1]} : vector<16xi32> to vector<1xi32>
    %squeeze3A_1575 = vector.extract %slice3A_1574[0] : i32 from vector<1xi32>
    %jit3A_1576 = arith.constant 128 : i32
    %div3A_1577 = arith.divsi %squeeze3A_1575, %jit3A_1576 : i32
    %sign3A_1578 = arith.constant 0 : i32
    %sign3A_1579 = arith.cmpi sgt, %squeeze3A_1575, %sign3A_1578 : i32
    %sign3A_1580 = arith.extui %sign3A_1579 : i1 to i32
    %sign3A_1581 = arith.constant 0 : i32
    %sign3A_1582 = arith.cmpi slt, %squeeze3A_1575, %sign3A_1581 : i32
    %sign3A_1583 = arith.extui %sign3A_1582 : i1 to i32
    %sign3A_1584 = arith.subi %sign3A_1580, %sign3A_1583 : i32
    %sign3A_1585 = arith.constant 0 : i32
    %sign3A_1586 = arith.cmpi sgt, %jit3A_1576, %sign3A_1585 : i32
    %sign3A_1587 = arith.extui %sign3A_1586 : i1 to i32
    %sign3A_1588 = arith.constant 0 : i32
    %sign3A_1589 = arith.cmpi slt, %jit3A_1576, %sign3A_1588 : i32
    %sign3A_1590 = arith.extui %sign3A_1589 : i1 to i32
    %sign3A_1591 = arith.subi %sign3A_1587, %sign3A_1590 : i32
    %ne3A_1592 = arith.cmpi ne, %sign3A_1584, %sign3A_1591 : i32
    %rem3A_1593 = arith.remsi %squeeze3A_1575, %jit3A_1576 : i32
    %ne3A_1594 = arith.constant 0 : i32
    %ne3A_1595 = arith.cmpi ne, %rem3A_1593, %ne3A_1594 : i32
    %and3A_1596 = arith.andi %ne3A_1592, %ne3A_1595 : i1
    %sub3A_1597 = arith.constant 1 : i32
    %sub3A_1598 = arith.subi %div3A_1577, %sub3A_1597 : i32
    %select_n3A_1599 = arith.select %and3A_1596, %sub3A_1598, %div3A_1577 : i32
    %mul3A_1600 = arith.constant 128 : i32
    %mul3A_1601 = arith.muli %select_n3A_1599, %mul3A_1600 : i32
    %multiple_of3A_1602 = tpu.assume_multiple %mul3A_1601, 128 : i32
    %dma_start3A_1603 = arith.constant 0 : i32
    %dma_start3A_1604 = tpu.memref_slice %arg3[%dma_start3A_1603, %multiple_of3A_1602] : memref<64x100000xf32, #tpu.memory_space<hbm>> -> memref<64x128xf32, #tpu.memory_space<hbm>>
    %dma_start3A_1605 = arith.constant 0 : i32
    %dma_start3A_1606 = tpu.memref_slice %arg3[%dma_start3A_1605, %multiple_of3A_1602] : memref<64x100000xf32, #tpu.memory_space<hbm>> -> memref<64x128xf32, #tpu.memory_space<hbm>>
    tpu.enqueue_dma source(%dma_start3A_1606 : memref<64x128xf32, #tpu.memory_space<hbm>>) target(%arg6 : memref<64x128xf32, #tpu.memory_space<vmem>>) target_semaphore(%arg9 : memref<!tpu.dma_semaphore, #tpu.memory_space<semaphore_mem>>)
    %slice3A_1607 = vector.extract_strided_slice %get3A_1573 {offsets = [1], sizes = [1], strides = [1]} : vector<16xi32> to vector<1xi32>
    %squeeze3A_1608 = vector.extract %slice3A_1607[0] : i32 from vector<1xi32>
    %jit3A_1609 = arith.constant 128 : i32
    %div3A_1610 = arith.divsi %squeeze3A_1608, %jit3A_1609 : i32
    %sign3A_1611 = arith.constant 0 : i32
    %sign3A_1612 = arith.cmpi sgt, %squeeze3A_1608, %sign3A_1611 : i32
    %sign3A_1613 = arith.extui %sign3A_1612 : i1 to i32
    %sign3A_1614 = arith.constant 0 : i32
    %sign3A_1615 = arith.cmpi slt, %squeeze3A_1608, %sign3A_1614 : i32
    %sign3A_1616 = arith.extui %sign3A_1615 : i1 to i32
    %sign3A_1617 = arith.subi %sign3A_1613, %sign3A_1616 : i32
    %sign3A_1618 = arith.constant 0 : i32
    %sign3A_1619 = arith.cmpi sgt, %jit3A_1609, %sign3A_1618 : i32
    %sign3A_1620 = arith.extui %sign3A_1619 : i1 to i32
    %sign3A_1621 = arith.constant 0 : i32
    %sign3A_1622 = arith.cmpi slt, %jit3A_1609, %sign3A_1621 : i32
    %sign3A_1623 = arith.extui %sign3A_1622 : i1 to i32
    %sign3A_1624 = arith.subi %sign3A_1620, %sign3A_1623 : i32
    %ne3A_1625 = arith.cmpi ne, %sign3A_1617, %sign3A_1624 : i32
    %rem3A_1626 = arith.remsi %squeeze3A_1608, %jit3A_1609 : i32
    %ne3A_1627 = arith.constant 0 : i32
    %ne3A_1628 = arith.cmpi ne, %rem3A_1626, %ne3A_1627 : i32
    %and3A_1629 = arith.andi %ne3A_1625, %ne3A_1628 : i1
    %sub3A_1630 = arith.constant 1 : i32
    %sub3A_1631 = arith.subi %div3A_1610, %sub3A_1630 : i32
    %select_n3A_1632 = arith.select %and3A_1629, %sub3A_1631, %div3A_1610 : i32
    %mul3A_1633 = arith.constant 128 : i32
    %mul3A_1634 = arith.muli %select_n3A_1632, %mul3A_1633 : i32
    %multiple_of3A_1635 = tpu.assume_multiple %mul3A_1634, 128 : i32
    %dma_start3A_1636 = arith.constant 0 : i32
    %dma_start3A_1637 = tpu.memref_slice %arg3[%dma_start3A_1636, %multiple_of3A_1635] : memref<64x100000xf32, #tpu.memory_space<hbm>> -> memref<64x128xf32, #tpu.memory_space<hbm>>
    %dma_start3A_1638 = arith.constant 0 : i32
    %dma_start3A_1639 = tpu.memref_slice %arg3[%dma_start3A_1638, %multiple_of3A_1635] : memref<64x100000xf32, #tpu.memory_space<hbm>> -> memref<64x128xf32, #tpu.memory_space<hbm>>
    tpu.enqueue_dma source(%dma_start3A_1639 : memref<64x128xf32, #tpu.memory_space<hbm>>) target(%arg7 : memref<64x128xf32, #tpu.memory_space<vmem>>) target_semaphore(%arg10 : memref<!tpu.dma_semaphore, #tpu.memory_space<semaphore_mem>>)
    %dma_wait3A_1640 = arith.constant 0 : i32
    %dma_wait3A_1641 = tpu.memref_slice %arg3[%dma_wait3A_1640, %multiple_of3A_1602] : memref<64x100000xf32, #tpu.memory_space<hbm>> -> memref<64x128xf32, #tpu.memory_space<hbm>>
    %dma_wait3A_1642 = arith.constant 0 : i32
    %dma_wait3A_1643 = tpu.memref_slice %arg3[%dma_wait3A_1642, %multiple_of3A_1602] : memref<64x100000xf32, #tpu.memory_space<hbm>> -> memref<64x128xf32, #tpu.memory_space<hbm>>
    tpu.wait_dma2 semaphore(%arg9 : memref<!tpu.dma_semaphore, #tpu.memory_space<semaphore_mem>>) src(%dma_wait3A_1643 : memref<64x128xf32, #tpu.memory_space<hbm>>) dst(%arg6 : memref<64x128xf32, #tpu.memory_space<vmem>>)
    %slice3A_1644 = vector.extract_strided_slice %get3A_1573 {offsets = [0], sizes = [1], strides = [1]} : vector<16xi32> to vector<1xi32>
    %squeeze3A_1645 = vector.extract %slice3A_1644[0] : i32 from vector<1xi32>
    %jit3A_1646 = arith.constant 128 : i32
    %div3A_1647 = arith.divsi %squeeze3A_1645, %jit3A_1646 : i32
    %sign3A_1648 = arith.constant 0 : i32
    %sign3A_1649 = arith.cmpi sgt, %squeeze3A_1645, %sign3A_1648 : i32
    %sign3A_1650 = arith.extui %sign3A_1649 : i1 to i32
    %sign3A_1651 = arith.constant 0 : i32
    %sign3A_1652 = arith.cmpi slt, %squeeze3A_1645, %sign3A_1651 : i32
    %sign3A_1653 = arith.extui %sign3A_1652 : i1 to i32
    %sign3A_1654 = arith.subi %sign3A_1650, %sign3A_1653 : i32
    %sign3A_1655 = arith.constant 0 : i32
    %sign3A_1656 = arith.cmpi sgt, %jit3A_1646, %sign3A_1655 : i32
    %sign3A_1657 = arith.extui %sign3A_1656 : i1 to i32
    %sign3A_1658 = arith.constant 0 : i32
    %sign3A_1659 = arith.cmpi slt, %jit3A_1646, %sign3A_1658 : i32
    %sign3A_1660 = arith.extui %sign3A_1659 : i1 to i32
    %sign3A_1661 = arith.subi %sign3A_1657, %sign3A_1660 : i32
    %ne3A_1662 = arith.cmpi ne, %sign3A_1654, %sign3A_1661 : i32
    %rem3A_1663 = arith.remsi %squeeze3A_1645, %jit3A_1646 : i32
    %ne3A_1664 = arith.constant 0 : i32
    %ne3A_1665 = arith.cmpi ne, %rem3A_1663, %ne3A_1664 : i32
    %and3A_1666 = arith.andi %ne3A_1662, %ne3A_1665 : i1
    %sub3A_1667 = arith.constant 1 : i32
    %sub3A_1668 = arith.subi %div3A_1647, %sub3A_1667 : i32
    %select_n3A_1669 = arith.select %and3A_1666, %sub3A_1668, %div3A_1647 : i32
    %mul3A_1670 = arith.constant 128 : i32
    %mul3A_1671 = arith.muli %select_n3A_1669, %mul3A_1670 : i32
    %sub3A_1672 = arith.subi %squeeze3A_1645, %mul3A_1671 : i32
    %broadcast_in_dim3A_1673 = vector.broadcast %sub3A_1672 : i32 to vector<16xi32>
    %add3A_1674 = arith.constant 0 : i32
    %add3A_1675 = vector.broadcast %add3A_1674 : i32 to vector<16xi32>
    %add3A_1676 = arith.addi %iota3A, %add3A_1675 : vector<16xi32>
    %gather3A_1677 = tpu.vector_load_idx %arg6[%add3A_1676, %broadcast_in_dim3A_1673] : memref<64x128xf32, #tpu.memory_space<vmem>>[vector<16xi32>, vector<16xi32>], vector<16xf32>,
    %swap3A_1678 = arith.constant 16 : i32
    %swap3A_1679 = arith.index_cast %swap3A_1678 : i32 to index
    %swap3A_1680 = arith.constant 0 : index
    %swap3A_1681 = tpu.vector_load %arg8[%swap3A_1679, %swap3A_1680] {strides = array<i32>} : memref<32x64xf32, #tpu.memory_space<vmem>>, vector<16xf32>,
    tpu.vector_store %arg8[%swap3A_1679, %swap3A_1680], %gather3A_1677 {strides = array<i32>} : memref<32x64xf32, #tpu.memory_space<vmem>>, vector<16xf32>,
    %add3A_1682 = arith.constant 16 : i32
    %add3A_1683 = vector.broadcast %add3A_1682 : i32 to vector<16xi32>
    %add3A_1684 = arith.addi %iota3A, %add3A_1683 : vector<16xi32>
    %gather3A_1685 = tpu.vector_load_idx %arg6[%add3A_1684, %broadcast_in_dim3A_1673] : memref<64x128xf32, #tpu.memory_space<vmem>>[vector<16xi32>, vector<16xi32>], vector<16xf32>,
    %swap3A_1686 = arith.constant 16 : i32
    %swap3A_1687 = arith.index_cast %swap3A_1686 : i32 to index
    %swap3A_1688 = arith.constant 16 : index
    %swap3A_1689 = tpu.vector_load %arg8[%swap3A_1687, %swap3A_1688] {strides = array<i32>} : memref<32x64xf32, #tpu.memory_space<vmem>>, vector<16xf32>,
    tpu.vector_store %arg8[%swap3A_1687, %swap3A_1688], %gather3A_1685 {strides = array<i32>} : memref<32x64xf32, #tpu.memory_space<vmem>>, vector<16xf32>,
    %add3A_1690 = arith.constant 32 : i32
    %add3A_1691 = vector.broadcast %add3A_1690 : i32 to vector<16xi32>
    %add3A_1692 = arith.addi %iota3A, %add3A_1691 : vector<16xi32>
    %gather3A_1693 = tpu.vector_load_idx %arg6[%add3A_1692, %broadcast_in_dim3A_1673] : memref<64x128xf32, #tpu.memory_space<vmem>>[vector<16xi32>, vector<16xi32>], vector<16xf32>,
    %swap3A_1694 = arith.constant 16 : i32
    %swap3A_1695 = arith.index_cast %swap3A_1694 : i32 to index
    %swap3A_1696 = arith.constant 32 : index
    %swap3A_1697 = tpu.vector_load %arg8[%swap3A_1695, %swap3A_1696] {strides = array<i32>} : memref<32x64xf32, #tpu.memory_space<vmem>>, vector<16xf32>,
    tpu.vector_store %arg8[%swap3A_1695, %swap3A_1696], %gather3A_1693 {strides = array<i32>} : memref<32x64xf32, #tpu.memory_space<vmem>>, vector<16xf32>,
    %add3A_1698 = arith.constant 48 : i32
    %add3A_1699 = vector.broadcast %add3A_1698 : i32 to vector<16xi32>
    %add3A_1700 = arith.addi %iota3A, %add3A_1699 : vector<16xi32>
    %gather3A_1701 = tpu.vector_load_idx %arg6[%add3A_1700, %broadcast_in_dim3A_1673] : memref<64x128xf32, #tpu.memory_space<vmem>>[vector<16xi32>, vector<16xi32>], vector<16xf32>,
    %swap3A_1702 = arith.constant 16 : i32
    %swap3A_1703 = arith.index_cast %swap3A_1702 : i32 to index
    %swap3A_1704 = arith.constant 48 : index
    %swap3A_1705 = tpu.vector_load %arg8[%swap3A_1703, %swap3A_1704] {strides = array<i32>} : memref<32x64xf32, #tpu.memory_space<vmem>>, vector<16xf32>,
    tpu.vector_store %arg8[%swap3A_1703, %swap3A_1704], %gather3A_1701 {strides = array<i32>} : memref<32x64xf32, #tpu.memory_space<vmem>>, vector<16xf32>,
    %slice3A_1706 = vector.extract_strided_slice %get3A_1573 {offsets = [2], sizes = [1], strides = [1]} : vector<16xi32> to vector<1xi32>
    %squeeze3A_1707 = vector.extract %slice3A_1706[0] : i32 from vector<1xi32>
    %jit3A_1708 = arith.constant 128 : i32
    %div3A_1709 = arith.divsi %squeeze3A_1707, %jit3A_1708 : i32
    %sign3A_1710 = arith.constant 0 : i32
    %sign3A_1711 = arith.cmpi sgt, %squeeze3A_1707, %sign3A_1710 : i32
    %sign3A_1712 = arith.extui %sign3A_1711 : i1 to i32
    %sign3A_1713 = arith.constant 0 : i32
    %sign3A_1714 = arith.cmpi slt, %squeeze3A_1707, %sign3A_1713 : i32
    %sign3A_1715 = arith.extui %sign3A_1714 : i1 to i32
    %sign3A_1716 = arith.subi %sign3A_1712, %sign3A_1715 : i32
    %sign3A_1717 = arith.constant 0 : i32
    %sign3A_1718 = arith.cmpi sgt, %jit3A_1708, %sign3A_1717 : i32
    %sign3A_1719 = arith.extui %sign3A_1718 : i1 to i32
    %sign3A_1720 = arith.constant 0 : i32
    %sign3A_1721 = arith.cmpi slt, %jit3A_1708, %sign3A_1720 : i32
    %sign3A_1722 = arith.extui %sign3A_1721 : i1 to i32
    %sign3A_1723 = arith.subi %sign3A_1719, %sign3A_1722 : i32
    %ne3A_1724 = arith.cmpi ne, %sign3A_1716, %sign3A_1723 : i32
    %rem3A_1725 = arith.remsi %squeeze3A_1707, %jit3A_1708 : i32
    %ne3A_1726 = arith.constant 0 : i32
    %ne3A_1727 = arith.cmpi ne, %rem3A_1725, %ne3A_1726 : i32
    %and3A_1728 = arith.andi %ne3A_1724, %ne3A_1727 : i1
    %sub3A_1729 = arith.constant 1 : i32
    %sub3A_1730 = arith.subi %div3A_1709, %sub3A_1729 : i32
    %select_n3A_1731 = arith.select %and3A_1728, %sub3A_1730, %div3A_1709 : i32
    %mul3A_1732 = arith.constant 128 : i32
    %mul3A_1733 = arith.muli %select_n3A_1731, %mul3A_1732 : i32
    %multiple_of3A_1734 = tpu.assume_multiple %mul3A_1733, 128 : i32
    %dma_start3A_1735 = arith.constant 0 : i32
    %dma_start3A_1736 = tpu.memref_slice %arg3[%dma_start3A_1735, %multiple_of3A_1734] : memref<64x100000xf32, #tpu.memory_space<hbm>> -> memref<64x128xf32, #tpu.memory_space<hbm>>
    %dma_start3A_1737 = arith.constant 0 : i32
    %dma_start3A_1738 = tpu.memref_slice %arg3[%dma_start3A_1737, %multiple_of3A_1734] : memref<64x100000xf32, #tpu.memory_space<hbm>> -> memref<64x128xf32, #tpu.memory_space<hbm>>
    tpu.enqueue_dma source(%dma_start3A_1738 : memref<64x128xf32, #tpu.memory_space<hbm>>) target(%arg6 : memref<64x128xf32, #tpu.memory_space<vmem>>) target_semaphore(%arg9 : memref<!tpu.dma_semaphore, #tpu.memory_space<semaphore_mem>>)
    %dma_wait3A_1739 = arith.constant 0 : i32
    %dma_wait3A_1740 = tpu.memref_slice %arg3[%dma_wait3A_1739, %multiple_of3A_1635] : memref<64x100000xf32, #tpu.memory_space<hbm>> -> memref<64x128xf32, #tpu.memory_space<hbm>>
    %dma_wait3A_1741 = arith.constant 0 : i32
    %dma_wait3A_1742 = tpu.memref_slice %arg3[%dma_wait3A_1741, %multiple_of3A_1635] : memref<64x100000xf32, #tpu.memory_space<hbm>> -> memref<64x128xf32, #tpu.memory_space<hbm>>
    tpu.wait_dma2 semaphore(%arg10 : memref<!tpu.dma_semaphore, #tpu.memory_space<semaphore_mem>>) src(%dma_wait3A_1742 : memref<64x128xf32, #tpu.memory_space<hbm>>) dst(%arg7 : memref<64x128xf32, #tpu.memory_space<vmem>>)
    %slice3A_1743 = vector.extract_strided_slice %get3A_1573 {offsets = [1], sizes = [1], strides = [1]} : vector<16xi32> to vector<1xi32>
    %squeeze3A_1744 = vector.extract %slice3A_1743[0] : i32 from vector<1xi32>
    %jit3A_1745 = arith.constant 128 : i32
    %div3A_1746 = arith.divsi %squeeze3A_1744, %jit3A_1745 : i32
    %sign3A_1747 = arith.constant 0 : i32
    %sign3A_1748 = arith.cmpi sgt, %squeeze3A_1744, %sign3A_1747 : i32
    %sign3A_1749 = arith.extui %sign3A_1748 : i1 to i32
    %sign3A_1750 = arith.constant 0 : i32
    %sign3A_1751 = arith.cmpi slt, %squeeze3A_1744, %sign3A_1750 : i32
    %sign3A_1752 = arith.extui %sign3A_1751 : i1 to i32
    %sign3A_1753 = arith.subi %sign3A_1749, %sign3A_1752 : i32
    %sign3A_1754 = arith.constant 0 : i32
    %sign3A_1755 = arith.cmpi sgt, %jit3A_1745, %sign3A_1754 : i32
    %sign3A_1756 = arith.extui %sign3A_1755 : i1 to i32
    %sign3A_1757 = arith.constant 0 : i32
    %sign3A_1758 = arith.cmpi slt, %jit3A_1745, %sign3A_1757 : i32
    %sign3A_1759 = arith.extui %sign3A_1758 : i1 to i32
    %sign3A_1760 = arith.subi %sign3A_1756, %sign3A_1759 : i32
    %ne3A_1761 = arith.cmpi ne, %sign3A_1753, %sign3A_1760 : i32
    %rem3A_1762 = arith.remsi %squeeze3A_1744, %jit3A_1745 : i32
    %ne3A_1763 = arith.constant 0 : i32
    %ne3A_1764 = arith.cmpi ne, %rem3A_1762, %ne3A_1763 : i32
    %and3A_1765 = arith.andi %ne3A_1761, %ne3A_1764 : i1
    %sub3A_1766 = arith.constant 1 : i32
    %sub3A_1767 = arith.subi %div3A_1746, %sub3A_1766 : i32
    %select_n3A_1768 = arith.select %and3A_1765, %sub3A_1767, %div3A_1746 : i32
    %mul3A_1769 = arith.constant 128 : i32
    %mul3A_1770 = arith.muli %select_n3A_1768, %mul3A_1769 : i32
    %sub3A_1771 = arith.subi %squeeze3A_1744, %mul3A_1770 : i32
    %broadcast_in_dim3A_1772 = vector.broadcast %sub3A_1771 : i32 to vector<16xi32>
    %add3A_1773 = arith.constant 0 : i32
    %add3A_1774 = vector.broadcast %add3A_1773 : i32 to vector<16xi32>
    %add3A_1775 = arith.addi %iota3A, %add3A_1774 : vector<16xi32>
    %gather3A_1776 = tpu.vector_load_idx %arg7[%add3A_1775, %broadcast_in_dim3A_1772] : memref<64x128xf32, #tpu.memory_space<vmem>>[vector<16xi32>, vector<16xi32>], vector<16xf32>,
    %swap3A_1777 = arith.constant 17 : i32
    %swap3A_1778 = arith.index_cast %swap3A_1777 : i32 to index
    %swap3A_1779 = arith.constant 0 : index
    %swap3A_1780 = tpu.vector_load %arg8[%swap3A_1778, %swap3A_1779] {strides = array<i32>} : memref<32x64xf32, #tpu.memory_space<vmem>>, vector<16xf32>,
    tpu.vector_store %arg8[%swap3A_1778, %swap3A_1779], %gather3A_1776 {strides = array<i32>} : memref<32x64xf32, #tpu.memory_space<vmem>>, vector<16xf32>,
    %add3A_1781 = arith.constant 16 : i32
    %add3A_1782 = vector.broadcast %add3A_1781 : i32 to vector<16xi32>
    %add3A_1783 = arith.addi %iota3A, %add3A_1782 : vector<16xi32>
    %gather3A_1784 = tpu.vector_load_idx %arg7[%add3A_1783, %broadcast_in_dim3A_1772] : memref<64x128xf32, #tpu.memory_space<vmem>>[vector<16xi32>, vector<16xi32>], vector<16xf32>,
    %swap3A_1785 = arith.constant 17 : i32
    %swap3A_1786 = arith.index_cast %swap3A_1785 : i32 to index
    %swap3A_1787 = arith.constant 16 : index
    %swap3A_1788 = tpu.vector_load %arg8[%swap3A_1786, %swap3A_1787] {strides = array<i32>} : memref<32x64xf32, #tpu.memory_space<vmem>>, vector<16xf32>,
    tpu.vector_store %arg8[%swap3A_1786, %swap3A_1787], %gather3A_1784 {strides = array<i32>} : memref<32x64xf32, #tpu.memory_space<vmem>>, vector<16xf32>,
    %add3A_1789 = arith.constant 32 : i32
    %add3A_1790 = vector.broadcast %add3A_1789 : i32 to vector<16xi32>
    %add3A_1791 = arith.addi %iota3A, %add3A_1790 : vector<16xi32>
    %gather3A_1792 = tpu.vector_load_idx %arg7[%add3A_1791, %broadcast_in_dim3A_1772] : memref<64x128xf32, #tpu.memory_space<vmem>>[vector<16xi32>, vector<16xi32>], vector<16xf32>,
    %swap3A_1793 = arith.constant 17 : i32
    %swap3A_1794 = arith.index_cast %swap3A_1793 : i32 to index
    %swap3A_1795 = arith.constant 32 : index
    %swap3A_1796 = tpu.vector_load %arg8[%swap3A_1794, %swap3A_1795] {strides = array<i32>} : memref<32x64xf32, #tpu.memory_space<vmem>>, vector<16xf32>,
    tpu.vector_store %arg8[%swap3A_1794, %swap3A_1795], %gather3A_1792 {strides = array<i32>} : memref<32x64xf32, #tpu.memory_space<vmem>>, vector<16xf32>,
    %add3A_1797 = arith.constant 48 : i32
    %add3A_1798 = vector.broadcast %add3A_1797 : i32 to vector<16xi32>
    %add3A_1799 = arith.addi %iota3A, %add3A_1798 : vector<16xi32>
    %gather3A_1800 = tpu.vector_load_idx %arg7[%add3A_1799, %broadcast_in_dim3A_1772] : memref<64x128xf32, #tpu.memory_space<vmem>>[vector<16xi32>, vector<16xi32>], vector<16xf32>,
    %swap3A_1801 = arith.constant 17 : i32
    %swap3A_1802 = arith.index_cast %swap3A_1801 : i32 to index
    %swap3A_1803 = arith.constant 48 : index
    %swap3A_1804 = tpu.vector_load %arg8[%swap3A_1802, %swap3A_1803] {strides = array<i32>} : memref<32x64xf32, #tpu.memory_space<vmem>>, vector<16xf32>,
    tpu.vector_store %arg8[%swap3A_1802, %swap3A_1803], %gather3A_1800 {strides = array<i32>} : memref<32x64xf32, #tpu.memory_space<vmem>>, vector<16xf32>,
    %slice3A_1805 = vector.extract_strided_slice %get3A_1573 {offsets = [3], sizes = [1], strides = [1]} : vector<16xi32> to vector<1xi32>
    %squeeze3A_1806 = vector.extract %slice3A_1805[0] : i32 from vector<1xi32>
    %jit3A_1807 = arith.constant 128 : i32
    %div3A_1808 = arith.divsi %squeeze3A_1806, %jit3A_1807 : i32
    %sign3A_1809 = arith.constant 0 : i32
    %sign3A_1810 = arith.cmpi sgt, %squeeze3A_1806, %sign3A_1809 : i32
    %sign3A_1811 = arith.extui %sign3A_1810 : i1 to i32
    %sign3A_1812 = arith.constant 0 : i32
    %sign3A_1813 = arith.cmpi slt, %squeeze3A_1806, %sign3A_1812 : i32
    %sign3A_1814 = arith.extui %sign3A_1813 : i1 to i32
    %sign3A_1815 = arith.subi %sign3A_1811, %sign3A_1814 : i32
    %sign3A_1816 = arith.constant 0 : i32
    %sign3A_1817 = arith.cmpi sgt, %jit3A_1807, %sign3A_1816 : i32
    %sign3A_1818 = arith.extui %sign3A_1817 : i1 to i32
    %sign3A_1819 = arith.constant 0 : i32
    %sign3A_1820 = arith.cmpi slt, %jit3A_1807, %sign3A_1819 : i32
    %sign3A_1821 = arith.extui %sign3A_1820 : i1 to i32
    %sign3A_1822 = arith.subi %sign3A_1818, %sign3A_1821 : i32
    %ne3A_1823 = arith.cmpi ne, %sign3A_1815, %sign3A_1822 : i32
    %rem3A_1824 = arith.remsi %squeeze3A_1806, %jit3A_1807 : i32
    %ne3A_1825 = arith.constant 0 : i32
    %ne3A_1826 = arith.cmpi ne, %rem3A_1824, %ne3A_1825 : i32
    %and3A_1827 = arith.andi %ne3A_1823, %ne3A_1826 : i1
    %sub3A_1828 = arith.constant 1 : i32
    %sub3A_1829 = arith.subi %div3A_1808, %sub3A_1828 : i32
    %select_n3A_1830 = arith.select %and3A_1827, %sub3A_1829, %div3A_1808 : i32
    %mul3A_1831 = arith.constant 128 : i32
    %mul3A_1832 = arith.muli %select_n3A_1830, %mul3A_1831 : i32
    %multiple_of3A_1833 = tpu.assume_multiple %mul3A_1832, 128 : i32
    %dma_start3A_1834 = arith.constant 0 : i32
    %dma_start3A_1835 = tpu.memref_slice %arg3[%dma_start3A_1834, %multiple_of3A_1833] : memref<64x100000xf32, #tpu.memory_space<hbm>> -> memref<64x128xf32, #tpu.memory_space<hbm>>
    %dma_start3A_1836 = arith.constant 0 : i32
    %dma_start3A_1837 = tpu.memref_slice %arg3[%dma_start3A_1836, %multiple_of3A_1833] : memref<64x100000xf32, #tpu.memory_space<hbm>> -> memref<64x128xf32, #tpu.memory_space<hbm>>
    tpu.enqueue_dma source(%dma_start3A_1837 : memref<64x128xf32, #tpu.memory_space<hbm>>) target(%arg7 : memref<64x128xf32, #tpu.memory_space<vmem>>) target_semaphore(%arg10 : memref<!tpu.dma_semaphore, #tpu.memory_space<semaphore_mem>>)
    %dma_wait3A_1838 = arith.constant 0 : i32
    %dma_wait3A_1839 = tpu.memref_slice %arg3[%dma_wait3A_1838, %multiple_of3A_1734] : memref<64x100000xf32, #tpu.memory_space<hbm>> -> memref<64x128xf32, #tpu.memory_space<hbm>>
    %dma_wait3A_1840 = arith.constant 0 : i32
    %dma_wait3A_1841 = tpu.memref_slice %arg3[%dma_wait3A_1840, %multiple_of3A_1734] : memref<64x100000xf32, #tpu.memory_space<hbm>> -> memref<64x128xf32, #tpu.memory_space<hbm>>
    tpu.wait_dma2 semaphore(%arg9 : memref<!tpu.dma_semaphore, #tpu.memory_space<semaphore_mem>>) src(%dma_wait3A_1841 : memref<64x128xf32, #tpu.memory_space<hbm>>) dst(%arg6 : memref<64x128xf32, #tpu.memory_space<vmem>>)
    %slice3A_1842 = vector.extract_strided_slice %get3A_1573 {offsets = [2], sizes = [1], strides = [1]} : vector<16xi32> to vector<1xi32>
    %squeeze3A_1843 = vector.extract %slice3A_1842[0] : i32 from vector<1xi32>
    %jit3A_1844 = arith.constant 128 : i32
    %div3A_1845 = arith.divsi %squeeze3A_1843, %jit3A_1844 : i32
    %sign3A_1846 = arith.constant 0 : i32
    %sign3A_1847 = arith.cmpi sgt, %squeeze3A_1843, %sign3A_1846 : i32
    %sign3A_1848 = arith.extui %sign3A_1847 : i1 to i32
    %sign3A_1849 = arith.constant 0 : i32
    %sign3A_1850 = arith.cmpi slt, %squeeze3A_1843, %sign3A_1849 : i32
    %sign3A_1851 = arith.extui %sign3A_1850 : i1 to i32
    %sign3A_1852 = arith.subi %sign3A_1848, %sign3A_1851 : i32
    %sign3A_1853 = arith.constant 0 : i32
    %sign3A_1854 = arith.cmpi sgt, %jit3A_1844, %sign3A_1853 : i32
    %sign3A_1855 = arith.extui %sign3A_1854 : i1 to i32
    %sign3A_1856 = arith.constant 0 : i32
    %sign3A_1857 = arith.cmpi slt, %jit3A_1844, %sign3A_1856 : i32
    %sign3A_1858 = arith.extui %sign3A_1857 : i1 to i32
    %sign3A_1859 = arith.subi %sign3A_1855, %sign3A_1858 : i32
    %ne3A_1860 = arith.cmpi ne, %sign3A_1852, %sign3A_1859 : i32
    %rem3A_1861 = arith.remsi %squeeze3A_1843, %jit3A_1844 : i32
    %ne3A_1862 = arith.constant 0 : i32
    %ne3A_1863 = arith.cmpi ne, %rem3A_1861, %ne3A_1862 : i32
    %and3A_1864 = arith.andi %ne3A_1860, %ne3A_1863 : i1
    %sub3A_1865 = arith.constant 1 : i32
    %sub3A_1866 = arith.subi %div3A_1845, %sub3A_1865 : i32
    %select_n3A_1867 = arith.select %and3A_1864, %sub3A_1866, %div3A_1845 : i32
    %mul3A_1868 = arith.constant 128 : i32
    %mul3A_1869 = arith.muli %select_n3A_1867, %mul3A_1868 : i32
    %sub3A_1870 = arith.subi %squeeze3A_1843, %mul3A_1869 : i32
    %broadcast_in_dim3A_1871 = vector.broadcast %sub3A_1870 : i32 to vector<16xi32>
    %add3A_1872 = arith.constant 0 : i32
    %add3A_1873 = vector.broadcast %add3A_1872 : i32 to vector<16xi32>
    %add3A_1874 = arith.addi %iota3A, %add3A_1873 : vector<16xi32>
    %gather3A_1875 = tpu.vector_load_idx %arg6[%add3A_1874, %broadcast_in_dim3A_1871] : memref<64x128xf32, #tpu.memory_space<vmem>>[vector<16xi32>, vector<16xi32>], vector<16xf32>,
    %swap3A_1876 = arith.constant 18 : i32
    %swap3A_1877 = arith.index_cast %swap3A_1876 : i32 to index
    %swap3A_1878 = arith.constant 0 : index
    %swap3A_1879 = tpu.vector_load %arg8[%swap3A_1877, %swap3A_1878] {strides = array<i32>} : memref<32x64xf32, #tpu.memory_space<vmem>>, vector<16xf32>,
    tpu.vector_store %arg8[%swap3A_1877, %swap3A_1878], %gather3A_1875 {strides = array<i32>} : memref<32x64xf32, #tpu.memory_space<vmem>>, vector<16xf32>,
    %add3A_1880 = arith.constant 16 : i32
    %add3A_1881 = vector.broadcast %add3A_1880 : i32 to vector<16xi32>
    %add3A_1882 = arith.addi %iota3A, %add3A_1881 : vector<16xi32>
    %gather3A_1883 = tpu.vector_load_idx %arg6[%add3A_1882, %broadcast_in_dim3A_1871] : memref<64x128xf32, #tpu.memory_space<vmem>>[vector<16xi32>, vector<16xi32>], vector<16xf32>,
    %swap3A_1884 = arith.constant 18 : i32
    %swap3A_1885 = arith.index_cast %swap3A_1884 : i32 to index
    %swap3A_1886 = arith.constant 16 : index
    %swap3A_1887 = tpu.vector_load %arg8[%swap3A_1885, %swap3A_1886] {strides = array<i32>} : memref<32x64xf32, #tpu.memory_space<vmem>>, vector<16xf32>,
    tpu.vector_store %arg8[%swap3A_1885, %swap3A_1886], %gather3A_1883 {strides = array<i32>} : memref<32x64xf32, #tpu.memory_space<vmem>>, vector<16xf32>,
    %add3A_1888 = arith.constant 32 : i32
    %add3A_1889 = vector.broadcast %add3A_1888 : i32 to vector<16xi32>
    %add3A_1890 = arith.addi %iota3A, %add3A_1889 : vector<16xi32>
    %gather3A_1891 = tpu.vector_load_idx %arg6[%add3A_1890, %broadcast_in_dim3A_1871] : memref<64x128xf32, #tpu.memory_space<vmem>>[vector<16xi32>, vector<16xi32>], vector<16xf32>,
    %swap3A_1892 = arith.constant 18 : i32
    %swap3A_1893 = arith.index_cast %swap3A_1892 : i32 to index
    %swap3A_1894 = arith.constant 32 : index
    %swap3A_1895 = tpu.vector_load %arg8[%swap3A_1893, %swap3A_1894] {strides = array<i32>} : memref<32x64xf32, #tpu.memory_space<vmem>>, vector<16xf32>,
    tpu.vector_store %arg8[%swap3A_1893, %swap3A_1894], %gather3A_1891 {strides = array<i32>} : memref<32x64xf32, #tpu.memory_space<vmem>>, vector<16xf32>,
    %add3A_1896 = arith.constant 48 : i32
    %add3A_1897 = vector.broadcast %add3A_1896 : i32 to vector<16xi32>
    %add3A_1898 = arith.addi %iota3A, %add3A_1897 : vector<16xi32>
    %gather3A_1899 = tpu.vector_load_idx %arg6[%add3A_1898, %broadcast_in_dim3A_1871] : memref<64x128xf32, #tpu.memory_space<vmem>>[vector<16xi32>, vector<16xi32>], vector<16xf32>,
    %swap3A_1900 = arith.constant 18 : i32
    %swap3A_1901 = arith.index_cast %swap3A_1900 : i32 to index
    %swap3A_1902 = arith.constant 48 : index
    %swap3A_1903 = tpu.vector_load %arg8[%swap3A_1901, %swap3A_1902] {strides = array<i32>} : memref<32x64xf32, #tpu.memory_space<vmem>>, vector<16xf32>,
    tpu.vector_store %arg8[%swap3A_1901, %swap3A_1902], %gather3A_1899 {strides = array<i32>} : memref<32x64xf32, #tpu.memory_space<vmem>>, vector<16xf32>,
    %slice3A_1904 = vector.extract_strided_slice %get3A_1573 {offsets = [4], sizes = [1], strides = [1]} : vector<16xi32> to vector<1xi32>
    %squeeze3A_1905 = vector.extract %slice3A_1904[0] : i32 from vector<1xi32>
    %jit3A_1906 = arith.constant 128 : i32
    %div3A_1907 = arith.divsi %squeeze3A_1905, %jit3A_1906 : i32
    %sign3A_1908 = arith.constant 0 : i32
    %sign3A_1909 = arith.cmpi sgt, %squeeze3A_1905, %sign3A_1908 : i32
    %sign3A_1910 = arith.extui %sign3A_1909 : i1 to i32
    %sign3A_1911 = arith.constant 0 : i32
    %sign3A_1912 = arith.cmpi slt, %squeeze3A_1905, %sign3A_1911 : i32
    %sign3A_1913 = arith.extui %sign3A_1912 : i1 to i32
    %sign3A_1914 = arith.subi %sign3A_1910, %sign3A_1913 : i32
    %sign3A_1915 = arith.constant 0 : i32
    %sign3A_1916 = arith.cmpi sgt, %jit3A_1906, %sign3A_1915 : i32
    %sign3A_1917 = arith.extui %sign3A_1916 : i1 to i32
    %sign3A_1918 = arith.constant 0 : i32
    %sign3A_1919 = arith.cmpi slt, %jit3A_1906, %sign3A_1918 : i32
    %sign3A_1920 = arith.extui %sign3A_1919 : i1 to i32
    %sign3A_1921 = arith.subi %sign3A_1917, %sign3A_1920 : i32
    %ne3A_1922 = arith.cmpi ne, %sign3A_1914, %sign3A_1921 : i32
    %rem3A_1923 = arith.remsi %squeeze3A_1905, %jit3A_1906 : i32
    %ne3A_1924 = arith.constant 0 : i32
    %ne3A_1925 = arith.cmpi ne, %rem3A_1923, %ne3A_1924 : i32
    %and3A_1926 = arith.andi %ne3A_1922, %ne3A_1925 : i1
    %sub3A_1927 = arith.constant 1 : i32
    %sub3A_1928 = arith.subi %div3A_1907, %sub3A_1927 : i32
    %select_n3A_1929 = arith.select %and3A_1926, %sub3A_1928, %div3A_1907 : i32
    %mul3A_1930 = arith.constant 128 : i32
    %mul3A_1931 = arith.muli %select_n3A_1929, %mul3A_1930 : i32
    %multiple_of3A_1932 = tpu.assume_multiple %mul3A_1931, 128 : i32
    %dma_start3A_1933 = arith.constant 0 : i32
    %dma_start3A_1934 = tpu.memref_slice %arg3[%dma_start3A_1933, %multiple_of3A_1932] : memref<64x100000xf32, #tpu.memory_space<hbm>> -> memref<64x128xf32, #tpu.memory_space<hbm>>
    %dma_start3A_1935 = arith.constant 0 : i32
    %dma_start3A_1936 = tpu.memref_slice %arg3[%dma_start3A_1935, %multiple_of3A_1932] : memref<64x100000xf32, #tpu.memory_space<hbm>> -> memref<64x128xf32, #tpu.memory_space<hbm>>
    tpu.enqueue_dma source(%dma_start3A_1936 : memref<64x128xf32, #tpu.memory_space<hbm>>) target(%arg6 : memref<64x128xf32, #tpu.memory_space<vmem>>) target_semaphore(%arg9 : memref<!tpu.dma_semaphore, #tpu.memory_space<semaphore_mem>>)
    %dma_wait3A_1937 = arith.constant 0 : i32
    %dma_wait3A_1938 = tpu.memref_slice %arg3[%dma_wait3A_1937, %multiple_of3A_1833] : memref<64x100000xf32, #tpu.memory_space<hbm>> -> memref<64x128xf32, #tpu.memory_space<hbm>>
    %dma_wait3A_1939 = arith.constant 0 : i32
    %dma_wait3A_1940 = tpu.memref_slice %arg3[%dma_wait3A_1939, %multiple_of3A_1833] : memref<64x100000xf32, #tpu.memory_space<hbm>> -> memref<64x128xf32, #tpu.memory_space<hbm>>
    tpu.wait_dma2 semaphore(%arg10 : memref<!tpu.dma_semaphore, #tpu.memory_space<semaphore_mem>>) src(%dma_wait3A_1940 : memref<64x128xf32, #tpu.memory_space<hbm>>) dst(%arg7 : memref<64x128xf32, #tpu.memory_space<vmem>>)
    %slice3A_1941 = vector.extract_strided_slice %get3A_1573 {offsets = [3], sizes = [1], strides = [1]} : vector<16xi32> to vector<1xi32>
    %squeeze3A_1942 = vector.extract %slice3A_1941[0] : i32 from vector<1xi32>
    %jit3A_1943 = arith.constant 128 : i32
    %div3A_1944 = arith.divsi %squeeze3A_1942, %jit3A_1943 : i32
    %sign3A_1945 = arith.constant 0 : i32
    %sign3A_1946 = arith.cmpi sgt, %squeeze3A_1942, %sign3A_1945 : i32
    %sign3A_1947 = arith.extui %sign3A_1946 : i1 to i32
    %sign3A_1948 = arith.constant 0 : i32
    %sign3A_1949 = arith.cmpi slt, %squeeze3A_1942, %sign3A_1948 : i32
    %sign3A_1950 = arith.extui %sign3A_1949 : i1 to i32
    %sign3A_1951 = arith.subi %sign3A_1947, %sign3A_1950 : i32
    %sign3A_1952 = arith.constant 0 : i32
    %sign3A_1953 = arith.cmpi sgt, %jit3A_1943, %sign3A_1952 : i32
    %sign3A_1954 = arith.extui %sign3A_1953 : i1 to i32
    %sign3A_1955 = arith.constant 0 : i32
    %sign3A_1956 = arith.cmpi slt, %jit3A_1943, %sign3A_1955 : i32
    %sign3A_1957 = arith.extui %sign3A_1956 : i1 to i32
    %sign3A_1958 = arith.subi %sign3A_1954, %sign3A_1957 : i32
    %ne3A_1959 = arith.cmpi ne, %sign3A_1951, %sign3A_1958 : i32
    %rem3A_1960 = arith.remsi %squeeze3A_1942, %jit3A_1943 : i32
    %ne3A_1961 = arith.constant 0 : i32
    %ne3A_1962 = arith.cmpi ne, %rem3A_1960, %ne3A_1961 : i32
    %and3A_1963 = arith.andi %ne3A_1959, %ne3A_1962 : i1
    %sub3A_1964 = arith.constant 1 : i32
    %sub3A_1965 = arith.subi %div3A_1944, %sub3A_1964 : i32
    %select_n3A_1966 = arith.select %and3A_1963, %sub3A_1965, %div3A_1944 : i32
    %mul3A_1967 = arith.constant 128 : i32
    %mul3A_1968 = arith.muli %select_n3A_1966, %mul3A_1967 : i32
    %sub3A_1969 = arith.subi %squeeze3A_1942, %mul3A_1968 : i32
    %broadcast_in_dim3A_1970 = vector.broadcast %sub3A_1969 : i32 to vector<16xi32>
    %add3A_1971 = arith.constant 0 : i32
    %add3A_1972 = vector.broadcast %add3A_1971 : i32 to vector<16xi32>
    %add3A_1973 = arith.addi %iota3A, %add3A_1972 : vector<16xi32>
    %gather3A_1974 = tpu.vector_load_idx %arg7[%add3A_1973, %broadcast_in_dim3A_1970] : memref<64x128xf32, #tpu.memory_space<vmem>>[vector<16xi32>, vector<16xi32>], vector<16xf32>,
    %swap3A_1975 = arith.constant 19 : i32
    %swap3A_1976 = arith.index_cast %swap3A_1975 : i32 to index
    %swap3A_1977 = arith.constant 0 : index
    %swap3A_1978 = tpu.vector_load %arg8[%swap3A_1976, %swap3A_1977] {strides = array<i32>} : memref<32x64xf32, #tpu.memory_space<vmem>>, vector<16xf32>,
    tpu.vector_store %arg8[%swap3A_1976, %swap3A_1977], %gather3A_1974 {strides = array<i32>} : memref<32x64xf32, #tpu.memory_space<vmem>>, vector<16xf32>,
    %add3A_1979 = arith.constant 16 : i32
    %add3A_1980 = vector.broadcast %add3A_1979 : i32 to vector<16xi32>
    %add3A_1981 = arith.addi %iota3A, %add3A_1980 : vector<16xi32>
    %gather3A_1982 = tpu.vector_load_idx %arg7[%add3A_1981, %broadcast_in_dim3A_1970] : memref<64x128xf32, #tpu.memory_space<vmem>>[vector<16xi32>, vector<16xi32>], vector<16xf32>,
    %swap3A_1983 = arith.constant 19 : i32
    %swap3A_1984 = arith.index_cast %swap3A_1983 : i32 to index
    %swap3A_1985 = arith.constant 16 : index
    %swap3A_1986 = tpu.vector_load %arg8[%swap3A_1984, %swap3A_1985] {strides = array<i32>} : memref<32x64xf32, #tpu.memory_space<vmem>>, vector<16xf32>,
    tpu.vector_store %arg8[%swap3A_1984, %swap3A_1985], %gather3A_1982 {strides = array<i32>} : memref<32x64xf32, #tpu.memory_space<vmem>>, vector<16xf32>,
    %add3A_1987 = arith.constant 32 : i32
    %add3A_1988 = vector.broadcast %add3A_1987 : i32 to vector<16xi32>
    %add3A_1989 = arith.addi %iota3A, %add3A_1988 : vector<16xi32>
    %gather3A_1990 = tpu.vector_load_idx %arg7[%add3A_1989, %broadcast_in_dim3A_1970] : memref<64x128xf32, #tpu.memory_space<vmem>>[vector<16xi32>, vector<16xi32>], vector<16xf32>,
    %swap3A_1991 = arith.constant 19 : i32
    %swap3A_1992 = arith.index_cast %swap3A_1991 : i32 to index
    %swap3A_1993 = arith.constant 32 : index
    %swap3A_1994 = tpu.vector_load %arg8[%swap3A_1992, %swap3A_1993] {strides = array<i32>} : memref<32x64xf32, #tpu.memory_space<vmem>>, vector<16xf32>,
    tpu.vector_store %arg8[%swap3A_1992, %swap3A_1993], %gather3A_1990 {strides = array<i32>} : memref<32x64xf32, #tpu.memory_space<vmem>>, vector<16xf32>,
    %add3A_1995 = arith.constant 48 : i32
    %add3A_1996 = vector.broadcast %add3A_1995 : i32 to vector<16xi32>
    %add3A_1997 = arith.addi %iota3A, %add3A_1996 : vector<16xi32>
    %gather3A_1998 = tpu.vector_load_idx %arg7[%add3A_1997, %broadcast_in_dim3A_1970] : memref<64x128xf32, #tpu.memory_space<vmem>>[vector<16xi32>, vector<16xi32>], vector<16xf32>,
    %swap3A_1999 = arith.constant 19 : i32
    %swap3A_2000 = arith.index_cast %swap3A_1999 : i32 to index
    %swap3A_2001 = arith.constant 48 : index
    %swap3A_2002 = tpu.vector_load %arg8[%swap3A_2000, %swap3A_2001] {strides = array<i32>} : memref<32x64xf32, #tpu.memory_space<vmem>>, vector<16xf32>,
    tpu.vector_store %arg8[%swap3A_2000, %swap3A_2001], %gather3A_1998 {strides = array<i32>} : memref<32x64xf32, #tpu.memory_space<vmem>>, vector<16xf32>,
    %slice3A_2003 = vector.extract_strided_slice %get3A_1573 {offsets = [5], sizes = [1], strides = [1]} : vector<16xi32> to vector<1xi32>
    %squeeze3A_2004 = vector.extract %slice3A_2003[0] : i32 from vector<1xi32>
    %jit3A_2005 = arith.constant 128 : i32
    %div3A_2006 = arith.divsi %squeeze3A_2004, %jit3A_2005 : i32
    %sign3A_2007 = arith.constant 0 : i32
    %sign3A_2008 = arith.cmpi sgt, %squeeze3A_2004, %sign3A_2007 : i32
    %sign3A_2009 = arith.extui %sign3A_2008 : i1 to i32
    %sign3A_2010 = arith.constant 0 : i32
    %sign3A_2011 = arith.cmpi slt, %squeeze3A_2004, %sign3A_2010 : i32
    %sign3A_2012 = arith.extui %sign3A_2011 : i1 to i32
    %sign3A_2013 = arith.subi %sign3A_2009, %sign3A_2012 : i32
    %sign3A_2014 = arith.constant 0 : i32
    %sign3A_2015 = arith.cmpi sgt, %jit3A_2005, %sign3A_2014 : i32
    %sign3A_2016 = arith.extui %sign3A_2015 : i1 to i32
    %sign3A_2017 = arith.constant 0 : i32
    %sign3A_2018 = arith.cmpi slt, %jit3A_2005, %sign3A_2017 : i32
    %sign3A_2019 = arith.extui %sign3A_2018 : i1 to i32
    %sign3A_2020 = arith.subi %sign3A_2016, %sign3A_2019 : i32
    %ne3A_2021 = arith.cmpi ne, %sign3A_2013, %sign3A_2020 : i32
    %rem3A_2022 = arith.remsi %squeeze3A_2004, %jit3A_2005 : i32
    %ne3A_2023 = arith.constant 0 : i32
    %ne3A_2024 = arith.cmpi ne, %rem3A_2022, %ne3A_2023 : i32
    %and3A_2025 = arith.andi %ne3A_2021, %ne3A_2024 : i1
    %sub3A_2026 = arith.constant 1 : i32
    %sub3A_2027 = arith.subi %div3A_2006, %sub3A_2026 : i32
    %select_n3A_2028 = arith.select %and3A_2025, %sub3A_2027, %div3A_2006 : i32
    %mul3A_2029 = arith.constant 128 : i32
    %mul3A_2030 = arith.muli %select_n3A_2028, %mul3A_2029 : i32
    %multiple_of3A_2031 = tpu.assume_multiple %mul3A_2030, 128 : i32
    %dma_start3A_2032 = arith.constant 0 : i32
    %dma_start3A_2033 = tpu.memref_slice %arg3[%dma_start3A_2032, %multiple_of3A_2031] : memref<64x100000xf32, #tpu.memory_space<hbm>> -> memref<64x128xf32, #tpu.memory_space<hbm>>
    %dma_start3A_2034 = arith.constant 0 : i32
    %dma_start3A_2035 = tpu.memref_slice %arg3[%dma_start3A_2034, %multiple_of3A_2031] : memref<64x100000xf32, #tpu.memory_space<hbm>> -> memref<64x128xf32, #tpu.memory_space<hbm>>
    tpu.enqueue_dma source(%dma_start3A_2035 : memref<64x128xf32, #tpu.memory_space<hbm>>) target(%arg7 : memref<64x128xf32, #tpu.memory_space<vmem>>) target_semaphore(%arg10 : memref<!tpu.dma_semaphore, #tpu.memory_space<semaphore_mem>>)
    %dma_wait3A_2036 = arith.constant 0 : i32
    %dma_wait3A_2037 = tpu.memref_slice %arg3[%dma_wait3A_2036, %multiple_of3A_1932] : memref<64x100000xf32, #tpu.memory_space<hbm>> -> memref<64x128xf32, #tpu.memory_space<hbm>>
    %dma_wait3A_2038 = arith.constant 0 : i32
    %dma_wait3A_2039 = tpu.memref_slice %arg3[%dma_wait3A_2038, %multiple_of3A_1932] : memref<64x100000xf32, #tpu.memory_space<hbm>> -> memref<64x128xf32, #tpu.memory_space<hbm>>
    tpu.wait_dma2 semaphore(%arg9 : memref<!tpu.dma_semaphore, #tpu.memory_space<semaphore_mem>>) src(%dma_wait3A_2039 : memref<64x128xf32, #tpu.memory_space<hbm>>) dst(%arg6 : memref<64x128xf32, #tpu.memory_space<vmem>>)
    %slice3A_2040 = vector.extract_strided_slice %get3A_1573 {offsets = [4], sizes = [1], strides = [1]} : vector<16xi32> to vector<1xi32>
    %squeeze3A_2041 = vector.extract %slice3A_2040[0] : i32 from vector<1xi32>
    %jit3A_2042 = arith.constant 128 : i32
    %div3A_2043 = arith.divsi %squeeze3A_2041, %jit3A_2042 : i32
    %sign3A_2044 = arith.constant 0 : i32
    %sign3A_2045 = arith.cmpi sgt, %squeeze3A_2041, %sign3A_2044 : i32
    %sign3A_2046 = arith.extui %sign3A_2045 : i1 to i32
    %sign3A_2047 = arith.constant 0 : i32
    %sign3A_2048 = arith.cmpi slt, %squeeze3A_2041, %sign3A_2047 : i32
    %sign3A_2049 = arith.extui %sign3A_2048 : i1 to i32
    %sign3A_2050 = arith.subi %sign3A_2046, %sign3A_2049 : i32
    %sign3A_2051 = arith.constant 0 : i32
    %sign3A_2052 = arith.cmpi sgt, %jit3A_2042, %sign3A_2051 : i32
    %sign3A_2053 = arith.extui %sign3A_2052 : i1 to i32
    %sign3A_2054 = arith.constant 0 : i32
    %sign3A_2055 = arith.cmpi slt, %jit3A_2042, %sign3A_2054 : i32
    %sign3A_2056 = arith.extui %sign3A_2055 : i1 to i32
    %sign3A_2057 = arith.subi %sign3A_2053, %sign3A_2056 : i32
    %ne3A_2058 = arith.cmpi ne, %sign3A_2050, %sign3A_2057 : i32
    %rem3A_2059 = arith.remsi %squeeze3A_2041, %jit3A_2042 : i32
    %ne3A_2060 = arith.constant 0 : i32
    %ne3A_2061 = arith.cmpi ne, %rem3A_2059, %ne3A_2060 : i32
    %and3A_2062 = arith.andi %ne3A_2058, %ne3A_2061 : i1
    %sub3A_2063 = arith.constant 1 : i32
    %sub3A_2064 = arith.subi %div3A_2043, %sub3A_2063 : i32
    %select_n3A_2065 = arith.select %and3A_2062, %sub3A_2064, %div3A_2043 : i32
    %mul3A_2066 = arith.constant 128 : i32
    %mul3A_2067 = arith.muli %select_n3A_2065, %mul3A_2066 : i32
    %sub3A_2068 = arith.subi %squeeze3A_2041, %mul3A_2067 : i32
    %broadcast_in_dim3A_2069 = vector.broadcast %sub3A_2068 : i32 to vector<16xi32>
    %add3A_2070 = arith.constant 0 : i32
    %add3A_2071 = vector.broadcast %add3A_2070 : i32 to vector<16xi32>
    %add3A_2072 = arith.addi %iota3A, %add3A_2071 : vector<16xi32>
    %gather3A_2073 = tpu.vector_load_idx %arg6[%add3A_2072, %broadcast_in_dim3A_2069] : memref<64x128xf32, #tpu.memory_space<vmem>>[vector<16xi32>, vector<16xi32>], vector<16xf32>,
    %swap3A_2074 = arith.constant 20 : i32
    %swap3A_2075 = arith.index_cast %swap3A_2074 : i32 to index
    %swap3A_2076 = arith.constant 0 : index
    %swap3A_2077 = tpu.vector_load %arg8[%swap3A_2075, %swap3A_2076] {strides = array<i32>} : memref<32x64xf32, #tpu.memory_space<vmem>>, vector<16xf32>,
    tpu.vector_store %arg8[%swap3A_2075, %swap3A_2076], %gather3A_2073 {strides = array<i32>} : memref<32x64xf32, #tpu.memory_space<vmem>>, vector<16xf32>,
    %add3A_2078 = arith.constant 16 : i32
    %add3A_2079 = vector.broadcast %add3A_2078 : i32 to vector<16xi32>
    %add3A_2080 = arith.addi %iota3A, %add3A_2079 : vector<16xi32>
    %gather3A_2081 = tpu.vector_load_idx %arg6[%add3A_2080, %broadcast_in_dim3A_2069] : memref<64x128xf32, #tpu.memory_space<vmem>>[vector<16xi32>, vector<16xi32>], vector<16xf32>,
    %swap3A_2082 = arith.constant 20 : i32
    %swap3A_2083 = arith.index_cast %swap3A_2082 : i32 to index
    %swap3A_2084 = arith.constant 16 : index
    %swap3A_2085 = tpu.vector_load %arg8[%swap3A_2083, %swap3A_2084] {strides = array<i32>} : memref<32x64xf32, #tpu.memory_space<vmem>>, vector<16xf32>,
    tpu.vector_store %arg8[%swap3A_2083, %swap3A_2084], %gather3A_2081 {strides = array<i32>} : memref<32x64xf32, #tpu.memory_space<vmem>>, vector<16xf32>,
    %add3A_2086 = arith.constant 32 : i32
    %add3A_2087 = vector.broadcast %add3A_2086 : i32 to vector<16xi32>
    %add3A_2088 = arith.addi %iota3A, %add3A_2087 : vector<16xi32>
    %gather3A_2089 = tpu.vector_load_idx %arg6[%add3A_2088, %broadcast_in_dim3A_2069] : memref<64x128xf32, #tpu.memory_space<vmem>>[vector<16xi32>, vector<16xi32>], vector<16xf32>,
    %swap3A_2090 = arith.constant 20 : i32
    %swap3A_2091 = arith.index_cast %swap3A_2090 : i32 to index
    %swap3A_2092 = arith.constant 32 : index
    %swap3A_2093 = tpu.vector_load %arg8[%swap3A_2091, %swap3A_2092] {strides = array<i32>} : memref<32x64xf32, #tpu.memory_space<vmem>>, vector<16xf32>,
    tpu.vector_store %arg8[%swap3A_2091, %swap3A_2092], %gather3A_2089 {strides = array<i32>} : memref<32x64xf32, #tpu.memory_space<vmem>>, vector<16xf32>,
    %add3A_2094 = arith.constant 48 : i32
    %add3A_2095 = vector.broadcast %add3A_2094 : i32 to vector<16xi32>
    %add3A_2096 = arith.addi %iota3A, %add3A_2095 : vector<16xi32>
    %gather3A_2097 = tpu.vector_load_idx %arg6[%add3A_2096, %broadcast_in_dim3A_2069] : memref<64x128xf32, #tpu.memory_space<vmem>>[vector<16xi32>, vector<16xi32>], vector<16xf32>,
    %swap3A_2098 = arith.constant 20 : i32
    %swap3A_2099 = arith.index_cast %swap3A_2098 : i32 to index
    %swap3A_2100 = arith.constant 48 : index
    %swap3A_2101 = tpu.vector_load %arg8[%swap3A_2099, %swap3A_2100] {strides = array<i32>} : memref<32x64xf32, #tpu.memory_space<vmem>>, vector<16xf32>,
    tpu.vector_store %arg8[%swap3A_2099, %swap3A_2100], %gather3A_2097 {strides = array<i32>} : memref<32x64xf32, #tpu.memory_space<vmem>>, vector<16xf32>,
    %slice3A_2102 = vector.extract_strided_slice %get3A_1573 {offsets = [6], sizes = [1], strides = [1]} : vector<16xi32> to vector<1xi32>
    %squeeze3A_2103 = vector.extract %slice3A_2102[0] : i32 from vector<1xi32>
    %jit3A_2104 = arith.constant 128 : i32
    %div3A_2105 = arith.divsi %squeeze3A_2103, %jit3A_2104 : i32
    %sign3A_2106 = arith.constant 0 : i32
    %sign3A_2107 = arith.cmpi sgt, %squeeze3A_2103, %sign3A_2106 : i32
    %sign3A_2108 = arith.extui %sign3A_2107 : i1 to i32
    %sign3A_2109 = arith.constant 0 : i32
    %sign3A_2110 = arith.cmpi slt, %squeeze3A_2103, %sign3A_2109 : i32
    %sign3A_2111 = arith.extui %sign3A_2110 : i1 to i32
    %sign3A_2112 = arith.subi %sign3A_2108, %sign3A_2111 : i32
    %sign3A_2113 = arith.constant 0 : i32
    %sign3A_2114 = arith.cmpi sgt, %jit3A_2104, %sign3A_2113 : i32
    %sign3A_2115 = arith.extui %sign3A_2114 : i1 to i32
    %sign3A_2116 = arith.constant 0 : i32
    %sign3A_2117 = arith.cmpi slt, %jit3A_2104, %sign3A_2116 : i32
    %sign3A_2118 = arith.extui %sign3A_2117 : i1 to i32
    %sign3A_2119 = arith.subi %sign3A_2115, %sign3A_2118 : i32
    %ne3A_2120 = arith.cmpi ne, %sign3A_2112, %sign3A_2119 : i32
    %rem3A_2121 = arith.remsi %squeeze3A_2103, %jit3A_2104 : i32
    %ne3A_2122 = arith.constant 0 : i32
    %ne3A_2123 = arith.cmpi ne, %rem3A_2121, %ne3A_2122 : i32
    %and3A_2124 = arith.andi %ne3A_2120, %ne3A_2123 : i1
    %sub3A_2125 = arith.constant 1 : i32
    %sub3A_2126 = arith.subi %div3A_2105, %sub3A_2125 : i32
    %select_n3A_2127 = arith.select %and3A_2124, %sub3A_2126, %div3A_2105 : i32
    %mul3A_2128 = arith.constant 128 : i32
    %mul3A_2129 = arith.muli %select_n3A_2127, %mul3A_2128 : i32
    %multiple_of3A_2130 = tpu.assume_multiple %mul3A_2129, 128 : i32
    %dma_start3A_2131 = arith.constant 0 : i32
    %dma_start3A_2132 = tpu.memref_slice %arg3[%dma_start3A_2131, %multiple_of3A_2130] : memref<64x100000xf32, #tpu.memory_space<hbm>> -> memref<64x128xf32, #tpu.memory_space<hbm>>
    %dma_start3A_2133 = arith.constant 0 : i32
    %dma_start3A_2134 = tpu.memref_slice %arg3[%dma_start3A_2133, %multiple_of3A_2130] : memref<64x100000xf32, #tpu.memory_space<hbm>> -> memref<64x128xf32, #tpu.memory_space<hbm>>
    tpu.enqueue_dma source(%dma_start3A_2134 : memref<64x128xf32, #tpu.memory_space<hbm>>) target(%arg6 : memref<64x128xf32, #tpu.memory_space<vmem>>) target_semaphore(%arg9 : memref<!tpu.dma_semaphore, #tpu.memory_space<semaphore_mem>>)
    %dma_wait3A_2135 = arith.constant 0 : i32
    %dma_wait3A_2136 = tpu.memref_slice %arg3[%dma_wait3A_2135, %multiple_of3A_2031] : memref<64x100000xf32, #tpu.memory_space<hbm>> -> memref<64x128xf32, #tpu.memory_space<hbm>>
    %dma_wait3A_2137 = arith.constant 0 : i32
    %dma_wait3A_2138 = tpu.memref_slice %arg3[%dma_wait3A_2137, %multiple_of3A_2031] : memref<64x100000xf32, #tpu.memory_space<hbm>> -> memref<64x128xf32, #tpu.memory_space<hbm>>
    tpu.wait_dma2 semaphore(%arg10 : memref<!tpu.dma_semaphore, #tpu.memory_space<semaphore_mem>>) src(%dma_wait3A_2138 : memref<64x128xf32, #tpu.memory_space<hbm>>) dst(%arg7 : memref<64x128xf32, #tpu.memory_space<vmem>>)
    %slice3A_2139 = vector.extract_strided_slice %get3A_1573 {offsets = [5], sizes = [1], strides = [1]} : vector<16xi32> to vector<1xi32>
    %squeeze3A_2140 = vector.extract %slice3A_2139[0] : i32 from vector<1xi32>
    %jit3A_2141 = arith.constant 128 : i32
    %div3A_2142 = arith.divsi %squeeze3A_2140, %jit3A_2141 : i32
    %sign3A_2143 = arith.constant 0 : i32
    %sign3A_2144 = arith.cmpi sgt, %squeeze3A_2140, %sign3A_2143 : i32
    %sign3A_2145 = arith.extui %sign3A_2144 : i1 to i32
    %sign3A_2146 = arith.constant 0 : i32
    %sign3A_2147 = arith.cmpi slt, %squeeze3A_2140, %sign3A_2146 : i32
    %sign3A_2148 = arith.extui %sign3A_2147 : i1 to i32
    %sign3A_2149 = arith.subi %sign3A_2145, %sign3A_2148 : i32
    %sign3A_2150 = arith.constant 0 : i32
    %sign3A_2151 = arith.cmpi sgt, %jit3A_2141, %sign3A_2150 : i32
    %sign3A_2152 = arith.extui %sign3A_2151 : i1 to i32
    %sign3A_2153 = arith.constant 0 : i32
    %sign3A_2154 = arith.cmpi slt, %jit3A_2141, %sign3A_2153 : i32
    %sign3A_2155 = arith.extui %sign3A_2154 : i1 to i32
    %sign3A_2156 = arith.subi %sign3A_2152, %sign3A_2155 : i32
    %ne3A_2157 = arith.cmpi ne, %sign3A_2149, %sign3A_2156 : i32
    %rem3A_2158 = arith.remsi %squeeze3A_2140, %jit3A_2141 : i32
    %ne3A_2159 = arith.constant 0 : i32
    %ne3A_2160 = arith.cmpi ne, %rem3A_2158, %ne3A_2159 : i32
    %and3A_2161 = arith.andi %ne3A_2157, %ne3A_2160 : i1
    %sub3A_2162 = arith.constant 1 : i32
    %sub3A_2163 = arith.subi %div3A_2142, %sub3A_2162 : i32
    %select_n3A_2164 = arith.select %and3A_2161, %sub3A_2163, %div3A_2142 : i32
    %mul3A_2165 = arith.constant 128 : i32
    %mul3A_2166 = arith.muli %select_n3A_2164, %mul3A_2165 : i32
    %sub3A_2167 = arith.subi %squeeze3A_2140, %mul3A_2166 : i32
    %broadcast_in_dim3A_2168 = vector.broadcast %sub3A_2167 : i32 to vector<16xi32>
    %add3A_2169 = arith.constant 0 : i32
    %add3A_2170 = vector.broadcast %add3A_2169 : i32 to vector<16xi32>
    %add3A_2171 = arith.addi %iota3A, %add3A_2170 : vector<16xi32>
    %gather3A_2172 = tpu.vector_load_idx %arg7[%add3A_2171, %broadcast_in_dim3A_2168] : memref<64x128xf32, #tpu.memory_space<vmem>>[vector<16xi32>, vector<16xi32>], vector<16xf32>,
    %swap3A_2173 = arith.constant 21 : i32
    %swap3A_2174 = arith.index_cast %swap3A_2173 : i32 to index
    %swap3A_2175 = arith.constant 0 : index
    %swap3A_2176 = tpu.vector_load %arg8[%swap3A_2174, %swap3A_2175] {strides = array<i32>} : memref<32x64xf32, #tpu.memory_space<vmem>>, vector<16xf32>,
    tpu.vector_store %arg8[%swap3A_2174, %swap3A_2175], %gather3A_2172 {strides = array<i32>} : memref<32x64xf32, #tpu.memory_space<vmem>>, vector<16xf32>,
    %add3A_2177 = arith.constant 16 : i32
    %add3A_2178 = vector.broadcast %add3A_2177 : i32 to vector<16xi32>
    %add3A_2179 = arith.addi %iota3A, %add3A_2178 : vector<16xi32>
    %gather3A_2180 = tpu.vector_load_idx %arg7[%add3A_2179, %broadcast_in_dim3A_2168] : memref<64x128xf32, #tpu.memory_space<vmem>>[vector<16xi32>, vector<16xi32>], vector<16xf32>,
    %swap3A_2181 = arith.constant 21 : i32
    %swap3A_2182 = arith.index_cast %swap3A_2181 : i32 to index
    %swap3A_2183 = arith.constant 16 : index
    %swap3A_2184 = tpu.vector_load %arg8[%swap3A_2182, %swap3A_2183] {strides = array<i32>} : memref<32x64xf32, #tpu.memory_space<vmem>>, vector<16xf32>,
    tpu.vector_store %arg8[%swap3A_2182, %swap3A_2183], %gather3A_2180 {strides = array<i32>} : memref<32x64xf32, #tpu.memory_space<vmem>>, vector<16xf32>,
    %add3A_2185 = arith.constant 32 : i32
    %add3A_2186 = vector.broadcast %add3A_2185 : i32 to vector<16xi32>
    %add3A_2187 = arith.addi %iota3A, %add3A_2186 : vector<16xi32>
    %gather3A_2188 = tpu.vector_load_idx %arg7[%add3A_2187, %broadcast_in_dim3A_2168] : memref<64x128xf32, #tpu.memory_space<vmem>>[vector<16xi32>, vector<16xi32>], vector<16xf32>,
    %swap3A_2189 = arith.constant 21 : i32
    %swap3A_2190 = arith.index_cast %swap3A_2189 : i32 to index
    %swap3A_2191 = arith.constant 32 : index
    %swap3A_2192 = tpu.vector_load %arg8[%swap3A_2190, %swap3A_2191] {strides = array<i32>} : memref<32x64xf32, #tpu.memory_space<vmem>>, vector<16xf32>,
    tpu.vector_store %arg8[%swap3A_2190, %swap3A_2191], %gather3A_2188 {strides = array<i32>} : memref<32x64xf32, #tpu.memory_space<vmem>>, vector<16xf32>,
    %add3A_2193 = arith.constant 48 : i32
    %add3A_2194 = vector.broadcast %add3A_2193 : i32 to vector<16xi32>
    %add3A_2195 = arith.addi %iota3A, %add3A_2194 : vector<16xi32>
    %gather3A_2196 = tpu.vector_load_idx %arg7[%add3A_2195, %broadcast_in_dim3A_2168] : memref<64x128xf32, #tpu.memory_space<vmem>>[vector<16xi32>, vector<16xi32>], vector<16xf32>,
    %swap3A_2197 = arith.constant 21 : i32
    %swap3A_2198 = arith.index_cast %swap3A_2197 : i32 to index
    %swap3A_2199 = arith.constant 48 : index
    %swap3A_2200 = tpu.vector_load %arg8[%swap3A_2198, %swap3A_2199] {strides = array<i32>} : memref<32x64xf32, #tpu.memory_space<vmem>>, vector<16xf32>,
    tpu.vector_store %arg8[%swap3A_2198, %swap3A_2199], %gather3A_2196 {strides = array<i32>} : memref<32x64xf32, #tpu.memory_space<vmem>>, vector<16xf32>,
    %slice3A_2201 = vector.extract_strided_slice %get3A_1573 {offsets = [7], sizes = [1], strides = [1]} : vector<16xi32> to vector<1xi32>
    %squeeze3A_2202 = vector.extract %slice3A_2201[0] : i32 from vector<1xi32>
    %jit3A_2203 = arith.constant 128 : i32
    %div3A_2204 = arith.divsi %squeeze3A_2202, %jit3A_2203 : i32
    %sign3A_2205 = arith.constant 0 : i32
    %sign3A_2206 = arith.cmpi sgt, %squeeze3A_2202, %sign3A_2205 : i32
    %sign3A_2207 = arith.extui %sign3A_2206 : i1 to i32
    %sign3A_2208 = arith.constant 0 : i32
    %sign3A_2209 = arith.cmpi slt, %squeeze3A_2202, %sign3A_2208 : i32
    %sign3A_2210 = arith.extui %sign3A_2209 : i1 to i32
    %sign3A_2211 = arith.subi %sign3A_2207, %sign3A_2210 : i32
    %sign3A_2212 = arith.constant 0 : i32
    %sign3A_2213 = arith.cmpi sgt, %jit3A_2203, %sign3A_2212 : i32
    %sign3A_2214 = arith.extui %sign3A_2213 : i1 to i32
    %sign3A_2215 = arith.constant 0 : i32
    %sign3A_2216 = arith.cmpi slt, %jit3A_2203, %sign3A_2215 : i32
    %sign3A_2217 = arith.extui %sign3A_2216 : i1 to i32
    %sign3A_2218 = arith.subi %sign3A_2214, %sign3A_2217 : i32
    %ne3A_2219 = arith.cmpi ne, %sign3A_2211, %sign3A_2218 : i32
    %rem3A_2220 = arith.remsi %squeeze3A_2202, %jit3A_2203 : i32
    %ne3A_2221 = arith.constant 0 : i32
    %ne3A_2222 = arith.cmpi ne, %rem3A_2220, %ne3A_2221 : i32
    %and3A_2223 = arith.andi %ne3A_2219, %ne3A_2222 : i1
    %sub3A_2224 = arith.constant 1 : i32
    %sub3A_2225 = arith.subi %div3A_2204, %sub3A_2224 : i32
    %select_n3A_2226 = arith.select %and3A_2223, %sub3A_2225, %div3A_2204 : i32
    %mul3A_2227 = arith.constant 128 : i32
    %mul3A_2228 = arith.muli %select_n3A_2226, %mul3A_2227 : i32
    %multiple_of3A_2229 = tpu.assume_multiple %mul3A_2228, 128 : i32
    %dma_start3A_2230 = arith.constant 0 : i32
    %dma_start3A_2231 = tpu.memref_slice %arg3[%dma_start3A_2230, %multiple_of3A_2229] : memref<64x100000xf32, #tpu.memory_space<hbm>> -> memref<64x128xf32, #tpu.memory_space<hbm>>
    %dma_start3A_2232 = arith.constant 0 : i32
    %dma_start3A_2233 = tpu.memref_slice %arg3[%dma_start3A_2232, %multiple_of3A_2229] : memref<64x100000xf32, #tpu.memory_space<hbm>> -> memref<64x128xf32, #tpu.memory_space<hbm>>
    tpu.enqueue_dma source(%dma_start3A_2233 : memref<64x128xf32, #tpu.memory_space<hbm>>) target(%arg7 : memref<64x128xf32, #tpu.memory_space<vmem>>) target_semaphore(%arg10 : memref<!tpu.dma_semaphore, #tpu.memory_space<semaphore_mem>>)
    %dma_wait3A_2234 = arith.constant 0 : i32
    %dma_wait3A_2235 = tpu.memref_slice %arg3[%dma_wait3A_2234, %multiple_of3A_2130] : memref<64x100000xf32, #tpu.memory_space<hbm>> -> memref<64x128xf32, #tpu.memory_space<hbm>>
    %dma_wait3A_2236 = arith.constant 0 : i32
    %dma_wait3A_2237 = tpu.memref_slice %arg3[%dma_wait3A_2236, %multiple_of3A_2130] : memref<64x100000xf32, #tpu.memory_space<hbm>> -> memref<64x128xf32, #tpu.memory_space<hbm>>
    tpu.wait_dma2 semaphore(%arg9 : memref<!tpu.dma_semaphore, #tpu.memory_space<semaphore_mem>>) src(%dma_wait3A_2237 : memref<64x128xf32, #tpu.memory_space<hbm>>) dst(%arg6 : memref<64x128xf32, #tpu.memory_space<vmem>>)
    %slice3A_2238 = vector.extract_strided_slice %get3A_1573 {offsets = [6], sizes = [1], strides = [1]} : vector<16xi32> to vector<1xi32>
    %squeeze3A_2239 = vector.extract %slice3A_2238[0] : i32 from vector<1xi32>
    %jit3A_2240 = arith.constant 128 : i32
    %div3A_2241 = arith.divsi %squeeze3A_2239, %jit3A_2240 : i32
    %sign3A_2242 = arith.constant 0 : i32
    %sign3A_2243 = arith.cmpi sgt, %squeeze3A_2239, %sign3A_2242 : i32
    %sign3A_2244 = arith.extui %sign3A_2243 : i1 to i32
    %sign3A_2245 = arith.constant 0 : i32
    %sign3A_2246 = arith.cmpi slt, %squeeze3A_2239, %sign3A_2245 : i32
    %sign3A_2247 = arith.extui %sign3A_2246 : i1 to i32
    %sign3A_2248 = arith.subi %sign3A_2244, %sign3A_2247 : i32
    %sign3A_2249 = arith.constant 0 : i32
    %sign3A_2250 = arith.cmpi sgt, %jit3A_2240, %sign3A_2249 : i32
    %sign3A_2251 = arith.extui %sign3A_2250 : i1 to i32
    %sign3A_2252 = arith.constant 0 : i32
    %sign3A_2253 = arith.cmpi slt, %jit3A_2240, %sign3A_2252 : i32
    %sign3A_2254 = arith.extui %sign3A_2253 : i1 to i32
    %sign3A_2255 = arith.subi %sign3A_2251, %sign3A_2254 : i32
    %ne3A_2256 = arith.cmpi ne, %sign3A_2248, %sign3A_2255 : i32
    %rem3A_2257 = arith.remsi %squeeze3A_2239, %jit3A_2240 : i32
    %ne3A_2258 = arith.constant 0 : i32
    %ne3A_2259 = arith.cmpi ne, %rem3A_2257, %ne3A_2258 : i32
    %and3A_2260 = arith.andi %ne3A_2256, %ne3A_2259 : i1
    %sub3A_2261 = arith.constant 1 : i32
    %sub3A_2262 = arith.subi %div3A_2241, %sub3A_2261 : i32
    %select_n3A_2263 = arith.select %and3A_2260, %sub3A_2262, %div3A_2241 : i32
    %mul3A_2264 = arith.constant 128 : i32
    %mul3A_2265 = arith.muli %select_n3A_2263, %mul3A_2264 : i32
    %sub3A_2266 = arith.subi %squeeze3A_2239, %mul3A_2265 : i32
    %broadcast_in_dim3A_2267 = vector.broadcast %sub3A_2266 : i32 to vector<16xi32>
    %add3A_2268 = arith.constant 0 : i32
    %add3A_2269 = vector.broadcast %add3A_2268 : i32 to vector<16xi32>
    %add3A_2270 = arith.addi %iota3A, %add3A_2269 : vector<16xi32>
    %gather3A_2271 = tpu.vector_load_idx %arg6[%add3A_2270, %broadcast_in_dim3A_2267] : memref<64x128xf32, #tpu.memory_space<vmem>>[vector<16xi32>, vector<16xi32>], vector<16xf32>,
    %swap3A_2272 = arith.constant 22 : i32
    %swap3A_2273 = arith.index_cast %swap3A_2272 : i32 to index
    %swap3A_2274 = arith.constant 0 : index
    %swap3A_2275 = tpu.vector_load %arg8[%swap3A_2273, %swap3A_2274] {strides = array<i32>} : memref<32x64xf32, #tpu.memory_space<vmem>>, vector<16xf32>,
    tpu.vector_store %arg8[%swap3A_2273, %swap3A_2274], %gather3A_2271 {strides = array<i32>} : memref<32x64xf32, #tpu.memory_space<vmem>>, vector<16xf32>,
    %add3A_2276 = arith.constant 16 : i32
    %add3A_2277 = vector.broadcast %add3A_2276 : i32 to vector<16xi32>
    %add3A_2278 = arith.addi %iota3A, %add3A_2277 : vector<16xi32>
    %gather3A_2279 = tpu.vector_load_idx %arg6[%add3A_2278, %broadcast_in_dim3A_2267] : memref<64x128xf32, #tpu.memory_space<vmem>>[vector<16xi32>, vector<16xi32>], vector<16xf32>,
    %swap3A_2280 = arith.constant 22 : i32
    %swap3A_2281 = arith.index_cast %swap3A_2280 : i32 to index
    %swap3A_2282 = arith.constant 16 : index
    %swap3A_2283 = tpu.vector_load %arg8[%swap3A_2281, %swap3A_2282] {strides = array<i32>} : memref<32x64xf32, #tpu.memory_space<vmem>>, vector<16xf32>,
    tpu.vector_store %arg8[%swap3A_2281, %swap3A_2282], %gather3A_2279 {strides = array<i32>} : memref<32x64xf32, #tpu.memory_space<vmem>>, vector<16xf32>,
    %add3A_2284 = arith.constant 32 : i32
    %add3A_2285 = vector.broadcast %add3A_2284 : i32 to vector<16xi32>
    %add3A_2286 = arith.addi %iota3A, %add3A_2285 : vector<16xi32>
    %gather3A_2287 = tpu.vector_load_idx %arg6[%add3A_2286, %broadcast_in_dim3A_2267] : memref<64x128xf32, #tpu.memory_space<vmem>>[vector<16xi32>, vector<16xi32>], vector<16xf32>,
    %swap3A_2288 = arith.constant 22 : i32
    %swap3A_2289 = arith.index_cast %swap3A_2288 : i32 to index
    %swap3A_2290 = arith.constant 32 : index
    %swap3A_2291 = tpu.vector_load %arg8[%swap3A_2289, %swap3A_2290] {strides = array<i32>} : memref<32x64xf32, #tpu.memory_space<vmem>>, vector<16xf32>,
    tpu.vector_store %arg8[%swap3A_2289, %swap3A_2290], %gather3A_2287 {strides = array<i32>} : memref<32x64xf32, #tpu.memory_space<vmem>>, vector<16xf32>,
    %add3A_2292 = arith.constant 48 : i32
    %add3A_2293 = vector.broadcast %add3A_2292 : i32 to vector<16xi32>
    %add3A_2294 = arith.addi %iota3A, %add3A_2293 : vector<16xi32>
    %gather3A_2295 = tpu.vector_load_idx %arg6[%add3A_2294, %broadcast_in_dim3A_2267] : memref<64x128xf32, #tpu.memory_space<vmem>>[vector<16xi32>, vector<16xi32>], vector<16xf32>,
    %swap3A_2296 = arith.constant 22 : i32
    %swap3A_2297 = arith.index_cast %swap3A_2296 : i32 to index
    %swap3A_2298 = arith.constant 48 : index
    %swap3A_2299 = tpu.vector_load %arg8[%swap3A_2297, %swap3A_2298] {strides = array<i32>} : memref<32x64xf32, #tpu.memory_space<vmem>>, vector<16xf32>,
    tpu.vector_store %arg8[%swap3A_2297, %swap3A_2298], %gather3A_2295 {strides = array<i32>} : memref<32x64xf32, #tpu.memory_space<vmem>>, vector<16xf32>,
    %slice3A_2300 = vector.extract_strided_slice %get3A_1573 {offsets = [8], sizes = [1], strides = [1]} : vector<16xi32> to vector<1xi32>
    %squeeze3A_2301 = vector.extract %slice3A_2300[0] : i32 from vector<1xi32>
    %jit3A_2302 = arith.constant 128 : i32
    %div3A_2303 = arith.divsi %squeeze3A_2301, %jit3A_2302 : i32
    %sign3A_2304 = arith.constant 0 : i32
    %sign3A_2305 = arith.cmpi sgt, %squeeze3A_2301, %sign3A_2304 : i32
    %sign3A_2306 = arith.extui %sign3A_2305 : i1 to i32
    %sign3A_2307 = arith.constant 0 : i32
    %sign3A_2308 = arith.cmpi slt, %squeeze3A_2301, %sign3A_2307 : i32
    %sign3A_2309 = arith.extui %sign3A_2308 : i1 to i32
    %sign3A_2310 = arith.subi %sign3A_2306, %sign3A_2309 : i32
    %sign3A_2311 = arith.constant 0 : i32
    %sign3A_2312 = arith.cmpi sgt, %jit3A_2302, %sign3A_2311 : i32
    %sign3A_2313 = arith.extui %sign3A_2312 : i1 to i32
    %sign3A_2314 = arith.constant 0 : i32
    %sign3A_2315 = arith.cmpi slt, %jit3A_2302, %sign3A_2314 : i32
    %sign3A_2316 = arith.extui %sign3A_2315 : i1 to i32
    %sign3A_2317 = arith.subi %sign3A_2313, %sign3A_2316 : i32
    %ne3A_2318 = arith.cmpi ne, %sign3A_2310, %sign3A_2317 : i32
    %rem3A_2319 = arith.remsi %squeeze3A_2301, %jit3A_2302 : i32
    %ne3A_2320 = arith.constant 0 : i32
    %ne3A_2321 = arith.cmpi ne, %rem3A_2319, %ne3A_2320 : i32
    %and3A_2322 = arith.andi %ne3A_2318, %ne3A_2321 : i1
    %sub3A_2323 = arith.constant 1 : i32
    %sub3A_2324 = arith.subi %div3A_2303, %sub3A_2323 : i32
    %select_n3A_2325 = arith.select %and3A_2322, %sub3A_2324, %div3A_2303 : i32
    %mul3A_2326 = arith.constant 128 : i32
    %mul3A_2327 = arith.muli %select_n3A_2325, %mul3A_2326 : i32
    %multiple_of3A_2328 = tpu.assume_multiple %mul3A_2327, 128 : i32
    %dma_start3A_2329 = arith.constant 0 : i32
    %dma_start3A_2330 = tpu.memref_slice %arg3[%dma_start3A_2329, %multiple_of3A_2328] : memref<64x100000xf32, #tpu.memory_space<hbm>> -> memref<64x128xf32, #tpu.memory_space<hbm>>
    %dma_start3A_2331 = arith.constant 0 : i32
    %dma_start3A_2332 = tpu.memref_slice %arg3[%dma_start3A_2331, %multiple_of3A_2328] : memref<64x100000xf32, #tpu.memory_space<hbm>> -> memref<64x128xf32, #tpu.memory_space<hbm>>
    tpu.enqueue_dma source(%dma_start3A_2332 : memref<64x128xf32, #tpu.memory_space<hbm>>) target(%arg6 : memref<64x128xf32, #tpu.memory_space<vmem>>) target_semaphore(%arg9 : memref<!tpu.dma_semaphore, #tpu.memory_space<semaphore_mem>>)
    %dma_wait3A_2333 = arith.constant 0 : i32
    %dma_wait3A_2334 = tpu.memref_slice %arg3[%dma_wait3A_2333, %multiple_of3A_2229] : memref<64x100000xf32, #tpu.memory_space<hbm>> -> memref<64x128xf32, #tpu.memory_space<hbm>>
    %dma_wait3A_2335 = arith.constant 0 : i32
    %dma_wait3A_2336 = tpu.memref_slice %arg3[%dma_wait3A_2335, %multiple_of3A_2229] : memref<64x100000xf32, #tpu.memory_space<hbm>> -> memref<64x128xf32, #tpu.memory_space<hbm>>
    tpu.wait_dma2 semaphore(%arg10 : memref<!tpu.dma_semaphore, #tpu.memory_space<semaphore_mem>>) src(%dma_wait3A_2336 : memref<64x128xf32, #tpu.memory_space<hbm>>) dst(%arg7 : memref<64x128xf32, #tpu.memory_space<vmem>>)
    %slice3A_2337 = vector.extract_strided_slice %get3A_1573 {offsets = [7], sizes = [1], strides = [1]} : vector<16xi32> to vector<1xi32>
    %squeeze3A_2338 = vector.extract %slice3A_2337[0] : i32 from vector<1xi32>
    %jit3A_2339 = arith.constant 128 : i32
    %div3A_2340 = arith.divsi %squeeze3A_2338, %jit3A_2339 : i32
    %sign3A_2341 = arith.constant 0 : i32
    %sign3A_2342 = arith.cmpi sgt, %squeeze3A_2338, %sign3A_2341 : i32
    %sign3A_2343 = arith.extui %sign3A_2342 : i1 to i32
    %sign3A_2344 = arith.constant 0 : i32
    %sign3A_2345 = arith.cmpi slt, %squeeze3A_2338, %sign3A_2344 : i32
    %sign3A_2346 = arith.extui %sign3A_2345 : i1 to i32
    %sign3A_2347 = arith.subi %sign3A_2343, %sign3A_2346 : i32
    %sign3A_2348 = arith.constant 0 : i32
    %sign3A_2349 = arith.cmpi sgt, %jit3A_2339, %sign3A_2348 : i32
    %sign3A_2350 = arith.extui %sign3A_2349 : i1 to i32
    %sign3A_2351 = arith.constant 0 : i32
    %sign3A_2352 = arith.cmpi slt, %jit3A_2339, %sign3A_2351 : i32
    %sign3A_2353 = arith.extui %sign3A_2352 : i1 to i32
    %sign3A_2354 = arith.subi %sign3A_2350, %sign3A_2353 : i32
    %ne3A_2355 = arith.cmpi ne, %sign3A_2347, %sign3A_2354 : i32
    %rem3A_2356 = arith.remsi %squeeze3A_2338, %jit3A_2339 : i32
    %ne3A_2357 = arith.constant 0 : i32
    %ne3A_2358 = arith.cmpi ne, %rem3A_2356, %ne3A_2357 : i32
    %and3A_2359 = arith.andi %ne3A_2355, %ne3A_2358 : i1
    %sub3A_2360 = arith.constant 1 : i32
    %sub3A_2361 = arith.subi %div3A_2340, %sub3A_2360 : i32
    %select_n3A_2362 = arith.select %and3A_2359, %sub3A_2361, %div3A_2340 : i32
    %mul3A_2363 = arith.constant 128 : i32
    %mul3A_2364 = arith.muli %select_n3A_2362, %mul3A_2363 : i32
    %sub3A_2365 = arith.subi %squeeze3A_2338, %mul3A_2364 : i32
    %broadcast_in_dim3A_2366 = vector.broadcast %sub3A_2365 : i32 to vector<16xi32>
    %add3A_2367 = arith.constant 0 : i32
    %add3A_2368 = vector.broadcast %add3A_2367 : i32 to vector<16xi32>
    %add3A_2369 = arith.addi %iota3A, %add3A_2368 : vector<16xi32>
    %gather3A_2370 = tpu.vector_load_idx %arg7[%add3A_2369, %broadcast_in_dim3A_2366] : memref<64x128xf32, #tpu.memory_space<vmem>>[vector<16xi32>, vector<16xi32>], vector<16xf32>,
    %swap3A_2371 = arith.constant 23 : i32
    %swap3A_2372 = arith.index_cast %swap3A_2371 : i32 to index
    %swap3A_2373 = arith.constant 0 : index
    %swap3A_2374 = tpu.vector_load %arg8[%swap3A_2372, %swap3A_2373] {strides = array<i32>} : memref<32x64xf32, #tpu.memory_space<vmem>>, vector<16xf32>,
    tpu.vector_store %arg8[%swap3A_2372, %swap3A_2373], %gather3A_2370 {strides = array<i32>} : memref<32x64xf32, #tpu.memory_space<vmem>>, vector<16xf32>,
    %add3A_2375 = arith.constant 16 : i32
    %add3A_2376 = vector.broadcast %add3A_2375 : i32 to vector<16xi32>
    %add3A_2377 = arith.addi %iota3A, %add3A_2376 : vector<16xi32>
    %gather3A_2378 = tpu.vector_load_idx %arg7[%add3A_2377, %broadcast_in_dim3A_2366] : memref<64x128xf32, #tpu.memory_space<vmem>>[vector<16xi32>, vector<16xi32>], vector<16xf32>,
    %swap3A_2379 = arith.constant 23 : i32
    %swap3A_2380 = arith.index_cast %swap3A_2379 : i32 to index
    %swap3A_2381 = arith.constant 16 : index
    %swap3A_2382 = tpu.vector_load %arg8[%swap3A_2380, %swap3A_2381] {strides = array<i32>} : memref<32x64xf32, #tpu.memory_space<vmem>>, vector<16xf32>,
    tpu.vector_store %arg8[%swap3A_2380, %swap3A_2381], %gather3A_2378 {strides = array<i32>} : memref<32x64xf32, #tpu.memory_space<vmem>>, vector<16xf32>,
    %add3A_2383 = arith.constant 32 : i32
    %add3A_2384 = vector.broadcast %add3A_2383 : i32 to vector<16xi32>
    %add3A_2385 = arith.addi %iota3A, %add3A_2384 : vector<16xi32>
    %gather3A_2386 = tpu.vector_load_idx %arg7[%add3A_2385, %broadcast_in_dim3A_2366] : memref<64x128xf32, #tpu.memory_space<vmem>>[vector<16xi32>, vector<16xi32>], vector<16xf32>,
    %swap3A_2387 = arith.constant 23 : i32
    %swap3A_2388 = arith.index_cast %swap3A_2387 : i32 to index
    %swap3A_2389 = arith.constant 32 : index
    %swap3A_2390 = tpu.vector_load %arg8[%swap3A_2388, %swap3A_2389] {strides = array<i32>} : memref<32x64xf32, #tpu.memory_space<vmem>>, vector<16xf32>,
    tpu.vector_store %arg8[%swap3A_2388, %swap3A_2389], %gather3A_2386 {strides = array<i32>} : memref<32x64xf32, #tpu.memory_space<vmem>>, vector<16xf32>,
    %add3A_2391 = arith.constant 48 : i32
    %add3A_2392 = vector.broadcast %add3A_2391 : i32 to vector<16xi32>
    %add3A_2393 = arith.addi %iota3A, %add3A_2392 : vector<16xi32>
    %gather3A_2394 = tpu.vector_load_idx %arg7[%add3A_2393, %broadcast_in_dim3A_2366] : memref<64x128xf32, #tpu.memory_space<vmem>>[vector<16xi32>, vector<16xi32>], vector<16xf32>,
    %swap3A_2395 = arith.constant 23 : i32
    %swap3A_2396 = arith.index_cast %swap3A_2395 : i32 to index
    %swap3A_2397 = arith.constant 48 : index
    %swap3A_2398 = tpu.vector_load %arg8[%swap3A_2396, %swap3A_2397] {strides = array<i32>} : memref<32x64xf32, #tpu.memory_space<vmem>>, vector<16xf32>,
    tpu.vector_store %arg8[%swap3A_2396, %swap3A_2397], %gather3A_2394 {strides = array<i32>} : memref<32x64xf32, #tpu.memory_space<vmem>>, vector<16xf32>,
    %slice3A_2399 = vector.extract_strided_slice %get3A_1573 {offsets = [9], sizes = [1], strides = [1]} : vector<16xi32> to vector<1xi32>
    %squeeze3A_2400 = vector.extract %slice3A_2399[0] : i32 from vector<1xi32>
    %jit3A_2401 = arith.constant 128 : i32
    %div3A_2402 = arith.divsi %squeeze3A_2400, %jit3A_2401 : i32
    %sign3A_2403 = arith.constant 0 : i32
    %sign3A_2404 = arith.cmpi sgt, %squeeze3A_2400, %sign3A_2403 : i32
    %sign3A_2405 = arith.extui %sign3A_2404 : i1 to i32
    %sign3A_2406 = arith.constant 0 : i32
    %sign3A_2407 = arith.cmpi slt, %squeeze3A_2400, %sign3A_2406 : i32
    %sign3A_2408 = arith.extui %sign3A_2407 : i1 to i32
    %sign3A_2409 = arith.subi %sign3A_2405, %sign3A_2408 : i32
    %sign3A_2410 = arith.constant 0 : i32
    %sign3A_2411 = arith.cmpi sgt, %jit3A_2401, %sign3A_2410 : i32
    %sign3A_2412 = arith.extui %sign3A_2411 : i1 to i32
    %sign3A_2413 = arith.constant 0 : i32
    %sign3A_2414 = arith.cmpi slt, %jit3A_2401, %sign3A_2413 : i32
    %sign3A_2415 = arith.extui %sign3A_2414 : i1 to i32
    %sign3A_2416 = arith.subi %sign3A_2412, %sign3A_2415 : i32
    %ne3A_2417 = arith.cmpi ne, %sign3A_2409, %sign3A_2416 : i32
    %rem3A_2418 = arith.remsi %squeeze3A_2400, %jit3A_2401 : i32
    %ne3A_2419 = arith.constant 0 : i32
    %ne3A_2420 = arith.cmpi ne, %rem3A_2418, %ne3A_2419 : i32
    %and3A_2421 = arith.andi %ne3A_2417, %ne3A_2420 : i1
    %sub3A_2422 = arith.constant 1 : i32
    %sub3A_2423 = arith.subi %div3A_2402, %sub3A_2422 : i32
    %select_n3A_2424 = arith.select %and3A_2421, %sub3A_2423, %div3A_2402 : i32
    %mul3A_2425 = arith.constant 128 : i32
    %mul3A_2426 = arith.muli %select_n3A_2424, %mul3A_2425 : i32
    %multiple_of3A_2427 = tpu.assume_multiple %mul3A_2426, 128 : i32
    %dma_start3A_2428 = arith.constant 0 : i32
    %dma_start3A_2429 = tpu.memref_slice %arg3[%dma_start3A_2428, %multiple_of3A_2427] : memref<64x100000xf32, #tpu.memory_space<hbm>> -> memref<64x128xf32, #tpu.memory_space<hbm>>
    %dma_start3A_2430 = arith.constant 0 : i32
    %dma_start3A_2431 = tpu.memref_slice %arg3[%dma_start3A_2430, %multiple_of3A_2427] : memref<64x100000xf32, #tpu.memory_space<hbm>> -> memref<64x128xf32, #tpu.memory_space<hbm>>
    tpu.enqueue_dma source(%dma_start3A_2431 : memref<64x128xf32, #tpu.memory_space<hbm>>) target(%arg7 : memref<64x128xf32, #tpu.memory_space<vmem>>) target_semaphore(%arg10 : memref<!tpu.dma_semaphore, #tpu.memory_space<semaphore_mem>>)
    %dma_wait3A_2432 = arith.constant 0 : i32
    %dma_wait3A_2433 = tpu.memref_slice %arg3[%dma_wait3A_2432, %multiple_of3A_2328] : memref<64x100000xf32, #tpu.memory_space<hbm>> -> memref<64x128xf32, #tpu.memory_space<hbm>>
    %dma_wait3A_2434 = arith.constant 0 : i32
    %dma_wait3A_2435 = tpu.memref_slice %arg3[%dma_wait3A_2434, %multiple_of3A_2328] : memref<64x100000xf32, #tpu.memory_space<hbm>> -> memref<64x128xf32, #tpu.memory_space<hbm>>
    tpu.wait_dma2 semaphore(%arg9 : memref<!tpu.dma_semaphore, #tpu.memory_space<semaphore_mem>>) src(%dma_wait3A_2435 : memref<64x128xf32, #tpu.memory_space<hbm>>) dst(%arg6 : memref<64x128xf32, #tpu.memory_space<vmem>>)
    %slice3A_2436 = vector.extract_strided_slice %get3A_1573 {offsets = [8], sizes = [1], strides = [1]} : vector<16xi32> to vector<1xi32>
    %squeeze3A_2437 = vector.extract %slice3A_2436[0] : i32 from vector<1xi32>
    %jit3A_2438 = arith.constant 128 : i32
    %div3A_2439 = arith.divsi %squeeze3A_2437, %jit3A_2438 : i32
    %sign3A_2440 = arith.constant 0 : i32
    %sign3A_2441 = arith.cmpi sgt, %squeeze3A_2437, %sign3A_2440 : i32
    %sign3A_2442 = arith.extui %sign3A_2441 : i1 to i32
    %sign3A_2443 = arith.constant 0 : i32
    %sign3A_2444 = arith.cmpi slt, %squeeze3A_2437, %sign3A_2443 : i32
    %sign3A_2445 = arith.extui %sign3A_2444 : i1 to i32
    %sign3A_2446 = arith.subi %sign3A_2442, %sign3A_2445 : i32
    %sign3A_2447 = arith.constant 0 : i32
    %sign3A_2448 = arith.cmpi sgt, %jit3A_2438, %sign3A_2447 : i32
    %sign3A_2449 = arith.extui %sign3A_2448 : i1 to i32
    %sign3A_2450 = arith.constant 0 : i32
    %sign3A_2451 = arith.cmpi slt, %jit3A_2438, %sign3A_2450 : i32
    %sign3A_2452 = arith.extui %sign3A_2451 : i1 to i32
    %sign3A_2453 = arith.subi %sign3A_2449, %sign3A_2452 : i32
    %ne3A_2454 = arith.cmpi ne, %sign3A_2446, %sign3A_2453 : i32
    %rem3A_2455 = arith.remsi %squeeze3A_2437, %jit3A_2438 : i32
    %ne3A_2456 = arith.constant 0 : i32
    %ne3A_2457 = arith.cmpi ne, %rem3A_2455, %ne3A_2456 : i32
    %and3A_2458 = arith.andi %ne3A_2454, %ne3A_2457 : i1
    %sub3A_2459 = arith.constant 1 : i32
    %sub3A_2460 = arith.subi %div3A_2439, %sub3A_2459 : i32
    %select_n3A_2461 = arith.select %and3A_2458, %sub3A_2460, %div3A_2439 : i32
    %mul3A_2462 = arith.constant 128 : i32
    %mul3A_2463 = arith.muli %select_n3A_2461, %mul3A_2462 : i32
    %sub3A_2464 = arith.subi %squeeze3A_2437, %mul3A_2463 : i32
    %broadcast_in_dim3A_2465 = vector.broadcast %sub3A_2464 : i32 to vector<16xi32>
    %add3A_2466 = arith.constant 0 : i32
    %add3A_2467 = vector.broadcast %add3A_2466 : i32 to vector<16xi32>
    %add3A_2468 = arith.addi %iota3A, %add3A_2467 : vector<16xi32>
    %gather3A_2469 = tpu.vector_load_idx %arg6[%add3A_2468, %broadcast_in_dim3A_2465] : memref<64x128xf32, #tpu.memory_space<vmem>>[vector<16xi32>, vector<16xi32>], vector<16xf32>,
    %swap3A_2470 = arith.constant 24 : i32
    %swap3A_2471 = arith.index_cast %swap3A_2470 : i32 to index
    %swap3A_2472 = arith.constant 0 : index
    %swap3A_2473 = tpu.vector_load %arg8[%swap3A_2471, %swap3A_2472] {strides = array<i32>} : memref<32x64xf32, #tpu.memory_space<vmem>>, vector<16xf32>,
    tpu.vector_store %arg8[%swap3A_2471, %swap3A_2472], %gather3A_2469 {strides = array<i32>} : memref<32x64xf32, #tpu.memory_space<vmem>>, vector<16xf32>,
    %add3A_2474 = arith.constant 16 : i32
    %add3A_2475 = vector.broadcast %add3A_2474 : i32 to vector<16xi32>
    %add3A_2476 = arith.addi %iota3A, %add3A_2475 : vector<16xi32>
    %gather3A_2477 = tpu.vector_load_idx %arg6[%add3A_2476, %broadcast_in_dim3A_2465] : memref<64x128xf32, #tpu.memory_space<vmem>>[vector<16xi32>, vector<16xi32>], vector<16xf32>,
    %swap3A_2478 = arith.constant 24 : i32
    %swap3A_2479 = arith.index_cast %swap3A_2478 : i32 to index
    %swap3A_2480 = arith.constant 16 : index
    %swap3A_2481 = tpu.vector_load %arg8[%swap3A_2479, %swap3A_2480] {strides = array<i32>} : memref<32x64xf32, #tpu.memory_space<vmem>>, vector<16xf32>,
    tpu.vector_store %arg8[%swap3A_2479, %swap3A_2480], %gather3A_2477 {strides = array<i32>} : memref<32x64xf32, #tpu.memory_space<vmem>>, vector<16xf32>,
    %add3A_2482 = arith.constant 32 : i32
    %add3A_2483 = vector.broadcast %add3A_2482 : i32 to vector<16xi32>
    %add3A_2484 = arith.addi %iota3A, %add3A_2483 : vector<16xi32>
    %gather3A_2485 = tpu.vector_load_idx %arg6[%add3A_2484, %broadcast_in_dim3A_2465] : memref<64x128xf32, #tpu.memory_space<vmem>>[vector<16xi32>, vector<16xi32>], vector<16xf32>,
    %swap3A_2486 = arith.constant 24 : i32
    %swap3A_2487 = arith.index_cast %swap3A_2486 : i32 to index
    %swap3A_2488 = arith.constant 32 : index
    %swap3A_2489 = tpu.vector_load %arg8[%swap3A_2487, %swap3A_2488] {strides = array<i32>} : memref<32x64xf32, #tpu.memory_space<vmem>>, vector<16xf32>,
    tpu.vector_store %arg8[%swap3A_2487, %swap3A_2488], %gather3A_2485 {strides = array<i32>} : memref<32x64xf32, #tpu.memory_space<vmem>>, vector<16xf32>,
    %add3A_2490 = arith.constant 48 : i32
    %add3A_2491 = vector.broadcast %add3A_2490 : i32 to vector<16xi32>
    %add3A_2492 = arith.addi %iota3A, %add3A_2491 : vector<16xi32>
    %gather3A_2493 = tpu.vector_load_idx %arg6[%add3A_2492, %broadcast_in_dim3A_2465] : memref<64x128xf32, #tpu.memory_space<vmem>>[vector<16xi32>, vector<16xi32>], vector<16xf32>,
    %swap3A_2494 = arith.constant 24 : i32
    %swap3A_2495 = arith.index_cast %swap3A_2494 : i32 to index
    %swap3A_2496 = arith.constant 48 : index
    %swap3A_2497 = tpu.vector_load %arg8[%swap3A_2495, %swap3A_2496] {strides = array<i32>} : memref<32x64xf32, #tpu.memory_space<vmem>>, vector<16xf32>,
    tpu.vector_store %arg8[%swap3A_2495, %swap3A_2496], %gather3A_2493 {strides = array<i32>} : memref<32x64xf32, #tpu.memory_space<vmem>>, vector<16xf32>,
    %slice3A_2498 = vector.extract_strided_slice %get3A_1573 {offsets = [10], sizes = [1], strides = [1]} : vector<16xi32> to vector<1xi32>
    %squeeze3A_2499 = vector.extract %slice3A_2498[0] : i32 from vector<1xi32>
    %jit3A_2500 = arith.constant 128 : i32
    %div3A_2501 = arith.divsi %squeeze3A_2499, %jit3A_2500 : i32
    %sign3A_2502 = arith.constant 0 : i32
    %sign3A_2503 = arith.cmpi sgt, %squeeze3A_2499, %sign3A_2502 : i32
    %sign3A_2504 = arith.extui %sign3A_2503 : i1 to i32
    %sign3A_2505 = arith.constant 0 : i32
    %sign3A_2506 = arith.cmpi slt, %squeeze3A_2499, %sign3A_2505 : i32
    %sign3A_2507 = arith.extui %sign3A_2506 : i1 to i32
    %sign3A_2508 = arith.subi %sign3A_2504, %sign3A_2507 : i32
    %sign3A_2509 = arith.constant 0 : i32
    %sign3A_2510 = arith.cmpi sgt, %jit3A_2500, %sign3A_2509 : i32
    %sign3A_2511 = arith.extui %sign3A_2510 : i1 to i32
    %sign3A_2512 = arith.constant 0 : i32
    %sign3A_2513 = arith.cmpi slt, %jit3A_2500, %sign3A_2512 : i32
    %sign3A_2514 = arith.extui %sign3A_2513 : i1 to i32
    %sign3A_2515 = arith.subi %sign3A_2511, %sign3A_2514 : i32
    %ne3A_2516 = arith.cmpi ne, %sign3A_2508, %sign3A_2515 : i32
    %rem3A_2517 = arith.remsi %squeeze3A_2499, %jit3A_2500 : i32
    %ne3A_2518 = arith.constant 0 : i32
    %ne3A_2519 = arith.cmpi ne, %rem3A_2517, %ne3A_2518 : i32
    %and3A_2520 = arith.andi %ne3A_2516, %ne3A_2519 : i1
    %sub3A_2521 = arith.constant 1 : i32
    %sub3A_2522 = arith.subi %div3A_2501, %sub3A_2521 : i32
    %select_n3A_2523 = arith.select %and3A_2520, %sub3A_2522, %div3A_2501 : i32
    %mul3A_2524 = arith.constant 128 : i32
    %mul3A_2525 = arith.muli %select_n3A_2523, %mul3A_2524 : i32
    %multiple_of3A_2526 = tpu.assume_multiple %mul3A_2525, 128 : i32
    %dma_start3A_2527 = arith.constant 0 : i32
    %dma_start3A_2528 = tpu.memref_slice %arg3[%dma_start3A_2527, %multiple_of3A_2526] : memref<64x100000xf32, #tpu.memory_space<hbm>> -> memref<64x128xf32, #tpu.memory_space<hbm>>
    %dma_start3A_2529 = arith.constant 0 : i32
    %dma_start3A_2530 = tpu.memref_slice %arg3[%dma_start3A_2529, %multiple_of3A_2526] : memref<64x100000xf32, #tpu.memory_space<hbm>> -> memref<64x128xf32, #tpu.memory_space<hbm>>
    tpu.enqueue_dma source(%dma_start3A_2530 : memref<64x128xf32, #tpu.memory_space<hbm>>) target(%arg6 : memref<64x128xf32, #tpu.memory_space<vmem>>) target_semaphore(%arg9 : memref<!tpu.dma_semaphore, #tpu.memory_space<semaphore_mem>>)
    %dma_wait3A_2531 = arith.constant 0 : i32
    %dma_wait3A_2532 = tpu.memref_slice %arg3[%dma_wait3A_2531, %multiple_of3A_2427] : memref<64x100000xf32, #tpu.memory_space<hbm>> -> memref<64x128xf32, #tpu.memory_space<hbm>>
    %dma_wait3A_2533 = arith.constant 0 : i32
    %dma_wait3A_2534 = tpu.memref_slice %arg3[%dma_wait3A_2533, %multiple_of3A_2427] : memref<64x100000xf32, #tpu.memory_space<hbm>> -> memref<64x128xf32, #tpu.memory_space<hbm>>
    tpu.wait_dma2 semaphore(%arg10 : memref<!tpu.dma_semaphore, #tpu.memory_space<semaphore_mem>>) src(%dma_wait3A_2534 : memref<64x128xf32, #tpu.memory_space<hbm>>) dst(%arg7 : memref<64x128xf32, #tpu.memory_space<vmem>>)
    %slice3A_2535 = vector.extract_strided_slice %get3A_1573 {offsets = [9], sizes = [1], strides = [1]} : vector<16xi32> to vector<1xi32>
    %squeeze3A_2536 = vector.extract %slice3A_2535[0] : i32 from vector<1xi32>
    %jit3A_2537 = arith.constant 128 : i32
    %div3A_2538 = arith.divsi %squeeze3A_2536, %jit3A_2537 : i32
    %sign3A_2539 = arith.constant 0 : i32
    %sign3A_2540 = arith.cmpi sgt, %squeeze3A_2536, %sign3A_2539 : i32
    %sign3A_2541 = arith.extui %sign3A_2540 : i1 to i32
    %sign3A_2542 = arith.constant 0 : i32
    %sign3A_2543 = arith.cmpi slt, %squeeze3A_2536, %sign3A_2542 : i32
    %sign3A_2544 = arith.extui %sign3A_2543 : i1 to i32
    %sign3A_2545 = arith.subi %sign3A_2541, %sign3A_2544 : i32
    %sign3A_2546 = arith.constant 0 : i32
    %sign3A_2547 = arith.cmpi sgt, %jit3A_2537, %sign3A_2546 : i32
    %sign3A_2548 = arith.extui %sign3A_2547 : i1 to i32
    %sign3A_2549 = arith.constant 0 : i32
    %sign3A_2550 = arith.cmpi slt, %jit3A_2537, %sign3A_2549 : i32
    %sign3A_2551 = arith.extui %sign3A_2550 : i1 to i32
    %sign3A_2552 = arith.subi %sign3A_2548, %sign3A_2551 : i32
    %ne3A_2553 = arith.cmpi ne, %sign3A_2545, %sign3A_2552 : i32
    %rem3A_2554 = arith.remsi %squeeze3A_2536, %jit3A_2537 : i32
    %ne3A_2555 = arith.constant 0 : i32
    %ne3A_2556 = arith.cmpi ne, %rem3A_2554, %ne3A_2555 : i32
    %and3A_2557 = arith.andi %ne3A_2553, %ne3A_2556 : i1
    %sub3A_2558 = arith.constant 1 : i32
    %sub3A_2559 = arith.subi %div3A_2538, %sub3A_2558 : i32
    %select_n3A_2560 = arith.select %and3A_2557, %sub3A_2559, %div3A_2538 : i32
    %mul3A_2561 = arith.constant 128 : i32
    %mul3A_2562 = arith.muli %select_n3A_2560, %mul3A_2561 : i32
    %sub3A_2563 = arith.subi %squeeze3A_2536, %mul3A_2562 : i32
    %broadcast_in_dim3A_2564 = vector.broadcast %sub3A_2563 : i32 to vector<16xi32>
    %add3A_2565 = arith.constant 0 : i32
    %add3A_2566 = vector.broadcast %add3A_2565 : i32 to vector<16xi32>
    %add3A_2567 = arith.addi %iota3A, %add3A_2566 : vector<16xi32>
    %gather3A_2568 = tpu.vector_load_idx %arg7[%add3A_2567, %broadcast_in_dim3A_2564] : memref<64x128xf32, #tpu.memory_space<vmem>>[vector<16xi32>, vector<16xi32>], vector<16xf32>,
    %swap3A_2569 = arith.constant 25 : i32
    %swap3A_2570 = arith.index_cast %swap3A_2569 : i32 to index
    %swap3A_2571 = arith.constant 0 : index
    %swap3A_2572 = tpu.vector_load %arg8[%swap3A_2570, %swap3A_2571] {strides = array<i32>} : memref<32x64xf32, #tpu.memory_space<vmem>>, vector<16xf32>,
    tpu.vector_store %arg8[%swap3A_2570, %swap3A_2571], %gather3A_2568 {strides = array<i32>} : memref<32x64xf32, #tpu.memory_space<vmem>>, vector<16xf32>,
    %add3A_2573 = arith.constant 16 : i32
    %add3A_2574 = vector.broadcast %add3A_2573 : i32 to vector<16xi32>
    %add3A_2575 = arith.addi %iota3A, %add3A_2574 : vector<16xi32>
    %gather3A_2576 = tpu.vector_load_idx %arg7[%add3A_2575, %broadcast_in_dim3A_2564] : memref<64x128xf32, #tpu.memory_space<vmem>>[vector<16xi32>, vector<16xi32>], vector<16xf32>,
    %swap3A_2577 = arith.constant 25 : i32
    %swap3A_2578 = arith.index_cast %swap3A_2577 : i32 to index
    %swap3A_2579 = arith.constant 16 : index
    %swap3A_2580 = tpu.vector_load %arg8[%swap3A_2578, %swap3A_2579] {strides = array<i32>} : memref<32x64xf32, #tpu.memory_space<vmem>>, vector<16xf32>,
    tpu.vector_store %arg8[%swap3A_2578, %swap3A_2579], %gather3A_2576 {strides = array<i32>} : memref<32x64xf32, #tpu.memory_space<vmem>>, vector<16xf32>,
    %add3A_2581 = arith.constant 32 : i32
    %add3A_2582 = vector.broadcast %add3A_2581 : i32 to vector<16xi32>
    %add3A_2583 = arith.addi %iota3A, %add3A_2582 : vector<16xi32>
    %gather3A_2584 = tpu.vector_load_idx %arg7[%add3A_2583, %broadcast_in_dim3A_2564] : memref<64x128xf32, #tpu.memory_space<vmem>>[vector<16xi32>, vector<16xi32>], vector<16xf32>,
    %swap3A_2585 = arith.constant 25 : i32
    %swap3A_2586 = arith.index_cast %swap3A_2585 : i32 to index
    %swap3A_2587 = arith.constant 32 : index
    %swap3A_2588 = tpu.vector_load %arg8[%swap3A_2586, %swap3A_2587] {strides = array<i32>} : memref<32x64xf32, #tpu.memory_space<vmem>>, vector<16xf32>,
    tpu.vector_store %arg8[%swap3A_2586, %swap3A_2587], %gather3A_2584 {strides = array<i32>} : memref<32x64xf32, #tpu.memory_space<vmem>>, vector<16xf32>,
    %add3A_2589 = arith.constant 48 : i32
    %add3A_2590 = vector.broadcast %add3A_2589 : i32 to vector<16xi32>
    %add3A_2591 = arith.addi %iota3A, %add3A_2590 : vector<16xi32>
    %gather3A_2592 = tpu.vector_load_idx %arg7[%add3A_2591, %broadcast_in_dim3A_2564] : memref<64x128xf32, #tpu.memory_space<vmem>>[vector<16xi32>, vector<16xi32>], vector<16xf32>,
    %swap3A_2593 = arith.constant 25 : i32
    %swap3A_2594 = arith.index_cast %swap3A_2593 : i32 to index
    %swap3A_2595 = arith.constant 48 : index
    %swap3A_2596 = tpu.vector_load %arg8[%swap3A_2594, %swap3A_2595] {strides = array<i32>} : memref<32x64xf32, #tpu.memory_space<vmem>>, vector<16xf32>,
    tpu.vector_store %arg8[%swap3A_2594, %swap3A_2595], %gather3A_2592 {strides = array<i32>} : memref<32x64xf32, #tpu.memory_space<vmem>>, vector<16xf32>,
    %slice3A_2597 = vector.extract_strided_slice %get3A_1573 {offsets = [11], sizes = [1], strides = [1]} : vector<16xi32> to vector<1xi32>
    %squeeze3A_2598 = vector.extract %slice3A_2597[0] : i32 from vector<1xi32>
    %jit3A_2599 = arith.constant 128 : i32
    %div3A_2600 = arith.divsi %squeeze3A_2598, %jit3A_2599 : i32
    %sign3A_2601 = arith.constant 0 : i32
    %sign3A_2602 = arith.cmpi sgt, %squeeze3A_2598, %sign3A_2601 : i32
    %sign3A_2603 = arith.extui %sign3A_2602 : i1 to i32
    %sign3A_2604 = arith.constant 0 : i32
    %sign3A_2605 = arith.cmpi slt, %squeeze3A_2598, %sign3A_2604 : i32
    %sign3A_2606 = arith.extui %sign3A_2605 : i1 to i32
    %sign3A_2607 = arith.subi %sign3A_2603, %sign3A_2606 : i32
    %sign3A_2608 = arith.constant 0 : i32
    %sign3A_2609 = arith.cmpi sgt, %jit3A_2599, %sign3A_2608 : i32
    %sign3A_2610 = arith.extui %sign3A_2609 : i1 to i32
    %sign3A_2611 = arith.constant 0 : i32
    %sign3A_2612 = arith.cmpi slt, %jit3A_2599, %sign3A_2611 : i32
    %sign3A_2613 = arith.extui %sign3A_2612 : i1 to i32
    %sign3A_2614 = arith.subi %sign3A_2610, %sign3A_2613 : i32
    %ne3A_2615 = arith.cmpi ne, %sign3A_2607, %sign3A_2614 : i32
    %rem3A_2616 = arith.remsi %squeeze3A_2598, %jit3A_2599 : i32
    %ne3A_2617 = arith.constant 0 : i32
    %ne3A_2618 = arith.cmpi ne, %rem3A_2616, %ne3A_2617 : i32
    %and3A_2619 = arith.andi %ne3A_2615, %ne3A_2618 : i1
    %sub3A_2620 = arith.constant 1 : i32
    %sub3A_2621 = arith.subi %div3A_2600, %sub3A_2620 : i32
    %select_n3A_2622 = arith.select %and3A_2619, %sub3A_2621, %div3A_2600 : i32
    %mul3A_2623 = arith.constant 128 : i32
    %mul3A_2624 = arith.muli %select_n3A_2622, %mul3A_2623 : i32
    %multiple_of3A_2625 = tpu.assume_multiple %mul3A_2624, 128 : i32
    %dma_start3A_2626 = arith.constant 0 : i32
    %dma_start3A_2627 = tpu.memref_slice %arg3[%dma_start3A_2626, %multiple_of3A_2625] : memref<64x100000xf32, #tpu.memory_space<hbm>> -> memref<64x128xf32, #tpu.memory_space<hbm>>
    %dma_start3A_2628 = arith.constant 0 : i32
    %dma_start3A_2629 = tpu.memref_slice %arg3[%dma_start3A_2628, %multiple_of3A_2625] : memref<64x100000xf32, #tpu.memory_space<hbm>> -> memref<64x128xf32, #tpu.memory_space<hbm>>
    tpu.enqueue_dma source(%dma_start3A_2629 : memref<64x128xf32, #tpu.memory_space<hbm>>) target(%arg7 : memref<64x128xf32, #tpu.memory_space<vmem>>) target_semaphore(%arg10 : memref<!tpu.dma_semaphore, #tpu.memory_space<semaphore_mem>>)
    %dma_wait3A_2630 = arith.constant 0 : i32
    %dma_wait3A_2631 = tpu.memref_slice %arg3[%dma_wait3A_2630, %multiple_of3A_2526] : memref<64x100000xf32, #tpu.memory_space<hbm>> -> memref<64x128xf32, #tpu.memory_space<hbm>>
    %dma_wait3A_2632 = arith.constant 0 : i32
    %dma_wait3A_2633 = tpu.memref_slice %arg3[%dma_wait3A_2632, %multiple_of3A_2526] : memref<64x100000xf32, #tpu.memory_space<hbm>> -> memref<64x128xf32, #tpu.memory_space<hbm>>
    tpu.wait_dma2 semaphore(%arg9 : memref<!tpu.dma_semaphore, #tpu.memory_space<semaphore_mem>>) src(%dma_wait3A_2633 : memref<64x128xf32, #tpu.memory_space<hbm>>) dst(%arg6 : memref<64x128xf32, #tpu.memory_space<vmem>>)
    %slice3A_2634 = vector.extract_strided_slice %get3A_1573 {offsets = [10], sizes = [1], strides = [1]} : vector<16xi32> to vector<1xi32>
    %squeeze3A_2635 = vector.extract %slice3A_2634[0] : i32 from vector<1xi32>
    %jit3A_2636 = arith.constant 128 : i32
    %div3A_2637 = arith.divsi %squeeze3A_2635, %jit3A_2636 : i32
    %sign3A_2638 = arith.constant 0 : i32
    %sign3A_2639 = arith.cmpi sgt, %squeeze3A_2635, %sign3A_2638 : i32
    %sign3A_2640 = arith.extui %sign3A_2639 : i1 to i32
    %sign3A_2641 = arith.constant 0 : i32
    %sign3A_2642 = arith.cmpi slt, %squeeze3A_2635, %sign3A_2641 : i32
    %sign3A_2643 = arith.extui %sign3A_2642 : i1 to i32
    %sign3A_2644 = arith.subi %sign3A_2640, %sign3A_2643 : i32
    %sign3A_2645 = arith.constant 0 : i32
    %sign3A_2646 = arith.cmpi sgt, %jit3A_2636, %sign3A_2645 : i32
    %sign3A_2647 = arith.extui %sign3A_2646 : i1 to i32
    %sign3A_2648 = arith.constant 0 : i32
    %sign3A_2649 = arith.cmpi slt, %jit3A_2636, %sign3A_2648 : i32
    %sign3A_2650 = arith.extui %sign3A_2649 : i1 to i32
    %sign3A_2651 = arith.subi %sign3A_2647, %sign3A_2650 : i32
    %ne3A_2652 = arith.cmpi ne, %sign3A_2644, %sign3A_2651 : i32
    %rem3A_2653 = arith.remsi %squeeze3A_2635, %jit3A_2636 : i32
    %ne3A_2654 = arith.constant 0 : i32
    %ne3A_2655 = arith.cmpi ne, %rem3A_2653, %ne3A_2654 : i32
    %and3A_2656 = arith.andi %ne3A_2652, %ne3A_2655 : i1
    %sub3A_2657 = arith.constant 1 : i32
    %sub3A_2658 = arith.subi %div3A_2637, %sub3A_2657 : i32
    %select_n3A_2659 = arith.select %and3A_2656, %sub3A_2658, %div3A_2637 : i32
    %mul3A_2660 = arith.constant 128 : i32
    %mul3A_2661 = arith.muli %select_n3A_2659, %mul3A_2660 : i32
    %sub3A_2662 = arith.subi %squeeze3A_2635, %mul3A_2661 : i32
    %broadcast_in_dim3A_2663 = vector.broadcast %sub3A_2662 : i32 to vector<16xi32>
    %add3A_2664 = arith.constant 0 : i32
    %add3A_2665 = vector.broadcast %add3A_2664 : i32 to vector<16xi32>
    %add3A_2666 = arith.addi %iota3A, %add3A_2665 : vector<16xi32>
    %gather3A_2667 = tpu.vector_load_idx %arg6[%add3A_2666, %broadcast_in_dim3A_2663] : memref<64x128xf32, #tpu.memory_space<vmem>>[vector<16xi32>, vector<16xi32>], vector<16xf32>,
    %swap3A_2668 = arith.constant 26 : i32
    %swap3A_2669 = arith.index_cast %swap3A_2668 : i32 to index
    %swap3A_2670 = arith.constant 0 : index
    %swap3A_2671 = tpu.vector_load %arg8[%swap3A_2669, %swap3A_2670] {strides = array<i32>} : memref<32x64xf32, #tpu.memory_space<vmem>>, vector<16xf32>,
    tpu.vector_store %arg8[%swap3A_2669, %swap3A_2670], %gather3A_2667 {strides = array<i32>} : memref<32x64xf32, #tpu.memory_space<vmem>>, vector<16xf32>,
    %add3A_2672 = arith.constant 16 : i32
    %add3A_2673 = vector.broadcast %add3A_2672 : i32 to vector<16xi32>
    %add3A_2674 = arith.addi %iota3A, %add3A_2673 : vector<16xi32>
    %gather3A_2675 = tpu.vector_load_idx %arg6[%add3A_2674, %broadcast_in_dim3A_2663] : memref<64x128xf32, #tpu.memory_space<vmem>>[vector<16xi32>, vector<16xi32>], vector<16xf32>,
    %swap3A_2676 = arith.constant 26 : i32
    %swap3A_2677 = arith.index_cast %swap3A_2676 : i32 to index
    %swap3A_2678 = arith.constant 16 : index
    %swap3A_2679 = tpu.vector_load %arg8[%swap3A_2677, %swap3A_2678] {strides = array<i32>} : memref<32x64xf32, #tpu.memory_space<vmem>>, vector<16xf32>,
    tpu.vector_store %arg8[%swap3A_2677, %swap3A_2678], %gather3A_2675 {strides = array<i32>} : memref<32x64xf32, #tpu.memory_space<vmem>>, vector<16xf32>,
    %add3A_2680 = arith.constant 32 : i32
    %add3A_2681 = vector.broadcast %add3A_2680 : i32 to vector<16xi32>
    %add3A_2682 = arith.addi %iota3A, %add3A_2681 : vector<16xi32>
    %gather3A_2683 = tpu.vector_load_idx %arg6[%add3A_2682, %broadcast_in_dim3A_2663] : memref<64x128xf32, #tpu.memory_space<vmem>>[vector<16xi32>, vector<16xi32>], vector<16xf32>,
    %swap3A_2684 = arith.constant 26 : i32
    %swap3A_2685 = arith.index_cast %swap3A_2684 : i32 to index
    %swap3A_2686 = arith.constant 32 : index
    %swap3A_2687 = tpu.vector_load %arg8[%swap3A_2685, %swap3A_2686] {strides = array<i32>} : memref<32x64xf32, #tpu.memory_space<vmem>>, vector<16xf32>,
    tpu.vector_store %arg8[%swap3A_2685, %swap3A_2686], %gather3A_2683 {strides = array<i32>} : memref<32x64xf32, #tpu.memory_space<vmem>>, vector<16xf32>,
    %add3A_2688 = arith.constant 48 : i32
    %add3A_2689 = vector.broadcast %add3A_2688 : i32 to vector<16xi32>
    %add3A_2690 = arith.addi %iota3A, %add3A_2689 : vector<16xi32>
    %gather3A_2691 = tpu.vector_load_idx %arg6[%add3A_2690, %broadcast_in_dim3A_2663] : memref<64x128xf32, #tpu.memory_space<vmem>>[vector<16xi32>, vector<16xi32>], vector<16xf32>,
    %swap3A_2692 = arith.constant 26 : i32
    %swap3A_2693 = arith.index_cast %swap3A_2692 : i32 to index
    %swap3A_2694 = arith.constant 48 : index
    %swap3A_2695 = tpu.vector_load %arg8[%swap3A_2693, %swap3A_2694] {strides = array<i32>} : memref<32x64xf32, #tpu.memory_space<vmem>>, vector<16xf32>,
    tpu.vector_store %arg8[%swap3A_2693, %swap3A_2694], %gather3A_2691 {strides = array<i32>} : memref<32x64xf32, #tpu.memory_space<vmem>>, vector<16xf32>,
    %slice3A_2696 = vector.extract_strided_slice %get3A_1573 {offsets = [12], sizes = [1], strides = [1]} : vector<16xi32> to vector<1xi32>
    %squeeze3A_2697 = vector.extract %slice3A_2696[0] : i32 from vector<1xi32>
    %jit3A_2698 = arith.constant 128 : i32
    %div3A_2699 = arith.divsi %squeeze3A_2697, %jit3A_2698 : i32
    %sign3A_2700 = arith.constant 0 : i32
    %sign3A_2701 = arith.cmpi sgt, %squeeze3A_2697, %sign3A_2700 : i32
    %sign3A_2702 = arith.extui %sign3A_2701 : i1 to i32
    %sign3A_2703 = arith.constant 0 : i32
    %sign3A_2704 = arith.cmpi slt, %squeeze3A_2697, %sign3A_2703 : i32
    %sign3A_2705 = arith.extui %sign3A_2704 : i1 to i32
    %sign3A_2706 = arith.subi %sign3A_2702, %sign3A_2705 : i32
    %sign3A_2707 = arith.constant 0 : i32
    %sign3A_2708 = arith.cmpi sgt, %jit3A_2698, %sign3A_2707 : i32
    %sign3A_2709 = arith.extui %sign3A_2708 : i1 to i32
    %sign3A_2710 = arith.constant 0 : i32
    %sign3A_2711 = arith.cmpi slt, %jit3A_2698, %sign3A_2710 : i32
    %sign3A_2712 = arith.extui %sign3A_2711 : i1 to i32
    %sign3A_2713 = arith.subi %sign3A_2709, %sign3A_2712 : i32
    %ne3A_2714 = arith.cmpi ne, %sign3A_2706, %sign3A_2713 : i32
    %rem3A_2715 = arith.remsi %squeeze3A_2697, %jit3A_2698 : i32
    %ne3A_2716 = arith.constant 0 : i32
    %ne3A_2717 = arith.cmpi ne, %rem3A_2715, %ne3A_2716 : i32
    %and3A_2718 = arith.andi %ne3A_2714, %ne3A_2717 : i1
    %sub3A_2719 = arith.constant 1 : i32
    %sub3A_2720 = arith.subi %div3A_2699, %sub3A_2719 : i32
    %select_n3A_2721 = arith.select %and3A_2718, %sub3A_2720, %div3A_2699 : i32
    %mul3A_2722 = arith.constant 128 : i32
    %mul3A_2723 = arith.muli %select_n3A_2721, %mul3A_2722 : i32
    %multiple_of3A_2724 = tpu.assume_multiple %mul3A_2723, 128 : i32
    %dma_start3A_2725 = arith.constant 0 : i32
    %dma_start3A_2726 = tpu.memref_slice %arg3[%dma_start3A_2725, %multiple_of3A_2724] : memref<64x100000xf32, #tpu.memory_space<hbm>> -> memref<64x128xf32, #tpu.memory_space<hbm>>
    %dma_start3A_2727 = arith.constant 0 : i32
    %dma_start3A_2728 = tpu.memref_slice %arg3[%dma_start3A_2727, %multiple_of3A_2724] : memref<64x100000xf32, #tpu.memory_space<hbm>> -> memref<64x128xf32, #tpu.memory_space<hbm>>
    tpu.enqueue_dma source(%dma_start3A_2728 : memref<64x128xf32, #tpu.memory_space<hbm>>) target(%arg6 : memref<64x128xf32, #tpu.memory_space<vmem>>) target_semaphore(%arg9 : memref<!tpu.dma_semaphore, #tpu.memory_space<semaphore_mem>>)
    %dma_wait3A_2729 = arith.constant 0 : i32
    %dma_wait3A_2730 = tpu.memref_slice %arg3[%dma_wait3A_2729, %multiple_of3A_2625] : memref<64x100000xf32, #tpu.memory_space<hbm>> -> memref<64x128xf32, #tpu.memory_space<hbm>>
    %dma_wait3A_2731 = arith.constant 0 : i32
    %dma_wait3A_2732 = tpu.memref_slice %arg3[%dma_wait3A_2731, %multiple_of3A_2625] : memref<64x100000xf32, #tpu.memory_space<hbm>> -> memref<64x128xf32, #tpu.memory_space<hbm>>
    tpu.wait_dma2 semaphore(%arg10 : memref<!tpu.dma_semaphore, #tpu.memory_space<semaphore_mem>>) src(%dma_wait3A_2732 : memref<64x128xf32, #tpu.memory_space<hbm>>) dst(%arg7 : memref<64x128xf32, #tpu.memory_space<vmem>>)
    %slice3A_2733 = vector.extract_strided_slice %get3A_1573 {offsets = [11], sizes = [1], strides = [1]} : vector<16xi32> to vector<1xi32>
    %squeeze3A_2734 = vector.extract %slice3A_2733[0] : i32 from vector<1xi32>
    %jit3A_2735 = arith.constant 128 : i32
    %div3A_2736 = arith.divsi %squeeze3A_2734, %jit3A_2735 : i32
    %sign3A_2737 = arith.constant 0 : i32
    %sign3A_2738 = arith.cmpi sgt, %squeeze3A_2734, %sign3A_2737 : i32
    %sign3A_2739 = arith.extui %sign3A_2738 : i1 to i32
    %sign3A_2740 = arith.constant 0 : i32
    %sign3A_2741 = arith.cmpi slt, %squeeze3A_2734, %sign3A_2740 : i32
    %sign3A_2742 = arith.extui %sign3A_2741 : i1 to i32
    %sign3A_2743 = arith.subi %sign3A_2739, %sign3A_2742 : i32
    %sign3A_2744 = arith.constant 0 : i32
    %sign3A_2745 = arith.cmpi sgt, %jit3A_2735, %sign3A_2744 : i32
    %sign3A_2746 = arith.extui %sign3A_2745 : i1 to i32
    %sign3A_2747 = arith.constant 0 : i32
    %sign3A_2748 = arith.cmpi slt, %jit3A_2735, %sign3A_2747 : i32
    %sign3A_2749 = arith.extui %sign3A_2748 : i1 to i32
    %sign3A_2750 = arith.subi %sign3A_2746, %sign3A_2749 : i32
    %ne3A_2751 = arith.cmpi ne, %sign3A_2743, %sign3A_2750 : i32
    %rem3A_2752 = arith.remsi %squeeze3A_2734, %jit3A_2735 : i32
    %ne3A_2753 = arith.constant 0 : i32
    %ne3A_2754 = arith.cmpi ne, %rem3A_2752, %ne3A_2753 : i32
    %and3A_2755 = arith.andi %ne3A_2751, %ne3A_2754 : i1
    %sub3A_2756 = arith.constant 1 : i32
    %sub3A_2757 = arith.subi %div3A_2736, %sub3A_2756 : i32
    %select_n3A_2758 = arith.select %and3A_2755, %sub3A_2757, %div3A_2736 : i32
    %mul3A_2759 = arith.constant 128 : i32
    %mul3A_2760 = arith.muli %select_n3A_2758, %mul3A_2759 : i32
    %sub3A_2761 = arith.subi %squeeze3A_2734, %mul3A_2760 : i32
    %broadcast_in_dim3A_2762 = vector.broadcast %sub3A_2761 : i32 to vector<16xi32>
    %add3A_2763 = arith.constant 0 : i32
    %add3A_2764 = vector.broadcast %add3A_2763 : i32 to vector<16xi32>
    %add3A_2765 = arith.addi %iota3A, %add3A_2764 : vector<16xi32>
    %gather3A_2766 = tpu.vector_load_idx %arg7[%add3A_2765, %broadcast_in_dim3A_2762] : memref<64x128xf32, #tpu.memory_space<vmem>>[vector<16xi32>, vector<16xi32>], vector<16xf32>,
    %swap3A_2767 = arith.constant 27 : i32
    %swap3A_2768 = arith.index_cast %swap3A_2767 : i32 to index
    %swap3A_2769 = arith.constant 0 : index
    %swap3A_2770 = tpu.vector_load %arg8[%swap3A_2768, %swap3A_2769] {strides = array<i32>} : memref<32x64xf32, #tpu.memory_space<vmem>>, vector<16xf32>,
    tpu.vector_store %arg8[%swap3A_2768, %swap3A_2769], %gather3A_2766 {strides = array<i32>} : memref<32x64xf32, #tpu.memory_space<vmem>>, vector<16xf32>,
    %add3A_2771 = arith.constant 16 : i32
    %add3A_2772 = vector.broadcast %add3A_2771 : i32 to vector<16xi32>
    %add3A_2773 = arith.addi %iota3A, %add3A_2772 : vector<16xi32>
    %gather3A_2774 = tpu.vector_load_idx %arg7[%add3A_2773, %broadcast_in_dim3A_2762] : memref<64x128xf32, #tpu.memory_space<vmem>>[vector<16xi32>, vector<16xi32>], vector<16xf32>,
    %swap3A_2775 = arith.constant 27 : i32
    %swap3A_2776 = arith.index_cast %swap3A_2775 : i32 to index
    %swap3A_2777 = arith.constant 16 : index
    %swap3A_2778 = tpu.vector_load %arg8[%swap3A_2776, %swap3A_2777] {strides = array<i32>} : memref<32x64xf32, #tpu.memory_space<vmem>>, vector<16xf32>,
    tpu.vector_store %arg8[%swap3A_2776, %swap3A_2777], %gather3A_2774 {strides = array<i32>} : memref<32x64xf32, #tpu.memory_space<vmem>>, vector<16xf32>,
    %add3A_2779 = arith.constant 32 : i32
    %add3A_2780 = vector.broadcast %add3A_2779 : i32 to vector<16xi32>
    %add3A_2781 = arith.addi %iota3A, %add3A_2780 : vector<16xi32>
    %gather3A_2782 = tpu.vector_load_idx %arg7[%add3A_2781, %broadcast_in_dim3A_2762] : memref<64x128xf32, #tpu.memory_space<vmem>>[vector<16xi32>, vector<16xi32>], vector<16xf32>,
    %swap3A_2783 = arith.constant 27 : i32
    %swap3A_2784 = arith.index_cast %swap3A_2783 : i32 to index
    %swap3A_2785 = arith.constant 32 : index
    %swap3A_2786 = tpu.vector_load %arg8[%swap3A_2784, %swap3A_2785] {strides = array<i32>} : memref<32x64xf32, #tpu.memory_space<vmem>>, vector<16xf32>,
    tpu.vector_store %arg8[%swap3A_2784, %swap3A_2785], %gather3A_2782 {strides = array<i32>} : memref<32x64xf32, #tpu.memory_space<vmem>>, vector<16xf32>,
    %add3A_2787 = arith.constant 48 : i32
    %add3A_2788 = vector.broadcast %add3A_2787 : i32 to vector<16xi32>
    %add3A_2789 = arith.addi %iota3A, %add3A_2788 : vector<16xi32>
    %gather3A_2790 = tpu.vector_load_idx %arg7[%add3A_2789, %broadcast_in_dim3A_2762] : memref<64x128xf32, #tpu.memory_space<vmem>>[vector<16xi32>, vector<16xi32>], vector<16xf32>,
    %swap3A_2791 = arith.constant 27 : i32
    %swap3A_2792 = arith.index_cast %swap3A_2791 : i32 to index
    %swap3A_2793 = arith.constant 48 : index
    %swap3A_2794 = tpu.vector_load %arg8[%swap3A_2792, %swap3A_2793] {strides = array<i32>} : memref<32x64xf32, #tpu.memory_space<vmem>>, vector<16xf32>,
    tpu.vector_store %arg8[%swap3A_2792, %swap3A_2793], %gather3A_2790 {strides = array<i32>} : memref<32x64xf32, #tpu.memory_space<vmem>>, vector<16xf32>,
    %slice3A_2795 = vector.extract_strided_slice %get3A_1573 {offsets = [13], sizes = [1], strides = [1]} : vector<16xi32> to vector<1xi32>
    %squeeze3A_2796 = vector.extract %slice3A_2795[0] : i32 from vector<1xi32>
    %jit3A_2797 = arith.constant 128 : i32
    %div3A_2798 = arith.divsi %squeeze3A_2796, %jit3A_2797 : i32
    %sign3A_2799 = arith.constant 0 : i32
    %sign3A_2800 = arith.cmpi sgt, %squeeze3A_2796, %sign3A_2799 : i32
    %sign3A_2801 = arith.extui %sign3A_2800 : i1 to i32
    %sign3A_2802 = arith.constant 0 : i32
    %sign3A_2803 = arith.cmpi slt, %squeeze3A_2796, %sign3A_2802 : i32
    %sign3A_2804 = arith.extui %sign3A_2803 : i1 to i32
    %sign3A_2805 = arith.subi %sign3A_2801, %sign3A_2804 : i32
    %sign3A_2806 = arith.constant 0 : i32
    %sign3A_2807 = arith.cmpi sgt, %jit3A_2797, %sign3A_2806 : i32
    %sign3A_2808 = arith.extui %sign3A_2807 : i1 to i32
    %sign3A_2809 = arith.constant 0 : i32
    %sign3A_2810 = arith.cmpi slt, %jit3A_2797, %sign3A_2809 : i32
    %sign3A_2811 = arith.extui %sign3A_2810 : i1 to i32
    %sign3A_2812 = arith.subi %sign3A_2808, %sign3A_2811 : i32
    %ne3A_2813 = arith.cmpi ne, %sign3A_2805, %sign3A_2812 : i32
    %rem3A_2814 = arith.remsi %squeeze3A_2796, %jit3A_2797 : i32
    %ne3A_2815 = arith.constant 0 : i32
    %ne3A_2816 = arith.cmpi ne, %rem3A_2814, %ne3A_2815 : i32
    %and3A_2817 = arith.andi %ne3A_2813, %ne3A_2816 : i1
    %sub3A_2818 = arith.constant 1 : i32
    %sub3A_2819 = arith.subi %div3A_2798, %sub3A_2818 : i32
    %select_n3A_2820 = arith.select %and3A_2817, %sub3A_2819, %div3A_2798 : i32
    %mul3A_2821 = arith.constant 128 : i32
    %mul3A_2822 = arith.muli %select_n3A_2820, %mul3A_2821 : i32
    %multiple_of3A_2823 = tpu.assume_multiple %mul3A_2822, 128 : i32
    %dma_start3A_2824 = arith.constant 0 : i32
    %dma_start3A_2825 = tpu.memref_slice %arg3[%dma_start3A_2824, %multiple_of3A_2823] : memref<64x100000xf32, #tpu.memory_space<hbm>> -> memref<64x128xf32, #tpu.memory_space<hbm>>
    %dma_start3A_2826 = arith.constant 0 : i32
    %dma_start3A_2827 = tpu.memref_slice %arg3[%dma_start3A_2826, %multiple_of3A_2823] : memref<64x100000xf32, #tpu.memory_space<hbm>> -> memref<64x128xf32, #tpu.memory_space<hbm>>
    tpu.enqueue_dma source(%dma_start3A_2827 : memref<64x128xf32, #tpu.memory_space<hbm>>) target(%arg7 : memref<64x128xf32, #tpu.memory_space<vmem>>) target_semaphore(%arg10 : memref<!tpu.dma_semaphore, #tpu.memory_space<semaphore_mem>>)
    %dma_wait3A_2828 = arith.constant 0 : i32
    %dma_wait3A_2829 = tpu.memref_slice %arg3[%dma_wait3A_2828, %multiple_of3A_2724] : memref<64x100000xf32, #tpu.memory_space<hbm>> -> memref<64x128xf32, #tpu.memory_space<hbm>>
    %dma_wait3A_2830 = arith.constant 0 : i32
    %dma_wait3A_2831 = tpu.memref_slice %arg3[%dma_wait3A_2830, %multiple_of3A_2724] : memref<64x100000xf32, #tpu.memory_space<hbm>> -> memref<64x128xf32, #tpu.memory_space<hbm>>
    tpu.wait_dma2 semaphore(%arg9 : memref<!tpu.dma_semaphore, #tpu.memory_space<semaphore_mem>>) src(%dma_wait3A_2831 : memref<64x128xf32, #tpu.memory_space<hbm>>) dst(%arg6 : memref<64x128xf32, #tpu.memory_space<vmem>>)
    %slice3A_2832 = vector.extract_strided_slice %get3A_1573 {offsets = [12], sizes = [1], strides = [1]} : vector<16xi32> to vector<1xi32>
    %squeeze3A_2833 = vector.extract %slice3A_2832[0] : i32 from vector<1xi32>
    %jit3A_2834 = arith.constant 128 : i32
    %div3A_2835 = arith.divsi %squeeze3A_2833, %jit3A_2834 : i32
    %sign3A_2836 = arith.constant 0 : i32
    %sign3A_2837 = arith.cmpi sgt, %squeeze3A_2833, %sign3A_2836 : i32
    %sign3A_2838 = arith.extui %sign3A_2837 : i1 to i32
    %sign3A_2839 = arith.constant 0 : i32
    %sign3A_2840 = arith.cmpi slt, %squeeze3A_2833, %sign3A_2839 : i32
    %sign3A_2841 = arith.extui %sign3A_2840 : i1 to i32
    %sign3A_2842 = arith.subi %sign3A_2838, %sign3A_2841 : i32
    %sign3A_2843 = arith.constant 0 : i32
    %sign3A_2844 = arith.cmpi sgt, %jit3A_2834, %sign3A_2843 : i32
    %sign3A_2845 = arith.extui %sign3A_2844 : i1 to i32
    %sign3A_2846 = arith.constant 0 : i32
    %sign3A_2847 = arith.cmpi slt, %jit3A_2834, %sign3A_2846 : i32
    %sign3A_2848 = arith.extui %sign3A_2847 : i1 to i32
    %sign3A_2849 = arith.subi %sign3A_2845, %sign3A_2848 : i32
    %ne3A_2850 = arith.cmpi ne, %sign3A_2842, %sign3A_2849 : i32
    %rem3A_2851 = arith.remsi %squeeze3A_2833, %jit3A_2834 : i32
    %ne3A_2852 = arith.constant 0 : i32
    %ne3A_2853 = arith.cmpi ne, %rem3A_2851, %ne3A_2852 : i32
    %and3A_2854 = arith.andi %ne3A_2850, %ne3A_2853 : i1
    %sub3A_2855 = arith.constant 1 : i32
    %sub3A_2856 = arith.subi %div3A_2835, %sub3A_2855 : i32
    %select_n3A_2857 = arith.select %and3A_2854, %sub3A_2856, %div3A_2835 : i32
    %mul3A_2858 = arith.constant 128 : i32
    %mul3A_2859 = arith.muli %select_n3A_2857, %mul3A_2858 : i32
    %sub3A_2860 = arith.subi %squeeze3A_2833, %mul3A_2859 : i32
    %broadcast_in_dim3A_2861 = vector.broadcast %sub3A_2860 : i32 to vector<16xi32>
    %add3A_2862 = arith.constant 0 : i32
    %add3A_2863 = vector.broadcast %add3A_2862 : i32 to vector<16xi32>
    %add3A_2864 = arith.addi %iota3A, %add3A_2863 : vector<16xi32>
    %gather3A_2865 = tpu.vector_load_idx %arg6[%add3A_2864, %broadcast_in_dim3A_2861] : memref<64x128xf32, #tpu.memory_space<vmem>>[vector<16xi32>, vector<16xi32>], vector<16xf32>,
    %swap3A_2866 = arith.constant 28 : i32
    %swap3A_2867 = arith.index_cast %swap3A_2866 : i32 to index
    %swap3A_2868 = arith.constant 0 : index
    %swap3A_2869 = tpu.vector_load %arg8[%swap3A_2867, %swap3A_2868] {strides = array<i32>} : memref<32x64xf32, #tpu.memory_space<vmem>>, vector<16xf32>,
    tpu.vector_store %arg8[%swap3A_2867, %swap3A_2868], %gather3A_2865 {strides = array<i32>} : memref<32x64xf32, #tpu.memory_space<vmem>>, vector<16xf32>,
    %add3A_2870 = arith.constant 16 : i32
    %add3A_2871 = vector.broadcast %add3A_2870 : i32 to vector<16xi32>
    %add3A_2872 = arith.addi %iota3A, %add3A_2871 : vector<16xi32>
    %gather3A_2873 = tpu.vector_load_idx %arg6[%add3A_2872, %broadcast_in_dim3A_2861] : memref<64x128xf32, #tpu.memory_space<vmem>>[vector<16xi32>, vector<16xi32>], vector<16xf32>,
    %swap3A_2874 = arith.constant 28 : i32
    %swap3A_2875 = arith.index_cast %swap3A_2874 : i32 to index
    %swap3A_2876 = arith.constant 16 : index
    %swap3A_2877 = tpu.vector_load %arg8[%swap3A_2875, %swap3A_2876] {strides = array<i32>} : memref<32x64xf32, #tpu.memory_space<vmem>>, vector<16xf32>,
    tpu.vector_store %arg8[%swap3A_2875, %swap3A_2876], %gather3A_2873 {strides = array<i32>} : memref<32x64xf32, #tpu.memory_space<vmem>>, vector<16xf32>,
    %add3A_2878 = arith.constant 32 : i32
    %add3A_2879 = vector.broadcast %add3A_2878 : i32 to vector<16xi32>
    %add3A_2880 = arith.addi %iota3A, %add3A_2879 : vector<16xi32>
    %gather3A_2881 = tpu.vector_load_idx %arg6[%add3A_2880, %broadcast_in_dim3A_2861] : memref<64x128xf32, #tpu.memory_space<vmem>>[vector<16xi32>, vector<16xi32>], vector<16xf32>,
    %swap3A_2882 = arith.constant 28 : i32
    %swap3A_2883 = arith.index_cast %swap3A_2882 : i32 to index
    %swap3A_2884 = arith.constant 32 : index
    %swap3A_2885 = tpu.vector_load %arg8[%swap3A_2883, %swap3A_2884] {strides = array<i32>} : memref<32x64xf32, #tpu.memory_space<vmem>>, vector<16xf32>,
    tpu.vector_store %arg8[%swap3A_2883, %swap3A_2884], %gather3A_2881 {strides = array<i32>} : memref<32x64xf32, #tpu.memory_space<vmem>>, vector<16xf32>,
    %add3A_2886 = arith.constant 48 : i32
    %add3A_2887 = vector.broadcast %add3A_2886 : i32 to vector<16xi32>
    %add3A_2888 = arith.addi %iota3A, %add3A_2887 : vector<16xi32>
    %gather3A_2889 = tpu.vector_load_idx %arg6[%add3A_2888, %broadcast_in_dim3A_2861] : memref<64x128xf32, #tpu.memory_space<vmem>>[vector<16xi32>, vector<16xi32>], vector<16xf32>,
    %swap3A_2890 = arith.constant 28 : i32
    %swap3A_2891 = arith.index_cast %swap3A_2890 : i32 to index
    %swap3A_2892 = arith.constant 48 : index
    %swap3A_2893 = tpu.vector_load %arg8[%swap3A_2891, %swap3A_2892] {strides = array<i32>} : memref<32x64xf32, #tpu.memory_space<vmem>>, vector<16xf32>,
    tpu.vector_store %arg8[%swap3A_2891, %swap3A_2892], %gather3A_2889 {strides = array<i32>} : memref<32x64xf32, #tpu.memory_space<vmem>>, vector<16xf32>,
    %slice3A_2894 = vector.extract_strided_slice %get3A_1573 {offsets = [14], sizes = [1], strides = [1]} : vector<16xi32> to vector<1xi32>
    %squeeze3A_2895 = vector.extract %slice3A_2894[0] : i32 from vector<1xi32>
    %jit3A_2896 = arith.constant 128 : i32
    %div3A_2897 = arith.divsi %squeeze3A_2895, %jit3A_2896 : i32
    %sign3A_2898 = arith.constant 0 : i32
    %sign3A_2899 = arith.cmpi sgt, %squeeze3A_2895, %sign3A_2898 : i32
    %sign3A_2900 = arith.extui %sign3A_2899 : i1 to i32
    %sign3A_2901 = arith.constant 0 : i32
    %sign3A_2902 = arith.cmpi slt, %squeeze3A_2895, %sign3A_2901 : i32
    %sign3A_2903 = arith.extui %sign3A_2902 : i1 to i32
    %sign3A_2904 = arith.subi %sign3A_2900, %sign3A_2903 : i32
    %sign3A_2905 = arith.constant 0 : i32
    %sign3A_2906 = arith.cmpi sgt, %jit3A_2896, %sign3A_2905 : i32
    %sign3A_2907 = arith.extui %sign3A_2906 : i1 to i32
    %sign3A_2908 = arith.constant 0 : i32
    %sign3A_2909 = arith.cmpi slt, %jit3A_2896, %sign3A_2908 : i32
    %sign3A_2910 = arith.extui %sign3A_2909 : i1 to i32
    %sign3A_2911 = arith.subi %sign3A_2907, %sign3A_2910 : i32
    %ne3A_2912 = arith.cmpi ne, %sign3A_2904, %sign3A_2911 : i32
    %rem3A_2913 = arith.remsi %squeeze3A_2895, %jit3A_2896 : i32
    %ne3A_2914 = arith.constant 0 : i32
    %ne3A_2915 = arith.cmpi ne, %rem3A_2913, %ne3A_2914 : i32
    %and3A_2916 = arith.andi %ne3A_2912, %ne3A_2915 : i1
    %sub3A_2917 = arith.constant 1 : i32
    %sub3A_2918 = arith.subi %div3A_2897, %sub3A_2917 : i32
    %select_n3A_2919 = arith.select %and3A_2916, %sub3A_2918, %div3A_2897 : i32
    %mul3A_2920 = arith.constant 128 : i32
    %mul3A_2921 = arith.muli %select_n3A_2919, %mul3A_2920 : i32
    %multiple_of3A_2922 = tpu.assume_multiple %mul3A_2921, 128 : i32
    %dma_start3A_2923 = arith.constant 0 : i32
    %dma_start3A_2924 = tpu.memref_slice %arg3[%dma_start3A_2923, %multiple_of3A_2922] : memref<64x100000xf32, #tpu.memory_space<hbm>> -> memref<64x128xf32, #tpu.memory_space<hbm>>
    %dma_start3A_2925 = arith.constant 0 : i32
    %dma_start3A_2926 = tpu.memref_slice %arg3[%dma_start3A_2925, %multiple_of3A_2922] : memref<64x100000xf32, #tpu.memory_space<hbm>> -> memref<64x128xf32, #tpu.memory_space<hbm>>
    tpu.enqueue_dma source(%dma_start3A_2926 : memref<64x128xf32, #tpu.memory_space<hbm>>) target(%arg6 : memref<64x128xf32, #tpu.memory_space<vmem>>) target_semaphore(%arg9 : memref<!tpu.dma_semaphore, #tpu.memory_space<semaphore_mem>>)
    %dma_wait3A_2927 = arith.constant 0 : i32
    %dma_wait3A_2928 = tpu.memref_slice %arg3[%dma_wait3A_2927, %multiple_of3A_2823] : memref<64x100000xf32, #tpu.memory_space<hbm>> -> memref<64x128xf32, #tpu.memory_space<hbm>>
    %dma_wait3A_2929 = arith.constant 0 : i32
    %dma_wait3A_2930 = tpu.memref_slice %arg3[%dma_wait3A_2929, %multiple_of3A_2823] : memref<64x100000xf32, #tpu.memory_space<hbm>> -> memref<64x128xf32, #tpu.memory_space<hbm>>
    tpu.wait_dma2 semaphore(%arg10 : memref<!tpu.dma_semaphore, #tpu.memory_space<semaphore_mem>>) src(%dma_wait3A_2930 : memref<64x128xf32, #tpu.memory_space<hbm>>) dst(%arg7 : memref<64x128xf32, #tpu.memory_space<vmem>>)
    %slice3A_2931 = vector.extract_strided_slice %get3A_1573 {offsets = [13], sizes = [1], strides = [1]} : vector<16xi32> to vector<1xi32>
    %squeeze3A_2932 = vector.extract %slice3A_2931[0] : i32 from vector<1xi32>
    %jit3A_2933 = arith.constant 128 : i32
    %div3A_2934 = arith.divsi %squeeze3A_2932, %jit3A_2933 : i32
    %sign3A_2935 = arith.constant 0 : i32
    %sign3A_2936 = arith.cmpi sgt, %squeeze3A_2932, %sign3A_2935 : i32
    %sign3A_2937 = arith.extui %sign3A_2936 : i1 to i32
    %sign3A_2938 = arith.constant 0 : i32
    %sign3A_2939 = arith.cmpi slt, %squeeze3A_2932, %sign3A_2938 : i32
    %sign3A_2940 = arith.extui %sign3A_2939 : i1 to i32
    %sign3A_2941 = arith.subi %sign3A_2937, %sign3A_2940 : i32
    %sign3A_2942 = arith.constant 0 : i32
    %sign3A_2943 = arith.cmpi sgt, %jit3A_2933, %sign3A_2942 : i32
    %sign3A_2944 = arith.extui %sign3A_2943 : i1 to i32
    %sign3A_2945 = arith.constant 0 : i32
    %sign3A_2946 = arith.cmpi slt, %jit3A_2933, %sign3A_2945 : i32
    %sign3A_2947 = arith.extui %sign3A_2946 : i1 to i32
    %sign3A_2948 = arith.subi %sign3A_2944, %sign3A_2947 : i32
    %ne3A_2949 = arith.cmpi ne, %sign3A_2941, %sign3A_2948 : i32
    %rem3A_2950 = arith.remsi %squeeze3A_2932, %jit3A_2933 : i32
    %ne3A_2951 = arith.constant 0 : i32
    %ne3A_2952 = arith.cmpi ne, %rem3A_2950, %ne3A_2951 : i32
    %and3A_2953 = arith.andi %ne3A_2949, %ne3A_2952 : i1
    %sub3A_2954 = arith.constant 1 : i32
    %sub3A_2955 = arith.subi %div3A_2934, %sub3A_2954 : i32
    %select_n3A_2956 = arith.select %and3A_2953, %sub3A_2955, %div3A_2934 : i32
    %mul3A_2957 = arith.constant 128 : i32
    %mul3A_2958 = arith.muli %select_n3A_2956, %mul3A_2957 : i32
    %sub3A_2959 = arith.subi %squeeze3A_2932, %mul3A_2958 : i32
    %broadcast_in_dim3A_2960 = vector.broadcast %sub3A_2959 : i32 to vector<16xi32>
    %add3A_2961 = arith.constant 0 : i32
    %add3A_2962 = vector.broadcast %add3A_2961 : i32 to vector<16xi32>
    %add3A_2963 = arith.addi %iota3A, %add3A_2962 : vector<16xi32>
    %gather3A_2964 = tpu.vector_load_idx %arg7[%add3A_2963, %broadcast_in_dim3A_2960] : memref<64x128xf32, #tpu.memory_space<vmem>>[vector<16xi32>, vector<16xi32>], vector<16xf32>,
    %swap3A_2965 = arith.constant 29 : i32
    %swap3A_2966 = arith.index_cast %swap3A_2965 : i32 to index
    %swap3A_2967 = arith.constant 0 : index
    %swap3A_2968 = tpu.vector_load %arg8[%swap3A_2966, %swap3A_2967] {strides = array<i32>} : memref<32x64xf32, #tpu.memory_space<vmem>>, vector<16xf32>,
    tpu.vector_store %arg8[%swap3A_2966, %swap3A_2967], %gather3A_2964 {strides = array<i32>} : memref<32x64xf32, #tpu.memory_space<vmem>>, vector<16xf32>,
    %add3A_2969 = arith.constant 16 : i32
    %add3A_2970 = vector.broadcast %add3A_2969 : i32 to vector<16xi32>
    %add3A_2971 = arith.addi %iota3A, %add3A_2970 : vector<16xi32>
    %gather3A_2972 = tpu.vector_load_idx %arg7[%add3A_2971, %broadcast_in_dim3A_2960] : memref<64x128xf32, #tpu.memory_space<vmem>>[vector<16xi32>, vector<16xi32>], vector<16xf32>,
    %swap3A_2973 = arith.constant 29 : i32
    %swap3A_2974 = arith.index_cast %swap3A_2973 : i32 to index
    %swap3A_2975 = arith.constant 16 : index
    %swap3A_2976 = tpu.vector_load %arg8[%swap3A_2974, %swap3A_2975] {strides = array<i32>} : memref<32x64xf32, #tpu.memory_space<vmem>>, vector<16xf32>,
    tpu.vector_store %arg8[%swap3A_2974, %swap3A_2975], %gather3A_2972 {strides = array<i32>} : memref<32x64xf32, #tpu.memory_space<vmem>>, vector<16xf32>,
    %add3A_2977 = arith.constant 32 : i32
    %add3A_2978 = vector.broadcast %add3A_2977 : i32 to vector<16xi32>
    %add3A_2979 = arith.addi %iota3A, %add3A_2978 : vector<16xi32>
    %gather3A_2980 = tpu.vector_load_idx %arg7[%add3A_2979, %broadcast_in_dim3A_2960] : memref<64x128xf32, #tpu.memory_space<vmem>>[vector<16xi32>, vector<16xi32>], vector<16xf32>,
    %swap3A_2981 = arith.constant 29 : i32
    %swap3A_2982 = arith.index_cast %swap3A_2981 : i32 to index
    %swap3A_2983 = arith.constant 32 : index
    %swap3A_2984 = tpu.vector_load %arg8[%swap3A_2982, %swap3A_2983] {strides = array<i32>} : memref<32x64xf32, #tpu.memory_space<vmem>>, vector<16xf32>,
    tpu.vector_store %arg8[%swap3A_2982, %swap3A_2983], %gather3A_2980 {strides = array<i32>} : memref<32x64xf32, #tpu.memory_space<vmem>>, vector<16xf32>,
    %add3A_2985 = arith.constant 48 : i32
    %add3A_2986 = vector.broadcast %add3A_2985 : i32 to vector<16xi32>
    %add3A_2987 = arith.addi %iota3A, %add3A_2986 : vector<16xi32>
    %gather3A_2988 = tpu.vector_load_idx %arg7[%add3A_2987, %broadcast_in_dim3A_2960] : memref<64x128xf32, #tpu.memory_space<vmem>>[vector<16xi32>, vector<16xi32>], vector<16xf32>,
    %swap3A_2989 = arith.constant 29 : i32
    %swap3A_2990 = arith.index_cast %swap3A_2989 : i32 to index
    %swap3A_2991 = arith.constant 48 : index
    %swap3A_2992 = tpu.vector_load %arg8[%swap3A_2990, %swap3A_2991] {strides = array<i32>} : memref<32x64xf32, #tpu.memory_space<vmem>>, vector<16xf32>,
    tpu.vector_store %arg8[%swap3A_2990, %swap3A_2991], %gather3A_2988 {strides = array<i32>} : memref<32x64xf32, #tpu.memory_space<vmem>>, vector<16xf32>,
    %slice3A_2993 = vector.extract_strided_slice %get3A_1573 {offsets = [15], sizes = [1], strides = [1]} : vector<16xi32> to vector<1xi32>
    %squeeze3A_2994 = vector.extract %slice3A_2993[0] : i32 from vector<1xi32>
    %jit3A_2995 = arith.constant 128 : i32
    %div3A_2996 = arith.divsi %squeeze3A_2994, %jit3A_2995 : i32
    %sign3A_2997 = arith.constant 0 : i32
    %sign3A_2998 = arith.cmpi sgt, %squeeze3A_2994, %sign3A_2997 : i32
    %sign3A_2999 = arith.extui %sign3A_2998 : i1 to i32
    %sign3A_3000 = arith.constant 0 : i32
    %sign3A_3001 = arith.cmpi slt, %squeeze3A_2994, %sign3A_3000 : i32
    %sign3A_3002 = arith.extui %sign3A_3001 : i1 to i32
    %sign3A_3003 = arith.subi %sign3A_2999, %sign3A_3002 : i32
    %sign3A_3004 = arith.constant 0 : i32
    %sign3A_3005 = arith.cmpi sgt, %jit3A_2995, %sign3A_3004 : i32
    %sign3A_3006 = arith.extui %sign3A_3005 : i1 to i32
    %sign3A_3007 = arith.constant 0 : i32
    %sign3A_3008 = arith.cmpi slt, %jit3A_2995, %sign3A_3007 : i32
    %sign3A_3009 = arith.extui %sign3A_3008 : i1 to i32
    %sign3A_3010 = arith.subi %sign3A_3006, %sign3A_3009 : i32
    %ne3A_3011 = arith.cmpi ne, %sign3A_3003, %sign3A_3010 : i32
    %rem3A_3012 = arith.remsi %squeeze3A_2994, %jit3A_2995 : i32
    %ne3A_3013 = arith.constant 0 : i32
    %ne3A_3014 = arith.cmpi ne, %rem3A_3012, %ne3A_3013 : i32
    %and3A_3015 = arith.andi %ne3A_3011, %ne3A_3014 : i1
    %sub3A_3016 = arith.constant 1 : i32
    %sub3A_3017 = arith.subi %div3A_2996, %sub3A_3016 : i32
    %select_n3A_3018 = arith.select %and3A_3015, %sub3A_3017, %div3A_2996 : i32
    %mul3A_3019 = arith.constant 128 : i32
    %mul3A_3020 = arith.muli %select_n3A_3018, %mul3A_3019 : i32
    %multiple_of3A_3021 = tpu.assume_multiple %mul3A_3020, 128 : i32
    %dma_start3A_3022 = arith.constant 0 : i32
    %dma_start3A_3023 = tpu.memref_slice %arg3[%dma_start3A_3022, %multiple_of3A_3021] : memref<64x100000xf32, #tpu.memory_space<hbm>> -> memref<64x128xf32, #tpu.memory_space<hbm>>
    %dma_start3A_3024 = arith.constant 0 : i32
    %dma_start3A_3025 = tpu.memref_slice %arg3[%dma_start3A_3024, %multiple_of3A_3021] : memref<64x100000xf32, #tpu.memory_space<hbm>> -> memref<64x128xf32, #tpu.memory_space<hbm>>
    tpu.enqueue_dma source(%dma_start3A_3025 : memref<64x128xf32, #tpu.memory_space<hbm>>) target(%arg7 : memref<64x128xf32, #tpu.memory_space<vmem>>) target_semaphore(%arg10 : memref<!tpu.dma_semaphore, #tpu.memory_space<semaphore_mem>>)
    %dma_wait3A_3026 = arith.constant 0 : i32
    %dma_wait3A_3027 = tpu.memref_slice %arg3[%dma_wait3A_3026, %multiple_of3A_2922] : memref<64x100000xf32, #tpu.memory_space<hbm>> -> memref<64x128xf32, #tpu.memory_space<hbm>>
    %dma_wait3A_3028 = arith.constant 0 : i32
    %dma_wait3A_3029 = tpu.memref_slice %arg3[%dma_wait3A_3028, %multiple_of3A_2922] : memref<64x100000xf32, #tpu.memory_space<hbm>> -> memref<64x128xf32, #tpu.memory_space<hbm>>
    tpu.wait_dma2 semaphore(%arg9 : memref<!tpu.dma_semaphore, #tpu.memory_space<semaphore_mem>>) src(%dma_wait3A_3029 : memref<64x128xf32, #tpu.memory_space<hbm>>) dst(%arg6 : memref<64x128xf32, #tpu.memory_space<vmem>>)
    %slice3A_3030 = vector.extract_strided_slice %get3A_1573 {offsets = [14], sizes = [1], strides = [1]} : vector<16xi32> to vector<1xi32>
    %squeeze3A_3031 = vector.extract %slice3A_3030[0] : i32 from vector<1xi32>
    %jit3A_3032 = arith.constant 128 : i32
    %div3A_3033 = arith.divsi %squeeze3A_3031, %jit3A_3032 : i32
    %sign3A_3034 = arith.constant 0 : i32
    %sign3A_3035 = arith.cmpi sgt, %squeeze3A_3031, %sign3A_3034 : i32
    %sign3A_3036 = arith.extui %sign3A_3035 : i1 to i32
    %sign3A_3037 = arith.constant 0 : i32
    %sign3A_3038 = arith.cmpi slt, %squeeze3A_3031, %sign3A_3037 : i32
    %sign3A_3039 = arith.extui %sign3A_3038 : i1 to i32
    %sign3A_3040 = arith.subi %sign3A_3036, %sign3A_3039 : i32
    %sign3A_3041 = arith.constant 0 : i32
    %sign3A_3042 = arith.cmpi sgt, %jit3A_3032, %sign3A_3041 : i32
    %sign3A_3043 = arith.extui %sign3A_3042 : i1 to i32
    %sign3A_3044 = arith.constant 0 : i32
    %sign3A_3045 = arith.cmpi slt, %jit3A_3032, %sign3A_3044 : i32
    %sign3A_3046 = arith.extui %sign3A_3045 : i1 to i32
    %sign3A_3047 = arith.subi %sign3A_3043, %sign3A_3046 : i32
    %ne3A_3048 = arith.cmpi ne, %sign3A_3040, %sign3A_3047 : i32
    %rem3A_3049 = arith.remsi %squeeze3A_3031, %jit3A_3032 : i32
    %ne3A_3050 = arith.constant 0 : i32
    %ne3A_3051 = arith.cmpi ne, %rem3A_3049, %ne3A_3050 : i32
    %and3A_3052 = arith.andi %ne3A_3048, %ne3A_3051 : i1
    %sub3A_3053 = arith.constant 1 : i32
    %sub3A_3054 = arith.subi %div3A_3033, %sub3A_3053 : i32
    %select_n3A_3055 = arith.select %and3A_3052, %sub3A_3054, %div3A_3033 : i32
    %mul3A_3056 = arith.constant 128 : i32
    %mul3A_3057 = arith.muli %select_n3A_3055, %mul3A_3056 : i32
    %sub3A_3058 = arith.subi %squeeze3A_3031, %mul3A_3057 : i32
    %broadcast_in_dim3A_3059 = vector.broadcast %sub3A_3058 : i32 to vector<16xi32>
    %add3A_3060 = arith.constant 0 : i32
    %add3A_3061 = vector.broadcast %add3A_3060 : i32 to vector<16xi32>
    %add3A_3062 = arith.addi %iota3A, %add3A_3061 : vector<16xi32>
    %gather3A_3063 = tpu.vector_load_idx %arg6[%add3A_3062, %broadcast_in_dim3A_3059] : memref<64x128xf32, #tpu.memory_space<vmem>>[vector<16xi32>, vector<16xi32>], vector<16xf32>,
    %swap3A_3064 = arith.constant 30 : i32
    %swap3A_3065 = arith.index_cast %swap3A_3064 : i32 to index
    %swap3A_3066 = arith.constant 0 : index
    %swap3A_3067 = tpu.vector_load %arg8[%swap3A_3065, %swap3A_3066] {strides = array<i32>} : memref<32x64xf32, #tpu.memory_space<vmem>>, vector<16xf32>,
    tpu.vector_store %arg8[%swap3A_3065, %swap3A_3066], %gather3A_3063 {strides = array<i32>} : memref<32x64xf32, #tpu.memory_space<vmem>>, vector<16xf32>,
    %add3A_3068 = arith.constant 16 : i32
    %add3A_3069 = vector.broadcast %add3A_3068 : i32 to vector<16xi32>
    %add3A_3070 = arith.addi %iota3A, %add3A_3069 : vector<16xi32>
    %gather3A_3071 = tpu.vector_load_idx %arg6[%add3A_3070, %broadcast_in_dim3A_3059] : memref<64x128xf32, #tpu.memory_space<vmem>>[vector<16xi32>, vector<16xi32>], vector<16xf32>,
    %swap3A_3072 = arith.constant 30 : i32
    %swap3A_3073 = arith.index_cast %swap3A_3072 : i32 to index
    %swap3A_3074 = arith.constant 16 : index
    %swap3A_3075 = tpu.vector_load %arg8[%swap3A_3073, %swap3A_3074] {strides = array<i32>} : memref<32x64xf32, #tpu.memory_space<vmem>>, vector<16xf32>,
    tpu.vector_store %arg8[%swap3A_3073, %swap3A_3074], %gather3A_3071 {strides = array<i32>} : memref<32x64xf32, #tpu.memory_space<vmem>>, vector<16xf32>,
    %add3A_3076 = arith.constant 32 : i32
    %add3A_3077 = vector.broadcast %add3A_3076 : i32 to vector<16xi32>
    %add3A_3078 = arith.addi %iota3A, %add3A_3077 : vector<16xi32>
    %gather3A_3079 = tpu.vector_load_idx %arg6[%add3A_3078, %broadcast_in_dim3A_3059] : memref<64x128xf32, #tpu.memory_space<vmem>>[vector<16xi32>, vector<16xi32>], vector<16xf32>,
    %swap3A_3080 = arith.constant 30 : i32
    %swap3A_3081 = arith.index_cast %swap3A_3080 : i32 to index
    %swap3A_3082 = arith.constant 32 : index
    %swap3A_3083 = tpu.vector_load %arg8[%swap3A_3081, %swap3A_3082] {strides = array<i32>} : memref<32x64xf32, #tpu.memory_space<vmem>>, vector<16xf32>,
    tpu.vector_store %arg8[%swap3A_3081, %swap3A_3082], %gather3A_3079 {strides = array<i32>} : memref<32x64xf32, #tpu.memory_space<vmem>>, vector<16xf32>,
    %add3A_3084 = arith.constant 48 : i32
    %add3A_3085 = vector.broadcast %add3A_3084 : i32 to vector<16xi32>
    %add3A_3086 = arith.addi %iota3A, %add3A_3085 : vector<16xi32>
    %gather3A_3087 = tpu.vector_load_idx %arg6[%add3A_3086, %broadcast_in_dim3A_3059] : memref<64x128xf32, #tpu.memory_space<vmem>>[vector<16xi32>, vector<16xi32>], vector<16xf32>,
    %swap3A_3088 = arith.constant 30 : i32
    %swap3A_3089 = arith.index_cast %swap3A_3088 : i32 to index
    %swap3A_3090 = arith.constant 48 : index
    %swap3A_3091 = tpu.vector_load %arg8[%swap3A_3089, %swap3A_3090] {strides = array<i32>} : memref<32x64xf32, #tpu.memory_space<vmem>>, vector<16xf32>,
    tpu.vector_store %arg8[%swap3A_3089, %swap3A_3090], %gather3A_3087 {strides = array<i32>} : memref<32x64xf32, #tpu.memory_space<vmem>>, vector<16xf32>,
    %dma_wait3A_3092 = arith.constant 0 : i32
    %dma_wait3A_3093 = tpu.memref_slice %arg3[%dma_wait3A_3092, %multiple_of3A_3021] : memref<64x100000xf32, #tpu.memory_space<hbm>> -> memref<64x128xf32, #tpu.memory_space<hbm>>
    %dma_wait3A_3094 = arith.constant 0 : i32
    %dma_wait3A_3095 = tpu.memref_slice %arg3[%dma_wait3A_3094, %multiple_of3A_3021] : memref<64x100000xf32, #tpu.memory_space<hbm>> -> memref<64x128xf32, #tpu.memory_space<hbm>>
    tpu.wait_dma2 semaphore(%arg10 : memref<!tpu.dma_semaphore, #tpu.memory_space<semaphore_mem>>) src(%dma_wait3A_3095 : memref<64x128xf32, #tpu.memory_space<hbm>>) dst(%arg7 : memref<64x128xf32, #tpu.memory_space<vmem>>)
    %slice3A_3096 = vector.extract_strided_slice %get3A_1573 {offsets = [15], sizes = [1], strides = [1]} : vector<16xi32> to vector<1xi32>
    %squeeze3A_3097 = vector.extract %slice3A_3096[0] : i32 from vector<1xi32>
    %jit3A_3098 = arith.constant 128 : i32
    %div3A_3099 = arith.divsi %squeeze3A_3097, %jit3A_3098 : i32
    %sign3A_3100 = arith.constant 0 : i32
    %sign3A_3101 = arith.cmpi sgt, %squeeze3A_3097, %sign3A_3100 : i32
    %sign3A_3102 = arith.extui %sign3A_3101 : i1 to i32
    %sign3A_3103 = arith.constant 0 : i32
    %sign3A_3104 = arith.cmpi slt, %squeeze3A_3097, %sign3A_3103 : i32
    %sign3A_3105 = arith.extui %sign3A_3104 : i1 to i32
    %sign3A_3106 = arith.subi %sign3A_3102, %sign3A_3105 : i32
    %sign3A_3107 = arith.constant 0 : i32
    %sign3A_3108 = arith.cmpi sgt, %jit3A_3098, %sign3A_3107 : i32
    %sign3A_3109 = arith.extui %sign3A_3108 : i1 to i32
    %sign3A_3110 = arith.constant 0 : i32
    %sign3A_3111 = arith.cmpi slt, %jit3A_3098, %sign3A_3110 : i32
    %sign3A_3112 = arith.extui %sign3A_3111 : i1 to i32
    %sign3A_3113 = arith.subi %sign3A_3109, %sign3A_3112 : i32
    %ne3A_3114 = arith.cmpi ne, %sign3A_3106, %sign3A_3113 : i32
    %rem3A_3115 = arith.remsi %squeeze3A_3097, %jit3A_3098 : i32
    %ne3A_3116 = arith.constant 0 : i32
    %ne3A_3117 = arith.cmpi ne, %rem3A_3115, %ne3A_3116 : i32
    %and3A_3118 = arith.andi %ne3A_3114, %ne3A_3117 : i1
    %sub3A_3119 = arith.constant 1 : i32
    %sub3A_3120 = arith.subi %div3A_3099, %sub3A_3119 : i32
    %select_n3A_3121 = arith.select %and3A_3118, %sub3A_3120, %div3A_3099 : i32
    %mul3A_3122 = arith.constant 128 : i32
    %mul3A_3123 = arith.muli %select_n3A_3121, %mul3A_3122 : i32
    %sub3A_3124 = arith.subi %squeeze3A_3097, %mul3A_3123 : i32
    %broadcast_in_dim3A_3125 = vector.broadcast %sub3A_3124 : i32 to vector<16xi32>
    %add3A_3126 = arith.constant 0 : i32
    %add3A_3127 = vector.broadcast %add3A_3126 : i32 to vector<16xi32>
    %add3A_3128 = arith.addi %iota3A, %add3A_3127 : vector<16xi32>
    %gather3A_3129 = tpu.vector_load_idx %arg7[%add3A_3128, %broadcast_in_dim3A_3125] : memref<64x128xf32, #tpu.memory_space<vmem>>[vector<16xi32>, vector<16xi32>], vector<16xf32>,
    %swap3A_3130 = arith.constant 31 : i32
    %swap3A_3131 = arith.index_cast %swap3A_3130 : i32 to index
    %swap3A_3132 = arith.constant 0 : index
    %swap3A_3133 = tpu.vector_load %arg8[%swap3A_3131, %swap3A_3132] {strides = array<i32>} : memref<32x64xf32, #tpu.memory_space<vmem>>, vector<16xf32>,
    tpu.vector_store %arg8[%swap3A_3131, %swap3A_3132], %gather3A_3129 {strides = array<i32>} : memref<32x64xf32, #tpu.memory_space<vmem>>, vector<16xf32>,
    %add3A_3134 = arith.constant 16 : i32
    %add3A_3135 = vector.broadcast %add3A_3134 : i32 to vector<16xi32>
    %add3A_3136 = arith.addi %iota3A, %add3A_3135 : vector<16xi32>
    %gather3A_3137 = tpu.vector_load_idx %arg7[%add3A_3136, %broadcast_in_dim3A_3125] : memref<64x128xf32, #tpu.memory_space<vmem>>[vector<16xi32>, vector<16xi32>], vector<16xf32>,
    %swap3A_3138 = arith.constant 31 : i32
    %swap3A_3139 = arith.index_cast %swap3A_3138 : i32 to index
    %swap3A_3140 = arith.constant 16 : index
    %swap3A_3141 = tpu.vector_load %arg8[%swap3A_3139, %swap3A_3140] {strides = array<i32>} : memref<32x64xf32, #tpu.memory_space<vmem>>, vector<16xf32>,
    tpu.vector_store %arg8[%swap3A_3139, %swap3A_3140], %gather3A_3137 {strides = array<i32>} : memref<32x64xf32, #tpu.memory_space<vmem>>, vector<16xf32>,
    %add3A_3142 = arith.constant 32 : i32
    %add3A_3143 = vector.broadcast %add3A_3142 : i32 to vector<16xi32>
    %add3A_3144 = arith.addi %iota3A, %add3A_3143 : vector<16xi32>
    %gather3A_3145 = tpu.vector_load_idx %arg7[%add3A_3144, %broadcast_in_dim3A_3125] : memref<64x128xf32, #tpu.memory_space<vmem>>[vector<16xi32>, vector<16xi32>], vector<16xf32>,
    %swap3A_3146 = arith.constant 31 : i32
    %swap3A_3147 = arith.index_cast %swap3A_3146 : i32 to index
    %swap3A_3148 = arith.constant 32 : index
    %swap3A_3149 = tpu.vector_load %arg8[%swap3A_3147, %swap3A_3148] {strides = array<i32>} : memref<32x64xf32, #tpu.memory_space<vmem>>, vector<16xf32>,
    tpu.vector_store %arg8[%swap3A_3147, %swap3A_3148], %gather3A_3145 {strides = array<i32>} : memref<32x64xf32, #tpu.memory_space<vmem>>, vector<16xf32>,
    %add3A_3150 = arith.constant 48 : i32
    %add3A_3151 = vector.broadcast %add3A_3150 : i32 to vector<16xi32>
    %add3A_3152 = arith.addi %iota3A, %add3A_3151 : vector<16xi32>
    %gather3A_3153 = tpu.vector_load_idx %arg7[%add3A_3152, %broadcast_in_dim3A_3125] : memref<64x128xf32, #tpu.memory_space<vmem>>[vector<16xi32>, vector<16xi32>], vector<16xf32>,
    %swap3A_3154 = arith.constant 31 : i32
    %swap3A_3155 = arith.index_cast %swap3A_3154 : i32 to index
    %swap3A_3156 = arith.constant 48 : index
    %swap3A_3157 = tpu.vector_load %arg8[%swap3A_3155, %swap3A_3156] {strides = array<i32>} : memref<32x64xf32, #tpu.memory_space<vmem>>, vector<16xf32>,
    tpu.vector_store %arg8[%swap3A_3155, %swap3A_3156], %gather3A_3153 {strides = array<i32>} : memref<32x64xf32, #tpu.memory_space<vmem>>, vector<16xf32>,
    "tpu.region"() ({
      %run_scoped3A = tpu.sem_alloc : memref<!tpu.dma_semaphore, #tpu.memory_space<semaphore_mem>>
      %dma_start3A_3158 = arith.constant 0 : i32
      %dma_start3A_3159 = tpu.memref_slice %arg4[%mul3A_2, %dma_start3A_3158] : memref<1024x64xf32, #tpu.memory_space<hbm>> -> memref<32x64xf32, #tpu.memory_space<hbm>>
      %dma_start3A_3160 = arith.constant 0 : i32
      %dma_start3A_3161 = tpu.memref_slice %arg4[%mul3A_2, %dma_start3A_3160] : memref<1024x64xf32, #tpu.memory_space<hbm>> -> memref<32x64xf32, #tpu.memory_space<hbm>>
      tpu.enqueue_dma source(%arg8 : memref<32x64xf32, #tpu.memory_space<vmem>>) target(%dma_start3A_3161 : memref<32x64xf32, #tpu.memory_space<hbm>>) target_semaphore(%run_scoped3A : memref<!tpu.dma_semaphore, #tpu.memory_space<semaphore_mem>>)
      %dma_wait3A_3162 = arith.constant 0 : i32
      %dma_wait3A_3163 = tpu.memref_slice %arg4[%mul3A_2, %dma_wait3A_3162] : memref<1024x64xf32, #tpu.memory_space<hbm>> -> memref<32x64xf32, #tpu.memory_space<hbm>>
      %dma_wait3A_3164 = arith.constant 0 : i32
      %dma_wait3A_3165 = tpu.memref_slice %arg4[%mul3A_2, %dma_wait3A_3164] : memref<1024x64xf32, #tpu.memory_space<hbm>> -> memref<32x64xf32, #tpu.memory_space<hbm>>
      tpu.wait_dma2 semaphore(%run_scoped3A : memref<!tpu.dma_semaphore, #tpu.memory_space<semaphore_mem>>) src(%arg8 : memref<32x64xf32, #tpu.memory_space<vmem>>) dst(%dma_wait3A_3165 : memref<32x64xf32, #tpu.memory_space<hbm>>)
      tpu.yield
    }) : () -> ()
    return
  }
}

module attributes {stable_mosaic.version = 14 : i64} {
  func.func @_tc_body(%arg0: i32, %arg1: memref<1024x64xf32, #tpu.memory_space<vmem>>, %arg2: memref<64x1024xf32, #tpu.memory_space<vmem>>, %arg3: memref<64x8192xf32, #tpu.memory_space<vmem>>, %arg4: memref<1x1xf32, #tpu.memory_space<smem>>, %arg5: memref<1024x1xf32, #tpu.memory_space<vmem>>, %arg6: memref<1024x1xf32, #tpu.memory_space<vmem>>, %arg7: memref<1024x64xbf16, #tpu.memory_space<vmem>>, %arg8: memref<1024x1xf32, #tpu.memory_space<vmem>>) attributes {dimension_semantics = [#tpu.dimension_semantics<arbitrary>], iteration_bounds = array<i64: 13>, scalar_prefetch = 0 : i64, scratch_operands = 4 : i64, tpu.core_type = #tpu.core_type<tc>, window_params = [{pipeline_mode = #tpu.pipeline_mode<synchronous>, transform_indices = @transform_0, window_bounds = array<i64: 1024, 64>}, {pipeline_mode = #tpu.pipeline_mode<synchronous>, transform_indices = @transform_1, window_bounds = array<i64: 64, 1024>}, {transform_indices = @transform_2, window_bounds = array<i64: 64, 8192>}, {transform_indices = @transform_3, window_bounds = array<i64: 1, 1>}]} {
    %eq3A = arith.constant 0 : i32
    %eq3A_0 = arith.cmpi eq, %arg0, %eq3A : i32
    %convert_element_type3A = arith.extui %eq3A_0 : i1 to i32
    %cond3A = arith.constant 0 : i32
    %cond3A_1 = arith.cmpi ne, %convert_element_type3A, %cond3A : i32
    scf.if %cond3A_1 {
      %broadcast_in_dim3A_55 = arith.constant -3.000000e+38 : f32
      %broadcast_in_dim3A_56 = vector.broadcast %broadcast_in_dim3A_55 : f32 to vector<1024x1xf32>
      %swap3A_57 = arith.constant 0 : index
      %swap3A_58 = arith.constant 0 : index
      %swap3A_59 = vector.load %arg5[%swap3A_57, %swap3A_58] : memref<1024x1xf32, #tpu.memory_space<vmem>>, vector<1024x1xf32>
      tpu.vector_store %arg5[%swap3A_57, %swap3A_58], %broadcast_in_dim3A_56 {strides = array<i32>} : memref<1024x1xf32, #tpu.memory_space<vmem>>, vector<1024x1xf32>,
      %broadcast_in_dim3A_60 = arith.constant 0.000000e+00 : f32
      %broadcast_in_dim3A_61 = vector.broadcast %broadcast_in_dim3A_60 : f32 to vector<1024x1xf32>
      %swap3A_62 = arith.constant 0 : index
      %swap3A_63 = arith.constant 0 : index
      %swap3A_64 = vector.load %arg6[%swap3A_62, %swap3A_63] : memref<1024x1xf32, #tpu.memory_space<vmem>>, vector<1024x1xf32>
      tpu.vector_store %arg6[%swap3A_62, %swap3A_63], %broadcast_in_dim3A_61 {strides = array<i32>} : memref<1024x1xf32, #tpu.memory_space<vmem>>, vector<1024x1xf32>,
      %get3A_65 = arith.constant 0 : index
      %get3A_66 = arith.constant 0 : index
      %get3A_67 = vector.load %arg1[%get3A_65, %get3A_66] : memref<1024x64xf32, #tpu.memory_space<vmem>>, vector<1024x64xf32>
      %mul3A_68 = arith.constant 1.44269502 : f32
      %mul3A_69 = vector.broadcast %mul3A_68 : f32 to vector<1024x64xf32>
      %mul3A_70 = arith.mulf %get3A_67, %mul3A_69 : vector<1024x64xf32>
      %convert_element_type3A_71 = arith.truncf %mul3A_70 : vector<1024x64xf32> to vector<1024x64xbf16>
      %swap3A_72 = arith.constant 0 : index
      %swap3A_73 = arith.constant 0 : index
      %swap3A_74 = vector.load %arg7[%swap3A_72, %swap3A_73] : memref<1024x64xbf16, #tpu.memory_space<vmem>>, vector<1024x64xbf16>
      tpu.vector_store %arg7[%swap3A_72, %swap3A_73], %convert_element_type3A_71 {strides = array<i32>} : memref<1024x64xbf16, #tpu.memory_space<vmem>>, vector<1024x64xbf16>,
      %mul3A_75 = arith.mulf %get3A_67, %get3A_67 : vector<1024x64xf32>
      %reduce_sum3A_76 = arith.constant dense<0.000000e+00> : vector<1024xf32>
      %reduce_sum3A_77 = vector.multi_reduction <add>, %mul3A_75, %reduce_sum3A_76 [1] : vector<1024x64xf32> to vector<1024xf32>
      %broadcast_in_dim3A_78 = vector.shape_cast %reduce_sum3A_77 : vector<1024xf32> to vector<1024x1xf32>
      %sqrt3A_79 = math.sqrt %broadcast_in_dim3A_78 : vector<1024x1xf32>
      %mul3A_80 = arith.constant 1.44269502 : f32
      %mul3A_81 = vector.broadcast %mul3A_80 : f32 to vector<1024x1xf32>
      %mul3A_82 = arith.mulf %sqrt3A_79, %mul3A_81 : vector<1024x1xf32>
      %swap3A_83 = arith.constant 0 : index
      %swap3A_84 = arith.constant 0 : index
      %swap3A_85 = vector.load %arg8[%swap3A_83, %swap3A_84] : memref<1024x1xf32, #tpu.memory_space<vmem>>, vector<1024x1xf32>
      tpu.vector_store %arg8[%swap3A_83, %swap3A_84], %mul3A_82 {strides = array<i32>} : memref<1024x1xf32, #tpu.memory_space<vmem>>, vector<1024x1xf32>,
    } else {
    }
    %get3A = arith.constant 0 : index
    %get3A_2 = arith.constant 0 : index
    %get3A_3 = vector.load %arg3[%get3A, %get3A_2] : memref<64x8192xf32, #tpu.memory_space<vmem>>, vector<64x8192xf32>
    %mul3A = arith.constant 8192 : i32
    %mul3A_4 = arith.muli %arg0, %mul3A : i32
    %iota3A = tpu.iota {dimensions = array<i32: 1>} : vector<1x8192xi32>
    %add3A = vector.broadcast %mul3A_4 : i32 to vector<1x8192xi32>
    %add3A_5 = arith.addi %add3A, %iota3A : vector<1x8192xi32>
    %lt3A = arith.constant 100000 : i32
    %lt3A_6 = vector.broadcast %lt3A : i32 to vector<1x8192xi32>
    %lt3A_7 = arith.cmpi slt, %add3A_5, %lt3A_6 : vector<1x8192xi32>
    %jit3A = arith.constant 0.000000e+00 : f32
    %broadcast_in_dim3A = vector.shape_cast %lt3A_7 : vector<1x8192xi1> to vector<1x8192xi1>
    %broadcast_in_dim3A_8 = vector.broadcast %broadcast_in_dim3A : vector<1x8192xi1> to vector<64x8192xi1>
    %broadcast_in_dim3A_9 = vector.broadcast %jit3A : f32 to vector<64x8192xf32>
    %select_n3A = arith.select %broadcast_in_dim3A_8, %get3A_3, %broadcast_in_dim3A_9 : vector<64x8192xi1>, vector<64x8192xf32>
    %mul3A_10 = arith.mulf %select_n3A, %select_n3A : vector<64x8192xf32>
    %reduce_sum3A = arith.constant dense<0.000000e+00> : vector<8192xf32>
    %reduce_sum3A_11 = vector.multi_reduction <add>, %mul3A_10, %reduce_sum3A [0] : vector<64x8192xf32> to vector<8192xf32>
    %broadcast_in_dim3A_12 = vector.shape_cast %reduce_sum3A_11 : vector<8192xf32> to vector<1x8192xf32>
    %reduce_max3A = arith.constant dense<0xFF800000> : vector<1xf32>
    %reduce_max3A_13 = vector.multi_reduction <maximumf>, %broadcast_in_dim3A_12, %reduce_max3A [1] : vector<1x8192xf32> to vector<1xf32>
    %broadcast_in_dim3A_14 = vector.shape_cast %reduce_max3A_13 : vector<1xf32> to vector<1x1xf32>
    %sqrt3A = math.sqrt %broadcast_in_dim3A_14 : vector<1x1xf32>
    %get3A_15 = arith.constant 0 : index
    %get3A_16 = arith.constant 0 : index
    %get3A_17 = vector.load %arg8[%get3A_15, %get3A_16] : memref<1024x1xf32, #tpu.memory_space<vmem>>, vector<1024x1xf32>
    %mul3A_18 = vector.broadcast %sqrt3A : vector<1x1xf32> to vector<1024x1xf32>
    %mul3A_19 = arith.mulf %get3A_17, %mul3A_18 : vector<1024x1xf32>
    %convert_element_type3A_20 = arith.truncf %mul3A_19 : vector<1024x1xf32> to vector<1024x1xbf16>
    %convert_element_type3A_21 = arith.extf %convert_element_type3A_20 : vector<1024x1xbf16> to vector<1024x1xf32>
    %get3A_22 = arith.constant 0 : index
    %get3A_23 = arith.constant 0 : index
    %get3A_24 = vector.load %arg7[%get3A_22, %get3A_23] : memref<1024x64xbf16, #tpu.memory_space<vmem>>, vector<1024x64xbf16>
    %concatenate3A = tpu.concatenate %get3A_24, %convert_element_type3A_20 in 1 : vector<1024x64xbf16>, vector<1024x1xbf16> -> vector<1024x65xbf16>
    %convert_element_type3A_25 = arith.truncf %select_n3A : vector<64x8192xf32> to vector<64x8192xbf16>
    %broadcast_in_dim3A_26 = arith.constant -1.000000e+00 : bf16
    %broadcast_in_dim3A_27 = vector.broadcast %broadcast_in_dim3A_26 : bf16 to vector<1x8192xbf16>
    %concatenate3A_28 = tpu.concatenate %convert_element_type3A_25, %broadcast_in_dim3A_27 in 0 : vector<64x8192xbf16>, vector<1x8192xbf16> -> vector<65x8192xbf16>
    %dot_general3A = arith.constant dense<0.000000e+00> : vector<1024x8192xf32>
    %dot_general3A_29 = tpu.matmul %concatenate3A, %concatenate3A_28, %dot_general3A {dimension_numbers = #tpu.dot_dimension_numbers<[1], [0], [0], [1], [0, 0, 1, 1], [], []>, transpose_lhs_hint = false} : vector<1024x65xbf16>, vector<65x8192xbf16>, vector<1024x8192xf32> -> vector<1024x8192xf32>
    %exp23A = math.exp2 %dot_general3A_29 : vector<1024x8192xf32>
    %reduce_sum3A_30 = arith.constant dense<0.000000e+00> : vector<1024xf32>
    %reduce_sum3A_31 = vector.multi_reduction <add>, %exp23A, %reduce_sum3A_30 [1] : vector<1024x8192xf32> to vector<1024xf32>
    %broadcast_in_dim3A_32 = vector.shape_cast %reduce_sum3A_31 : vector<1024xf32> to vector<1024x1xf32>
    %get3A_33 = arith.constant 0 : index
    %get3A_34 = arith.constant 0 : index
    %get3A_35 = vector.load %arg5[%get3A_33, %get3A_34] : memref<1024x1xf32, #tpu.memory_space<vmem>>, vector<1024x1xf32>
    %max3A = arith.maximumf %get3A_35, %convert_element_type3A_21 : vector<1024x1xf32>
    %get3A_36 = arith.constant 0 : index
    %get3A_37 = arith.constant 0 : index
    %get3A_38 = vector.load %arg6[%get3A_36, %get3A_37] : memref<1024x1xf32, #tpu.memory_space<vmem>>, vector<1024x1xf32>
    %sub3A = arith.subf %get3A_35, %max3A : vector<1024x1xf32>
    %exp23A_39 = math.exp2 %sub3A : vector<1024x1xf32>
    %mul3A_40 = arith.mulf %get3A_38, %exp23A_39 : vector<1024x1xf32>
    %sub3A_41 = arith.subf %convert_element_type3A_21, %max3A : vector<1024x1xf32>
    %exp23A_42 = math.exp2 %sub3A_41 : vector<1024x1xf32>
    %mul3A_43 = arith.mulf %broadcast_in_dim3A_32, %exp23A_42 : vector<1024x1xf32>
    %add3A_44 = arith.addf %mul3A_40, %mul3A_43 : vector<1024x1xf32>
    %swap3A = arith.constant 0 : index
    %swap3A_45 = arith.constant 0 : index
    %swap3A_46 = vector.load %arg6[%swap3A, %swap3A_45] : memref<1024x1xf32, #tpu.memory_space<vmem>>, vector<1024x1xf32>
    tpu.vector_store %arg6[%swap3A, %swap3A_45], %add3A_44 {strides = array<i32>} : memref<1024x1xf32, #tpu.memory_space<vmem>>, vector<1024x1xf32>,
    %swap3A_47 = arith.constant 0 : index
    %swap3A_48 = arith.constant 0 : index
    %swap3A_49 = vector.load %arg5[%swap3A_47, %swap3A_48] : memref<1024x1xf32, #tpu.memory_space<vmem>>, vector<1024x1xf32>
    tpu.vector_store %arg5[%swap3A_47, %swap3A_48], %max3A {strides = array<i32>} : memref<1024x1xf32, #tpu.memory_space<vmem>>, vector<1024x1xf32>,
    %eq3A_50 = arith.constant 12 : i32
    %eq3A_51 = arith.cmpi eq, %arg0, %eq3A_50 : i32
    %convert_element_type3A_52 = arith.extui %eq3A_51 : i1 to i32
    %cond3A_53 = arith.constant 0 : i32
    %cond3A_54 = arith.cmpi ne, %convert_element_type3A_52, %cond3A_53 : i32
    scf.if %cond3A_54 {
      %get3A_55 = arith.constant 0 : index
      %get3A_56 = arith.constant 0 : index
      %get3A_57 = vector.load %arg5[%get3A_55, %get3A_56] : memref<1024x1xf32, #tpu.memory_space<vmem>>, vector<1024x1xf32>
      %get3A_58 = arith.constant 0 : index
      %get3A_59 = arith.constant 0 : index
      %get3A_60 = vector.load %arg6[%get3A_58, %get3A_59] : memref<1024x1xf32, #tpu.memory_space<vmem>>, vector<1024x1xf32>
      %neg3A = arith.constant 0.000000e+00 : f32
      %neg3A_61 = vector.broadcast %neg3A : f32 to vector<1024x1xf32>
      %neg3A_62 = arith.subf %neg3A_61, %get3A_57 : vector<1024x1xf32>
      %exp23A_63 = math.exp2 %neg3A_62 : vector<1024x1xf32>
      %mul3A_64 = arith.constant 6.496000e+03 : f32
      %mul3A_65 = vector.broadcast %mul3A_64 : f32 to vector<1024x1xf32>
      %mul3A_66 = arith.mulf %mul3A_65, %exp23A_63 : vector<1024x1xf32>
      %sub3A_67 = arith.subf %get3A_60, %mul3A_66 : vector<1024x1xf32>
      %mul3A_68 = arith.constant 0.693147182 : f32
      %mul3A_69 = vector.broadcast %mul3A_68 : f32 to vector<1024x1xf32>
      %mul3A_70 = arith.mulf %get3A_57, %mul3A_69 : vector<1024x1xf32>
      %log3A = math.log %sub3A_67 : vector<1024x1xf32>
      %add3A_71 = arith.addf %mul3A_70, %log3A : vector<1024x1xf32>
      %get3A_72 = arith.constant 0 : index
      %get3A_73 = arith.constant 0 : index
      %get3A_74 = vector.load %arg2[%get3A_72, %get3A_73] : memref<64x1024xf32, #tpu.memory_space<vmem>>, vector<64x1024xf32>
      %transpose3A = tpu.transpose %get3A_74, [1, 0] : vector<64x1024xf32> -> vector<1024x64xf32>
      %get3A_75 = arith.constant 0 : index
      %get3A_76 = arith.constant 0 : index
      %get3A_77 = vector.load %arg1[%get3A_75, %get3A_76] : memref<1024x64xf32, #tpu.memory_space<vmem>>, vector<1024x64xf32>
      %mul3A_78 = arith.mulf %get3A_77, %transpose3A : vector<1024x64xf32>
      %reduce_sum3A_79 = vector.shape_cast %mul3A_78 : vector<1024x64xf32> to vector<1x1024x64xf32>
      %reduce_sum3A_80 = arith.constant dense<0.000000e+00> : vector<1xf32>
      %reduce_sum3A_81 = vector.multi_reduction <add>, %reduce_sum3A_79, %reduce_sum3A_80 [1, 2] : vector<1x1024x64xf32> to vector<1xf32>
      %reduce_sum3A_82 = vector.shape_cast %reduce_sum3A_81 : vector<1xf32> to vector<1x1x1xf32>
      %reduce_sum3A_83 = vector.extract %reduce_sum3A_82[0, 0, 0] : f32 from vector<1x1x1xf32>
      %reduce_sum3A_84 = vector.shape_cast %add3A_71 : vector<1024x1xf32> to vector<1x1024x1xf32>
      %reduce_sum3A_85 = arith.constant dense<0.000000e+00> : vector<1xf32>
      %reduce_sum3A_86 = vector.multi_reduction <add>, %reduce_sum3A_84, %reduce_sum3A_85 [1, 2] : vector<1x1024x1xf32> to vector<1xf32>
      %reduce_sum3A_87 = vector.shape_cast %reduce_sum3A_86 : vector<1xf32> to vector<1x1x1xf32>
      %reduce_sum3A_88 = vector.extract %reduce_sum3A_87[0, 0, 0] : f32 from vector<1x1x1xf32>
      %div3A = arith.constant 1.024000e+03 : f32
      %div3A_89 = arith.divf %reduce_sum3A_88, %div3A : f32
      %div3A_90 = arith.constant 8.192000e+03 : f32
      %div3A_91 = arith.divf %reduce_sum3A_83, %div3A_90 : f32
      %sub3A_92 = arith.subf %div3A_89, %div3A_91 : f32
      %swap3A_93 = arith.constant 0 : index
      %swap3A_94 = arith.constant 0 : index
      %swap3A_95 = memref.load %arg4[%swap3A_93, %swap3A_94] : memref<1x1xf32, #tpu.memory_space<smem>>
      memref.store %sub3A_92, %arg4[%swap3A_93, %swap3A_94] : memref<1x1xf32, #tpu.memory_space<smem>>
    } else {
    }
    return
  }
  func.func @transform_0(%arg0: i32) -> (i32, i32) {
    %c0_i32 = arith.constant 0 : i32
    %c0_i32_0 = arith.constant 0 : i32
    %c0_i32_1 = arith.constant 0 : i32
    return %c0_i32, %c0_i32_0 : i32, i32
  }
  func.func @transform_1(%arg0: i32) -> (i32, i32) {
    %c0_i32 = arith.constant 0 : i32
    %c0_i32_0 = arith.constant 0 : i32
    %c0_i32_1 = arith.constant 0 : i32
    return %c0_i32, %c0_i32_0 : i32, i32
  }
  func.func @transform_2(%arg0: i32) -> (i32, i32) {
    %c0_i32 = arith.constant 0 : i32
    %c0_i32_0 = arith.constant 0 : i32
    return %c0_i32, %arg0 : i32, i32
  }
  func.func @transform_3(%arg0: i32) -> (i32, i32) {
    %c0_i32 = arith.constant 0 : i32
    %c0_i32_0 = arith.constant 0 : i32
    %c0_i32_1 = arith.constant 0 : i32
    return %c0_i32, %c0_i32_0 : i32, i32
  }
}

</mosaic_0001>

<sc_bundles>
// kernel: kernel.5.cloned.1.call-start
scs
__scs_entry_jumppad:
0x0: {  	(pc) =	sbr.rel $0x88, $3  }
0x1: {  	(tag) =	ssettag $0x0;
	lr =	simm.s32 $0x1  }
0x2: {  	[smem:$0x3F9D] =	sst lr;
	_ =	strace $0xD0000000  }
0x3: {  	_ = 	snop  }
0x4: {  	_ = 	snop  }
0x5: {  	_ = 	snop  }
0x6: {  	_ = 	snop  }
0x7: {  	_ = 	snop  }
__scs_overlays_trampoline_lowered:
0x8: {  	[smem:$0x3FAC] =	sst s0  }
0x9: {  	[smem:$0x3FAD] =	sst s1  }
0xa: {  	[smem:$0x3FAE] =	sst s2  }
0xb: {  	[smem:$0x3FAF] =	sst s3  }
0xc: {  	[smem:$0x3FB0] =	sst s4  }
0xd: {  	[smem:$0x3FB1] =	sst s5  }
0xe: {  	[smem:$0x3FB2] =	sst s6  }
0xf: {  	[smem:$0x3FB3] =	sst s7  }
0x10: {  	[smem:$0x3FB4] =	sst s8  }
0x11: {  	[smem:$0x3FB5] =	sst s9;
	s0 =	simm.s32 @!p0 $0x0  }
0x12: {  	s1 =	sld [smem:$0x3F9B];
	s0 =	simm.s32 @p0 $0x1  }
0x13: {  	[smem:$0x3FB6] =	sst s0;
	s0 =	simm.s32 @!p1 $0x0  }
0x14: {  	s2 =	sld [smem:$0x3F9A];
	s0 =	simm.s32 @p1 $0x1  }
0x15: {  	[smem:$0x3FB7] =	sst s0;
	s0 =	simm.s32 @!p2 $0x0  }
0x16: {  	s3 =	sld [smem:$0x3FDB];
	s0 =	simm.s32 @p2 $0x1  }
0x17: {  	s4 =	simm.s32 $0x1BF5;
	[smem:$0x3FB9] =	sst s0  }
0x18: {  	s0 =	sld [smem:$0x3F9C];
	_ =	swait.ge [sflag:s4], $0x0  }
0x19: {  	s7 =	sld [smem:$0x3F9D]  }
0x1a: {  	s8 =	sadd.s32 $0xFFFFE003, lr  }
0x1b: {  	s9 =	sadd.s32 $0xFFFFFEF7, lr;
	s5 =	simm.s32 $0xFFFFFFFF;
	p2 =	slt.u32 s8, $0xFFFFF086  }
0x1c: {  	p1 =	slt.u32 s9, $0xF7A;
	s5 =	simm.s32 @!p2 $0x0  }
0x1d: {  	s5 =	simm.s32 @p1 $0x1;
	p0 =	seq.s32 s7, s2  }
0x1e: {  	s7 =	smul.u32 @!p0 $0xF7A, s2;
	p2 =	seq.s32 @!p0 s5, $0x0  }
0x1f: {  	s9 =	smul.u32 $0xF7A, s1;
	s8 =	simm.s32 @!p0 $0x1BF5;
	p2 =	por !p2, p0  }
0x20: {  	[sflag:s8] =	ssyncset.s32 @!p0 $0xFFFFF086;
	s6 =	sadd.s32 @!p0 s3, s7;
	s7 =	simm.s32 @!p0 $0x108  }
0x21: {  	s3 =	sadd.s32 s3, s9;
	s6 =	sadd.s32 @!p0 $0x88, s6;
	s7 =	simm.s32 @p2 $0x1082  }
0x22: {  	[simem:s7], [sflag:s8] =	dma.local @!p0 [hbm:s6], $0xF7A  }
0x23: {  	s9 =	sor.u32 $0xD0000000, s2;
	s6 =	simm.s32 $0x108;
	_ =	swait.ge @!p0 [sflag:s8], $0x0  }
0x24: {  	s3 =	sadd.s32 $0x88, s3;
	s6 =	simm.s32 @!p1 $0x1082;
	[sflag:s4] =	ssyncset.s32 $0xFFFFF086  }
0x25: {  	[simem:s6], [sflag:s4] =	dma.local [hbm:s3], $0xF7A  }
0x26: {  	[smem:$0x3F9D] =	sst s1;
	(tag) =	ssettag s2;
	_ =	strace s9  }
0x27: {  	s1 =	sld [smem:$0x3FAD]  }
0x28: {  	s2 =	sld [smem:$0x3FAE]  }
0x29: {  	s4 =	sld [smem:$0x3FB0]  }
0x2a: {  	p0 =	seq.s32 s5, $0x0;
	s5 =	sld [smem:$0x3FB1]  }
0x2b: {  	s6 =	sld [smem:$0x3FB2]  }
0x2c: {  	s7 =	sld [smem:$0x3FB3]  }
0x2d: {  	s3 =	simm.s32 $0x108;
	s8 =	sld [smem:$0x3FB4]  }
0x2e: {  	s3 =	simm.s32 @!p0 $0x1082;
	s9 =	sld [smem:$0x3FB5]  }
0x2f: {  	lr =	sadd.s32 s0, s3;
	s0 =	sld [smem:$0x3FAC]  }
0x30: {  	s3 =	sld [smem:$0x3FAF]  }
0x31: {  	[smem:$0x3FB8] =	sst s10  }
0x32: {  	s10 =	sld [smem:$0x3FB6];
	_ =	sdelay $0x3  }
0x33: {  	p0 =	seq.s32 s10, $0x1;
	s10 =	sld [smem:$0x3FB8];
	_ =	sdelay $0x3  }
0x34: {  	[smem:$0x3FB8] =	sst s10  }
0x35: {  	s10 =	sld [smem:$0x3FB7];
	_ =	sdelay $0x3  }
0x36: {  	p1 =	seq.s32 s10, $0x1;
	s10 =	sld [smem:$0x3FB8];
	_ =	sdelay $0x3  }
0x37: {  	[smem:$0x3FB8] =	sst s10  }
0x38: {  	s10 =	sld [smem:$0x3FB9]  }
0x39: {  	_ = 	snop;
	(pc) =	sbr.ind lr, $3  }
0x3a: {  	_ = 	snop  }
0x3b: {  	_ = 	snop  }
0x3c: {  	p2 =	seq.s32 s10, $0x1;
	s10 =	sld [smem:$0x3FB8]  }
0x3d: {  	_ =	shalt  }
0x3e: {  	_ =	shalt  }
0x3f: {  	_ =	shalt  }
0x40: {  	_ =	shalt  }
0x41: {  	_ =	shalt  }
0x42: {  	_ =	shalt  }
0x43: {  	_ =	shalt  }
0x44: {  	_ =	shalt  }
0x45: {  	_ =	shalt  }
0x46: {  	_ =	shalt  }
0x47: {  	_ =	shalt  }
0x48: {  	_ =	shalt  }
0x49: {  	_ =	shalt  }
0x4a: {  	_ =	shalt  }
0x4b: {  	_ =	shalt  }
0x4c: {  	_ =	shalt  }
0x4d: {  	_ =	shalt  }
0x4e: {  	_ =	shalt  }
0x4f: {  	_ =	shalt  }
0x50: {  	_ =	shalt  }
0x51: {  	_ =	shalt  }
0x52: {  	_ =	shalt  }
0x53: {  	_ =	shalt  }
0x54: {  	_ =	shalt  }
0x55: {  	_ =	shalt  }
0x56: {  	_ =	shalt  }
0x57: {  	_ =	shalt  }
0x58: {  	_ =	shalt  }
0x59: {  	_ =	shalt  }
0x5a: {  	_ =	shalt  }
0x5b: {  	_ =	shalt  }
0x5c: {  	_ =	shalt  }
0x5d: {  	_ =	shalt  }
0x5e: {  	_ =	shalt  }
0x5f: {  	_ =	shalt  }
0x60: {  	_ =	shalt  }
0x61: {  	_ =	shalt  }
0x62: {  	_ =	shalt  }
0x63: {  	_ =	shalt  }
0x64: {  	_ =	shalt  }
0x65: {  	_ =	shalt  }
0x66: {  	_ =	shalt  }
0x67: {  	_ =	shalt  }
0x68: {  	_ =	shalt  }
0x69: {  	_ =	shalt  }
0x6a: {  	_ =	shalt  }
0x6b: {  	_ =	shalt  }
0x6c: {  	_ =	shalt  }
0x6d: {  	_ =	shalt  }
0x6e: {  	_ =	shalt  }
0x6f: {  	_ =	shalt  }
0x70: {  	_ =	shalt  }
0x71: {  	_ =	shalt  }
0x72: {  	_ =	shalt  }
0x73: {  	_ =	shalt  }
0x74: {  	_ =	shalt  }
0x75: {  	_ =	shalt  }
0x76: {  	_ =	shalt  }
0x77: {  	_ =	shalt  }
0x78: {  	_ =	shalt  }
0x79: {  	_ =	shalt  }
0x7a: {  	_ =	shalt  }
0x7b: {  	_ =	shalt  }
0x7c: {  	_ =	shalt  }
0x7d: {  	_ =	shalt  }
0x7e: {  	_ =	shalt  }
0x7f: {  	_ =	shalt  }
0x80: {  	_ =	shalt  }
0x81: {  	_ =	shalt  }
0x82: {  	_ =	shalt  }
0x83: {  	_ =	shalt  }
0x84: {  	_ =	shalt  }
0x85: {  	_ =	shalt  }
0x86: {  	_ =	shalt  }
0x87: {  	_ =	shalt  }
.Lfunc_end0:
.L_simem_size_0:
called_computation_lowered:
.L_overlay_start_0:
0x88: {  	s2 =	sld [smem:$0x3FD9]  }
0x89: {  	s3 =	sld [smem:$0x3FFE];
	_ =	sdelay $0x1  }
0x8a: {  	s1 =	srdreg.scid  }
0x8b: {  	s0 =	sand.u32 $0x1, s1  }
0x8c: {  	s17 =	sshll.u32 s0, $0xA;
	s2 =	sadd.s32 s3, s2  }
0x8d: {  	s2 =	sadd.s32 s2, s17  }
0x8e: {  	[smem:$0x3FC4] =	sst s2  }
0x8f: {  	_ = 	snop  }
0x90: {  	s18 =	sld [smem:$0x3FC9]  }
0x91: {  	s4 =	sld [smem:$0x3FC7];
	(tm) =	ssettm $0x1  }
0x92: {  	s19 =	sld [smem:$0x3FFB];
	_ =	sdelay $0x3  }
0x93: {  	_ =	strace s19  }
0x94: {  	s2 =	sld [smem:$0x3FFC];
	_ =	sdelay $0x3  }
0x95: {  	_ =	strace s2  }
0x96: {  	s2 =	sld [smem:$0x3FFD];
	_ =	sdelay $0x3  }
0x97: {  	_ =	strace s2  }
0x98: {  	_ =	strace $0x8FFFFFFF  }
0x99: {  	s20 =	sld [smem:$0x3FDB];
	_ =	sdelay $0x1  }
0x9a: {  	s5 =	simm.s32 $_scs_section_size  }
0x9b: {  	s6 =	simm.s32 $_size__tile_overlayer_lowered;
	s7 =	simm.s32 $_tile_overlayer_lowered  }
0x9c: {  	s8 =	simm.s32 $0x1BFF;
	s21 =	sshll.u32 s7, $0x1;
	s5 =	sadd.s32 s5, s20  }
0x9d: {  	s22 =	simm.s32 $0x0;
	s6 =	sshll.u32 s6, $0x1;
	s7 =	sadd.s32 s21, s5  }
0x9e: {  	[timem:s22], [sflag:s8] =	dma.local [hbm:s7], s6  }
0x9f: {  	_ =	swait.ge [sflag:s8], s6  }
0xa0: {  	s6 =	ssub.s32 $0x0, s6;
	[sflag:s8] =	ssyncset.done $0x0  }
0xa1: {  	[sflag:s8] =	ssyncadd.s32 s6;
	_ =	sdelay $0x1  }
0xa2: {  	s23 =	simm.s32 $0x1B8B  }
0xa3: {  	_ =	swait.ge [sflag:s23], $0x1  }
0xa4: {  	[sflag:s23] =	ssyncset.done $0x0  }
0xa5: {  	[sflag:s23] =	ssyncadd.s32 $0xFFFFFFFF  }
0xa6: {  	s6 =	sld [smem:$0x0]  }
0xa7: {  	s7 =	sand.u32 $0xFFFFFFFE, s1  }
0xa8: {  	p0 =	sne.s32 s1, s7  }
0xa9: {  	s7 =	sshll.u32 @p0 s7, $0xE  }
0xaa: {  	s7 =	sadd.s32 @p0 $0x11B8D, s7;
	s8 =	sshll.u32 @p0 s6, $0x11  }
0xab: {  	s7 =	sor.u32 @p0 s8, s7  }
0xac: {  	[sflag:s7] =	ssyncadd.remote.s32 @p0 $0x1;
	_ =	sdelay $0x1  }
0xad: {  	s7 =	simm.s32 @p0 $0x1B8D  }
0xae: {  	_ =	swait.eq @p0 [sflag:s7], $0x1  }
0xaf: {  	[sflag:s7] =	ssyncadd.s32 @p0 $0xFFFFFFFF  }
0xb0: {  	s8 =	sshll.u32 @!p0 s1, $0xE  }
0xb1: {  	s8 =	sor.u32 @!p0 $0x4000, s8;
	s7 =	simm.s32 @!p0 $0x1B8D  }
0xb2: {  	s6 =	sshll.u32 @!p0 s6, $0x11;
	s8 =	sadd.s32 @!p0 $0x11B8D, s8;
	_ =	swait.eq @!p0 [sflag:s7], $0x1  }
0xb3: {  	s6 =	sor.u32 @!p0 s6, s8;
	[sflag:s7] =	ssyncadd.s32 @!p0 $0xFFFFFFFF  }
0xb4: {  	s25 =	simm.s32 $0x1B8E;
	s24 =	sld [smem:$0x3FFE];
	[sflag:s6] =	ssyncadd.remote.s32 @!p0 $0x1  }
0xb5: {  	s26 =	simm.s32 $execute0_lowered;
	[smem:$0x3FD2] =	sst s25  }
0xb6: {  	s7 =	sshll.u32 s26, $0x1;
	_ =	strace $0x80000049;
	[dreg:$0x1] =	wrdreg $0xFFFFFFFF  }
0xb7: {  	s28 =	simm.s32 $_size_execute0_lowered;
	s5 =	sadd.s32 s5, s7;
	[dreg:$0x0] =	wrdreg $0x0  }
0xb8: {  	s7 =	sshll.u32 s28, $0x1;
	[dreg:$0x2] =	wrdreg s5  }
0xb9: {  	[dreg:$0x3] =	wrdreg s7  }
0xba: {  	[dreg:$0x4] =	wrdreg $0xC0  }
0xbb: {  	_ =	task [dreg:s22], $0x5FFFF  }
0xbc: {  	[dreg:$0x1] =	wrdreg $0xFFFFFFFF  }
0xbd: {  	[dreg:$0x0] =	wrdreg $0x60  }
0xbe: {  	[dreg:$0x2] =	wrdreg s18  }
0xbf: {  	[dreg:$0x3] =	wrdreg s4  }
0xc0: {  	[dreg:$0x4] =	wrdreg s24  }
0xc1: {  	[dreg:$0x5] =	wrdreg $0x9  }
0xc2: {  	_ =	task.clear_ibuf [dreg:s22], $0x6FFFF;
	_ =	strace $0x90000049  }
0xc3: {  	s29 =	simm.s32 $0x9;
	_ =	strace $0x8000004B  }
0xc4: {  	_ =	swait.ge [sflag:s29], $0x1  }
0xc5: {  	[sflag:s29] =	ssyncadd.s32 $0xFFFFFFFF  }
0xc6: {  	_ =	strace $0x9000004B  }
0xc7: {  	_ =	sfence  }
0xc8: {  	s30 =	sld [smem:$0x0];
	_ =	sdelay $0x2  }
0xc9: {  	s31 =	sshll.u32 s1, $0xD;
	s1 =	sshrl.u32 s1, $0x2  }
0xca: {  	s4 =	sand.u32 $0x4000, s31;
	s1 =	sadd.s32 s1, s30  }
0xcb: {  	s0 =	sor.u32 s4, s0;
	s1 =	sshll.u32 s1, $0x11  }
0xcc: {  	s0 =	sor.u32 s1, s0  }
0xcd: {  	s0 =	sadd.s32 $0x8F2B, s0  }
0xce: {  	[sflag:s0] =	ssyncadd.remote.s32 $0x1  }
0xcf: {  	_ =	sfence.sel $0xFFFF  }
0xd0: {  	[dreg:$0x0] =	wrdreg $0xFFFFFFFF;
	(pc) =	sbr.abs _section_cstart, $3  }
0xd1: {  	[dreg:$0x1] =	wrdreg $0xFFFFFFFF  }
0xd2: {  	_ =	task.clear_ibuf [dreg:s22], $0x2FFFF;
	_ =	strace $0x9FFFFFFF  }
0xd3: {  	(tm) =	ssettm $0x7FFFFFFF  }
tec
execute0_lowered:
.L_overlay_start_1:
0x0: {  	(tag) =	ssettag $0x1  }
0x1: {  	s4 =	rddreg [dreg:$0x0]  }
0x2: {  	s1 =	rddreg [dreg:$0x1]  }
0x3: {  	s5 =	rddreg [dreg:$0x2]  }
0x4: {  	s0 =	rddreg [dreg:$0x3];
	s6 =	srdreg.scid;
	s3 =	simm.s32 $0x0  }
0x5: {  	s2 =	stileid.u32;
	s9 =	simm.s32 $0x80;
	s12 =	simm.s32 $0x4080  }
0x6: {  	s10 =	simm.s32 $0x2080;
	s11 =	simm.s32 $0x2;
	s6 =	sand.u32 $0x1, s6  }
0x7: {  	[smem:$0x7FF] =	sst s3;
	s7 =	sshll.u32 s2, $0x6;
	s8 =	sshll.u32 s6, $0x5  }
0x8: {  	_ =	strace $0x8000004A;
	s6 =	ssub.s32 $0x2, s6;
	s7 =	sor.u32 s8, s7  }
0x9: {  	[dreg:$0x6] =	wrdreg s12;
	s30 =	sshrl.u32 s6, $0x1;
	s8 =	sshll.u32 s7, $0x4  }
0xa: {  	v0 =	vlaneseq.u32;
	s7 =	sshrl.u32 s7, $0x3;
	s6 =	ssub.s32 s6, s30;
	s5 =	sadd.s32 s8, s5  }
0xb: {  	v0 =	vmul.u32 $0x80, v0;
	s4 =	sadd.s32 s4, s7;
	s7 =	simm.s32 $0x400;
	s8 =	simm.s32 $0xC3800  }
0xc: {  	[dreg:$0x4] =	wrdreg s4;
	s31 =	sadd.s32 $0xC6600, s5;
	s4 =	smax.u32 s6, $0x1  }
0xd: {  	v1 =	vor.u32 $0x800, v0;
	v2 =	vor.u32 $0x1000, v0;
	v3 =	vor.u32 $0x1800, v0;
	s5 =	simm.s32 $0x3;
	s6 =	simm.s32 $0x1;
	[dreg:$0x5] =	wrdreg s31  }
.LBB2_1:
0xe: {  	s12 =	rddreg [dreg:$0x4]  }
0xf: {  	[tilespmem:s3], [sflag:$0x3] =	stream.linear.gather [hbm4b:s12+s3], $0x20, $0x38;
	[tilespmem:$0x5080] =	vst v63  }
0x10: {  	_ =	swait.ge [sflag:s5], $0x20  }
0x11: {  	[sflag:s5] =	ssyncset.done $0x0  }
0x12: {  	[sflag:s5] =	ssyncadd.s32 $0xFFFFFFE0  }
0x13: {  	v4 =	vld [tilespmem:$0x0];
	_ =	sdelay $0x4  }
0x14: {  	(v2sf) =	vpush v4, $0x0;
	_ =	sdelay $0x1  }
0x15: {  	(v2sf) =	vpush v4, $0x1;
	_ =	sdelay $0xc  }
0x16: {  	s25 =	spop (v2sf)  }
0x17: {  	s13 =	sand.u32 $0x7F, s25  }
0x18: {  	s14 =	sshra.s32 s25, $0x1F;
	p0 =	slt.s32 s25, $0x1;
	s29 =	spop (v2sf)  }
0x19: {  	p1 =	sne.s32 s13, $0x0;
	s26 =	sshrl.u32 s14, $0x19;
	s14 =	simm.s32 $0x1  }
0x1a: {  	s15 =	sand.u32 $0x7F, s29;
	s16 =	sshra.s32 s29, $0x1F;
	p5 =	slt.s32 s29, $0x1  }
0x1b: {  	p0 =	por !p0, !p1;
	s13 =	sadd.s32 s26, s25;
	p6 =	sne.s32 s15, $0x0  }
0x1c: {  	s30 =	sshrl.u32 s16, $0x19;
	s16 =	simm.s32 $0x1;
	p0 =	por !p0, !p0  }
0x1d: {  	s13 =	sshrl.u32 s13, $0x7;
	s14 =	simm.s32 @!p0 $0x0;
	p0 =	por !p5, !p6  }
0x1e: {  	s15 =	sadd.s32 s30, s29;
	s13 =	ssub.s32 s13, s14;
	p0 =	por !p0, !p0  }
0x1f: {  	s15 =	sshrl.u32 s15, $0x7;
	s13 =	sshll.u32 s13, $0x7;
	s16 =	simm.s32 @!p0 $0x0  }
0x20: {  	s28 =	sand.u32 $0x1FFFFF80, s13;
	s15 =	ssub.s32 s15, s16  }
0x21: {  	s14 =	sadd.s32 s1, s28;
	s15 =	sshll.u32 s15, $0x7  }
0x22: {  	[tilespmem:s9], [sflag:$0x1] =	stream.strided.gather [hbm4b:s14+s7], $0x2000, s8, s7, $0x38;
	[tilespmem:$0x5080] =	vst v63  }
0x23: {  	s12 =	ssub.s32 s25, s13;
	s31 =	sand.u32 $0x1FFFFF80, s15  }
0x24: {  	v5 =	vadd.s32 s12, v0;
	s17 =	sadd.s32 s1, s31  }
0x25: {  	[tilespmem:s10], [sflag:$0x2] =	stream.strided.gather [hbm4b:s17+s7], $0x2000, s8, s7, $0x38;
	[tilespmem:$0x5080] =	vst v63  }
0x26: {  	_ =	swait.ge [sflag:s6], $0x2000  }
0x27: {  	[sflag:s6] =	ssyncset.done $0x0  }
0x28: {  	(v2sf) =	vpush v4, $0x2;
	[sflag:s6] =	ssyncadd.s32 $0xFFFFE000  }
0x29: {  	v5 =	vld.idx.msk [tilespmem:v5+s9+$0x0], $0xffff  }
0x2a: {  	v6 =	vadd.s32 s12, v1;
	_ =	sdelay $0x3  }
0x2b: {  	[tilespmem:$0x4080] =	vst v5  }
0x2c: {  	v5 =	vld.idx.msk [tilespmem:v6+s9+$0x0], $0xffff  }
0x2d: {  	v39 =	vadd.s32 s12, v2;
	_ =	sdelay $0x3  }
0x2e: {  	[tilespmem:$0x4090] =	vst v5  }
0x2f: {  	v5 =	vld.idx.msk [tilespmem:v39+s9+$0x0], $0xffff  }
0x30: {  	v40 =	vadd.s32 s12, v3  }
0x31: {  	s18 =	spop (v2sf)  }
0x32: {  	s19 =	sand.u32 $0x7F, s18  }
0x33: {  	s20 =	sshra.s32 s18, $0x1F;
	p1 =	slt.s32 s18, $0x1;
	p2 =	sne.s32 s19, $0x0  }
0x34: {  	s21 =	sshrl.u32 s20, $0x19;
	p0 =	por !p1, !p2;
	[tilespmem:$0x40A0] =	vst v5  }
0x35: {  	s16 =	simm.s32 $0x1;
	s13 =	sadd.s32 s21, s18;
	p0 =	por !p0, !p0;
	v5 =	vld.idx.msk [tilespmem:v40+s9+$0x0], $0xffff  }
0x36: {  	s13 =	sshrl.u32 s13, $0x7;
	s16 =	simm.s32 @!p0 $0x0  }
0x37: {  	s13 =	ssub.s32 s13, s16  }
0x38: {  	s13 =	sshll.u32 s13, $0x7  }
0x39: {  	s14 =	ssub.s32 s29, s15;
	s22 =	sand.u32 $0x1FFFFF80, s13  }
0x3a: {  	s23 =	sadd.s32 s1, s22;
	[tilespmem:$0x40B0] =	vst v5;
	v5 =	vadd.s32 s14, v0  }
0x3b: {  	[tilespmem:s9], [sflag:$0x1] =	stream.strided.gather [hbm4b:s23+s7], $0x2000, s8, s7, $0x38;
	[tilespmem:$0x5080] =	vst v63  }
0x3c: {  	_ =	swait.ge [sflag:s11], $0x2000  }
0x3d: {  	[sflag:s11] =	ssyncset.done $0x0  }
0x3e: {  	(v2sf) =	vpush v4, $0x3;
	[sflag:s11] =	ssyncadd.s32 $0xFFFFE000  }
0x3f: {  	v5 =	vld.idx.msk [tilespmem:v5+s10+$0x0], $0xffff  }
0x40: {  	v41 =	vadd.s32 s14, v1;
	_ =	sdelay $0x3  }
0x41: {  	[tilespmem:$0x4100] =	vst v5  }
0x42: {  	v5 =	vld.idx.msk [tilespmem:v41+s10+$0x0], $0xffff  }
0x43: {  	v42 =	vadd.s32 s14, v2;
	_ =	sdelay $0x3  }
0x44: {  	[tilespmem:$0x4110] =	vst v5  }
0x45: {  	v5 =	vld.idx.msk [tilespmem:v42+s10+$0x0], $0xffff  }
0x46: {  	v43 =	vadd.s32 s14, v3  }
0x47: {  	s24 =	spop (v2sf)  }
0x48: {  	s25 =	sand.u32 $0x7F, s24  }
0x49: {  	s26 =	sshra.s32 s24, $0x1F;
	p3 =	slt.s32 s24, $0x1;
	p4 =	sne.s32 s25, $0x0  }
0x4a: {  	s28 =	sshrl.u32 s26, $0x19;
	p0 =	por !p3, !p4;
	[tilespmem:$0x4120] =	vst v5  }
0x4b: {  	s16 =	simm.s32 $0x1;
	s15 =	sadd.s32 s28, s24;
	p0 =	por !p0, !p0;
	v5 =	vld.idx.msk [tilespmem:v43+s10+$0x0], $0xffff  }
0x4c: {  	s15 =	sshrl.u32 s15, $0x7;
	s16 =	simm.s32 @!p0 $0x0  }
0x4d: {  	s15 =	ssub.s32 s15, s16  }
0x4e: {  	s15 =	sshll.u32 s15, $0x7  }
0x4f: {  	s12 =	ssub.s32 s18, s13;
	s29 =	sand.u32 $0x1FFFFF80, s15  }
0x50: {  	s30 =	sadd.s32 s1, s29;
	[tilespmem:$0x4130] =	vst v5;
	v5 =	vadd.s32 s12, v0  }
0x51: {  	[tilespmem:s10], [sflag:$0x2] =	stream.strided.gather [hbm4b:s30+s7], $0x2000, s8, s7, $0x38;
	[tilespmem:$0x5080] =	vst v63  }
0x52: {  	_ =	swait.ge [sflag:s6], $0x2000  }
0x53: {  	[sflag:s6] =	ssyncset.done $0x0  }
0x54: {  	(v2sf) =	vpush v4, $0x4;
	[sflag:s6] =	ssyncadd.s32 $0xFFFFE000  }
0x55: {  	v5 =	vld.idx.msk [tilespmem:v5+s9+$0x0], $0xffff  }
0x56: {  	v44 =	vadd.s32 s12, v1;
	_ =	sdelay $0x3  }
0x57: {  	[tilespmem:$0x4180] =	vst v5  }
0x58: {  	v5 =	vld.idx.msk [tilespmem:v44+s9+$0x0], $0xffff  }
0x59: {  	v45 =	vadd.s32 s12, v2;
	_ =	sdelay $0x3  }
0x5a: {  	[tilespmem:$0x4190] =	vst v5  }
0x5b: {  	v5 =	vld.idx.msk [tilespmem:v45+s9+$0x0], $0xffff  }
0x5c: {  	v46 =	vadd.s32 s12, v3  }
0x5d: {  	s31 =	spop (v2sf)  }
0x5e: {  	s17 =	sand.u32 $0x7F, s31  }
0x5f: {  	s18 =	sshra.s32 s31, $0x1F;
	p5 =	slt.s32 s31, $0x1;
	p6 =	sne.s32 s17, $0x0  }
0x60: {  	s19 =	sshrl.u32 s18, $0x19;
	p0 =	por !p5, !p6;
	[tilespmem:$0x41A0] =	vst v5  }
0x61: {  	s16 =	simm.s32 $0x1;
	s13 =	sadd.s32 s19, s31;
	p0 =	por !p0, !p0;
	v5 =	vld.idx.msk [tilespmem:v46+s9+$0x0], $0xffff  }
0x62: {  	s13 =	sshrl.u32 s13, $0x7;
	s16 =	simm.s32 @!p0 $0x0  }
0x63: {  	s13 =	ssub.s32 s13, s16  }
0x64: {  	s13 =	sshll.u32 s13, $0x7  }
0x65: {  	s14 =	ssub.s32 s24, s15;
	s20 =	sand.u32 $0x1FFFFF80, s13  }
0x66: {  	s21 =	sadd.s32 s1, s20;
	[tilespmem:$0x41B0] =	vst v5;
	v5 =	vadd.s32 s14, v0  }
0x67: {  	[tilespmem:s9], [sflag:$0x1] =	stream.strided.gather [hbm4b:s21+s7], $0x2000, s8, s7, $0x38;
	[tilespmem:$0x5080] =	vst v63  }
0x68: {  	_ =	swait.ge [sflag:s11], $0x2000  }
0x69: {  	[sflag:s11] =	ssyncset.done $0x0  }
0x6a: {  	(v2sf) =	vpush v4, $0x5;
	[sflag:s11] =	ssyncadd.s32 $0xFFFFE000  }
0x6b: {  	v5 =	vld.idx.msk [tilespmem:v5+s10+$0x0], $0xffff  }
0x6c: {  	v47 =	vadd.s32 s14, v1;
	_ =	sdelay $0x3  }
0x6d: {  	[tilespmem:$0x4200] =	vst v5  }
0x6e: {  	v5 =	vld.idx.msk [tilespmem:v47+s10+$0x0], $0xffff  }
0x6f: {  	v48 =	vadd.s32 s14, v2;
	_ =	sdelay $0x3  }
0x70: {  	[tilespmem:$0x4210] =	vst v5  }
0x71: {  	v5 =	vld.idx.msk [tilespmem:v48+s10+$0x0], $0xffff  }
0x72: {  	v49 =	vadd.s32 s14, v3  }
0x73: {  	s22 =	spop (v2sf)  }
0x74: {  	s23 =	sand.u32 $0x7F, s22  }
0x75: {  	s24 =	sshra.s32 s22, $0x1F;
	p1 =	slt.s32 s22, $0x1;
	p2 =	sne.s32 s23, $0x0  }
0x76: {  	s25 =	sshrl.u32 s24, $0x19;
	p0 =	por !p1, !p2;
	[tilespmem:$0x4220] =	vst v5  }
0x77: {  	s16 =	simm.s32 $0x1;
	s15 =	sadd.s32 s25, s22;
	p0 =	por !p0, !p0;
	v5 =	vld.idx.msk [tilespmem:v49+s10+$0x0], $0xffff  }
0x78: {  	s15 =	sshrl.u32 s15, $0x7;
	s16 =	simm.s32 @!p0 $0x0  }
0x79: {  	s15 =	ssub.s32 s15, s16  }
0x7a: {  	s15 =	sshll.u32 s15, $0x7  }
0x7b: {  	s12 =	ssub.s32 s31, s13;
	s26 =	sand.u32 $0x1FFFFF80, s15  }
0x7c: {  	s28 =	sadd.s32 s1, s26;
	[tilespmem:$0x4230] =	vst v5;
	v5 =	vadd.s32 s12, v0  }
0x7d: {  	[tilespmem:s10], [sflag:$0x2] =	stream.strided.gather [hbm4b:s28+s7], $0x2000, s8, s7, $0x38;
	[tilespmem:$0x5080] =	vst v63  }
0x7e: {  	_ =	swait.ge [sflag:s6], $0x2000  }
0x7f: {  	[sflag:s6] =	ssyncset.done $0x0  }
0x80: {  	(v2sf) =	vpush v4, $0x6;
	[sflag:s6] =	ssyncadd.s32 $0xFFFFE000  }
0x81: {  	v5 =	vld.idx.msk [tilespmem:v5+s9+$0x0], $0xffff  }
0x82: {  	v50 =	vadd.s32 s12, v1;
	_ =	sdelay $0x3  }
0x83: {  	[tilespmem:$0x4280] =	vst v5  }
0x84: {  	v5 =	vld.idx.msk [tilespmem:v50+s9+$0x0], $0xffff  }
0x85: {  	v51 =	vadd.s32 s12, v2;
	_ =	sdelay $0x3  }
0x86: {  	[tilespmem:$0x4290] =	vst v5  }
0x87: {  	v5 =	vld.idx.msk [tilespmem:v51+s9+$0x0], $0xffff  }
0x88: {  	v52 =	vadd.s32 s12, v3  }
0x89: {  	s29 =	spop (v2sf)  }
0x8a: {  	s30 =	sand.u32 $0x7F, s29  }
0x8b: {  	s31 =	sshra.s32 s29, $0x1F;
	p3 =	slt.s32 s29, $0x1;
	p4 =	sne.s32 s30, $0x0  }
0x8c: {  	s17 =	sshrl.u32 s31, $0x19;
	p0 =	por !p3, !p4;
	[tilespmem:$0x42A0] =	vst v5  }
0x8d: {  	s16 =	simm.s32 $0x1;
	s13 =	sadd.s32 s17, s29;
	p0 =	por !p0, !p0;
	v5 =	vld.idx.msk [tilespmem:v52+s9+$0x0], $0xffff  }
0x8e: {  	s13 =	sshrl.u32 s13, $0x7;
	s16 =	simm.s32 @!p0 $0x0  }
0x8f: {  	s13 =	ssub.s32 s13, s16  }
0x90: {  	s13 =	sshll.u32 s13, $0x7  }
0x91: {  	s14 =	ssub.s32 s22, s15;
	s18 =	sand.u32 $0x1FFFFF80, s13  }
0x92: {  	s19 =	sadd.s32 s1, s18;
	[tilespmem:$0x42B0] =	vst v5;
	v5 =	vadd.s32 s14, v0  }
0x93: {  	[tilespmem:s9], [sflag:$0x1] =	stream.strided.gather [hbm4b:s19+s7], $0x2000, s8, s7, $0x38;
	[tilespmem:$0x5080] =	vst v63  }
0x94: {  	_ =	swait.ge [sflag:s11], $0x2000  }
0x95: {  	[sflag:s11] =	ssyncset.done $0x0  }
0x96: {  	(v2sf) =	vpush v4, $0x7;
	[sflag:s11] =	ssyncadd.s32 $0xFFFFE000  }
0x97: {  	v5 =	vld.idx.msk [tilespmem:v5+s10+$0x0], $0xffff  }
0x98: {  	v53 =	vadd.s32 s14, v1;
	_ =	sdelay $0x3  }
0x99: {  	[tilespmem:$0x4300] =	vst v5  }
0x9a: {  	v5 =	vld.idx.msk [tilespmem:v53+s10+$0x0], $0xffff  }
0x9b: {  	v54 =	vadd.s32 s14, v2;
	_ =	sdelay $0x3  }
0x9c: {  	[tilespmem:$0x4310] =	vst v5  }
0x9d: {  	v5 =	vld.idx.msk [tilespmem:v54+s10+$0x0], $0xffff  }
0x9e: {  	v55 =	vadd.s32 s14, v3  }
0x9f: {  	s20 =	spop (v2sf)  }
0xa0: {  	s21 =	sand.u32 $0x7F, s20  }
0xa1: {  	s22 =	sshra.s32 s20, $0x1F;
	p5 =	slt.s32 s20, $0x1;
	p6 =	sne.s32 s21, $0x0  }
0xa2: {  	s23 =	sshrl.u32 s22, $0x19;
	p0 =	por !p5, !p6;
	[tilespmem:$0x4320] =	vst v5  }
0xa3: {  	s16 =	simm.s32 $0x1;
	s15 =	sadd.s32 s23, s20;
	p0 =	por !p0, !p0;
	v5 =	vld.idx.msk [tilespmem:v55+s10+$0x0], $0xffff  }
0xa4: {  	s15 =	sshrl.u32 s15, $0x7;
	s16 =	simm.s32 @!p0 $0x0  }
0xa5: {  	s15 =	ssub.s32 s15, s16  }
0xa6: {  	s15 =	sshll.u32 s15, $0x7  }
0xa7: {  	s12 =	ssub.s32 s29, s13;
	s24 =	sand.u32 $0x1FFFFF80, s15  }
0xa8: {  	s25 =	sadd.s32 s1, s24;
	[tilespmem:$0x4330] =	vst v5;
	v5 =	vadd.s32 s12, v0  }
0xa9: {  	[tilespmem:s10], [sflag:$0x2] =	stream.strided.gather [hbm4b:s25+s7], $0x2000, s8, s7, $0x38;
	[tilespmem:$0x5080] =	vst v63  }
0xaa: {  	_ =	swait.ge [sflag:s6], $0x2000  }
0xab: {  	[sflag:s6] =	ssyncset.done $0x0  }
0xac: {  	(v2sf) =	vpush v4, $0x8;
	[sflag:s6] =	ssyncadd.s32 $0xFFFFE000  }
0xad: {  	v5 =	vld.idx.msk [tilespmem:v5+s9+$0x0], $0xffff  }
0xae: {  	v56 =	vadd.s32 s12, v1;
	_ =	sdelay $0x3  }
0xaf: {  	[tilespmem:$0x4380] =	vst v5  }
0xb0: {  	v5 =	vld.idx.msk [tilespmem:v56+s9+$0x0], $0xffff  }
0xb1: {  	v57 =	vadd.s32 s12, v2;
	_ =	sdelay $0x3  }
0xb2: {  	[tilespmem:$0x4390] =	vst v5  }
0xb3: {  	v5 =	vld.idx.msk [tilespmem:v57+s9+$0x0], $0xffff  }
0xb4: {  	v58 =	vadd.s32 s12, v3  }
0xb5: {  	s26 =	spop (v2sf)  }
0xb6: {  	s28 =	sand.u32 $0x7F, s26  }
0xb7: {  	s29 =	sshra.s32 s26, $0x1F;
	p1 =	slt.s32 s26, $0x1;
	p2 =	sne.s32 s28, $0x0  }
0xb8: {  	s30 =	sshrl.u32 s29, $0x19;
	p0 =	por !p1, !p2;
	[tilespmem:$0x43A0] =	vst v5  }
0xb9: {  	s16 =	simm.s32 $0x1;
	s13 =	sadd.s32 s30, s26;
	p0 =	por !p0, !p0;
	v5 =	vld.idx.msk [tilespmem:v58+s9+$0x0], $0xffff  }
0xba: {  	s13 =	sshrl.u32 s13, $0x7;
	s16 =	simm.s32 @!p0 $0x0  }
0xbb: {  	s13 =	ssub.s32 s13, s16  }
0xbc: {  	s13 =	sshll.u32 s13, $0x7  }
0xbd: {  	s14 =	ssub.s32 s20, s15;
	s31 =	sand.u32 $0x1FFFFF80, s13  }
0xbe: {  	s17 =	sadd.s32 s1, s31;
	[tilespmem:$0x43B0] =	vst v5;
	v5 =	vadd.s32 s14, v0  }
0xbf: {  	[tilespmem:s9], [sflag:$0x1] =	stream.strided.gather [hbm4b:s17+s7], $0x2000, s8, s7, $0x38;
	[tilespmem:$0x5080] =	vst v63  }
0xc0: {  	_ =	swait.ge [sflag:s11], $0x2000  }
0xc1: {  	[sflag:s11] =	ssyncset.done $0x0  }
0xc2: {  	(v2sf) =	vpush v4, $0x9;
	[sflag:s11] =	ssyncadd.s32 $0xFFFFE000  }
0xc3: {  	v5 =	vld.idx.msk [tilespmem:v5+s10+$0x0], $0xffff  }
0xc4: {  	v59 =	vadd.s32 s14, v1;
	_ =	sdelay $0x3  }
0xc5: {  	[tilespmem:$0x4400] =	vst v5  }
0xc6: {  	v5 =	vld.idx.msk [tilespmem:v59+s10+$0x0], $0xffff  }
0xc7: {  	v60 =	vadd.s32 s14, v2;
	_ =	sdelay $0x3  }
0xc8: {  	[tilespmem:$0x4410] =	vst v5  }
0xc9: {  	v5 =	vld.idx.msk [tilespmem:v60+s10+$0x0], $0xffff  }
0xca: {  	v61 =	vadd.s32 s14, v3  }
0xcb: {  	s18 =	spop (v2sf)  }
0xcc: {  	s19 =	sand.u32 $0x7F, s18  }
0xcd: {  	s20 =	sshra.s32 s18, $0x1F;
	p3 =	slt.s32 s18, $0x1;
	p4 =	sne.s32 s19, $0x0  }
0xce: {  	s21 =	sshrl.u32 s20, $0x19;
	p0 =	por !p3, !p4;
	[tilespmem:$0x4420] =	vst v5  }
0xcf: {  	s16 =	simm.s32 $0x1;
	s15 =	sadd.s32 s21, s18;
	p0 =	por !p0, !p0;
	v5 =	vld.idx.msk [tilespmem:v61+s10+$0x0], $0xffff  }
0xd0: {  	s15 =	sshrl.u32 s15, $0x7;
	s16 =	simm.s32 @!p0 $0x0  }
0xd1: {  	s15 =	ssub.s32 s15, s16  }
0xd2: {  	s15 =	sshll.u32 s15, $0x7  }
0xd3: {  	s12 =	ssub.s32 s26, s13;
	s22 =	sand.u32 $0x1FFFFF80, s15  }
0xd4: {  	s23 =	sadd.s32 s1, s22;
	[tilespmem:$0x4430] =	vst v5;
	v5 =	vadd.s32 s12, v0  }
0xd5: {  	[tilespmem:s10], [sflag:$0x2] =	stream.strided.gather [hbm4b:s23+s7], $0x2000, s8, s7, $0x38;
	[tilespmem:$0x5080] =	vst v63  }
0xd6: {  	_ =	swait.ge [sflag:s6], $0x2000  }
0xd7: {  	[sflag:s6] =	ssyncset.done $0x0  }
0xd8: {  	(v2sf) =	vpush v4, $0xA;
	[sflag:s6] =	ssyncadd.s32 $0xFFFFE000  }
0xd9: {  	v5 =	vld.idx.msk [tilespmem:v5+s9+$0x0], $0xffff  }
0xda: {  	v62 =	vadd.s32 s12, v1;
	_ =	sdelay $0x3  }
0xdb: {  	[tilespmem:$0x4480] =	vst v5  }
0xdc: {  	v5 =	vld.idx.msk [tilespmem:v62+s9+$0x0], $0xffff  }
0xdd: {  	v63 =	vadd.s32 s12, v2;
	_ =	sdelay $0x3  }
0xde: {  	[tilespmem:$0x4490] =	vst v5  }
0xdf: {  	v5 =	vld.idx.msk [tilespmem:v63+s9+$0x0], $0xffff  }
0xe0: {  	v9 =	vadd.s32 s12, v3  }
0xe1: {  	s24 =	spop (v2sf)  }
0xe2: {  	s25 =	sand.u32 $0x7F, s24  }
0xe3: {  	s26 =	sshra.s32 s24, $0x1F;
	p5 =	slt.s32 s24, $0x1;
	p6 =	sne.s32 s25, $0x0  }
0xe4: {  	s28 =	sshrl.u32 s26, $0x19;
	p0 =	por !p5, !p6;
	[tilespmem:$0x44A0] =	vst v5  }
0xe5: {  	s16 =	simm.s32 $0x1;
	s13 =	sadd.s32 s28, s24;
	p0 =	por !p0, !p0;
	v5 =	vld.idx.msk [tilespmem:v9+s9+$0x0], $0xffff  }
0xe6: {  	s13 =	sshrl.u32 s13, $0x7;
	s16 =	simm.s32 @!p0 $0x0  }
0xe7: {  	s13 =	ssub.s32 s13, s16  }
0xe8: {  	s13 =	sshll.u32 s13, $0x7  }
0xe9: {  	s14 =	ssub.s32 s18, s15;
	s29 =	sand.u32 $0x1FFFFF80, s13  }
0xea: {  	s30 =	sadd.s32 s1, s29;
	[tilespmem:$0x44B0] =	vst v5;
	v5 =	vadd.s32 s14, v0  }
0xeb: {  	[tilespmem:s9], [sflag:$0x1] =	stream.strided.gather [hbm4b:s30+s7], $0x2000, s8, s7, $0x38;
	[tilespmem:$0x5080] =	vst v63  }
0xec: {  	_ =	swait.ge [sflag:s11], $0x2000  }
0xed: {  	[sflag:s11] =	ssyncset.done $0x0  }
0xee: {  	(v2sf) =	vpush v4, $0xB;
	[sflag:s11] =	ssyncadd.s32 $0xFFFFE000  }
0xef: {  	v5 =	vld.idx.msk [tilespmem:v5+s10+$0x0], $0xffff  }
0xf0: {  	v10 =	vadd.s32 s14, v1;
	_ =	sdelay $0x3  }
0xf1: {  	[tilespmem:$0x4500] =	vst v5  }
0xf2: {  	v5 =	vld.idx.msk [tilespmem:v10+s10+$0x0], $0xffff  }
0xf3: {  	v11 =	vadd.s32 s14, v2;
	_ =	sdelay $0x3  }
0xf4: {  	[tilespmem:$0x4510] =	vst v5  }
0xf5: {  	v5 =	vld.idx.msk [tilespmem:v11+s10+$0x0], $0xffff  }
0xf6: {  	v12 =	vadd.s32 s14, v3  }
0xf7: {  	s31 =	spop (v2sf)  }
0xf8: {  	s17 =	sand.u32 $0x7F, s31  }
0xf9: {  	s18 =	sshra.s32 s31, $0x1F;
	p1 =	slt.s32 s31, $0x1;
	p2 =	sne.s32 s17, $0x0  }
0xfa: {  	s19 =	sshrl.u32 s18, $0x19;
	p0 =	por !p1, !p2;
	[tilespmem:$0x4520] =	vst v5  }
0xfb: {  	s16 =	simm.s32 $0x1;
	s15 =	sadd.s32 s19, s31;
	p0 =	por !p0, !p0;
	v5 =	vld.idx.msk [tilespmem:v12+s10+$0x0], $0xffff  }
0xfc: {  	s15 =	sshrl.u32 s15, $0x7;
	s16 =	simm.s32 @!p0 $0x0  }
0xfd: {  	s15 =	ssub.s32 s15, s16  }
0xfe: {  	s15 =	sshll.u32 s15, $0x7  }
0xff: {  	s12 =	ssub.s32 s24, s13;
	s20 =	sand.u32 $0x1FFFFF80, s15  }
0x100: {  	s21 =	sadd.s32 s1, s20;
	[tilespmem:$0x4530] =	vst v5;
	v5 =	vadd.s32 s12, v0  }
0x101: {  	[tilespmem:s10], [sflag:$0x2] =	stream.strided.gather [hbm4b:s21+s7], $0x2000, s8, s7, $0x38;
	[tilespmem:$0x5080] =	vst v63  }
0x102: {  	_ =	swait.ge [sflag:s6], $0x2000  }
0x103: {  	[sflag:s6] =	ssyncset.done $0x0  }
0x104: {  	(v2sf) =	vpush v4, $0xC;
	[sflag:s6] =	ssyncadd.s32 $0xFFFFE000  }
0x105: {  	v5 =	vld.idx.msk [tilespmem:v5+s9+$0x0], $0xffff  }
0x106: {  	v13 =	vadd.s32 s12, v1;
	_ =	sdelay $0x3  }
0x107: {  	[tilespmem:$0x4580] =	vst v5  }
0x108: {  	v5 =	vld.idx.msk [tilespmem:v13+s9+$0x0], $0xffff  }
0x109: {  	v14 =	vadd.s32 s12, v2;
	_ =	sdelay $0x3  }
0x10a: {  	[tilespmem:$0x4590] =	vst v5  }
0x10b: {  	v5 =	vld.idx.msk [tilespmem:v14+s9+$0x0], $0xffff  }
0x10c: {  	v15 =	vadd.s32 s12, v3  }
0x10d: {  	s22 =	spop (v2sf)  }
0x10e: {  	s23 =	sand.u32 $0x7F, s22  }
0x10f: {  	s24 =	sshra.s32 s22, $0x1F;
	p3 =	slt.s32 s22, $0x1;
	p4 =	sne.s32 s23, $0x0  }
0x110: {  	s25 =	sshrl.u32 s24, $0x19;
	p0 =	por !p3, !p4;
	[tilespmem:$0x45A0] =	vst v5  }
0x111: {  	s16 =	simm.s32 $0x1;
	s13 =	sadd.s32 s25, s22;
	p0 =	por !p0, !p0;
	v5 =	vld.idx.msk [tilespmem:v15+s9+$0x0], $0xffff  }
0x112: {  	s13 =	sshrl.u32 s13, $0x7;
	s16 =	simm.s32 @!p0 $0x0  }
0x113: {  	s13 =	ssub.s32 s13, s16  }
0x114: {  	s13 =	sshll.u32 s13, $0x7  }
0x115: {  	s14 =	ssub.s32 s31, s15;
	s26 =	sand.u32 $0x1FFFFF80, s13  }
0x116: {  	s28 =	sadd.s32 s1, s26;
	[tilespmem:$0x45B0] =	vst v5;
	v5 =	vadd.s32 s14, v0  }
0x117: {  	[tilespmem:s9], [sflag:$0x1] =	stream.strided.gather [hbm4b:s28+s7], $0x2000, s8, s7, $0x38;
	[tilespmem:$0x5080] =	vst v63  }
0x118: {  	_ =	swait.ge [sflag:s11], $0x2000  }
0x119: {  	[sflag:s11] =	ssyncset.done $0x0  }
0x11a: {  	(v2sf) =	vpush v4, $0xD;
	[sflag:s11] =	ssyncadd.s32 $0xFFFFE000  }
0x11b: {  	v5 =	vld.idx.msk [tilespmem:v5+s10+$0x0], $0xffff  }
0x11c: {  	v16 =	vadd.s32 s14, v1;
	_ =	sdelay $0x3  }
0x11d: {  	[tilespmem:$0x4600] =	vst v5  }
0x11e: {  	v5 =	vld.idx.msk [tilespmem:v16+s10+$0x0], $0xffff  }
0x11f: {  	v17 =	vadd.s32 s14, v2;
	_ =	sdelay $0x3  }
0x120: {  	[tilespmem:$0x4610] =	vst v5  }
0x121: {  	v5 =	vld.idx.msk [tilespmem:v17+s10+$0x0], $0xffff  }
0x122: {  	v18 =	vadd.s32 s14, v3  }
0x123: {  	s29 =	spop (v2sf)  }
0x124: {  	s30 =	sand.u32 $0x7F, s29  }
0x125: {  	s31 =	sshra.s32 s29, $0x1F;
	p5 =	slt.s32 s29, $0x1;
	p6 =	sne.s32 s30, $0x0  }
0x126: {  	s16 =	sshrl.u32 s31, $0x19;
	p0 =	por !p5, !p6;
	[tilespmem:$0x4620] =	vst v5  }
0x127: {  	s15 =	sadd.s32 s16, s29;
	s16 =	simm.s32 $0x1;
	p0 =	por !p0, !p0;
	v5 =	vld.idx.msk [tilespmem:v18+s10+$0x0], $0xffff  }
0x128: {  	s15 =	sshrl.u32 s15, $0x7;
	s16 =	simm.s32 @!p0 $0x0  }
0x129: {  	s15 =	ssub.s32 s15, s16  }
0x12a: {  	s15 =	sshll.u32 s15, $0x7  }
0x12b: {  	s12 =	ssub.s32 s22, s13;
	s17 =	sand.u32 $0x1FFFFF80, s15  }
0x12c: {  	s18 =	sadd.s32 s1, s17;
	[tilespmem:$0x4630] =	vst v5;
	v5 =	vadd.s32 s12, v0  }
0x12d: {  	[tilespmem:s10], [sflag:$0x2] =	stream.strided.gather [hbm4b:s18+s7], $0x2000, s8, s7, $0x38;
	[tilespmem:$0x5080] =	vst v63  }
0x12e: {  	_ =	swait.ge [sflag:s6], $0x2000  }
0x12f: {  	[sflag:s6] =	ssyncset.done $0x0  }
0x130: {  	(v2sf) =	vpush v4, $0xE;
	[sflag:s6] =	ssyncadd.s32 $0xFFFFE000  }
0x131: {  	v5 =	vld.idx.msk [tilespmem:v5+s9+$0x0], $0xffff  }
0x132: {  	v19 =	vadd.s32 s12, v1;
	_ =	sdelay $0x3  }
0x133: {  	[tilespmem:$0x4680] =	vst v5  }
0x134: {  	v5 =	vld.idx.msk [tilespmem:v19+s9+$0x0], $0xffff  }
0x135: {  	v20 =	vadd.s32 s12, v2;
	_ =	sdelay $0x3  }
0x136: {  	[tilespmem:$0x4690] =	vst v5  }
0x137: {  	v5 =	vld.idx.msk [tilespmem:v20+s9+$0x0], $0xffff  }
0x138: {  	v21 =	vadd.s32 s12, v3  }
0x139: {  	s19 =	spop (v2sf)  }
0x13a: {  	s20 =	sand.u32 $0x7F, s19  }
0x13b: {  	s21 =	sshra.s32 s19, $0x1F;
	p1 =	slt.s32 s19, $0x1;
	p2 =	sne.s32 s20, $0x0  }
0x13c: {  	s22 =	sshrl.u32 s21, $0x19;
	p0 =	por !p1, !p2;
	[tilespmem:$0x46A0] =	vst v5  }
0x13d: {  	s16 =	simm.s32 $0x1;
	s13 =	sadd.s32 s22, s19;
	p0 =	por !p0, !p0;
	v5 =	vld.idx.msk [tilespmem:v21+s9+$0x0], $0xffff  }
0x13e: {  	s13 =	sshrl.u32 s13, $0x7;
	s16 =	simm.s32 @!p0 $0x0  }
0x13f: {  	s13 =	ssub.s32 s13, s16  }
0x140: {  	s13 =	sshll.u32 s13, $0x7  }
0x141: {  	s14 =	ssub.s32 s29, s15;
	s23 =	sand.u32 $0x1FFFFF80, s13  }
0x142: {  	s24 =	sadd.s32 s1, s23;
	[tilespmem:$0x46B0] =	vst v5;
	v5 =	vadd.s32 s14, v0  }
0x143: {  	[tilespmem:s9], [sflag:$0x1] =	stream.strided.gather [hbm4b:s24+s7], $0x2000, s8, s7, $0x38;
	[tilespmem:$0x5080] =	vst v63  }
0x144: {  	_ =	swait.ge [sflag:s11], $0x2000  }
0x145: {  	[sflag:s11] =	ssyncset.done $0x0  }
0x146: {  	(v2sf) =	vpush v4, $0xF;
	[sflag:s11] =	ssyncadd.s32 $0xFFFFE000  }
0x147: {  	v4 =	vld.idx.msk [tilespmem:v5+s10+$0x0], $0xffff  }
0x148: {  	v5 =	vadd.s32 s14, v1;
	_ =	sdelay $0x3  }
0x149: {  	[tilespmem:$0x4700] =	vst v4  }
0x14a: {  	v4 =	vld.idx.msk [tilespmem:v5+s10+$0x0], $0xffff  }
0x14b: {  	v5 =	vadd.s32 s14, v2;
	_ =	sdelay $0x3  }
0x14c: {  	[tilespmem:$0x4710] =	vst v4  }
0x14d: {  	v4 =	vld.idx.msk [tilespmem:v5+s10+$0x0], $0xffff  }
0x14e: {  	v5 =	vadd.s32 s14, v3  }
0x14f: {  	s25 =	spop (v2sf)  }
0x150: {  	s26 =	sand.u32 $0x7F, s25  }
0x151: {  	s28 =	sshra.s32 s25, $0x1F;
	p3 =	slt.s32 s25, $0x1;
	p4 =	sne.s32 s26, $0x0  }
0x152: {  	s29 =	sshrl.u32 s28, $0x19;
	p0 =	por !p3, !p4;
	[tilespmem:$0x4720] =	vst v4  }
0x153: {  	s16 =	simm.s32 $0x1;
	s15 =	sadd.s32 s29, s25;
	p0 =	por !p0, !p0;
	v4 =	vld.idx.msk [tilespmem:v5+s10+$0x0], $0xffff  }
0x154: {  	s15 =	sshrl.u32 s15, $0x7;
	s16 =	simm.s32 @!p0 $0x0  }
0x155: {  	s15 =	ssub.s32 s15, s16  }
0x156: {  	s15 =	sshll.u32 s15, $0x7  }
0x157: {  	s12 =	ssub.s32 s19, s13;
	s30 =	sand.u32 $0x1FFFFF80, s15  }
0x158: {  	s31 =	sadd.s32 s1, s30;
	[tilespmem:$0x4730] =	vst v4;
	v4 =	vadd.s32 s12, v0  }
0x159: {  	[tilespmem:s10], [sflag:$0x2] =	stream.strided.gather [hbm4b:s31+s7], $0x2000, s8, s7, $0x38;
	[tilespmem:$0x5080] =	vst v63  }
0x15a: {  	_ =	swait.ge [sflag:s6], $0x2000  }
0x15b: {  	[sflag:s6] =	ssyncset.done $0x0  }
0x15c: {  	[sflag:s6] =	ssyncadd.s32 $0xFFFFE000  }
0x15d: {  	v4 =	vld.idx.msk [tilespmem:v4+s9+$0x0], $0xffff  }
0x15e: {  	v5 =	vadd.s32 s12, v1;
	_ =	sdelay $0x3  }
0x15f: {  	[tilespmem:$0x4780] =	vst v4  }
0x160: {  	v4 =	vld.idx.msk [tilespmem:v5+s9+$0x0], $0xffff  }
0x161: {  	v5 =	vadd.s32 s12, v2;
	_ =	sdelay $0x3  }
0x162: {  	[tilespmem:$0x4790] =	vst v4  }
0x163: {  	v4 =	vld.idx.msk [tilespmem:v5+s9+$0x0], $0xffff  }
0x164: {  	v5 =	vadd.s32 s12, v3;
	_ =	sdelay $0x3  }
0x165: {  	[tilespmem:$0x47A0] =	vst v4  }
0x166: {  	v4 =	vld.idx.msk [tilespmem:v5+s9+$0x0], $0xffff;
	_ =	sdelay $0x4  }
0x167: {  	[tilespmem:$0x47B0] =	vst v4  }
0x168: {  	_ =	swait.ge [sflag:s11], $0x2000  }
0x169: {  	[sflag:s11] =	ssyncset.done $0x0  }
0x16a: {  	[sflag:s11] =	ssyncadd.s32 $0xFFFFE000  }
0x16b: {  	v4 =	vld [tilespmem:$0x10]  }
0x16c: {  	s16 =	ssub.s32 s25, s15  }
0x16d: {  	v5 =	vadd.s32 s16, v0;
	_ =	sdelay $0x2  }
0x16e: {  	(v2sf) =	vpush v4, $0x0;
	_ =	sdelay $0x1  }
0x16f: {  	v5 =	vld.idx.msk [tilespmem:v5+s10+$0x0], $0xffff;
	(v2sf) =	vpush v4, $0x1  }
0x170: {  	v22 =	vadd.s32 s16, v1;
	_ =	sdelay $0x3  }
0x171: {  	[tilespmem:$0x4800] =	vst v5  }
0x172: {  	v5 =	vld.idx.msk [tilespmem:v22+s10+$0x0], $0xffff  }
0x173: {  	v23 =	vadd.s32 s16, v2;
	_ =	sdelay $0x3  }
0x174: {  	[tilespmem:$0x4810] =	vst v5  }
0x175: {  	v5 =	vld.idx.msk [tilespmem:v23+s10+$0x0], $0xffff  }
0x176: {  	s14 =	simm.s32 $0x1;
	v24 =	vadd.s32 s16, v3;
	s17 =	spop (v2sf)  }
0x177: {  	s16 =	simm.s32 $0x1;
	s18 =	sand.u32 $0x7F, s17;
	s19 =	sshra.s32 s17, $0x1F  }
0x178: {  	p5 =	slt.s32 s17, $0x1;
	s22 =	spop (v2sf);
	p6 =	sne.s32 s18, $0x0  }
0x179: {  	s20 =	sshrl.u32 s19, $0x19;
	s23 =	sand.u32 $0x7F, s22;
	s24 =	sshra.s32 s22, $0x1F  }
0x17a: {  	[tilespmem:$0x4820] =	vst v5;
	p1 =	slt.s32 s22, $0x1;
	p0 =	por !p5, !p6;
	s13 =	sadd.s32 s20, s17  }
0x17b: {  	v5 =	vld.idx.msk [tilespmem:v24+s10+$0x0], $0xffff;
	p2 =	sne.s32 s23, $0x0;
	s25 =	sshrl.u32 s24, $0x19;
	p0 =	por !p0, !p0  }
0x17c: {  	s13 =	sshrl.u32 s13, $0x7;
	s14 =	simm.s32 @!p0 $0x0;
	p0 =	por !p1, !p2  }
0x17d: {  	s15 =	sadd.s32 s25, s22;
	s13 =	ssub.s32 s13, s14;
	p0 =	por !p0, !p0  }
0x17e: {  	s15 =	sshrl.u32 s15, $0x7;
	s13 =	sshll.u32 s13, $0x7;
	s16 =	simm.s32 @!p0 $0x0  }
0x17f: {  	s21 =	sand.u32 $0x1FFFFF80, s13;
	s15 =	ssub.s32 s15, s16  }
0x180: {  	[tilespmem:$0x4830] =	vst v5;
	s14 =	sadd.s32 s1, s21;
	s15 =	sshll.u32 s15, $0x7  }
0x181: {  	[tilespmem:s9], [sflag:$0x1] =	stream.strided.gather [hbm4b:s14+s7], $0x2000, s8, s7, $0x38;
	[tilespmem:$0x5080] =	vst v63  }
0x182: {  	s12 =	ssub.s32 s17, s13;
	s26 =	sand.u32 $0x1FFFFF80, s15  }
0x183: {  	v5 =	vadd.s32 s12, v0;
	s28 =	sadd.s32 s1, s26  }
0x184: {  	[tilespmem:s10], [sflag:$0x2] =	stream.strided.gather [hbm4b:s28+s7], $0x2000, s8, s7, $0x38;
	[tilespmem:$0x5080] =	vst v63  }
0x185: {  	_ =	swait.ge [sflag:s6], $0x2000  }
0x186: {  	[sflag:s6] =	ssyncset.done $0x0  }
0x187: {  	(v2sf) =	vpush v4, $0x2;
	[sflag:s6] =	ssyncadd.s32 $0xFFFFE000  }
0x188: {  	v5 =	vld.idx.msk [tilespmem:v5+s9+$0x0], $0xffff  }
0x189: {  	v25 =	vadd.s32 s12, v1;
	_ =	sdelay $0x3  }
0x18a: {  	[tilespmem:$0x4880] =	vst v5  }
0x18b: {  	v5 =	vld.idx.msk [tilespmem:v25+s9+$0x0], $0xffff  }
0x18c: {  	v26 =	vadd.s32 s12, v2;
	_ =	sdelay $0x3  }
0x18d: {  	[tilespmem:$0x4890] =	vst v5  }
0x18e: {  	v5 =	vld.idx.msk [tilespmem:v26+s9+$0x0], $0xffff  }
0x18f: {  	v27 =	vadd.s32 s12, v3  }
0x190: {  	s29 =	spop (v2sf)  }
0x191: {  	s30 =	sand.u32 $0x7F, s29  }
0x192: {  	s31 =	sshra.s32 s29, $0x1F;
	p3 =	slt.s32 s29, $0x1;
	p4 =	sne.s32 s30, $0x0  }
0x193: {  	s17 =	sshrl.u32 s31, $0x19;
	p0 =	por !p3, !p4;
	[tilespmem:$0x48A0] =	vst v5  }
0x194: {  	s16 =	simm.s32 $0x1;
	s13 =	sadd.s32 s17, s29;
	p0 =	por !p0, !p0;
	v5 =	vld.idx.msk [tilespmem:v27+s9+$0x0], $0xffff  }
0x195: {  	s13 =	sshrl.u32 s13, $0x7;
	s16 =	simm.s32 @!p0 $0x0  }
0x196: {  	s13 =	ssub.s32 s13, s16  }
0x197: {  	s13 =	sshll.u32 s13, $0x7  }
0x198: {  	s14 =	ssub.s32 s22, s15;
	s18 =	sand.u32 $0x1FFFFF80, s13  }
0x199: {  	s19 =	sadd.s32 s1, s18;
	[tilespmem:$0x48B0] =	vst v5;
	v5 =	vadd.s32 s14, v0  }
0x19a: {  	[tilespmem:s9], [sflag:$0x1] =	stream.strided.gather [hbm4b:s19+s7], $0x2000, s8, s7, $0x38;
	[tilespmem:$0x5080] =	vst v63  }
0x19b: {  	_ =	swait.ge [sflag:s11], $0x2000  }
0x19c: {  	[sflag:s11] =	ssyncset.done $0x0  }
0x19d: {  	(v2sf) =	vpush v4, $0x3;
	[sflag:s11] =	ssyncadd.s32 $0xFFFFE000  }
0x19e: {  	v5 =	vld.idx.msk [tilespmem:v5+s10+$0x0], $0xffff  }
0x19f: {  	v28 =	vadd.s32 s14, v1;
	_ =	sdelay $0x3  }
0x1a0: {  	[tilespmem:$0x4900] =	vst v5  }
0x1a1: {  	v5 =	vld.idx.msk [tilespmem:v28+s10+$0x0], $0xffff  }
0x1a2: {  	v29 =	vadd.s32 s14, v2;
	_ =	sdelay $0x3  }
0x1a3: {  	[tilespmem:$0x4910] =	vst v5  }
0x1a4: {  	v5 =	vld.idx.msk [tilespmem:v29+s10+$0x0], $0xffff  }
0x1a5: {  	v30 =	vadd.s32 s14, v3  }
0x1a6: {  	s20 =	spop (v2sf)  }
0x1a7: {  	s21 =	sand.u32 $0x7F, s20  }
0x1a8: {  	s22 =	sshra.s32 s20, $0x1F;
	p5 =	slt.s32 s20, $0x1;
	p6 =	sne.s32 s21, $0x0  }
0x1a9: {  	s23 =	sshrl.u32 s22, $0x19;
	p0 =	por !p5, !p6;
	[tilespmem:$0x4920] =	vst v5  }
0x1aa: {  	s16 =	simm.s32 $0x1;
	s15 =	sadd.s32 s23, s20;
	p0 =	por !p0, !p0;
	v5 =	vld.idx.msk [tilespmem:v30+s10+$0x0], $0xffff  }
0x1ab: {  	s15 =	sshrl.u32 s15, $0x7;
	s16 =	simm.s32 @!p0 $0x0  }
0x1ac: {  	s15 =	ssub.s32 s15, s16  }
0x1ad: {  	s15 =	sshll.u32 s15, $0x7  }
0x1ae: {  	s12 =	ssub.s32 s29, s13;
	s24 =	sand.u32 $0x1FFFFF80, s15  }
0x1af: {  	s25 =	sadd.s32 s1, s24;
	[tilespmem:$0x4930] =	vst v5;
	v5 =	vadd.s32 s12, v0  }
0x1b0: {  	[tilespmem:s10], [sflag:$0x2] =	stream.strided.gather [hbm4b:s25+s7], $0x2000, s8, s7, $0x38;
	[tilespmem:$0x5080] =	vst v63  }
0x1b1: {  	_ =	swait.ge [sflag:s6], $0x2000  }
0x1b2: {  	[sflag:s6] =	ssyncset.done $0x0  }
0x1b3: {  	(v2sf) =	vpush v4, $0x4;
	[sflag:s6] =	ssyncadd.s32 $0xFFFFE000  }
0x1b4: {  	v5 =	vld.idx.msk [tilespmem:v5+s9+$0x0], $0xffff  }
0x1b5: {  	v31 =	vadd.s32 s12, v1;
	_ =	sdelay $0x3  }
0x1b6: {  	[tilespmem:$0x4980] =	vst v5  }
0x1b7: {  	v5 =	vld.idx.msk [tilespmem:v31+s9+$0x0], $0xffff  }
0x1b8: {  	v32 =	vadd.s32 s12, v2;
	_ =	sdelay $0x3  }
0x1b9: {  	[tilespmem:$0x4990] =	vst v5  }
0x1ba: {  	v5 =	vld.idx.msk [tilespmem:v32+s9+$0x0], $0xffff  }
0x1bb: {  	v33 =	vadd.s32 s12, v3  }
0x1bc: {  	s26 =	spop (v2sf)  }
0x1bd: {  	s28 =	sand.u32 $0x7F, s26  }
0x1be: {  	s29 =	sshra.s32 s26, $0x1F;
	p1 =	slt.s32 s26, $0x1;
	p2 =	sne.s32 s28, $0x0  }
0x1bf: {  	s30 =	sshrl.u32 s29, $0x19;
	p0 =	por !p1, !p2;
	[tilespmem:$0x49A0] =	vst v5  }
0x1c0: {  	s16 =	simm.s32 $0x1;
	s13 =	sadd.s32 s30, s26;
	p0 =	por !p0, !p0;
	v5 =	vld.idx.msk [tilespmem:v33+s9+$0x0], $0xffff  }
0x1c1: {  	s13 =	sshrl.u32 s13, $0x7;
	s16 =	simm.s32 @!p0 $0x0  }
0x1c2: {  	s13 =	ssub.s32 s13, s16  }
0x1c3: {  	s13 =	sshll.u32 s13, $0x7  }
0x1c4: {  	s14 =	ssub.s32 s20, s15;
	s31 =	sand.u32 $0x1FFFFF80, s13  }
0x1c5: {  	s17 =	sadd.s32 s1, s31;
	[tilespmem:$0x49B0] =	vst v5;
	v5 =	vadd.s32 s14, v0  }
0x1c6: {  	[tilespmem:s9], [sflag:$0x1] =	stream.strided.gather [hbm4b:s17+s7], $0x2000, s8, s7, $0x38;
	[tilespmem:$0x5080] =	vst v63  }
0x1c7: {  	_ =	swait.ge [sflag:s11], $0x2000  }
0x1c8: {  	[sflag:s11] =	ssyncset.done $0x0  }
0x1c9: {  	(v2sf) =	vpush v4, $0x5;
	[sflag:s11] =	ssyncadd.s32 $0xFFFFE000  }
0x1ca: {  	v5 =	vld.idx.msk [tilespmem:v5+s10+$0x0], $0xffff  }
0x1cb: {  	v34 =	vadd.s32 s14, v1;
	_ =	sdelay $0x3  }
0x1cc: {  	[tilespmem:$0x4A00] =	vst v5  }
0x1cd: {  	v5 =	vld.idx.msk [tilespmem:v34+s10+$0x0], $0xffff  }
0x1ce: {  	v35 =	vadd.s32 s14, v2;
	_ =	sdelay $0x3  }
0x1cf: {  	[tilespmem:$0x4A10] =	vst v5  }
0x1d0: {  	v5 =	vld.idx.msk [tilespmem:v35+s10+$0x0], $0xffff  }
0x1d1: {  	v36 =	vadd.s32 s14, v3  }
0x1d2: {  	s18 =	spop (v2sf)  }
0x1d3: {  	s19 =	sand.u32 $0x7F, s18  }
0x1d4: {  	s20 =	sshra.s32 s18, $0x1F;
	p3 =	slt.s32 s18, $0x1;
	p4 =	sne.s32 s19, $0x0  }
0x1d5: {  	s21 =	sshrl.u32 s20, $0x19;
	p0 =	por !p3, !p4;
	[tilespmem:$0x4A20] =	vst v5  }
0x1d6: {  	s16 =	simm.s32 $0x1;
	s15 =	sadd.s32 s21, s18;
	p0 =	por !p0, !p0;
	v5 =	vld.idx.msk [tilespmem:v36+s10+$0x0], $0xffff  }
0x1d7: {  	s15 =	sshrl.u32 s15, $0x7;
	s16 =	simm.s32 @!p0 $0x0  }
0x1d8: {  	s15 =	ssub.s32 s15, s16  }
0x1d9: {  	s15 =	sshll.u32 s15, $0x7  }
0x1da: {  	s12 =	ssub.s32 s26, s13;
	s22 =	sand.u32 $0x1FFFFF80, s15  }
0x1db: {  	s23 =	sadd.s32 s1, s22;
	[tilespmem:$0x4A30] =	vst v5;
	v5 =	vadd.s32 s12, v0  }
0x1dc: {  	[tilespmem:s10], [sflag:$0x2] =	stream.strided.gather [hbm4b:s23+s7], $0x2000, s8, s7, $0x38;
	[tilespmem:$0x5080] =	vst v63  }
0x1dd: {  	_ =	swait.ge [sflag:s6], $0x2000  }
0x1de: {  	[sflag:s6] =	ssyncset.done $0x0  }
0x1df: {  	(v2sf) =	vpush v4, $0x6;
	[sflag:s6] =	ssyncadd.s32 $0xFFFFE000  }
0x1e0: {  	v5 =	vld.idx.msk [tilespmem:v5+s9+$0x0], $0xffff  }
0x1e1: {  	v37 =	vadd.s32 s12, v1;
	_ =	sdelay $0x3  }
0x1e2: {  	[tilespmem:$0x4A80] =	vst v5  }
0x1e3: {  	v5 =	vld.idx.msk [tilespmem:v37+s9+$0x0], $0xffff  }
0x1e4: {  	v38 =	vadd.s32 s12, v2;
	_ =	sdelay $0x3  }
0x1e5: {  	[tilespmem:$0x4A90] =	vst v5  }
0x1e6: {  	v5 =	vld.idx.msk [tilespmem:v38+s9+$0x0], $0xffff  }
0x1e7: {  	v39 =	vadd.s32 s12, v3  }
0x1e8: {  	s24 =	spop (v2sf)  }
0x1e9: {  	s25 =	sand.u32 $0x7F, s24  }
0x1ea: {  	s26 =	sshra.s32 s24, $0x1F;
	p5 =	slt.s32 s24, $0x1;
	p6 =	sne.s32 s25, $0x0  }
0x1eb: {  	s28 =	sshrl.u32 s26, $0x19;
	p0 =	por !p5, !p6;
	[tilespmem:$0x4AA0] =	vst v5  }
0x1ec: {  	s16 =	simm.s32 $0x1;
	s13 =	sadd.s32 s28, s24;
	p0 =	por !p0, !p0;
	v5 =	vld.idx.msk [tilespmem:v39+s9+$0x0], $0xffff  }
0x1ed: {  	s13 =	sshrl.u32 s13, $0x7;
	s16 =	simm.s32 @!p0 $0x0  }
0x1ee: {  	s13 =	ssub.s32 s13, s16  }
0x1ef: {  	s13 =	sshll.u32 s13, $0x7  }
0x1f0: {  	s14 =	ssub.s32 s18, s15;
	s29 =	sand.u32 $0x1FFFFF80, s13  }
0x1f1: {  	s30 =	sadd.s32 s1, s29;
	[tilespmem:$0x4AB0] =	vst v5;
	v5 =	vadd.s32 s14, v0  }
0x1f2: {  	[tilespmem:s9], [sflag:$0x1] =	stream.strided.gather [hbm4b:s30+s7], $0x2000, s8, s7, $0x38;
	[tilespmem:$0x5080] =	vst v63  }
0x1f3: {  	_ =	swait.ge [sflag:s11], $0x2000  }
0x1f4: {  	[sflag:s11] =	ssyncset.done $0x0  }
0x1f5: {  	(v2sf) =	vpush v4, $0x7;
	[sflag:s11] =	ssyncadd.s32 $0xFFFFE000  }
0x1f6: {  	v5 =	vld.idx.msk [tilespmem:v5+s10+$0x0], $0xffff  }
0x1f7: {  	v40 =	vadd.s32 s14, v1;
	_ =	sdelay $0x3  }
0x1f8: {  	[tilespmem:$0x4B00] =	vst v5  }
0x1f9: {  	v5 =	vld.idx.msk [tilespmem:v40+s10+$0x0], $0xffff  }
0x1fa: {  	v41 =	vadd.s32 s14, v2;
	_ =	sdelay $0x3  }
0x1fb: {  	[tilespmem:$0x4B10] =	vst v5  }
0x1fc: {  	v5 =	vld.idx.msk [tilespmem:v41+s10+$0x0], $0xffff  }
0x1fd: {  	v42 =	vadd.s32 s14, v3  }
0x1fe: {  	s31 =	spop (v2sf)  }
0x1ff: {  	s17 =	sand.u32 $0x7F, s31  }
0x200: {  	s18 =	sshra.s32 s31, $0x1F;
	p1 =	slt.s32 s31, $0x1;
	p2 =	sne.s32 s17, $0x0  }
0x201: {  	s19 =	sshrl.u32 s18, $0x19;
	p0 =	por !p1, !p2;
	[tilespmem:$0x4B20] =	vst v5  }
0x202: {  	s16 =	simm.s32 $0x1;
	s15 =	sadd.s32 s19, s31;
	p0 =	por !p0, !p0;
	v5 =	vld.idx.msk [tilespmem:v42+s10+$0x0], $0xffff  }
0x203: {  	s15 =	sshrl.u32 s15, $0x7;
	s16 =	simm.s32 @!p0 $0x0  }
0x204: {  	s15 =	ssub.s32 s15, s16  }
0x205: {  	s15 =	sshll.u32 s15, $0x7  }
0x206: {  	s12 =	ssub.s32 s24, s13;
	s20 =	sand.u32 $0x1FFFFF80, s15  }
0x207: {  	s21 =	sadd.s32 s1, s20;
	[tilespmem:$0x4B30] =	vst v5;
	v5 =	vadd.s32 s12, v0  }
0x208: {  	[tilespmem:s10], [sflag:$0x2] =	stream.strided.gather [hbm4b:s21+s7], $0x2000, s8, s7, $0x38;
	[tilespmem:$0x5080] =	vst v63  }
0x209: {  	_ =	swait.ge [sflag:s6], $0x2000  }
0x20a: {  	[sflag:s6] =	ssyncset.done $0x0  }
0x20b: {  	(v2sf) =	vpush v4, $0x8;
	[sflag:s6] =	ssyncadd.s32 $0xFFFFE000  }
0x20c: {  	v5 =	vld.idx.msk [tilespmem:v5+s9+$0x0], $0xffff  }
0x20d: {  	v43 =	vadd.s32 s12, v1;
	_ =	sdelay $0x3  }
0x20e: {  	[tilespmem:$0x4B80] =	vst v5  }
0x20f: {  	v5 =	vld.idx.msk [tilespmem:v43+s9+$0x0], $0xffff  }
0x210: {  	v44 =	vadd.s32 s12, v2;
	_ =	sdelay $0x3  }
0x211: {  	[tilespmem:$0x4B90] =	vst v5  }
0x212: {  	v5 =	vld.idx.msk [tilespmem:v44+s9+$0x0], $0xffff  }
0x213: {  	v45 =	vadd.s32 s12, v3  }
0x214: {  	s22 =	spop (v2sf)  }
0x215: {  	s23 =	sand.u32 $0x7F, s22  }
0x216: {  	s24 =	sshra.s32 s22, $0x1F;
	p3 =	slt.s32 s22, $0x1;
	p4 =	sne.s32 s23, $0x0  }
0x217: {  	s25 =	sshrl.u32 s24, $0x19;
	p0 =	por !p3, !p4;
	[tilespmem:$0x4BA0] =	vst v5  }
0x218: {  	s16 =	simm.s32 $0x1;
	s13 =	sadd.s32 s25, s22;
	p0 =	por !p0, !p0;
	v5 =	vld.idx.msk [tilespmem:v45+s9+$0x0], $0xffff  }
0x219: {  	s13 =	sshrl.u32 s13, $0x7;
	s16 =	simm.s32 @!p0 $0x0  }
0x21a: {  	s13 =	ssub.s32 s13, s16  }
0x21b: {  	s13 =	sshll.u32 s13, $0x7  }
0x21c: {  	s14 =	ssub.s32 s31, s15;
	s26 =	sand.u32 $0x1FFFFF80, s13  }
0x21d: {  	s28 =	sadd.s32 s1, s26;
	[tilespmem:$0x4BB0] =	vst v5;
	v5 =	vadd.s32 s14, v0  }
0x21e: {  	[tilespmem:s9], [sflag:$0x1] =	stream.strided.gather [hbm4b:s28+s7], $0x2000, s8, s7, $0x38;
	[tilespmem:$0x5080] =	vst v63  }
0x21f: {  	_ =	swait.ge [sflag:s11], $0x2000  }
0x220: {  	[sflag:s11] =	ssyncset.done $0x0  }
0x221: {  	(v2sf) =	vpush v4, $0x9;
	[sflag:s11] =	ssyncadd.s32 $0xFFFFE000  }
0x222: {  	v5 =	vld.idx.msk [tilespmem:v5+s10+$0x0], $0xffff  }
0x223: {  	v46 =	vadd.s32 s14, v1;
	_ =	sdelay $0x3  }
0x224: {  	[tilespmem:$0x4C00] =	vst v5  }
0x225: {  	v5 =	vld.idx.msk [tilespmem:v46+s10+$0x0], $0xffff  }
0x226: {  	v47 =	vadd.s32 s14, v2;
	_ =	sdelay $0x3  }
0x227: {  	[tilespmem:$0x4C10] =	vst v5  }
0x228: {  	v5 =	vld.idx.msk [tilespmem:v47+s10+$0x0], $0xffff  }
0x229: {  	v48 =	vadd.s32 s14, v3  }
0x22a: {  	s29 =	spop (v2sf)  }
0x22b: {  	s30 =	sand.u32 $0x7F, s29  }
0x22c: {  	s31 =	sshra.s32 s29, $0x1F;
	p5 =	slt.s32 s29, $0x1;
	p6 =	sne.s32 s30, $0x0  }
0x22d: {  	s17 =	sshrl.u32 s31, $0x19;
	p0 =	por !p5, !p6;
	[tilespmem:$0x4C20] =	vst v5  }
0x22e: {  	s16 =	simm.s32 $0x1;
	s15 =	sadd.s32 s17, s29;
	p0 =	por !p0, !p0;
	v5 =	vld.idx.msk [tilespmem:v48+s10+$0x0], $0xffff  }
0x22f: {  	s15 =	sshrl.u32 s15, $0x7;
	s16 =	simm.s32 @!p0 $0x0  }
0x230: {  	s15 =	ssub.s32 s15, s16  }
0x231: {  	s15 =	sshll.u32 s15, $0x7  }
0x232: {  	s12 =	ssub.s32 s22, s13;
	s18 =	sand.u32 $0x1FFFFF80, s15  }
0x233: {  	s19 =	sadd.s32 s1, s18;
	[tilespmem:$0x4C30] =	vst v5;
	v5 =	vadd.s32 s12, v0  }
0x234: {  	[tilespmem:s10], [sflag:$0x2] =	stream.strided.gather [hbm4b:s19+s7], $0x2000, s8, s7, $0x38;
	[tilespmem:$0x5080] =	vst v63  }
0x235: {  	_ =	swait.ge [sflag:s6], $0x2000  }
0x236: {  	[sflag:s6] =	ssyncset.done $0x0  }
0x237: {  	(v2sf) =	vpush v4, $0xA;
	[sflag:s6] =	ssyncadd.s32 $0xFFFFE000  }
0x238: {  	v5 =	vld.idx.msk [tilespmem:v5+s9+$0x0], $0xffff  }
0x239: {  	v49 =	vadd.s32 s12, v1;
	_ =	sdelay $0x3  }
0x23a: {  	[tilespmem:$0x4C80] =	vst v5  }
0x23b: {  	v5 =	vld.idx.msk [tilespmem:v49+s9+$0x0], $0xffff  }
0x23c: {  	v50 =	vadd.s32 s12, v2;
	_ =	sdelay $0x3  }
0x23d: {  	[tilespmem:$0x4C90] =	vst v5  }
0x23e: {  	v5 =	vld.idx.msk [tilespmem:v50+s9+$0x0], $0xffff  }
0x23f: {  	v51 =	vadd.s32 s12, v3  }
0x240: {  	s20 =	spop (v2sf)  }
0x241: {  	s21 =	sand.u32 $0x7F, s20  }
0x242: {  	s22 =	sshra.s32 s20, $0x1F;
	p1 =	slt.s32 s20, $0x1;
	p2 =	sne.s32 s21, $0x0  }
0x243: {  	s23 =	sshrl.u32 s22, $0x19;
	p0 =	por !p1, !p2;
	[tilespmem:$0x4CA0] =	vst v5  }
0x244: {  	s16 =	simm.s32 $0x1;
	s13 =	sadd.s32 s23, s20;
	p0 =	por !p0, !p0;
	v5 =	vld.idx.msk [tilespmem:v51+s9+$0x0], $0xffff  }
0x245: {  	s13 =	sshrl.u32 s13, $0x7;
	s16 =	simm.s32 @!p0 $0x0  }
0x246: {  	s13 =	ssub.s32 s13, s16  }
0x247: {  	s13 =	sshll.u32 s13, $0x7  }
0x248: {  	s14 =	ssub.s32 s29, s15;
	s24 =	sand.u32 $0x1FFFFF80, s13  }
0x249: {  	s25 =	sadd.s32 s1, s24;
	[tilespmem:$0x4CB0] =	vst v5;
	v5 =	vadd.s32 s14, v0  }
0x24a: {  	[tilespmem:s9], [sflag:$0x1] =	stream.strided.gather [hbm4b:s25+s7], $0x2000, s8, s7, $0x38;
	[tilespmem:$0x5080] =	vst v63  }
0x24b: {  	_ =	swait.ge [sflag:s11], $0x2000  }
0x24c: {  	[sflag:s11] =	ssyncset.done $0x0  }
0x24d: {  	(v2sf) =	vpush v4, $0xB;
	[sflag:s11] =	ssyncadd.s32 $0xFFFFE000  }
0x24e: {  	v5 =	vld.idx.msk [tilespmem:v5+s10+$0x0], $0xffff  }
0x24f: {  	v52 =	vadd.s32 s14, v1;
	_ =	sdelay $0x3  }
0x250: {  	[tilespmem:$0x4D00] =	vst v5  }
0x251: {  	v5 =	vld.idx.msk [tilespmem:v52+s10+$0x0], $0xffff  }
0x252: {  	v53 =	vadd.s32 s14, v2;
	_ =	sdelay $0x3  }
0x253: {  	[tilespmem:$0x4D10] =	vst v5  }
0x254: {  	v5 =	vld.idx.msk [tilespmem:v53+s10+$0x0], $0xffff  }
0x255: {  	v54 =	vadd.s32 s14, v3  }
0x256: {  	s26 =	spop (v2sf)  }
0x257: {  	s28 =	sand.u32 $0x7F, s26  }
0x258: {  	s29 =	sshra.s32 s26, $0x1F;
	p3 =	slt.s32 s26, $0x1;
	p4 =	sne.s32 s28, $0x0  }
0x259: {  	s30 =	sshrl.u32 s29, $0x19;
	p0 =	por !p3, !p4;
	[tilespmem:$0x4D20] =	vst v5  }
0x25a: {  	s16 =	simm.s32 $0x1;
	s15 =	sadd.s32 s30, s26;
	p0 =	por !p0, !p0;
	v5 =	vld.idx.msk [tilespmem:v54+s10+$0x0], $0xffff  }
0x25b: {  	s15 =	sshrl.u32 s15, $0x7;
	s16 =	simm.s32 @!p0 $0x0  }
0x25c: {  	s15 =	ssub.s32 s15, s16  }
0x25d: {  	s15 =	sshll.u32 s15, $0x7  }
0x25e: {  	s12 =	ssub.s32 s20, s13;
	s31 =	sand.u32 $0x1FFFFF80, s15  }
0x25f: {  	s17 =	sadd.s32 s1, s31;
	[tilespmem:$0x4D30] =	vst v5;
	v5 =	vadd.s32 s12, v0  }
0x260: {  	[tilespmem:s10], [sflag:$0x2] =	stream.strided.gather [hbm4b:s17+s7], $0x2000, s8, s7, $0x38;
	[tilespmem:$0x5080] =	vst v63  }
0x261: {  	_ =	swait.ge [sflag:s6], $0x2000  }
0x262: {  	[sflag:s6] =	ssyncset.done $0x0  }
0x263: {  	(v2sf) =	vpush v4, $0xC;
	[sflag:s6] =	ssyncadd.s32 $0xFFFFE000  }
0x264: {  	v5 =	vld.idx.msk [tilespmem:v5+s9+$0x0], $0xffff  }
0x265: {  	v55 =	vadd.s32 s12, v1;
	_ =	sdelay $0x3  }
0x266: {  	[tilespmem:$0x4D80] =	vst v5  }
0x267: {  	v5 =	vld.idx.msk [tilespmem:v55+s9+$0x0], $0xffff  }
0x268: {  	v56 =	vadd.s32 s12, v2;
	_ =	sdelay $0x3  }
0x269: {  	[tilespmem:$0x4D90] =	vst v5  }
0x26a: {  	v5 =	vld.idx.msk [tilespmem:v56+s9+$0x0], $0xffff  }
0x26b: {  	v57 =	vadd.s32 s12, v3  }
0x26c: {  	s18 =	spop (v2sf)  }
0x26d: {  	s19 =	sand.u32 $0x7F, s18  }
0x26e: {  	s20 =	sshra.s32 s18, $0x1F;
	p5 =	slt.s32 s18, $0x1;
	p6 =	sne.s32 s19, $0x0  }
0x26f: {  	s21 =	sshrl.u32 s20, $0x19;
	p0 =	por !p5, !p6;
	[tilespmem:$0x4DA0] =	vst v5  }
0x270: {  	s16 =	simm.s32 $0x1;
	s13 =	sadd.s32 s21, s18;
	p0 =	por !p0, !p0;
	v5 =	vld.idx.msk [tilespmem:v57+s9+$0x0], $0xffff  }
0x271: {  	s13 =	sshrl.u32 s13, $0x7;
	s16 =	simm.s32 @!p0 $0x0  }
0x272: {  	s13 =	ssub.s32 s13, s16  }
0x273: {  	s13 =	sshll.u32 s13, $0x7  }
0x274: {  	s14 =	ssub.s32 s26, s15;
	s22 =	sand.u32 $0x1FFFFF80, s13  }
0x275: {  	s23 =	sadd.s32 s1, s22;
	[tilespmem:$0x4DB0] =	vst v5;
	v5 =	vadd.s32 s14, v0  }
0x276: {  	[tilespmem:s9], [sflag:$0x1] =	stream.strided.gather [hbm4b:s23+s7], $0x2000, s8, s7, $0x38;
	[tilespmem:$0x5080] =	vst v63  }
0x277: {  	_ =	swait.ge [sflag:s11], $0x2000  }
0x278: {  	[sflag:s11] =	ssyncset.done $0x0  }
0x279: {  	(v2sf) =	vpush v4, $0xD;
	[sflag:s11] =	ssyncadd.s32 $0xFFFFE000  }
0x27a: {  	v5 =	vld.idx.msk [tilespmem:v5+s10+$0x0], $0xffff  }
0x27b: {  	v58 =	vadd.s32 s14, v1;
	_ =	sdelay $0x3  }
0x27c: {  	[tilespmem:$0x4E00] =	vst v5  }
0x27d: {  	v5 =	vld.idx.msk [tilespmem:v58+s10+$0x0], $0xffff  }
0x27e: {  	v59 =	vadd.s32 s14, v2;
	_ =	sdelay $0x3  }
0x27f: {  	[tilespmem:$0x4E10] =	vst v5  }
0x280: {  	v5 =	vld.idx.msk [tilespmem:v59+s10+$0x0], $0xffff  }
0x281: {  	v60 =	vadd.s32 s14, v3  }
0x282: {  	s24 =	spop (v2sf)  }
0x283: {  	s25 =	sand.u32 $0x7F, s24  }
0x284: {  	s26 =	sshra.s32 s24, $0x1F;
	p1 =	slt.s32 s24, $0x1;
	p2 =	sne.s32 s25, $0x0  }
0x285: {  	s28 =	sshrl.u32 s26, $0x19;
	p0 =	por !p1, !p2;
	[tilespmem:$0x4E20] =	vst v5  }
0x286: {  	s16 =	simm.s32 $0x1;
	s15 =	sadd.s32 s28, s24;
	p0 =	por !p0, !p0;
	v5 =	vld.idx.msk [tilespmem:v60+s10+$0x0], $0xffff  }
0x287: {  	s15 =	sshrl.u32 s15, $0x7;
	s16 =	simm.s32 @!p0 $0x0  }
0x288: {  	s15 =	ssub.s32 s15, s16  }
0x289: {  	s15 =	sshll.u32 s15, $0x7  }
0x28a: {  	s12 =	ssub.s32 s18, s13;
	s29 =	sand.u32 $0x1FFFFF80, s15  }
0x28b: {  	s30 =	sadd.s32 s1, s29;
	[tilespmem:$0x4E30] =	vst v5;
	v5 =	vadd.s32 s12, v0  }
0x28c: {  	[tilespmem:s10], [sflag:$0x2] =	stream.strided.gather [hbm4b:s30+s7], $0x2000, s8, s7, $0x38;
	[tilespmem:$0x5080] =	vst v63  }
0x28d: {  	_ =	swait.ge [sflag:s6], $0x2000  }
0x28e: {  	[sflag:s6] =	ssyncset.done $0x0  }
0x28f: {  	(v2sf) =	vpush v4, $0xE;
	[sflag:s6] =	ssyncadd.s32 $0xFFFFE000  }
0x290: {  	v5 =	vld.idx.msk [tilespmem:v5+s9+$0x0], $0xffff  }
0x291: {  	v61 =	vadd.s32 s12, v1;
	_ =	sdelay $0x3  }
0x292: {  	[tilespmem:$0x4E80] =	vst v5  }
0x293: {  	v5 =	vld.idx.msk [tilespmem:v61+s9+$0x0], $0xffff  }
0x294: {  	v62 =	vadd.s32 s12, v2;
	_ =	sdelay $0x3  }
0x295: {  	[tilespmem:$0x4E90] =	vst v5  }
0x296: {  	v5 =	vld.idx.msk [tilespmem:v62+s9+$0x0], $0xffff  }
0x297: {  	v63 =	vadd.s32 s12, v3  }
0x298: {  	s31 =	spop (v2sf)  }
0x299: {  	s17 =	sand.u32 $0x7F, s31  }
0x29a: {  	s18 =	sshra.s32 s31, $0x1F;
	p3 =	slt.s32 s31, $0x1;
	p4 =	sne.s32 s17, $0x0  }
0x29b: {  	s19 =	sshrl.u32 s18, $0x19;
	p0 =	por !p3, !p4;
	[tilespmem:$0x4EA0] =	vst v5  }
0x29c: {  	s16 =	simm.s32 $0x1;
	s13 =	sadd.s32 s19, s31;
	p0 =	por !p0, !p0;
	v5 =	vld.idx.msk [tilespmem:v63+s9+$0x0], $0xffff  }
0x29d: {  	s13 =	sshrl.u32 s13, $0x7;
	s16 =	simm.s32 @!p0 $0x0  }
0x29e: {  	s13 =	ssub.s32 s13, s16  }
0x29f: {  	s13 =	sshll.u32 s13, $0x7  }
0x2a0: {  	s14 =	ssub.s32 s24, s15;
	s20 =	sand.u32 $0x1FFFFF80, s13  }
0x2a1: {  	s21 =	sadd.s32 s1, s20;
	[tilespmem:$0x4EB0] =	vst v5;
	v5 =	vadd.s32 s14, v0  }
0x2a2: {  	[tilespmem:s9], [sflag:$0x1] =	stream.strided.gather [hbm4b:s21+s7], $0x2000, s8, s7, $0x38;
	[tilespmem:$0x5080] =	vst v63  }
0x2a3: {  	_ =	swait.ge [sflag:s11], $0x2000  }
0x2a4: {  	[sflag:s11] =	ssyncset.done $0x0  }
0x2a5: {  	(v2sf) =	vpush v4, $0xF;
	[sflag:s11] =	ssyncadd.s32 $0xFFFFE000  }
0x2a6: {  	v4 =	vld.idx.msk [tilespmem:v5+s10+$0x0], $0xffff  }
0x2a7: {  	v5 =	vadd.s32 s14, v1;
	_ =	sdelay $0x3  }
0x2a8: {  	[tilespmem:$0x4F00] =	vst v4  }
0x2a9: {  	v4 =	vld.idx.msk [tilespmem:v5+s10+$0x0], $0xffff  }
0x2aa: {  	v5 =	vadd.s32 s14, v2;
	_ =	sdelay $0x3  }
0x2ab: {  	[tilespmem:$0x4F10] =	vst v4  }
0x2ac: {  	v4 =	vld.idx.msk [tilespmem:v5+s10+$0x0], $0xffff  }
0x2ad: {  	v5 =	vadd.s32 s14, v3  }
0x2ae: {  	s22 =	spop (v2sf)  }
0x2af: {  	s23 =	sand.u32 $0x7F, s22  }
0x2b0: {  	s24 =	sshra.s32 s22, $0x1F;
	p5 =	slt.s32 s22, $0x1;
	p6 =	sne.s32 s23, $0x0  }
0x2b1: {  	s25 =	sshrl.u32 s24, $0x19;
	p0 =	por !p5, !p6;
	[tilespmem:$0x4F20] =	vst v4  }
0x2b2: {  	s16 =	simm.s32 $0x1;
	s15 =	sadd.s32 s25, s22;
	p0 =	por !p0, !p0;
	v4 =	vld.idx.msk [tilespmem:v5+s10+$0x0], $0xffff  }
0x2b3: {  	s15 =	sshrl.u32 s15, $0x7;
	s16 =	simm.s32 @!p0 $0x0  }
0x2b4: {  	s15 =	ssub.s32 s15, s16  }
0x2b5: {  	s15 =	sshll.u32 s15, $0x7  }
0x2b6: {  	s12 =	ssub.s32 s31, s13;
	s26 =	sand.u32 $0x1FFFFF80, s15  }
0x2b7: {  	s28 =	sadd.s32 s1, s26;
	[tilespmem:$0x4F30] =	vst v4;
	v4 =	vadd.s32 s12, v0  }
0x2b8: {  	[tilespmem:s10], [sflag:$0x2] =	stream.strided.gather [hbm4b:s28+s7], $0x2000, s8, s7, $0x38;
	[tilespmem:$0x5080] =	vst v63  }
0x2b9: {  	_ =	swait.ge [sflag:s6], $0x2000  }
0x2ba: {  	[sflag:s6] =	ssyncset.done $0x0  }
0x2bb: {  	[sflag:s6] =	ssyncadd.s32 $0xFFFFE000  }
0x2bc: {  	v4 =	vld.idx.msk [tilespmem:v4+s9+$0x0], $0xffff  }
0x2bd: {  	v5 =	vadd.s32 s12, v1;
	_ =	sdelay $0x3  }
0x2be: {  	[tilespmem:$0x4F80] =	vst v4  }
0x2bf: {  	v4 =	vld.idx.msk [tilespmem:v5+s9+$0x0], $0xffff  }
0x2c0: {  	v5 =	vadd.s32 s12, v2;
	_ =	sdelay $0x3  }
0x2c1: {  	[tilespmem:$0x4F90] =	vst v4  }
0x2c2: {  	v4 =	vld.idx.msk [tilespmem:v5+s9+$0x0], $0xffff  }
0x2c3: {  	v5 =	vadd.s32 s12, v3;
	_ =	sdelay $0x3  }
0x2c4: {  	[tilespmem:$0x4FA0] =	vst v4  }
0x2c5: {  	v4 =	vld.idx.msk [tilespmem:v5+s9+$0x0], $0xffff;
	_ =	sdelay $0x2  }
0x2c6: {  	s29 =	ssub.s32 s22, s15  }
0x2c7: {  	v5 =	vadd.s32 s29, v0  }
0x2c8: {  	[tilespmem:$0x4FB0] =	vst v4  }
0x2c9: {  	_ =	swait.ge [sflag:s11], $0x2000  }
0x2ca: {  	[sflag:s11] =	ssyncset.done $0x0  }
0x2cb: {  	[sflag:s11] =	ssyncadd.s32 $0xFFFFE000  }
0x2cc: {  	v4 =	vld.idx.msk [tilespmem:v5+s10+$0x0], $0xffff  }
0x2cd: {  	v5 =	vadd.s32 s29, v1;
	_ =	sdelay $0x3  }
0x2ce: {  	[tilespmem:$0x5000] =	vst v4  }
0x2cf: {  	v4 =	vld.idx.msk [tilespmem:v5+s10+$0x0], $0xffff  }
0x2d0: {  	v5 =	vadd.s32 s29, v2;
	_ =	sdelay $0x3  }
0x2d1: {  	[tilespmem:$0x5010] =	vst v4  }
0x2d2: {  	v4 =	vld.idx.msk [tilespmem:v5+s10+$0x0], $0xffff  }
0x2d3: {  	v5 =	vadd.s32 s29, v3;
	_ =	sdelay $0x3  }
0x2d4: {  	[tilespmem:$0x5020] =	vst v4  }
0x2d5: {  	v4 =	vld.idx.msk [tilespmem:v5+s10+$0x0], $0xffff;
	_ =	sdelay $0x3  }
0x2d6: {  	p0 =	sne.s32 s4, $0x1;
	s30 =	rddreg [dreg:$0x5]  }
.Ltmp0:
0x2d7: {  	s31 =	rddreg [dreg:$0x6];
	[tilespmem:$0x5030] =	vst v4;
	(pc) =	sbr.rel @p0 .LBB2_1-.Ltmp0, $4  }
0x2d8: {  	[hbm4b:s30+s3] =	stream.linear.scatter [tilespmem:s31], [sflag:$0x3], $0x1000, $0x38;
	[tilespmem:$0x5080] =	vst v63  }
0x2d9: {  	_ =	swait.ge [sflag:s5], $0x1000  }
0x2da: {  	[sflag:s5] =	ssyncset.done $0x0  }
0x2db: {  	s4 =	sadd.s32 $0xFFFFFFFF, s4;
	[sflag:s5] =	ssyncadd.s32 $0xFFFFF000  }
0x2dc: {  	_ =	sfence.sel $0x180000  }
0x2dd: {  	[bflag:$0x0] =	sbarrier.arrive $0xFFFF  }
0x2de: {  	p0 =	sne.s32 s2, $0x0;
	_ =	strace $0x9000004A  }
0x2df: {  	s0 =	sadd.s32 @!p0 $0x100000, s0;
	[bflag:$0x2] =	sbarrier.arrive $0xFFFF  }
0x2e0: {  	[sflag:s0] =	ssyncadd.tile.s32 @!p0 $0x1;
	_ =	shalt  }
.Lfunc_end2:
_tile_overlayer_lowered:
.L_overlay_start_2:
0x2e1: {  	(tag) =	ssettag $0x2  }
0x2e2: {  	s0 =	rddreg [dreg:$0x0];
	s2 =	stileid.u32  }
0x2e3: {  	s1 =	rddreg [dreg:$0x1];
	p0 =	sne.s32 s2, $0x0  }
0x2e4: {  	s3 =	rddreg [dreg:$0x2];
	[bflag:$0x3] =	sbarrier.arrive $0xFFFF;
	s2 =	simm.s32 @!p0 $0x1C03  }
0x2e5: {  	[timem:s3], [sflag:s2] =	dma.local @!p0 [hbm:s0], s1  }
0x2e6: {  	s0 =	simm.s32 @!p0 $0x3  }
0x2e7: {  	_ =	swait.ge @!p0 [sflag:s0], s1  }
0x2e8: {  	s1 =	ssub.s32 @!p0 $0x0, s1;
	[sflag:s0] =	ssyncset.done @!p0 $0x0  }
0x2e9: {  	[sflag:s0] =	ssyncadd.s32 @!p0 s1  }
0x2ea: {  	[bflag:$0x3] =	sbarrier.arrive $0xFFFF  }
0x2eb: {  	_ =	shalt  }

// kernel: kernel.8.cloned.1.call-start
scs
__scs_entry_jumppad:
0x0: {  	(pc) =	sbr.rel $0x88, $3  }
0x1: {  	(tag) =	ssettag $0x0;
	lr =	simm.s32 $0x1  }
0x2: {  	[smem:$0x3F9D] =	sst lr;
	_ =	strace $0xD0000000  }
0x3: {  	_ = 	snop  }
0x4: {  	_ = 	snop  }
0x5: {  	_ = 	snop  }
0x6: {  	_ = 	snop  }
0x7: {  	_ = 	snop  }
__scs_overlays_trampoline_lowered:
0x8: {  	[smem:$0x3FAC] =	sst s0  }
0x9: {  	[smem:$0x3FAD] =	sst s1  }
0xa: {  	[smem:$0x3FAE] =	sst s2  }
0xb: {  	[smem:$0x3FAF] =	sst s3  }
0xc: {  	[smem:$0x3FB0] =	sst s4  }
0xd: {  	[smem:$0x3FB1] =	sst s5  }
0xe: {  	[smem:$0x3FB2] =	sst s6  }
0xf: {  	[smem:$0x3FB3] =	sst s7  }
0x10: {  	[smem:$0x3FB4] =	sst s8  }
0x11: {  	[smem:$0x3FB5] =	sst s9;
	s0 =	simm.s32 @!p0 $0x0  }
0x12: {  	s1 =	sld [smem:$0x3F9B];
	s0 =	simm.s32 @p0 $0x1  }
0x13: {  	[smem:$0x3FB6] =	sst s0;
	s0 =	simm.s32 @!p1 $0x0  }
0x14: {  	s2 =	sld [smem:$0x3F9A];
	s0 =	simm.s32 @p1 $0x1  }
0x15: {  	[smem:$0x3FB7] =	sst s0;
	s0 =	simm.s32 @!p2 $0x0  }
0x16: {  	s3 =	sld [smem:$0x3FDB];
	s0 =	simm.s32 @p2 $0x1  }
0x17: {  	s4 =	simm.s32 $0x1BF5;
	[smem:$0x3FB9] =	sst s0  }
0x18: {  	s0 =	sld [smem:$0x3F9C];
	_ =	swait.ge [sflag:s4], $0x0  }
0x19: {  	s7 =	sld [smem:$0x3F9D]  }
0x1a: {  	s8 =	sadd.s32 $0xFFFFE003, lr  }
0x1b: {  	s9 =	sadd.s32 $0xFFFFFEF7, lr;
	s5 =	simm.s32 $0xFFFFFFFF;
	p2 =	slt.u32 s8, $0xFFFFF086  }
0x1c: {  	p1 =	slt.u32 s9, $0xF7A;
	s5 =	simm.s32 @!p2 $0x0  }
0x1d: {  	s5 =	simm.s32 @p1 $0x1;
	p0 =	seq.s32 s7, s2  }
0x1e: {  	s7 =	smul.u32 @!p0 $0xF7A, s2;
	p2 =	seq.s32 @!p0 s5, $0x0  }
0x1f: {  	s9 =	smul.u32 $0xF7A, s1;
	s8 =	simm.s32 @!p0 $0x1BF5;
	p2 =	por !p2, p0  }
0x20: {  	[sflag:s8] =	ssyncset.s32 @!p0 $0xFFFFF086;
	s6 =	sadd.s32 @!p0 s3, s7;
	s7 =	simm.s32 @!p0 $0x108  }
0x21: {  	s3 =	sadd.s32 s3, s9;
	s6 =	sadd.s32 @!p0 $0x88, s6;
	s7 =	simm.s32 @p2 $0x1082  }
0x22: {  	[simem:s7], [sflag:s8] =	dma.local @!p0 [hbm:s6], $0xF7A  }
0x23: {  	s9 =	sor.u32 $0xD0000000, s2;
	s6 =	simm.s32 $0x108;
	_ =	swait.ge @!p0 [sflag:s8], $0x0  }
0x24: {  	s3 =	sadd.s32 $0x88, s3;
	s6 =	simm.s32 @!p1 $0x1082;
	[sflag:s4] =	ssyncset.s32 $0xFFFFF086  }
0x25: {  	[simem:s6], [sflag:s4] =	dma.local [hbm:s3], $0xF7A  }
0x26: {  	[smem:$0x3F9D] =	sst s1;
	(tag) =	ssettag s2;
	_ =	strace s9  }
0x27: {  	s1 =	sld [smem:$0x3FAD]  }
0x28: {  	s2 =	sld [smem:$0x3FAE]  }
0x29: {  	s4 =	sld [smem:$0x3FB0]  }
0x2a: {  	p0 =	seq.s32 s5, $0x0;
	s5 =	sld [smem:$0x3FB1]  }
0x2b: {  	s6 =	sld [smem:$0x3FB2]  }
0x2c: {  	s7 =	sld [smem:$0x3FB3]  }
0x2d: {  	s3 =	simm.s32 $0x108;
	s8 =	sld [smem:$0x3FB4]  }
0x2e: {  	s3 =	simm.s32 @!p0 $0x1082;
	s9 =	sld [smem:$0x3FB5]  }
0x2f: {  	lr =	sadd.s32 s0, s3;
	s0 =	sld [smem:$0x3FAC]  }
0x30: {  	s3 =	sld [smem:$0x3FAF]  }
0x31: {  	[smem:$0x3FB8] =	sst s10  }
0x32: {  	s10 =	sld [smem:$0x3FB6];
	_ =	sdelay $0x3  }
0x33: {  	p0 =	seq.s32 s10, $0x1;
	s10 =	sld [smem:$0x3FB8];
	_ =	sdelay $0x3  }
0x34: {  	[smem:$0x3FB8] =	sst s10  }
0x35: {  	s10 =	sld [smem:$0x3FB7];
	_ =	sdelay $0x3  }
0x36: {  	p1 =	seq.s32 s10, $0x1;
	s10 =	sld [smem:$0x3FB8];
	_ =	sdelay $0x3  }
0x37: {  	[smem:$0x3FB8] =	sst s10  }
0x38: {  	s10 =	sld [smem:$0x3FB9]  }
0x39: {  	_ = 	snop;
	(pc) =	sbr.ind lr, $3  }
0x3a: {  	_ = 	snop  }
0x3b: {  	_ = 	snop  }
0x3c: {  	p2 =	seq.s32 s10, $0x1;
	s10 =	sld [smem:$0x3FB8]  }
0x3d: {  	_ =	shalt  }
0x3e: {  	_ =	shalt  }
0x3f: {  	_ =	shalt  }
0x40: {  	_ =	shalt  }
0x41: {  	_ =	shalt  }
0x42: {  	_ =	shalt  }
0x43: {  	_ =	shalt  }
0x44: {  	_ =	shalt  }
0x45: {  	_ =	shalt  }
0x46: {  	_ =	shalt  }
0x47: {  	_ =	shalt  }
0x48: {  	_ =	shalt  }
0x49: {  	_ =	shalt  }
0x4a: {  	_ =	shalt  }
0x4b: {  	_ =	shalt  }
0x4c: {  	_ =	shalt  }
0x4d: {  	_ =	shalt  }
0x4e: {  	_ =	shalt  }
0x4f: {  	_ =	shalt  }
0x50: {  	_ =	shalt  }
0x51: {  	_ =	shalt  }
0x52: {  	_ =	shalt  }
0x53: {  	_ =	shalt  }
0x54: {  	_ =	shalt  }
0x55: {  	_ =	shalt  }
0x56: {  	_ =	shalt  }
0x57: {  	_ =	shalt  }
0x58: {  	_ =	shalt  }
0x59: {  	_ =	shalt  }
0x5a: {  	_ =	shalt  }
0x5b: {  	_ =	shalt  }
0x5c: {  	_ =	shalt  }
0x5d: {  	_ =	shalt  }
0x5e: {  	_ =	shalt  }
0x5f: {  	_ =	shalt  }
0x60: {  	_ =	shalt  }
0x61: {  	_ =	shalt  }
0x62: {  	_ =	shalt  }
0x63: {  	_ =	shalt  }
0x64: {  	_ =	shalt  }
0x65: {  	_ =	shalt  }
0x66: {  	_ =	shalt  }
0x67: {  	_ =	shalt  }
0x68: {  	_ =	shalt  }
0x69: {  	_ =	shalt  }
0x6a: {  	_ =	shalt  }
0x6b: {  	_ =	shalt  }
0x6c: {  	_ =	shalt  }
0x6d: {  	_ =	shalt  }
0x6e: {  	_ =	shalt  }
0x6f: {  	_ =	shalt  }
0x70: {  	_ =	shalt  }
0x71: {  	_ =	shalt  }
0x72: {  	_ =	shalt  }
0x73: {  	_ =	shalt  }
0x74: {  	_ =	shalt  }
0x75: {  	_ =	shalt  }
0x76: {  	_ =	shalt  }
0x77: {  	_ =	shalt  }
0x78: {  	_ =	shalt  }
0x79: {  	_ =	shalt  }
0x7a: {  	_ =	shalt  }
0x7b: {  	_ =	shalt  }
0x7c: {  	_ =	shalt  }
0x7d: {  	_ =	shalt  }
0x7e: {  	_ =	shalt  }
0x7f: {  	_ =	shalt  }
0x80: {  	_ =	shalt  }
0x81: {  	_ =	shalt  }
0x82: {  	_ =	shalt  }
0x83: {  	_ =	shalt  }
0x84: {  	_ =	shalt  }
0x85: {  	_ =	shalt  }
0x86: {  	_ =	shalt  }
0x87: {  	_ =	shalt  }
.Lfunc_end0:
.L_simem_size_0:
called_computation.1_lowered:
.L_overlay_start_0:
0x88: {  	s2 =	sld [smem:$0x3FD9]  }
0x89: {  	s3 =	sld [smem:$0x3FFE];
	_ =	sdelay $0x1  }
0x8a: {  	s1 =	srdreg.scid  }
0x8b: {  	s0 =	sand.u32 $0x1, s1  }
0x8c: {  	s16 =	sshll.u32 s0, $0xA;
	s2 =	sadd.s32 s3, s2  }
0x8d: {  	s2 =	sadd.s32 s2, s16  }
0x8e: {  	[smem:$0x3FC4] =	sst s2  }
0x8f: {  	_ = 	snop  }
0x90: {  	(tm) =	ssettm $0x1  }
0x91: {  	s17 =	sld [smem:$0x3FFB];
	_ =	sdelay $0x3  }
0x92: {  	_ =	strace s17  }
0x93: {  	s2 =	sld [smem:$0x3FFC];
	_ =	sdelay $0x3  }
0x94: {  	_ =	strace s2  }
0x95: {  	s2 =	sld [smem:$0x3FFD];
	_ =	sdelay $0x3  }
0x96: {  	_ =	strace s2  }
0x97: {  	_ =	strace $0x8FFFFFFF  }
0x98: {  	s18 =	sld [smem:$0x3FDB];
	_ =	sdelay $0x1  }
0x99: {  	s19 =	simm.s32 $_scs_section_size  }
0x9a: {  	s4 =	simm.s32 $_size__tile_overlayer_lowered;
	s5 =	simm.s32 $_tile_overlayer_lowered  }
0x9b: {  	s22 =	simm.s32 $0x1BFF;
	s21 =	sshll.u32 s5, $0x1;
	s2 =	sadd.s32 s19, s18  }
0x9c: {  	s6 =	simm.s32 $0x0;
	s20 =	sshll.u32 s4, $0x1;
	s4 =	sadd.s32 s21, s2  }
0x9d: {  	[timem:s6], [sflag:s22] =	dma.local [hbm:s4], s20  }
0x9e: {  	_ =	swait.ge [sflag:s22], s20  }
0x9f: {  	s3 =	ssub.s32 $0x0, s20;
	[sflag:s22] =	ssyncset.done $0x0  }
0xa0: {  	[sflag:s22] =	ssyncadd.s32 s3;
	_ =	sdelay $0x1  }
0xa1: {  	s23 =	simm.s32 $0x1B8B  }
0xa2: {  	_ =	swait.ge [sflag:s23], $0x1  }
0xa3: {  	[sflag:s23] =	ssyncset.done $0x0  }
0xa4: {  	s25 =	simm.s32 $0x1B8E;
	s24 =	sld [smem:$0x3FFE];
	[sflag:s23] =	ssyncadd.s32 $0xFFFFFFFF  }
0xa5: {  	s26 =	simm.s32 $execute0_lowered;
	[smem:$0x3FD2] =	sst s25  }
0xa6: {  	s4 =	sshll.u32 s26, $0x1;
	_ =	strace $0x80000046;
	[dreg:$0x1] =	wrdreg $0xFFFFFFFF  }
0xa7: {  	s28 =	simm.s32 $_size_execute0_lowered;
	s2 =	sadd.s32 s2, s4;
	[dreg:$0x0] =	wrdreg $0x0  }
0xa8: {  	s4 =	sshll.u32 s28, $0x1;
	[dreg:$0x2] =	wrdreg s2  }
0xa9: {  	[dreg:$0x3] =	wrdreg s4  }
0xaa: {  	[dreg:$0x4] =	wrdreg $0xC0  }
0xab: {  	_ =	task [dreg:s6], $0x5FFFF  }
0xac: {  	[dreg:$0x1] =	wrdreg $0xFFFFFFFF  }
0xad: {  	[dreg:$0x0] =	wrdreg $0x60  }
0xae: {  	[dreg:$0x2] =	wrdreg s24  }
0xaf: {  	[dreg:$0x3] =	wrdreg $0xA  }
0xb0: {  	_ =	task.clear_ibuf [dreg:s6], $0x4FFFF;
	_ =	strace $0x90000046  }
0xb1: {  	s29 =	simm.s32 $0xA;
	_ =	strace $0x80000048  }
0xb2: {  	_ =	swait.ge [sflag:s29], $0x1  }
0xb3: {  	[sflag:s29] =	ssyncadd.s32 $0xFFFFFFFF  }
0xb4: {  	_ =	strace $0x90000048  }
0xb5: {  	_ =	sfence  }
0xb6: {  	s30 =	sld [smem:$0x0];
	_ =	sdelay $0x2  }
0xb7: {  	s31 =	sshll.u32 s1, $0xD;
	s1 =	sshrl.u32 s1, $0x2  }
0xb8: {  	s3 =	sand.u32 $0x4000, s31;
	s1 =	sadd.s32 s1, s30  }
0xb9: {  	s0 =	sor.u32 s3, s0;
	s1 =	sshll.u32 s1, $0x11  }
0xba: {  	s0 =	sor.u32 s1, s0  }
0xbb: {  	s0 =	sadd.s32 $0x8F2B, s0  }
0xbc: {  	[sflag:s0] =	ssyncadd.remote.s32 $0x1  }
0xbd: {  	_ =	sfence.sel $0xFFFF  }
0xbe: {  	[dreg:$0x0] =	wrdreg $0xFFFFFFFF;
	(pc) =	sbr.abs _section_cstart, $3  }
0xbf: {  	[dreg:$0x1] =	wrdreg $0xFFFFFFFF  }
0xc0: {  	_ =	task.clear_ibuf [dreg:s6], $0x2FFFF;
	_ =	strace $0x9FFFFFFF  }
0xc1: {  	(tm) =	ssettm $0x7FFFFFFF  }
tec
execute0_lowered:
.L_overlay_start_1:
0x0: {  	(tag) =	ssettag $0x1  }
0x1: {  	s4 =	rddreg [dreg:$0x0]  }
0x2: {  	s0 =	rddreg [dreg:$0x1];
	s2 =	simm.s32 $0x0;
	s3 =	srdreg.scid  }
0x3: {  	s1 =	stileid.u32;
	[smem:$0x7FF] =	sst s2;
	s5 =	sand.u32 $0x1, s3  }
0x4: {  	s6 =	sshll.u32 s1, $0x2;
	s3 =	sadd.s32 $0xC4200, s4;
	s8 =	sadd.s32 $0xC00, s4  }
0x5: {  	s10 =	sadd.s32 $0xC4600, s4;
	s7 =	sshll.u32 s5, $0x1;
	s5 =	ssub.s32 $0x2, s5  }
0x6: {  	v0 =	vlaneseq.u32;
	_ =	strace $0x80000047;
	s6 =	sor.u32 s7, s6;
	s29 =	sshrl.u32 s5, $0x1  }
0x7: {  	v0 =	vmul.u32 $0x8, v0;
	s7 =	smul.u32 $0x30D4, s6;
	s9 =	sor.u32 $0x1, s6;
	s30 =	sshll.u32 s6, $0x7  }
0x8: {  	s12 =	ssub.s32 s5, s29;
	s11 =	smul.u32 $0x30D4, s9;
	s5 =	sadd.s32 s10, s30  }
0x9: {  	v1 =	vor.u32 $0x1, v0;
	s31 =	sshll.u32 s9, $0x7;
	s9 =	simm.s32 $0x1;
	s4 =	sadd.s32 s8, s7  }
0xa: {  	v2 =	vor.u32 $0x2, v0;
	v3 =	vor.u32 $0x3, v0;
	v4 =	vor.u32 $0x4, v0;
	s7 =	sadd.s32 s10, s31;
	s10 =	simm.s32 $0x2000;
	s6 =	sadd.s32 s8, s11  }
0xb: {  	v5 =	vor.u32 $0x5, v0;
	v6 =	vor.u32 $0x6, v0;
	v7 =	vor.u32 $0x7, v0;
	s8 =	smax.u32 s12, $0x1;
	s11 =	simm.s32 $0x1A6A0;
	s12 =	simm.s32 $0x0  }
.LBB2_1:
0xc: {  	[tilespmem:s2], [sflag:$0x1] =	stream.linear.gather [hbm4b:s3+s2], $0x2000, $0x38;
	[tilespmem:$0x1AAA0] =	vst v63  }
0xd: {  	_ =	swait.ge [sflag:s9], $0x2000  }
0xe: {  	[sflag:s9] =	ssyncset.done $0x0  }
0xf: {  	v8 =	vor.u32 s2, v0;
	[sflag:s9] =	ssyncadd.s32 $0xFFFFE000  }
0x10: {  	v9 =	vor.u32 s2, v1;
	[tilespmem:s10], [sflag:$0x1] =	stream.linear.gather [hbm4b:s4+s2], $0x186A0, $0x38;
	[tilespmem:$0x1AAA0] =	vst v63  }
0x11: {  	_ =	swait.ge [sflag:s9], $0x186A0  }
0x12: {  	v10 =	vor.u32 s2, v2;
	[sflag:s9] =	ssyncset.done $0x0  }
0x13: {  	[sflag:s9] =	ssyncadd.s32 $0xFFFE7960  }
0x14: {  	v11 =	vor.u32 s2, v3;
	v8 =	vld.idx.msk [tilespmem:v8+s2+$0x0], $0xffff  }
0x15: {  	v12 =	vor.u32 s2, v5;
	v9 =	vld.idx.msk [tilespmem:v9+s2+$0x0], $0xffff  }
0x16: {  	v13 =	vor.u32 s2, v4  }
0x17: {  	v10 =	vld.idx.msk [tilespmem:v10+s2+$0x0], $0xffff;
	_ =	sdelay $0x1  }
0x18: {  	v14 =	vor.u32 s2, v6;
	v11 =	vld.idx.msk [tilespmem:v11+s2+$0x0], $0xffff  }
0x19: {  	v12 =	vld.idx.msk [tilespmem:v12+s2+$0x0], $0xffff  }
0x1a: {  	v15 =	vor.u32 s2, v7;
	v13 =	vld.idx.msk [tilespmem:v13+s2+$0x0], $0xffff  }
0x1b: {  	v8 =	vld.idx.msk [tilespmem:v8+s10+$0x0], $0xffff  }
0x1c: {  	v9 =	vld.idx.msk [tilespmem:v9+s10+$0x0], $0xffff  }
0x1d: {  	v14 =	vld.idx.msk [tilespmem:v14+s2+$0x0], $0xffff  }
0x1e: {  	v10 =	vld.idx.msk [tilespmem:v10+s10+$0x0], $0xffff  }
0x1f: {  	v15 =	vld.idx.msk [tilespmem:v15+s2+$0x0], $0xffff  }
0x20: {  	v11 =	vld.idx.msk [tilespmem:v11+s10+$0x0], $0xffff  }
0x21: {  	v8 =	vadd.f32 v9, v8  }
0x22: {  	v9 =	vld.idx.msk [tilespmem:v13+s10+$0x0], $0xffff  }
0x23: {  	v8 =	vadd.f32 v10, v8  }
0x24: {  	v10 =	vld.idx.msk [tilespmem:v12+s10+$0x0], $0xffff  }
0x25: {  	v8 =	vadd.f32 v11, v8  }
0x26: {  	v11 =	vld.idx.msk [tilespmem:v14+s10+$0x0], $0xffff  }
0x27: {  	v8 =	vadd.f32 v9, v8  }
0x28: {  	v9 =	vld.idx.msk [tilespmem:v15+s10+$0x0], $0xffff  }
0x29: {  	v8 =	vadd.f32 v10, v8  }
0x2a: {  	s13 =	simm.s32 $0x80  }
0x2b: {  	v10 =	vor.u32 s13, v0;
	v8 =	vadd.f32 v11, v8  }
0x2c: {  	v11 =	vor.u32 s13, v1  }
0x2d: {  	v8 =	vadd.f32 v9, v8  }
0x2e: {  	v9 =	vor.u32 s13, v2  }
0x2f: {  	[tilespmem:s11+$0x0] =	vst v8  }
0x30: {  	v8 =	vld.idx.msk [tilespmem:v10+s2+$0x0], $0xffff;
	v10 =	vor.u32 s13, v3  }
0x31: {  	v58 =	vor.u32 s13, v5;
	v11 =	vld.idx.msk [tilespmem:v11+s2+$0x0], $0xffff  }
0x32: {  	v59 =	vor.u32 s13, v4  }
0x33: {  	v9 =	vld.idx.msk [tilespmem:v9+s2+$0x0], $0xffff;
	_ =	sdelay $0x1  }
0x34: {  	v60 =	vor.u32 s13, v6;
	v10 =	vld.idx.msk [tilespmem:v10+s2+$0x0], $0xffff  }
0x35: {  	v12 =	vld.idx.msk [tilespmem:v58+s2+$0x0], $0xffff  }
0x36: {  	v61 =	vor.u32 s13, v7;
	v13 =	vld.idx.msk [tilespmem:v59+s2+$0x0], $0xffff  }
0x37: {  	v8 =	vld.idx.msk [tilespmem:v8+s10+$0x0], $0xffff  }
0x38: {  	v11 =	vld.idx.msk [tilespmem:v11+s10+$0x0], $0xffff  }
0x39: {  	v14 =	vld.idx.msk [tilespmem:v60+s2+$0x0], $0xffff  }
0x3a: {  	v9 =	vld.idx.msk [tilespmem:v9+s10+$0x0], $0xffff  }
0x3b: {  	v62 =	vld.idx.msk [tilespmem:v61+s2+$0x0], $0xffff  }
0x3c: {  	v10 =	vld.idx.msk [tilespmem:v10+s10+$0x0], $0xffff  }
0x3d: {  	v8 =	vadd.f32 v11, v8  }
0x3e: {  	v11 =	vld.idx.msk [tilespmem:v13+s10+$0x0], $0xffff  }
0x3f: {  	v8 =	vadd.f32 v9, v8  }
0x40: {  	v9 =	vld.idx.msk [tilespmem:v12+s10+$0x0], $0xffff  }
0x41: {  	v8 =	vadd.f32 v10, v8  }
0x42: {  	v63 =	vld.idx.msk [tilespmem:v14+s10+$0x0], $0xffff  }
0x43: {  	v8 =	vadd.f32 v11, v8  }
0x44: {  	v10 =	vld.idx.msk [tilespmem:v62+s10+$0x0], $0xffff  }
0x45: {  	v9 =	vadd.f32 v9, v8  }
0x46: {  	s13 =	simm.s32 $0x100  }
0x47: {  	v8 =	vor.u32 s13, v0;
	v11 =	vadd.f32 v63, v9  }
0x48: {  	s15 =	simm.s32 $0x180;
	s14 =	simm.s32 $0x1A6A0;
	v9 =	vor.u32 s13, v1  }
.LBB2_2:
0x49: {  	p0 =	sne.s32 s15, $0x1F80;
	v10 =	vadd.f32 v10, v11  }
0x4a: {  	v11 =	vor.u32 s13, v2;
	s14 =	sadd.s32 $0x10, s14  }
0x4b: {  	[tilespmem:s14+$0x0] =	vst v10  }
0x4c: {  	v10 =	vor.u32 s13, v3;
	v8 =	vld.idx.msk [tilespmem:v8+s2+$0x0], $0xffff  }
0x4d: {  	v12 =	vor.u32 s13, v5;
	v9 =	vld.idx.msk [tilespmem:v9+s2+$0x0], $0xffff  }
0x4e: {  	v13 =	vor.u32 s13, v4  }
0x4f: {  	v11 =	vld.idx.msk [tilespmem:v11+s2+$0x0], $0xffff;
	_ =	sdelay $0x1  }
0x50: {  	v14 =	vor.u32 s13, v6;
	v10 =	vld.idx.msk [tilespmem:v10+s2+$0x0], $0xffff  }
0x51: {  	v12 =	vld.idx.msk [tilespmem:v12+s2+$0x0], $0xffff  }
0x52: {  	v15 =	vor.u32 s13, v7;
	s13 =	smov.u32 s15;
	v13 =	vld.idx.msk [tilespmem:v13+s2+$0x0], $0xffff  }
0x53: {  	v8 =	vld.idx.msk [tilespmem:v8+s10+$0x0], $0xffff  }
0x54: {  	v9 =	vld.idx.msk [tilespmem:v9+s10+$0x0], $0xffff  }
0x55: {  	v14 =	vld.idx.msk [tilespmem:v14+s2+$0x0], $0xffff  }
0x56: {  	v11 =	vld.idx.msk [tilespmem:v11+s10+$0x0], $0xffff  }
0x57: {  	v15 =	vld.idx.msk [tilespmem:v15+s2+$0x0], $0xffff  }
0x58: {  	v10 =	vld.idx.msk [tilespmem:v10+s10+$0x0], $0xffff;
	_ =	sdelay $0x1  }
0x59: {  	v8 =	vadd.f32 v9, v8;
	v9 =	vld.idx.msk [tilespmem:v13+s10+$0x0], $0xffff;
	_ =	sdelay $0x1  }
0x5a: {  	v8 =	vadd.f32 v11, v8;
	v11 =	vld.idx.msk [tilespmem:v12+s10+$0x0], $0xffff;
	_ =	sdelay $0x1  }
0x5b: {  	v8 =	vadd.f32 v10, v8;
	v12 =	vld.idx.msk [tilespmem:v14+s10+$0x0], $0xffff;
	_ =	sdelay $0x1  }
0x5c: {  	v8 =	vadd.f32 v9, v8;
	v10 =	vld.idx.msk [tilespmem:v15+s10+$0x0], $0xffff  }
.Ltmp0:
0x5d: {  	(pc) =	sbr.rel @p0 .LBB2_2-.Ltmp0, $3  }
0x5e: {  	v9 =	vadd.f32 v11, v8;
	_ =	sdelay $0x1  }
0x5f: {  	v8 =	vor.u32 s15, v0;
	v11 =	vadd.f32 v12, v9  }
0x60: {  	s15 =	sadd.s32 $0x80, s15;
	v9 =	vor.u32 s13, v1  }
0x61: {  	_ = 	snop  }
0x62: {  	v10 =	vadd.f32 v10, v11  }
0x63: {  	v11 =	vor.u32 s13, v2;
	s14 =	sadd.s32 $0x10, s14  }
0x64: {  	[tilespmem:s14+$0x0] =	vst v10  }
0x65: {  	v10 =	vor.u32 s13, v3;
	v8 =	vld.idx.msk [tilespmem:v8+s2+$0x0], $0xffff  }
0x66: {  	v12 =	vor.u32 s13, v5;
	v9 =	vld.idx.msk [tilespmem:v9+s2+$0x0], $0xffff  }
0x67: {  	v13 =	vor.u32 s13, v4  }
0x68: {  	v11 =	vld.idx.msk [tilespmem:v11+s2+$0x0], $0xffff;
	_ =	sdelay $0x1  }
0x69: {  	v14 =	vor.u32 s13, v6;
	v10 =	vld.idx.msk [tilespmem:v10+s2+$0x0], $0xffff  }
0x6a: {  	v12 =	vld.idx.msk [tilespmem:v12+s2+$0x0], $0xffff  }
0x6b: {  	v15 =	vor.u32 s13, v7;
	v13 =	vld.idx.msk [tilespmem:v13+s2+$0x0], $0xffff  }
0x6c: {  	v8 =	vld.idx.msk [tilespmem:v8+s10+$0x0], $0xffff  }
0x6d: {  	v9 =	vld.idx.msk [tilespmem:v9+s10+$0x0], $0xffff  }
0x6e: {  	v14 =	vld.idx.msk [tilespmem:v14+s2+$0x0], $0xffff  }
0x6f: {  	v11 =	vld.idx.msk [tilespmem:v11+s10+$0x0], $0xffff  }
0x70: {  	v15 =	vld.idx.msk [tilespmem:v15+s2+$0x0], $0xffff  }
0x71: {  	v10 =	vld.idx.msk [tilespmem:v10+s10+$0x0], $0xffff  }
0x72: {  	v8 =	vadd.f32 v9, v8  }
0x73: {  	v9 =	vld.idx.msk [tilespmem:v13+s10+$0x0], $0xffff  }
0x74: {  	v8 =	vadd.f32 v11, v8  }
0x75: {  	v11 =	vld.idx.msk [tilespmem:v12+s10+$0x0], $0xffff  }
0x76: {  	v8 =	vadd.f32 v10, v8  }
0x77: {  	v10 =	vld.idx.msk [tilespmem:v14+s10+$0x0], $0xffff  }
0x78: {  	v8 =	vadd.f32 v9, v8  }
0x79: {  	v9 =	vld.idx.msk [tilespmem:v15+s10+$0x0], $0xffff  }
0x7a: {  	v8 =	vadd.f32 v11, v8;
	_ =	sdelay $0x1  }
0x7b: {  	v8 =	vadd.f32 v10, v8;
	_ =	sdelay $0x1  }
0x7c: {  	v8 =	vadd.f32 v9, v8  }
0x7d: {  	s29 =	sadd.s32 $0x10, s14  }
0x7e: {  	s30 =	simm.s32 $0x0;
	s13 =	simm.s32 $0x1A6A0;
	[tilespmem:s29+$0x0] =	vst v8  }
0x7f: {  	[hbm4b:s5+s30] =	stream.linear.scatter [tilespmem:s13], [sflag:$0x1], $0x400, $0x38;
	[tilespmem:$0x1AAA0] =	vst v63  }
0x80: {  	_ =	swait.ge [sflag:s9], $0x400  }
0x81: {  	[sflag:s9] =	ssyncset.done $0x0  }
0x82: {  	v8 =	vor.u32 s30, v0;
	[sflag:s9] =	ssyncadd.s32 $0xFFFFFC00  }
0x83: {  	v9 =	vor.u32 s30, v1;
	[tilespmem:s10], [sflag:$0x1] =	stream.linear.gather [hbm4b:s6+s30], $0x186A0, $0x38;
	[tilespmem:$0x1AAA0] =	vst v63  }
0x84: {  	_ =	swait.ge [sflag:s9], $0x186A0  }
0x85: {  	v10 =	vor.u32 s30, v2;
	[sflag:s9] =	ssyncset.done $0x0  }
0x86: {  	[sflag:s9] =	ssyncadd.s32 $0xFFFE7960  }
0x87: {  	v11 =	vor.u32 s30, v3;
	v8 =	vld.idx.msk [tilespmem:v8+s2+$0x0], $0xffff  }
0x88: {  	v54 =	vor.u32 s30, v5;
	v9 =	vld.idx.msk [tilespmem:v9+s2+$0x0], $0xffff  }
0x89: {  	v55 =	vor.u32 s30, v4  }
0x8a: {  	v10 =	vld.idx.msk [tilespmem:v10+s2+$0x0], $0xffff;
	_ =	sdelay $0x1  }
0x8b: {  	v56 =	vor.u32 s30, v6;
	v11 =	vld.idx.msk [tilespmem:v11+s2+$0x0], $0xffff  }
0x8c: {  	v12 =	vld.idx.msk [tilespmem:v54+s2+$0x0], $0xffff  }
0x8d: {  	v57 =	vor.u32 s30, v7;
	v13 =	vld.idx.msk [tilespmem:v55+s2+$0x0], $0xffff  }
0x8e: {  	v8 =	vld.idx.msk [tilespmem:v8+s10+$0x0], $0xffff  }
0x8f: {  	v9 =	vld.idx.msk [tilespmem:v9+s10+$0x0], $0xffff  }
0x90: {  	v14 =	vld.idx.msk [tilespmem:v56+s2+$0x0], $0xffff  }
0x91: {  	v10 =	vld.idx.msk [tilespmem:v10+s10+$0x0], $0xffff  }
0x92: {  	v15 =	vld.idx.msk [tilespmem:v57+s2+$0x0], $0xffff  }
0x93: {  	v11 =	vld.idx.msk [tilespmem:v11+s10+$0x0], $0xffff  }
0x94: {  	v8 =	vadd.f32 v9, v8  }
0x95: {  	v9 =	vld.idx.msk [tilespmem:v13+s10+$0x0], $0xffff  }
0x96: {  	v8 =	vadd.f32 v10, v8  }
0x97: {  	v10 =	vld.idx.msk [tilespmem:v12+s10+$0x0], $0xffff  }
0x98: {  	v8 =	vadd.f32 v11, v8  }
0x99: {  	v11 =	vld.idx.msk [tilespmem:v14+s10+$0x0], $0xffff  }
0x9a: {  	v8 =	vadd.f32 v9, v8  }
0x9b: {  	v9 =	vld.idx.msk [tilespmem:v15+s10+$0x0], $0xffff  }
0x9c: {  	v8 =	vadd.f32 v10, v8  }
0x9d: {  	s31 =	simm.s32 $0x80  }
0x9e: {  	v10 =	vor.u32 s31, v0;
	v8 =	vadd.f32 v11, v8  }
0x9f: {  	v11 =	vor.u32 s31, v1  }
0xa0: {  	v8 =	vadd.f32 v9, v8  }
0xa1: {  	v9 =	vor.u32 s31, v2  }
0xa2: {  	[tilespmem:s13+$0x0] =	vst v8  }
0xa3: {  	v8 =	vld.idx.msk [tilespmem:v10+s2+$0x0], $0xffff;
	v10 =	vor.u32 s31, v3  }
0xa4: {  	v58 =	vor.u32 s31, v5;
	v11 =	vld.idx.msk [tilespmem:v11+s2+$0x0], $0xffff  }
0xa5: {  	v59 =	vor.u32 s31, v4  }
0xa6: {  	v9 =	vld.idx.msk [tilespmem:v9+s2+$0x0], $0xffff;
	_ =	sdelay $0x1  }
0xa7: {  	v60 =	vor.u32 s31, v6;
	v10 =	vld.idx.msk [tilespmem:v10+s2+$0x0], $0xffff  }
0xa8: {  	v12 =	vld.idx.msk [tilespmem:v58+s2+$0x0], $0xffff  }
0xa9: {  	v61 =	vor.u32 s31, v7;
	v13 =	vld.idx.msk [tilespmem:v59+s2+$0x0], $0xffff  }
0xaa: {  	v8 =	vld.idx.msk [tilespmem:v8+s10+$0x0], $0xffff  }
0xab: {  	v11 =	vld.idx.msk [tilespmem:v11+s10+$0x0], $0xffff  }
0xac: {  	v14 =	vld.idx.msk [tilespmem:v60+s2+$0x0], $0xffff  }
0xad: {  	v9 =	vld.idx.msk [tilespmem:v9+s10+$0x0], $0xffff  }
0xae: {  	v62 =	vld.idx.msk [tilespmem:v61+s2+$0x0], $0xffff  }
0xaf: {  	v10 =	vld.idx.msk [tilespmem:v10+s10+$0x0], $0xffff  }
0xb0: {  	v8 =	vadd.f32 v11, v8  }
0xb1: {  	v11 =	vld.idx.msk [tilespmem:v13+s10+$0x0], $0xffff  }
0xb2: {  	v8 =	vadd.f32 v9, v8  }
0xb3: {  	v9 =	vld.idx.msk [tilespmem:v12+s10+$0x0], $0xffff  }
0xb4: {  	v8 =	vadd.f32 v10, v8  }
0xb5: {  	v63 =	vld.idx.msk [tilespmem:v14+s10+$0x0], $0xffff  }
0xb6: {  	v8 =	vadd.f32 v11, v8  }
0xb7: {  	v10 =	vld.idx.msk [tilespmem:v62+s10+$0x0], $0xffff  }
0xb8: {  	v9 =	vadd.f32 v9, v8  }
0xb9: {  	s14 =	simm.s32 $0x100  }
0xba: {  	v8 =	vor.u32 s14, v0;
	v11 =	vadd.f32 v63, v9  }
0xbb: {  	s15 =	simm.s32 $0x180;
	v9 =	vor.u32 s14, v1  }
.LBB2_4:
0xbc: {  	p0 =	sne.s32 s15, $0x1F80;
	v10 =	vadd.f32 v10, v11  }
0xbd: {  	v11 =	vor.u32 s14, v2;
	s13 =	sadd.s32 $0x10, s13  }
0xbe: {  	[tilespmem:s13+$0x0] =	vst v10  }
0xbf: {  	v10 =	vor.u32 s14, v3;
	v8 =	vld.idx.msk [tilespmem:v8+s2+$0x0], $0xffff  }
0xc0: {  	v12 =	vor.u32 s14, v5;
	v9 =	vld.idx.msk [tilespmem:v9+s2+$0x0], $0xffff  }
0xc1: {  	v13 =	vor.u32 s14, v4  }
0xc2: {  	v11 =	vld.idx.msk [tilespmem:v11+s2+$0x0], $0xffff;
	_ =	sdelay $0x1  }
0xc3: {  	v14 =	vor.u32 s14, v6;
	v10 =	vld.idx.msk [tilespmem:v10+s2+$0x0], $0xffff  }
0xc4: {  	v12 =	vld.idx.msk [tilespmem:v12+s2+$0x0], $0xffff  }
0xc5: {  	v15 =	vor.u32 s14, v7;
	s14 =	smov.u32 s15;
	v13 =	vld.idx.msk [tilespmem:v13+s2+$0x0], $0xffff  }
0xc6: {  	v8 =	vld.idx.msk [tilespmem:v8+s10+$0x0], $0xffff  }
0xc7: {  	v9 =	vld.idx.msk [tilespmem:v9+s10+$0x0], $0xffff  }
0xc8: {  	v14 =	vld.idx.msk [tilespmem:v14+s2+$0x0], $0xffff  }
0xc9: {  	v11 =	vld.idx.msk [tilespmem:v11+s10+$0x0], $0xffff  }
0xca: {  	v15 =	vld.idx.msk [tilespmem:v15+s2+$0x0], $0xffff  }
0xcb: {  	v10 =	vld.idx.msk [tilespmem:v10+s10+$0x0], $0xffff;
	_ =	sdelay $0x1  }
0xcc: {  	v8 =	vadd.f32 v9, v8;
	v9 =	vld.idx.msk [tilespmem:v13+s10+$0x0], $0xffff;
	_ =	sdelay $0x1  }
0xcd: {  	v8 =	vadd.f32 v11, v8;
	v11 =	vld.idx.msk [tilespmem:v12+s10+$0x0], $0xffff;
	_ =	sdelay $0x1  }
0xce: {  	v8 =	vadd.f32 v10, v8;
	v12 =	vld.idx.msk [tilespmem:v14+s10+$0x0], $0xffff;
	_ =	sdelay $0x1  }
0xcf: {  	v8 =	vadd.f32 v9, v8;
	v10 =	vld.idx.msk [tilespmem:v15+s10+$0x0], $0xffff  }
.Ltmp1:
0xd0: {  	(pc) =	sbr.rel @p0 .LBB2_4-.Ltmp1, $3  }
0xd1: {  	v9 =	vadd.f32 v11, v8;
	_ =	sdelay $0x1  }
0xd2: {  	v8 =	vor.u32 s15, v0;
	v11 =	vadd.f32 v12, v9  }
0xd3: {  	s15 =	sadd.s32 $0x80, s15;
	v9 =	vor.u32 s14, v1  }
0xd4: {  	_ = 	snop  }
0xd5: {  	v10 =	vadd.f32 v10, v11  }
0xd6: {  	v58 =	vor.u32 s14, v2;
	s13 =	sadd.s32 $0x10, s13  }
0xd7: {  	[tilespmem:s13+$0x0] =	vst v10  }
0xd8: {  	v59 =	vor.u32 s14, v3;
	v8 =	vld.idx.msk [tilespmem:v8+s2+$0x0], $0xffff  }
0xd9: {  	v12 =	vor.u32 s14, v5;
	v9 =	vld.idx.msk [tilespmem:v9+s2+$0x0], $0xffff  }
0xda: {  	v13 =	vor.u32 s14, v4  }
0xdb: {  	v11 =	vld.idx.msk [tilespmem:v58+s2+$0x0], $0xffff;
	_ =	sdelay $0x1  }
0xdc: {  	v14 =	vor.u32 s14, v6;
	v10 =	vld.idx.msk [tilespmem:v59+s2+$0x0], $0xffff  }
0xdd: {  	v12 =	vld.idx.msk [tilespmem:v12+s2+$0x0], $0xffff  }
0xde: {  	v15 =	vor.u32 s14, v7;
	v13 =	vld.idx.msk [tilespmem:v13+s2+$0x0], $0xffff  }
0xdf: {  	v8 =	vld.idx.msk [tilespmem:v8+s10+$0x0], $0xffff  }
0xe0: {  	v9 =	vld.idx.msk [tilespmem:v9+s10+$0x0], $0xffff  }
0xe1: {  	v14 =	vld.idx.msk [tilespmem:v14+s2+$0x0], $0xffff  }
0xe2: {  	v11 =	vld.idx.msk [tilespmem:v11+s10+$0x0], $0xffff  }
0xe3: {  	v15 =	vld.idx.msk [tilespmem:v15+s2+$0x0], $0xffff  }
0xe4: {  	v10 =	vld.idx.msk [tilespmem:v10+s10+$0x0], $0xffff  }
0xe5: {  	v8 =	vadd.f32 v9, v8  }
0xe6: {  	v60 =	vld.idx.msk [tilespmem:v13+s10+$0x0], $0xffff  }
0xe7: {  	v8 =	vadd.f32 v11, v8  }
0xe8: {  	v61 =	vld.idx.msk [tilespmem:v12+s10+$0x0], $0xffff  }
0xe9: {  	v8 =	vadd.f32 v10, v8  }
0xea: {  	v62 =	vld.idx.msk [tilespmem:v14+s10+$0x0], $0xffff  }
0xeb: {  	v8 =	vadd.f32 v60, v8  }
0xec: {  	v63 =	vld.idx.msk [tilespmem:v15+s10+$0x0], $0xffff  }
0xed: {  	v8 =	vadd.f32 v61, v8;
	_ =	sdelay $0x1  }
0xee: {  	v8 =	vadd.f32 v62, v8;
	_ =	sdelay $0x1  }
0xef: {  	s12 =	sadd.s32 $0x1, s12;
	v8 =	vadd.f32 v63, v8  }
0xf0: {  	p0 =	sne.s32 s12, s8;
	s13 =	sadd.s32 $0x10, s13  }
.Ltmp2:
0xf1: {  	[tilespmem:s13+$0x0] =	vst v8;
	(pc) =	sbr.rel @p0 .LBB2_1-.Ltmp2, $4  }
0xf2: {  	[hbm4b:s7+s2] =	stream.linear.scatter [tilespmem:s11], [sflag:$0x1], $0x400, $0x38;
	[tilespmem:$0x1AAA0] =	vst v63  }
0xf3: {  	_ =	swait.ge [sflag:s9], $0x400  }
0xf4: {  	[sflag:s9] =	ssyncset.done $0x0  }
0xf5: {  	[sflag:s9] =	ssyncadd.s32 $0xFFFFFC00  }
0xf6: {  	_ =	sfence.sel $0x180000  }
0xf7: {  	[bflag:$0x0] =	sbarrier.arrive $0xFFFF  }
0xf8: {  	p0 =	sne.s32 s1, $0x0;
	_ =	strace $0x90000047  }
0xf9: {  	s0 =	sadd.s32 @!p0 $0x100000, s0;
	[bflag:$0x2] =	sbarrier.arrive $0xFFFF  }
0xfa: {  	[sflag:s0] =	ssyncadd.tile.s32 @!p0 $0x1;
	_ =	shalt  }
.Lfunc_end2:
_tile_overlayer_lowered:
.L_overlay_start_2:
0xfb: {  	(tag) =	ssettag $0x2  }
0xfc: {  	s0 =	rddreg [dreg:$0x0];
	s2 =	stileid.u32  }
0xfd: {  	s1 =	rddreg [dreg:$0x1];
	p0 =	sne.s32 s2, $0x0  }
0xfe: {  	s3 =	rddreg [dreg:$0x2];
	[bflag:$0x3] =	sbarrier.arrive $0xFFFF;
	s2 =	simm.s32 @!p0 $0x1C01  }
0xff: {  	[timem:s3], [sflag:s2] =	dma.local @!p0 [hbm:s0], s1  }
0x100: {  	s0 =	simm.s32 @!p0 $0x1  }
0x101: {  	_ =	swait.ge @!p0 [sflag:s0], s1  }
0x102: {  	s1 =	ssub.s32 @!p0 $0x0, s1;
	[sflag:s0] =	ssyncset.done @!p0 $0x0  }
0x103: {  	[sflag:s0] =	ssyncadd.s32 @!p0 s1  }
0x104: {  	[bflag:$0x3] =	sbarrier.arrive $0xFFFF  }
0x105: {  	_ =	shalt  }

</sc_bundles>
